<compile_context>
chip_gen: v7x
topology: tpu7x:2x2x1
jax: 0.10.2.dev20260603
libtpu: 0.0.44.dev20260713+nightly
codegen_flags: <defaults>
</compile_context>

<pallas_src>
import functools

import jax
import jax.numpy as jnp
from jax import lax
from jax.experimental import pallas as pl
from jax.experimental.pallas import tpu as pltpu
from jax.experimental.pallas import tpu_sc as plsc

_N = 10000
_E = 320000
_D = 128
_EPS = 1e-5

_NC = 2
_NS = 16
_NW = _NC * _NS
_EPW = _E // _NW
_C = 128
_NFULL = _EPW // _C
_TAIL = _EPW - _NFULL * _C

_RPT = 624
_REM = _N - _NS * _RPT
_HALF = _N // 2
_HCH = 2000

_mesh = plsc.VectorSubcoreMesh(core_axis_name="c", subcore_axis_name="s")


def _copy_rows(src_get, dst_get, cnt):
    nfull = cnt // 128
    for k in range(nfull):
        pltpu.sync_copy(src_get(k * 128, 128), dst_get(k * 128, 128))
    rem = cnt - nfull * 128
    if rem:
        pltpu.sync_copy(src_get(nfull * 128, rem), dst_get(nfull * 128, rem))


@functools.partial(
    pl.kernel,
    out_type=jax.ShapeDtypeStruct((_NW * _N,), jnp.int32),
    mesh=_mesh,
    compiler_params=pltpu.CompilerParams(needs_layout_passes=False),
    scratch_types=[
        pltpu.VMEM((16, _HALF), jnp.int32),
        pltpu.VMEM((_HCH,), jnp.int32),
        pltpu.VMEM((_HALF,), jnp.int32),
    ],
)
def _deg_kernel(dst_hbm, out_hbm, histL, dbuf, red):
    c = lax.axis_index("c")
    s = lax.axis_index("s")
    w = s * _NC + c
    lanes = lax.broadcasted_iota(jnp.int32, (16,), 0)
    zeros16 = jnp.zeros((16,), jnp.int32)
    ones16 = jnp.ones((16,), jnp.int32)

    for p in range(_N // _HALF):
        lo = p * _HALF

        def _z(i, carry):
            r = i // (_HALF // 16)
            col = (i % (_HALF // 16)) * 16
            histL[r, pl.ds(col, 16)] = zeros16
            return carry

        lax.fori_loop(0, 16 * (_HALF // 16), _z, 0, unroll=8)

        def _round(rr, carry):
            off = pl.multiple_of(w * _EPW + rr * _HCH, 8)
            pltpu.sync_copy(dst_hbm.at[pl.ds(off, _HCH)], dbuf)

            def _step(kk, carry2):
                idx = dbuf[pl.ds(kk * 16, 16)]
                m = (idx >= lo) & (idx < lo + _HALF)
                il = jnp.clip(idx - lo, 0, _HALF - 1)
                v = plsc.load_gather(histL, [lanes, il], mask=m)
                plsc.store_scatter(histL, [lanes, il], v + ones16, mask=m)
                return carry2

            lax.fori_loop(0, _HCH // 16, _step, 0)
            return carry

        lax.fori_loop(0, _EPW // _HCH, _round, 0)

        def _red(j, carry):
            col = j * 16
            acc16 = zeros16
            for r in range(16):
                acc16 = acc16 + histL[r, pl.ds(col, 16)]
            red[pl.ds(col, 16)] = acc16
            return carry

        lax.fori_loop(0, _HALF // 16, _red, 0)
        obase = pl.multiple_of(w * _N + lo, 8)
        pltpu.sync_copy(red, out_hbm.at[pl.ds(obase, _HALF)])


@functools.partial(
    pl.kernel,
    out_type=jax.ShapeDtypeStruct((_NC * _N, _D), jnp.float32),
    mesh=_mesh,
    scratch_types=[
        pltpu.VMEM_SHARED((_N, _D), jnp.float32),
        pltpu.VMEM((_C, _D), jnp.float32),
        pltpu.VMEM((_C, _D), jnp.float32),
        pltpu.VMEM((_C,), jnp.int32),
        pltpu.VMEM((_C,), jnp.int32),
        pltpu.VMEM((_C,), jnp.int32),
        pltpu.VMEM((_C,), jnp.int32),
        pltpu.VMEM((_TAIL, _D), jnp.float32),
        pltpu.VMEM((_TAIL,), jnp.int32),
        pltpu.VMEM((_TAIL,), jnp.int32),
        pltpu.SemaphoreType.DMA,
        pltpu.SemaphoreType.DMA,
    ],
)
def _edge_kernel(hws_hbm, src_hbm, dst_hbm, out_hbm,
                 acc, rows0, rows1, isrc0, isrc1, idst0, idst1,
                 rows_t, isrc_t, idst_t, sem0, sem1):
    c = lax.axis_index("c")
    s = lax.axis_index("s")
    w = s * _NC + c

    zv = jnp.zeros((16,), jnp.float32)

    def _zrow(i, carry):
        r = i // (_D // 16)
        col = (i % (_D // 16)) * 16
        rows0[r, pl.ds(col, 16)] = zv
        return carry

    lax.fori_loop(0, _C * _D // 16, _zrow, 0, unroll=8)

    base = pl.multiple_of(s * _RPT, 8)
    _copy_rows(lambda o, n: rows0.at[pl.ds(0, n)],
               lambda o, n: acc.at[pl.ds(base + o, n)], _RPT)

    @pl.when(s == _NS - 1)
    def _():
        pltpu.sync_copy(rows0.at[pl.ds(0, _REM)],
                        acc.at[pl.ds(_NS * _RPT, _REM)])

    plsc.subcore_barrier()

    ebase = w * _EPW

    def _load(j, isrc, idst):
        off = pl.multiple_of(ebase + j * _C, 8)
        pltpu.sync_copy(src_hbm.at[pl.ds(off, _C)], isrc)
        pltpu.sync_copy(dst_hbm.at[pl.ds(off, _C)], idst)

    _load(0, isrc0, idst0)
    pltpu.async_copy(hws_hbm.at[isrc0], rows0, sem0)

    def _pair(step, carry):
        j0 = step * 2
        _load(j0 + 1, isrc1, idst1)
        pltpu.async_copy(hws_hbm.at[isrc1], rows1, sem1)
        pltpu.make_async_copy(hws_hbm.at[isrc0], rows0, sem0).wait()
        pltpu.sync_copy(rows0, acc.at[idst0], add=True)
        _load(j0 + 2, isrc0, idst0)
        pltpu.async_copy(hws_hbm.at[isrc0], rows0, sem0)
        pltpu.make_async_copy(hws_hbm.at[isrc1], rows1, sem1).wait()
        pltpu.sync_copy(rows1, acc.at[idst1], add=True)
        return carry

    lax.fori_loop(0, (_NFULL - 2) // 2, _pair, 0)

    _load(_NFULL - 1, isrc1, idst1)
    pltpu.async_copy(hws_hbm.at[isrc1], rows1, sem1)
    pltpu.make_async_copy(hws_hbm.at[isrc0], rows0, sem0).wait()
    pltpu.sync_copy(rows0, acc.at[idst0], add=True)
    pltpu.make_async_copy(hws_hbm.at[isrc1], rows1, sem1).wait()
    pltpu.sync_copy(rows1, acc.at[idst1], add=True)

    if _TAIL:
        off = pl.multiple_of(ebase + _NFULL * _C, 8)
        pltpu.sync_copy(src_hbm.at[pl.ds(off, _TAIL)], isrc_t)
        pltpu.sync_copy(dst_hbm.at[pl.ds(off, _TAIL)], idst_t)
        pltpu.async_copy(hws_hbm.at[isrc_t], rows_t, sem0).wait()
        pltpu.sync_copy(rows_t, acc.at[idst_t], add=True)

    plsc.subcore_barrier()

    obase = pl.multiple_of(c * _N + s * _RPT, 8)
    _copy_rows(lambda o, n: acc.at[pl.ds(base + o, n)],
               lambda o, n: out_hbm.at[pl.ds(obase + o, n)], _RPT)

    @pl.when(s == _NS - 1)
    def _():
        o2 = pl.multiple_of(c * _N + _NS * _RPT, 8)
        pltpu.sync_copy(acc.at[pl.ds(_NS * _RPT, _REM)],
                        out_hbm.at[pl.ds(o2, _REM)])


_R = 1000


def _prep_body(cnt_ref, x_ref, w1_ref, hws_ref, dinv_ref):
    deg = jnp.sum(cnt_ref[...].astype(jnp.float32), axis=1, keepdims=True) + 1.0
    dinv = lax.rsqrt(deg)
    hws_ref[...] = jnp.dot(x_ref[...], w1_ref[...],
                           preferred_element_type=jnp.float32) * dinv
    dinv_ref[...] = dinv


def _prep(cnt, x, W1):
    return pl.pallas_call(
        _prep_body,
        grid=(_N // _R,),
        in_specs=[
            pl.BlockSpec((_R, _NW), lambda i: (i, 0)),
            pl.BlockSpec((_R, _D), lambda i: (i, 0)),
            pl.BlockSpec((_D, _D), lambda i: (0, 0)),
        ],
        out_specs=[
            pl.BlockSpec((_R, _D), lambda i: (i, 0)),
            pl.BlockSpec((_R, 1), lambda i: (i, 0)),
        ],
        out_shape=[
            jax.ShapeDtypeStruct((_N, _D), jnp.float32),
            jax.ShapeDtypeStruct((_N, 1), jnp.float32),
        ],
    )(cnt, x, W1)


def _norm_elu(p_ref, hws_ref, dinv_ref, b_ref, g_ref, be_ref, res_ref):
    dinv = dinv_ref[...]
    agg = (p_ref[0] + p_ref[1] + hws_ref[...]) * dinv + b_ref[...]
    mu = jnp.mean(agg, axis=1, keepdims=True)
    d = agg - mu
    var = jnp.mean(d * d, axis=1, keepdims=True)
    hn = d * lax.rsqrt(var + _EPS) * g_ref[...] + be_ref[...]
    hn = jnp.where(hn > 0, hn, jnp.exp(hn) - 1.0)
    return hn + res_ref[...]


def _mid_body(p_ref, hws_ref, dinv_ref, res_ref, b_ref, g_ref, be_ref, w2_ref,
              h1_ref, hws2_ref):
    h1 = _norm_elu(p_ref, hws_ref, dinv_ref, b_ref, g_ref, be_ref, res_ref)
    h1_ref[...] = h1
    hws2_ref[...] = jnp.dot(h1, w2_ref[...],
                            preferred_element_type=jnp.float32) * dinv_ref[...]


def _mid(p, hws1, dinv, x, b1, g1, be1, W2):
    return pl.pallas_call(
        _mid_body,
        grid=(_N // _R,),
        in_specs=[
            pl.BlockSpec((_NC, _R, _D), lambda i: (0, i, 0)),
            pl.BlockSpec((_R, _D), lambda i: (i, 0)),
            pl.BlockSpec((_R, 1), lambda i: (i, 0)),
            pl.BlockSpec((_R, _D), lambda i: (i, 0)),
            pl.BlockSpec((1, _D), lambda i: (0, 0)),
            pl.BlockSpec((1, _D), lambda i: (0, 0)),
            pl.BlockSpec((1, _D), lambda i: (0, 0)),
            pl.BlockSpec((_D, _D), lambda i: (0, 0)),
        ],
        out_specs=[
            pl.BlockSpec((_R, _D), lambda i: (i, 0)),
            pl.BlockSpec((_R, _D), lambda i: (i, 0)),
        ],
        out_shape=[
            jax.ShapeDtypeStruct((_N, _D), jnp.float32),
            jax.ShapeDtypeStruct((_N, _D), jnp.float32),
        ],
    )(p, hws1, dinv, x, b1, g1, be1, W2)


def _fin_body(p_ref, hws_ref, dinv_ref, res_ref, b_ref, g_ref, be_ref, out_ref):
    out_ref[...] = _norm_elu(p_ref, hws_ref, dinv_ref, b_ref, g_ref, be_ref,
                             res_ref)


def _fin(p, hws2, dinv, h1, b2, g2, be2):
    return pl.pallas_call(
        _fin_body,
        grid=(_N // _R,),
        in_specs=[
            pl.BlockSpec((_NC, _R, _D), lambda i: (0, i, 0)),
            pl.BlockSpec((_R, _D), lambda i: (i, 0)),
            pl.BlockSpec((_R, 1), lambda i: (i, 0)),
            pl.BlockSpec((_R, _D), lambda i: (i, 0)),
            pl.BlockSpec((1, _D), lambda i: (0, 0)),
            pl.BlockSpec((1, _D), lambda i: (0, 0)),
            pl.BlockSpec((1, _D), lambda i: (0, 0)),
        ],
        out_specs=pl.BlockSpec((_R, _D), lambda i: (i, 0)),
        out_shape=jax.ShapeDtypeStruct((_N, _D), jnp.float32),
    )(p, hws2, dinv, h1, b2, g2, be2)


def kernel(x, edge_index, W1, b1, g1, be1, W2, b2, g2, be2):
    src = edge_index[0]
    dst = edge_index[1]

    cnts = _deg_kernel(dst)
    cntT = cnts.reshape(_NW, _N).T

    hws1, dinv = _prep(cntT, x, W1)
    p1 = _edge_kernel(hws1, src, dst).reshape(_NC, _N, _D)
    h1, hws2 = _mid(p1, hws1, dinv, x, b1.reshape(1, _D), g1.reshape(1, _D),
                    be1.reshape(1, _D), W2)
    p2 = _edge_kernel(hws2, src, dst).reshape(_NC, _N, _D)
    out = _fin(p2, hws2, dinv, h1, b2.reshape(1, _D), g2.reshape(1, _D),
               be2.reshape(1, _D))
    return out

# --- scband reference (transcript-rebuilt; emitter-appended) ---
"""Pipeline reference for scband-gcnencoder-25486335934641 (READ-ONLY COPY).

The authoritative reference and input builder live on the scoring server;
editing this copy changes nothing except your own understanding.
"""

import jax, jax.numpy as jnp
import numpy as np

N = 10000
E = 320000
D = 128
EPS = 1e-5


def setup_inputs(seed: int = 0) -> dict:
    key = jax.random.key(seed)
    ks = jax.random.split(key, 12)
    x = jax.random.normal(ks[0], (N, D), dtype=jnp.float32)
    edge_index = jax.random.randint(ks[1], (2, E), 0, N, dtype=jnp.int32)
    s = 1.0 / np.sqrt(D)
    W1 = jax.random.normal(ks[2], (D, D), dtype=jnp.float32) * s
    b1 = jnp.zeros((D,), dtype=jnp.float32)
    g1 = jnp.ones((D,), dtype=jnp.float32)
    be1 = jnp.zeros((D,), dtype=jnp.float32)
    W2 = jax.random.normal(ks[3], (D, D), dtype=jnp.float32) * s
    b2 = jnp.zeros((D,), dtype=jnp.float32)
    g2 = jnp.ones((D,), dtype=jnp.float32)
    be2 = jnp.zeros((D,), dtype=jnp.float32)
    return {"x": x, "edge_index": edge_index, "W1": W1, "b1": b1, "g1": g1, "be1": be1, "W2": W2, "b2": b2, "g2": g2, "be2": be2}


def _layer(h, src, dst, norm, W, b, g, be):
    # GCNConv: x' = D^{-1/2}(A+I)D^{-1/2} X W + b
    res = h  # input_dim == embed_dim, so residual is active in every layer
    hw = h @ W
    msg = hw[src] * norm
    agg = jnp.zeros((N, W.shape[1]), dtype=jnp.float32).at[dst].add(msg) + b
    # LayerNorm
    mu = agg.mean(axis=-1, keepdims=True)
    var = ((agg - mu) ** 2).mean(axis=-1, keepdims=True)
    hn = (agg - mu) / jnp.sqrt(var + EPS) * g + be
    # ELU (dropout is identity in eval mode)
    hn = jax.nn.elu(hn)
    return hn + res


def reference(x, edge_index, W1, b1, g1, be1, W2, b2, g2, be2):
    loop = jnp.arange(N, dtype=edge_index.dtype)
    src = jnp.concatenate([edge_index[0], loop])
    dst = jnp.concatenate([edge_index[1], loop])
    deg = jnp.zeros((N,), dtype=jnp.float32).at[dst].add(1.0)
    dinv = jnp.where(deg > 0, 1.0 / jnp.sqrt(deg), 0.0)
    norm = (dinv[src] * dinv[dst])[:, None]
    h = _layer(x, src, dst, norm, W1, b1, g1, be1)
    h = _layer(h, src, dst, norm, W2, b2, g2, be2)
    return h

if __name__ == "__main__":
    import jax
    _d = setup_inputs()
    print(jax.jit(kernel)(*tuple(_d.values())))

</pallas_src>

<mosaic_0001>
#map = affine_map<(d0, d1) -> (0, 0)>
#map1 = affine_map<(d0, d1) -> (0)>
module attributes {stable_mosaic.version = 14 : i64} {
  func.func @_edge_kernel(%arg0: i32, %arg1: i32, %arg2: memref<10000x128xf32, #tpu.memory_space<hbm>>, %arg3: memref<320000xi32, #tpu.memory_space<hbm>>, %arg4: memref<320000xi32, #tpu.memory_space<hbm>>, %arg5: memref<20000x128xf32, #tpu.memory_space<hbm>>, %arg6: memref<10000x128xf32, #tpu.memory_space<vmem_shared>>, %arg7: memref<128x128xf32, #tpu.memory_space<vmem>>, %arg8: memref<128x128xf32, #tpu.memory_space<vmem>>, %arg9: memref<128xi32, #tpu.memory_space<vmem>>, %arg10: memref<128xi32, #tpu.memory_space<vmem>>, %arg11: memref<128xi32, #tpu.memory_space<vmem>>, %arg12: memref<128xi32, #tpu.memory_space<vmem>>, %arg13: memref<16x128xf32, #tpu.memory_space<vmem>>, %arg14: memref<16xi32, #tpu.memory_space<vmem>>, %arg15: memref<16xi32, #tpu.memory_space<vmem>>, %arg16: memref<!tpu.dma_semaphore, #tpu.memory_space<semaphore_mem>>, %arg17: memref<!tpu.dma_semaphore, #tpu.memory_space<semaphore_mem>>) attributes {dimension_semantics = [#tpu.dimension_semantics<core_parallel>, #tpu.dimension_semantics<subcore_parallel>], iteration_bounds = array<i64: 2, 16>, scalar_prefetch = 0 : i64, scratch_operands = 12 : i64, tpu.core_type = #tpu.core_type<sc_vector_subcore>, window_params = [{transform_indices = #map}, {transform_indices = #map1}, {transform_indices = #map1}, {transform_indices = #map}]} {
    %mul3A = arith.constant 2 : i32
    %mul3A_0 = arith.muli %arg1, %mul3A : i32
    %add3A = arith.addi %mul3A_0, %arg0 : i32
    %broadcast_in_dim3A = arith.constant 0.000000e+00 : f32
    %broadcast_in_dim3A_1 = vector.broadcast %broadcast_in_dim3A : f32 to vector<16xf32>
    %scan3A = arith.constant 0 : i32
    %scan3A_2 = arith.constant 0 : i32
    %scan3A_3 = arith.constant 1024 : i32
    %scan3A_4 = arith.addi %scan3A_2, %scan3A_3 : i32
    %scan3A_5 = arith.constant 8 : i32
    scf.for %scan3A_86 = %scan3A_2 to %scan3A_4 step %scan3A_5  : i32 {
      %jit3A = arith.constant 8 : i32
      %div3A = arith.divsi %scan3A_86, %jit3A : i32
      %sign3A = arith.constant 0 : i32
      %sign3A_87 = arith.cmpi sgt, %scan3A_86, %sign3A : i32
      %sign3A_88 = arith.extui %sign3A_87 : i1 to i32
      %sign3A_89 = arith.constant 0 : i32
      %sign3A_90 = arith.cmpi slt, %scan3A_86, %sign3A_89 : i32
      %sign3A_91 = arith.extui %sign3A_90 : i1 to i32
      %sign3A_92 = arith.subi %sign3A_88, %sign3A_91 : i32
      %sign3A_93 = arith.constant 0 : i32
      %sign3A_94 = arith.cmpi sgt, %jit3A, %sign3A_93 : i32
      %sign3A_95 = arith.extui %sign3A_94 : i1 to i32
      %sign3A_96 = arith.constant 0 : i32
      %sign3A_97 = arith.cmpi slt, %jit3A, %sign3A_96 : i32
      %sign3A_98 = arith.extui %sign3A_97 : i1 to i32
      %sign3A_99 = arith.subi %sign3A_95, %sign3A_98 : i32
      %ne3A = arith.cmpi ne, %sign3A_92, %sign3A_99 : i32
      %rem3A = arith.remsi %scan3A_86, %jit3A : i32
      %ne3A_100 = arith.constant 0 : i32
      %ne3A_101 = arith.cmpi ne, %rem3A, %ne3A_100 : i32
      %and3A = arith.andi %ne3A, %ne3A_101 : i1
      %sub3A = arith.constant 1 : i32
      %sub3A_102 = arith.subi %div3A, %sub3A : i32
      %select_n3A = arith.select %and3A, %sub3A_102, %div3A : i32
      %jit3A_103 = arith.constant 8 : i32
      %eq3A_104 = arith.constant 0 : i32
      %eq3A_105 = arith.cmpi eq, %jit3A_103, %eq3A_104 : i32
      %jit3A_106 = arith.constant 1 : i32
      %select_n3A_107 = arith.select %eq3A_105, %jit3A_106, %jit3A_103 : i32
      %rem3A_108 = arith.remsi %scan3A_86, %select_n3A_107 : i32
      %ne3A_109 = arith.constant 0 : i32
      %ne3A_110 = arith.cmpi ne, %rem3A_108, %ne3A_109 : i32
      %lt3A = arith.constant 0 : i32
      %lt3A_111 = arith.cmpi slt, %rem3A_108, %lt3A : i32
      %lt3A_112 = arith.constant 0 : i32
      %lt3A_113 = arith.cmpi slt, %select_n3A_107, %lt3A_112 : i32
      %ne3A_114 = arith.xori %lt3A_111, %lt3A_113 : i1
      %and3A_115 = arith.andi %ne3A_114, %ne3A_110 : i1
      %add3A_116 = arith.addi %rem3A_108, %select_n3A_107 : i32
      %select_n3A_117 = arith.select %and3A_115, %add3A_116, %rem3A_108 : i32
      %mul3A_118 = arith.constant 16 : i32
      %mul3A_119 = arith.muli %select_n3A_117, %mul3A_118 : i32
      %swap3A = arith.index_cast %select_n3A : i32 to index
      %swap3A_120 = arith.index_cast %mul3A_119 : i32 to index
      %swap3A_121 = tpu.vector_load %arg7[%swap3A, %swap3A_120] {strides = array<i32>} : memref<128x128xf32, #tpu.memory_space<vmem>>, vector<1x16xf32>,
      %swap3A_122 = vector.shape_cast %swap3A_121 : vector<1x16xf32> to vector<16xf32>
      %swap3A_123 = vector.shape_cast %broadcast_in_dim3A_1 : vector<16xf32> to vector<1x16xf32>
      tpu.vector_store %arg7[%swap3A, %swap3A_120], %swap3A_123 {strides = array<i32>} : memref<128x128xf32, #tpu.memory_space<vmem>>, vector<1x16xf32>,
      %scan3A_124 = arith.constant 1 : i32
      %scan3A_125 = arith.addi %scan3A_86, %scan3A_124 : i32
      %jit3A_126 = arith.constant 8 : i32
      %div3A_127 = arith.divsi %scan3A_125, %jit3A_126 : i32
      %sign3A_128 = arith.constant 0 : i32
      %sign3A_129 = arith.cmpi sgt, %scan3A_125, %sign3A_128 : i32
      %sign3A_130 = arith.extui %sign3A_129 : i1 to i32
      %sign3A_131 = arith.constant 0 : i32
      %sign3A_132 = arith.cmpi slt, %scan3A_125, %sign3A_131 : i32
      %sign3A_133 = arith.extui %sign3A_132 : i1 to i32
      %sign3A_134 = arith.subi %sign3A_130, %sign3A_133 : i32
      %sign3A_135 = arith.constant 0 : i32
      %sign3A_136 = arith.cmpi sgt, %jit3A_126, %sign3A_135 : i32
      %sign3A_137 = arith.extui %sign3A_136 : i1 to i32
      %sign3A_138 = arith.constant 0 : i32
      %sign3A_139 = arith.cmpi slt, %jit3A_126, %sign3A_138 : i32
      %sign3A_140 = arith.extui %sign3A_139 : i1 to i32
      %sign3A_141 = arith.subi %sign3A_137, %sign3A_140 : i32
      %ne3A_142 = arith.cmpi ne, %sign3A_134, %sign3A_141 : i32
      %rem3A_143 = arith.remsi %scan3A_125, %jit3A_126 : i32
      %ne3A_144 = arith.constant 0 : i32
      %ne3A_145 = arith.cmpi ne, %rem3A_143, %ne3A_144 : i32
      %and3A_146 = arith.andi %ne3A_142, %ne3A_145 : i1
      %sub3A_147 = arith.constant 1 : i32
      %sub3A_148 = arith.subi %div3A_127, %sub3A_147 : i32
      %select_n3A_149 = arith.select %and3A_146, %sub3A_148, %div3A_127 : i32
      %jit3A_150 = arith.constant 8 : i32
      %eq3A_151 = arith.constant 0 : i32
      %eq3A_152 = arith.cmpi eq, %jit3A_150, %eq3A_151 : i32
      %jit3A_153 = arith.constant 1 : i32
      %select_n3A_154 = arith.select %eq3A_152, %jit3A_153, %jit3A_150 : i32
      %rem3A_155 = arith.remsi %scan3A_125, %select_n3A_154 : i32
      %ne3A_156 = arith.constant 0 : i32
      %ne3A_157 = arith.cmpi ne, %rem3A_155, %ne3A_156 : i32
      %lt3A_158 = arith.constant 0 : i32
      %lt3A_159 = arith.cmpi slt, %rem3A_155, %lt3A_158 : i32
      %lt3A_160 = arith.constant 0 : i32
      %lt3A_161 = arith.cmpi slt, %select_n3A_154, %lt3A_160 : i32
      %ne3A_162 = arith.xori %lt3A_159, %lt3A_161 : i1
      %and3A_163 = arith.andi %ne3A_162, %ne3A_157 : i1
      %add3A_164 = arith.addi %rem3A_155, %select_n3A_154 : i32
      %select_n3A_165 = arith.select %and3A_163, %add3A_164, %rem3A_155 : i32
      %mul3A_166 = arith.constant 16 : i32
      %mul3A_167 = arith.muli %select_n3A_165, %mul3A_166 : i32
      %swap3A_168 = arith.index_cast %select_n3A_149 : i32 to index
      %swap3A_169 = arith.index_cast %mul3A_167 : i32 to index
      %swap3A_170 = tpu.vector_load %arg7[%swap3A_168, %swap3A_169] {strides = array<i32>} : memref<128x128xf32, #tpu.memory_space<vmem>>, vector<1x16xf32>,
      %swap3A_171 = vector.shape_cast %swap3A_170 : vector<1x16xf32> to vector<16xf32>
      %swap3A_172 = vector.shape_cast %broadcast_in_dim3A_1 : vector<16xf32> to vector<1x16xf32>
      tpu.vector_store %arg7[%swap3A_168, %swap3A_169], %swap3A_172 {strides = array<i32>} : memref<128x128xf32, #tpu.memory_space<vmem>>, vector<1x16xf32>,
      %scan3A_173 = arith.constant 2 : i32
      %scan3A_174 = arith.addi %scan3A_86, %scan3A_173 : i32
      %jit3A_175 = arith.constant 8 : i32
      %div3A_176 = arith.divsi %scan3A_174, %jit3A_175 : i32
      %sign3A_177 = arith.constant 0 : i32
      %sign3A_178 = arith.cmpi sgt, %scan3A_174, %sign3A_177 : i32
      %sign3A_179 = arith.extui %sign3A_178 : i1 to i32
      %sign3A_180 = arith.constant 0 : i32
      %sign3A_181 = arith.cmpi slt, %scan3A_174, %sign3A_180 : i32
      %sign3A_182 = arith.extui %sign3A_181 : i1 to i32
      %sign3A_183 = arith.subi %sign3A_179, %sign3A_182 : i32
      %sign3A_184 = arith.constant 0 : i32
      %sign3A_185 = arith.cmpi sgt, %jit3A_175, %sign3A_184 : i32
      %sign3A_186 = arith.extui %sign3A_185 : i1 to i32
      %sign3A_187 = arith.constant 0 : i32
      %sign3A_188 = arith.cmpi slt, %jit3A_175, %sign3A_187 : i32
      %sign3A_189 = arith.extui %sign3A_188 : i1 to i32
      %sign3A_190 = arith.subi %sign3A_186, %sign3A_189 : i32
      %ne3A_191 = arith.cmpi ne, %sign3A_183, %sign3A_190 : i32
      %rem3A_192 = arith.remsi %scan3A_174, %jit3A_175 : i32
      %ne3A_193 = arith.constant 0 : i32
      %ne3A_194 = arith.cmpi ne, %rem3A_192, %ne3A_193 : i32
      %and3A_195 = arith.andi %ne3A_191, %ne3A_194 : i1
      %sub3A_196 = arith.constant 1 : i32
      %sub3A_197 = arith.subi %div3A_176, %sub3A_196 : i32
      %select_n3A_198 = arith.select %and3A_195, %sub3A_197, %div3A_176 : i32
      %jit3A_199 = arith.constant 8 : i32
      %eq3A_200 = arith.constant 0 : i32
      %eq3A_201 = arith.cmpi eq, %jit3A_199, %eq3A_200 : i32
      %jit3A_202 = arith.constant 1 : i32
      %select_n3A_203 = arith.select %eq3A_201, %jit3A_202, %jit3A_199 : i32
      %rem3A_204 = arith.remsi %scan3A_174, %select_n3A_203 : i32
      %ne3A_205 = arith.constant 0 : i32
      %ne3A_206 = arith.cmpi ne, %rem3A_204, %ne3A_205 : i32
      %lt3A_207 = arith.constant 0 : i32
      %lt3A_208 = arith.cmpi slt, %rem3A_204, %lt3A_207 : i32
      %lt3A_209 = arith.constant 0 : i32
      %lt3A_210 = arith.cmpi slt, %select_n3A_203, %lt3A_209 : i32
      %ne3A_211 = arith.xori %lt3A_208, %lt3A_210 : i1
      %and3A_212 = arith.andi %ne3A_211, %ne3A_206 : i1
      %add3A_213 = arith.addi %rem3A_204, %select_n3A_203 : i32
      %select_n3A_214 = arith.select %and3A_212, %add3A_213, %rem3A_204 : i32
      %mul3A_215 = arith.constant 16 : i32
      %mul3A_216 = arith.muli %select_n3A_214, %mul3A_215 : i32
      %swap3A_217 = arith.index_cast %select_n3A_198 : i32 to index
      %swap3A_218 = arith.index_cast %mul3A_216 : i32 to index
      %swap3A_219 = tpu.vector_load %arg7[%swap3A_217, %swap3A_218] {strides = array<i32>} : memref<128x128xf32, #tpu.memory_space<vmem>>, vector<1x16xf32>,
      %swap3A_220 = vector.shape_cast %swap3A_219 : vector<1x16xf32> to vector<16xf32>
      %swap3A_221 = vector.shape_cast %broadcast_in_dim3A_1 : vector<16xf32> to vector<1x16xf32>
      tpu.vector_store %arg7[%swap3A_217, %swap3A_218], %swap3A_221 {strides = array<i32>} : memref<128x128xf32, #tpu.memory_space<vmem>>, vector<1x16xf32>,
      %scan3A_222 = arith.constant 3 : i32
      %scan3A_223 = arith.addi %scan3A_86, %scan3A_222 : i32
      %jit3A_224 = arith.constant 8 : i32
      %div3A_225 = arith.divsi %scan3A_223, %jit3A_224 : i32
      %sign3A_226 = arith.constant 0 : i32
      %sign3A_227 = arith.cmpi sgt, %scan3A_223, %sign3A_226 : i32
      %sign3A_228 = arith.extui %sign3A_227 : i1 to i32
      %sign3A_229 = arith.constant 0 : i32
      %sign3A_230 = arith.cmpi slt, %scan3A_223, %sign3A_229 : i32
      %sign3A_231 = arith.extui %sign3A_230 : i1 to i32
      %sign3A_232 = arith.subi %sign3A_228, %sign3A_231 : i32
      %sign3A_233 = arith.constant 0 : i32
      %sign3A_234 = arith.cmpi sgt, %jit3A_224, %sign3A_233 : i32
      %sign3A_235 = arith.extui %sign3A_234 : i1 to i32
      %sign3A_236 = arith.constant 0 : i32
      %sign3A_237 = arith.cmpi slt, %jit3A_224, %sign3A_236 : i32
      %sign3A_238 = arith.extui %sign3A_237 : i1 to i32
      %sign3A_239 = arith.subi %sign3A_235, %sign3A_238 : i32
      %ne3A_240 = arith.cmpi ne, %sign3A_232, %sign3A_239 : i32
      %rem3A_241 = arith.remsi %scan3A_223, %jit3A_224 : i32
      %ne3A_242 = arith.constant 0 : i32
      %ne3A_243 = arith.cmpi ne, %rem3A_241, %ne3A_242 : i32
      %and3A_244 = arith.andi %ne3A_240, %ne3A_243 : i1
      %sub3A_245 = arith.constant 1 : i32
      %sub3A_246 = arith.subi %div3A_225, %sub3A_245 : i32
      %select_n3A_247 = arith.select %and3A_244, %sub3A_246, %div3A_225 : i32
      %jit3A_248 = arith.constant 8 : i32
      %eq3A_249 = arith.constant 0 : i32
      %eq3A_250 = arith.cmpi eq, %jit3A_248, %eq3A_249 : i32
      %jit3A_251 = arith.constant 1 : i32
      %select_n3A_252 = arith.select %eq3A_250, %jit3A_251, %jit3A_248 : i32
      %rem3A_253 = arith.remsi %scan3A_223, %select_n3A_252 : i32
      %ne3A_254 = arith.constant 0 : i32
      %ne3A_255 = arith.cmpi ne, %rem3A_253, %ne3A_254 : i32
      %lt3A_256 = arith.constant 0 : i32
      %lt3A_257 = arith.cmpi slt, %rem3A_253, %lt3A_256 : i32
      %lt3A_258 = arith.constant 0 : i32
      %lt3A_259 = arith.cmpi slt, %select_n3A_252, %lt3A_258 : i32
      %ne3A_260 = arith.xori %lt3A_257, %lt3A_259 : i1
      %and3A_261 = arith.andi %ne3A_260, %ne3A_255 : i1
      %add3A_262 = arith.addi %rem3A_253, %select_n3A_252 : i32
      %select_n3A_263 = arith.select %and3A_261, %add3A_262, %rem3A_253 : i32
      %mul3A_264 = arith.constant 16 : i32
      %mul3A_265 = arith.muli %select_n3A_263, %mul3A_264 : i32
      %swap3A_266 = arith.index_cast %select_n3A_247 : i32 to index
      %swap3A_267 = arith.index_cast %mul3A_265 : i32 to index
      %swap3A_268 = tpu.vector_load %arg7[%swap3A_266, %swap3A_267] {strides = array<i32>} : memref<128x128xf32, #tpu.memory_space<vmem>>, vector<1x16xf32>,
      %swap3A_269 = vector.shape_cast %swap3A_268 : vector<1x16xf32> to vector<16xf32>
      %swap3A_270 = vector.shape_cast %broadcast_in_dim3A_1 : vector<16xf32> to vector<1x16xf32>
      tpu.vector_store %arg7[%swap3A_266, %swap3A_267], %swap3A_270 {strides = array<i32>} : memref<128x128xf32, #tpu.memory_space<vmem>>, vector<1x16xf32>,
      %scan3A_271 = arith.constant 4 : i32
      %scan3A_272 = arith.addi %scan3A_86, %scan3A_271 : i32
      %jit3A_273 = arith.constant 8 : i32
      %div3A_274 = arith.divsi %scan3A_272, %jit3A_273 : i32
      %sign3A_275 = arith.constant 0 : i32
      %sign3A_276 = arith.cmpi sgt, %scan3A_272, %sign3A_275 : i32
      %sign3A_277 = arith.extui %sign3A_276 : i1 to i32
      %sign3A_278 = arith.constant 0 : i32
      %sign3A_279 = arith.cmpi slt, %scan3A_272, %sign3A_278 : i32
      %sign3A_280 = arith.extui %sign3A_279 : i1 to i32
      %sign3A_281 = arith.subi %sign3A_277, %sign3A_280 : i32
      %sign3A_282 = arith.constant 0 : i32
      %sign3A_283 = arith.cmpi sgt, %jit3A_273, %sign3A_282 : i32
      %sign3A_284 = arith.extui %sign3A_283 : i1 to i32
      %sign3A_285 = arith.constant 0 : i32
      %sign3A_286 = arith.cmpi slt, %jit3A_273, %sign3A_285 : i32
      %sign3A_287 = arith.extui %sign3A_286 : i1 to i32
      %sign3A_288 = arith.subi %sign3A_284, %sign3A_287 : i32
      %ne3A_289 = arith.cmpi ne, %sign3A_281, %sign3A_288 : i32
      %rem3A_290 = arith.remsi %scan3A_272, %jit3A_273 : i32
      %ne3A_291 = arith.constant 0 : i32
      %ne3A_292 = arith.cmpi ne, %rem3A_290, %ne3A_291 : i32
      %and3A_293 = arith.andi %ne3A_289, %ne3A_292 : i1
      %sub3A_294 = arith.constant 1 : i32
      %sub3A_295 = arith.subi %div3A_274, %sub3A_294 : i32
      %select_n3A_296 = arith.select %and3A_293, %sub3A_295, %div3A_274 : i32
      %jit3A_297 = arith.constant 8 : i32
      %eq3A_298 = arith.constant 0 : i32
      %eq3A_299 = arith.cmpi eq, %jit3A_297, %eq3A_298 : i32
      %jit3A_300 = arith.constant 1 : i32
      %select_n3A_301 = arith.select %eq3A_299, %jit3A_300, %jit3A_297 : i32
      %rem3A_302 = arith.remsi %scan3A_272, %select_n3A_301 : i32
      %ne3A_303 = arith.constant 0 : i32
      %ne3A_304 = arith.cmpi ne, %rem3A_302, %ne3A_303 : i32
      %lt3A_305 = arith.constant 0 : i32
      %lt3A_306 = arith.cmpi slt, %rem3A_302, %lt3A_305 : i32
      %lt3A_307 = arith.constant 0 : i32
      %lt3A_308 = arith.cmpi slt, %select_n3A_301, %lt3A_307 : i32
      %ne3A_309 = arith.xori %lt3A_306, %lt3A_308 : i1
      %and3A_310 = arith.andi %ne3A_309, %ne3A_304 : i1
      %add3A_311 = arith.addi %rem3A_302, %select_n3A_301 : i32
      %select_n3A_312 = arith.select %and3A_310, %add3A_311, %rem3A_302 : i32
      %mul3A_313 = arith.constant 16 : i32
      %mul3A_314 = arith.muli %select_n3A_312, %mul3A_313 : i32
      %swap3A_315 = arith.index_cast %select_n3A_296 : i32 to index
      %swap3A_316 = arith.index_cast %mul3A_314 : i32 to index
      %swap3A_317 = tpu.vector_load %arg7[%swap3A_315, %swap3A_316] {strides = array<i32>} : memref<128x128xf32, #tpu.memory_space<vmem>>, vector<1x16xf32>,
      %swap3A_318 = vector.shape_cast %swap3A_317 : vector<1x16xf32> to vector<16xf32>
      %swap3A_319 = vector.shape_cast %broadcast_in_dim3A_1 : vector<16xf32> to vector<1x16xf32>
      tpu.vector_store %arg7[%swap3A_315, %swap3A_316], %swap3A_319 {strides = array<i32>} : memref<128x128xf32, #tpu.memory_space<vmem>>, vector<1x16xf32>,
      %scan3A_320 = arith.constant 5 : i32
      %scan3A_321 = arith.addi %scan3A_86, %scan3A_320 : i32
      %jit3A_322 = arith.constant 8 : i32
      %div3A_323 = arith.divsi %scan3A_321, %jit3A_322 : i32
      %sign3A_324 = arith.constant 0 : i32
      %sign3A_325 = arith.cmpi sgt, %scan3A_321, %sign3A_324 : i32
      %sign3A_326 = arith.extui %sign3A_325 : i1 to i32
      %sign3A_327 = arith.constant 0 : i32
      %sign3A_328 = arith.cmpi slt, %scan3A_321, %sign3A_327 : i32
      %sign3A_329 = arith.extui %sign3A_328 : i1 to i32
      %sign3A_330 = arith.subi %sign3A_326, %sign3A_329 : i32
      %sign3A_331 = arith.constant 0 : i32
      %sign3A_332 = arith.cmpi sgt, %jit3A_322, %sign3A_331 : i32
      %sign3A_333 = arith.extui %sign3A_332 : i1 to i32
      %sign3A_334 = arith.constant 0 : i32
      %sign3A_335 = arith.cmpi slt, %jit3A_322, %sign3A_334 : i32
      %sign3A_336 = arith.extui %sign3A_335 : i1 to i32
      %sign3A_337 = arith.subi %sign3A_333, %sign3A_336 : i32
      %ne3A_338 = arith.cmpi ne, %sign3A_330, %sign3A_337 : i32
      %rem3A_339 = arith.remsi %scan3A_321, %jit3A_322 : i32
      %ne3A_340 = arith.constant 0 : i32
      %ne3A_341 = arith.cmpi ne, %rem3A_339, %ne3A_340 : i32
      %and3A_342 = arith.andi %ne3A_338, %ne3A_341 : i1
      %sub3A_343 = arith.constant 1 : i32
      %sub3A_344 = arith.subi %div3A_323, %sub3A_343 : i32
      %select_n3A_345 = arith.select %and3A_342, %sub3A_344, %div3A_323 : i32
      %jit3A_346 = arith.constant 8 : i32
      %eq3A_347 = arith.constant 0 : i32
      %eq3A_348 = arith.cmpi eq, %jit3A_346, %eq3A_347 : i32
      %jit3A_349 = arith.constant 1 : i32
      %select_n3A_350 = arith.select %eq3A_348, %jit3A_349, %jit3A_346 : i32
      %rem3A_351 = arith.remsi %scan3A_321, %select_n3A_350 : i32
      %ne3A_352 = arith.constant 0 : i32
      %ne3A_353 = arith.cmpi ne, %rem3A_351, %ne3A_352 : i32
      %lt3A_354 = arith.constant 0 : i32
      %lt3A_355 = arith.cmpi slt, %rem3A_351, %lt3A_354 : i32
      %lt3A_356 = arith.constant 0 : i32
      %lt3A_357 = arith.cmpi slt, %select_n3A_350, %lt3A_356 : i32
      %ne3A_358 = arith.xori %lt3A_355, %lt3A_357 : i1
      %and3A_359 = arith.andi %ne3A_358, %ne3A_353 : i1
      %add3A_360 = arith.addi %rem3A_351, %select_n3A_350 : i32
      %select_n3A_361 = arith.select %and3A_359, %add3A_360, %rem3A_351 : i32
      %mul3A_362 = arith.constant 16 : i32
      %mul3A_363 = arith.muli %select_n3A_361, %mul3A_362 : i32
      %swap3A_364 = arith.index_cast %select_n3A_345 : i32 to index
      %swap3A_365 = arith.index_cast %mul3A_363 : i32 to index
      %swap3A_366 = tpu.vector_load %arg7[%swap3A_364, %swap3A_365] {strides = array<i32>} : memref<128x128xf32, #tpu.memory_space<vmem>>, vector<1x16xf32>,
      %swap3A_367 = vector.shape_cast %swap3A_366 : vector<1x16xf32> to vector<16xf32>
      %swap3A_368 = vector.shape_cast %broadcast_in_dim3A_1 : vector<16xf32> to vector<1x16xf32>
      tpu.vector_store %arg7[%swap3A_364, %swap3A_365], %swap3A_368 {strides = array<i32>} : memref<128x128xf32, #tpu.memory_space<vmem>>, vector<1x16xf32>,
      %scan3A_369 = arith.constant 6 : i32
      %scan3A_370 = arith.addi %scan3A_86, %scan3A_369 : i32
      %jit3A_371 = arith.constant 8 : i32
      %div3A_372 = arith.divsi %scan3A_370, %jit3A_371 : i32
      %sign3A_373 = arith.constant 0 : i32
      %sign3A_374 = arith.cmpi sgt, %scan3A_370, %sign3A_373 : i32
      %sign3A_375 = arith.extui %sign3A_374 : i1 to i32
      %sign3A_376 = arith.constant 0 : i32
      %sign3A_377 = arith.cmpi slt, %scan3A_370, %sign3A_376 : i32
      %sign3A_378 = arith.extui %sign3A_377 : i1 to i32
      %sign3A_379 = arith.subi %sign3A_375, %sign3A_378 : i32
      %sign3A_380 = arith.constant 0 : i32
      %sign3A_381 = arith.cmpi sgt, %jit3A_371, %sign3A_380 : i32
      %sign3A_382 = arith.extui %sign3A_381 : i1 to i32
      %sign3A_383 = arith.constant 0 : i32
      %sign3A_384 = arith.cmpi slt, %jit3A_371, %sign3A_383 : i32
      %sign3A_385 = arith.extui %sign3A_384 : i1 to i32
      %sign3A_386 = arith.subi %sign3A_382, %sign3A_385 : i32
      %ne3A_387 = arith.cmpi ne, %sign3A_379, %sign3A_386 : i32
      %rem3A_388 = arith.remsi %scan3A_370, %jit3A_371 : i32
      %ne3A_389 = arith.constant 0 : i32
      %ne3A_390 = arith.cmpi ne, %rem3A_388, %ne3A_389 : i32
      %and3A_391 = arith.andi %ne3A_387, %ne3A_390 : i1
      %sub3A_392 = arith.constant 1 : i32
      %sub3A_393 = arith.subi %div3A_372, %sub3A_392 : i32
      %select_n3A_394 = arith.select %and3A_391, %sub3A_393, %div3A_372 : i32
      %jit3A_395 = arith.constant 8 : i32
      %eq3A_396 = arith.constant 0 : i32
      %eq3A_397 = arith.cmpi eq, %jit3A_395, %eq3A_396 : i32
      %jit3A_398 = arith.constant 1 : i32
      %select_n3A_399 = arith.select %eq3A_397, %jit3A_398, %jit3A_395 : i32
      %rem3A_400 = arith.remsi %scan3A_370, %select_n3A_399 : i32
      %ne3A_401 = arith.constant 0 : i32
      %ne3A_402 = arith.cmpi ne, %rem3A_400, %ne3A_401 : i32
      %lt3A_403 = arith.constant 0 : i32
      %lt3A_404 = arith.cmpi slt, %rem3A_400, %lt3A_403 : i32
      %lt3A_405 = arith.constant 0 : i32
      %lt3A_406 = arith.cmpi slt, %select_n3A_399, %lt3A_405 : i32
      %ne3A_407 = arith.xori %lt3A_404, %lt3A_406 : i1
      %and3A_408 = arith.andi %ne3A_407, %ne3A_402 : i1
      %add3A_409 = arith.addi %rem3A_400, %select_n3A_399 : i32
      %select_n3A_410 = arith.select %and3A_408, %add3A_409, %rem3A_400 : i32
      %mul3A_411 = arith.constant 16 : i32
      %mul3A_412 = arith.muli %select_n3A_410, %mul3A_411 : i32
      %swap3A_413 = arith.index_cast %select_n3A_394 : i32 to index
      %swap3A_414 = arith.index_cast %mul3A_412 : i32 to index
      %swap3A_415 = tpu.vector_load %arg7[%swap3A_413, %swap3A_414] {strides = array<i32>} : memref<128x128xf32, #tpu.memory_space<vmem>>, vector<1x16xf32>,
      %swap3A_416 = vector.shape_cast %swap3A_415 : vector<1x16xf32> to vector<16xf32>
      %swap3A_417 = vector.shape_cast %broadcast_in_dim3A_1 : vector<16xf32> to vector<1x16xf32>
      tpu.vector_store %arg7[%swap3A_413, %swap3A_414], %swap3A_417 {strides = array<i32>} : memref<128x128xf32, #tpu.memory_space<vmem>>, vector<1x16xf32>,
      %scan3A_418 = arith.constant 7 : i32
      %scan3A_419 = arith.addi %scan3A_86, %scan3A_418 : i32
      %jit3A_420 = arith.constant 8 : i32
      %div3A_421 = arith.divsi %scan3A_419, %jit3A_420 : i32
      %sign3A_422 = arith.constant 0 : i32
      %sign3A_423 = arith.cmpi sgt, %scan3A_419, %sign3A_422 : i32
      %sign3A_424 = arith.extui %sign3A_423 : i1 to i32
      %sign3A_425 = arith.constant 0 : i32
      %sign3A_426 = arith.cmpi slt, %scan3A_419, %sign3A_425 : i32
      %sign3A_427 = arith.extui %sign3A_426 : i1 to i32
      %sign3A_428 = arith.subi %sign3A_424, %sign3A_427 : i32
      %sign3A_429 = arith.constant 0 : i32
      %sign3A_430 = arith.cmpi sgt, %jit3A_420, %sign3A_429 : i32
      %sign3A_431 = arith.extui %sign3A_430 : i1 to i32
      %sign3A_432 = arith.constant 0 : i32
      %sign3A_433 = arith.cmpi slt, %jit3A_420, %sign3A_432 : i32
      %sign3A_434 = arith.extui %sign3A_433 : i1 to i32
      %sign3A_435 = arith.subi %sign3A_431, %sign3A_434 : i32
      %ne3A_436 = arith.cmpi ne, %sign3A_428, %sign3A_435 : i32
      %rem3A_437 = arith.remsi %scan3A_419, %jit3A_420 : i32
      %ne3A_438 = arith.constant 0 : i32
      %ne3A_439 = arith.cmpi ne, %rem3A_437, %ne3A_438 : i32
      %and3A_440 = arith.andi %ne3A_436, %ne3A_439 : i1
      %sub3A_441 = arith.constant 1 : i32
      %sub3A_442 = arith.subi %div3A_421, %sub3A_441 : i32
      %select_n3A_443 = arith.select %and3A_440, %sub3A_442, %div3A_421 : i32
      %jit3A_444 = arith.constant 8 : i32
      %eq3A_445 = arith.constant 0 : i32
      %eq3A_446 = arith.cmpi eq, %jit3A_444, %eq3A_445 : i32
      %jit3A_447 = arith.constant 1 : i32
      %select_n3A_448 = arith.select %eq3A_446, %jit3A_447, %jit3A_444 : i32
      %rem3A_449 = arith.remsi %scan3A_419, %select_n3A_448 : i32
      %ne3A_450 = arith.constant 0 : i32
      %ne3A_451 = arith.cmpi ne, %rem3A_449, %ne3A_450 : i32
      %lt3A_452 = arith.constant 0 : i32
      %lt3A_453 = arith.cmpi slt, %rem3A_449, %lt3A_452 : i32
      %lt3A_454 = arith.constant 0 : i32
      %lt3A_455 = arith.cmpi slt, %select_n3A_448, %lt3A_454 : i32
      %ne3A_456 = arith.xori %lt3A_453, %lt3A_455 : i1
      %and3A_457 = arith.andi %ne3A_456, %ne3A_451 : i1
      %add3A_458 = arith.addi %rem3A_449, %select_n3A_448 : i32
      %select_n3A_459 = arith.select %and3A_457, %add3A_458, %rem3A_449 : i32
      %mul3A_460 = arith.constant 16 : i32
      %mul3A_461 = arith.muli %select_n3A_459, %mul3A_460 : i32
      %swap3A_462 = arith.index_cast %select_n3A_443 : i32 to index
      %swap3A_463 = arith.index_cast %mul3A_461 : i32 to index
      %swap3A_464 = tpu.vector_load %arg7[%swap3A_462, %swap3A_463] {strides = array<i32>} : memref<128x128xf32, #tpu.memory_space<vmem>>, vector<1x16xf32>,
      %swap3A_465 = vector.shape_cast %swap3A_464 : vector<1x16xf32> to vector<16xf32>
      %swap3A_466 = vector.shape_cast %broadcast_in_dim3A_1 : vector<16xf32> to vector<1x16xf32>
      tpu.vector_store %arg7[%swap3A_462, %swap3A_463], %swap3A_466 {strides = array<i32>} : memref<128x128xf32, #tpu.memory_space<vmem>>, vector<1x16xf32>,
    }
    %scan3A_6 = arith.constant 1024 : i32
    %mul3A_7 = arith.constant 624 : i32
    %mul3A_8 = arith.muli %arg1, %mul3A_7 : i32
    %multiple_of3A = tpu.assume_multiple %mul3A_8, 8 : i32
    %add3A_9 = arith.constant 0 : i32
    %add3A_10 = arith.addi %multiple_of3A, %add3A_9 : i32
    "tpu.region"() ({
      %run_scoped3A = tpu.sem_alloc : memref<!tpu.dma_semaphore, #tpu.memory_space<semaphore_mem>>
      %dma_start3A_86 = arith.constant 0 : i32
      %dma_start3A_87 = arith.constant 0 : i32
      %dma_start3A_88 = tpu.memref_slice %arg7[%dma_start3A_86, %dma_start3A_87] : memref<128x128xf32, #tpu.memory_space<vmem>> -> memref<128x128xf32, #tpu.memory_space<vmem>>
      %dma_start3A_89 = arith.constant 0 : i32
      %dma_start3A_90 = tpu.memref_slice %arg6[%add3A_10, %dma_start3A_89] : memref<10000x128xf32, #tpu.memory_space<vmem_shared>> -> memref<128x128xf32, #tpu.memory_space<vmem_shared>>
      %dma_start3A_91 = arith.constant 0 : i32
      %dma_start3A_92 = tpu.memref_slice %arg6[%add3A_10, %dma_start3A_91] : memref<10000x128xf32, #tpu.memory_space<vmem_shared>> -> memref<128x128xf32, #tpu.memory_space<vmem_shared>>
      %dma_start3A_93 = arith.constant 0 : i32
      %dma_start3A_94 = arith.constant 0 : i32
      %dma_start3A_95 = tpu.memref_slice %arg7[%dma_start3A_93, %dma_start3A_94] : memref<128x128xf32, #tpu.memory_space<vmem>> -> memref<128x128xf32, #tpu.memory_space<vmem>>
      tpu.enqueue_dma source(%dma_start3A_95 : memref<128x128xf32, #tpu.memory_space<vmem>>) target(%dma_start3A_92 : memref<128x128xf32, #tpu.memory_space<vmem_shared>>) target_semaphore(%run_scoped3A : memref<!tpu.dma_semaphore, #tpu.memory_space<semaphore_mem>>)
      %dma_wait3A_96 = arith.constant 0 : i32
      %dma_wait3A_97 = arith.constant 0 : i32
      %dma_wait3A_98 = tpu.memref_slice %arg7[%dma_wait3A_96, %dma_wait3A_97] : memref<128x128xf32, #tpu.memory_space<vmem>> -> memref<128x128xf32, #tpu.memory_space<vmem>>
      %dma_wait3A_99 = arith.constant 0 : i32
      %dma_wait3A_100 = tpu.memref_slice %arg6[%add3A_10, %dma_wait3A_99] : memref<10000x128xf32, #tpu.memory_space<vmem_shared>> -> memref<128x128xf32, #tpu.memory_space<vmem_shared>>
      %dma_wait3A_101 = arith.constant 0 : i32
      %dma_wait3A_102 = tpu.memref_slice %arg6[%add3A_10, %dma_wait3A_101] : memref<10000x128xf32, #tpu.memory_space<vmem_shared>> -> memref<128x128xf32, #tpu.memory_space<vmem_shared>>
      %dma_wait3A_103 = arith.constant 0 : i32
      %dma_wait3A_104 = arith.constant 0 : i32
      %dma_wait3A_105 = tpu.memref_slice %arg7[%dma_wait3A_103, %dma_wait3A_104] : memref<128x128xf32, #tpu.memory_space<vmem>> -> memref<128x128xf32, #tpu.memory_space<vmem>>
      tpu.wait_dma2 semaphore(%run_scoped3A : memref<!tpu.dma_semaphore, #tpu.memory_space<semaphore_mem>>) src(%dma_wait3A_105 : memref<128x128xf32, #tpu.memory_space<vmem>>) dst(%dma_wait3A_102 : memref<128x128xf32, #tpu.memory_space<vmem_shared>>)
      tpu.yield
    }) : () -> ()
    %add3A_11 = arith.constant 128 : i32
    %add3A_12 = arith.addi %multiple_of3A, %add3A_11 : i32
    "tpu.region"() ({
      %run_scoped3A = tpu.sem_alloc : memref<!tpu.dma_semaphore, #tpu.memory_space<semaphore_mem>>
      %dma_start3A_86 = arith.constant 0 : i32
      %dma_start3A_87 = arith.constant 0 : i32
      %dma_start3A_88 = tpu.memref_slice %arg7[%dma_start3A_86, %dma_start3A_87] : memref<128x128xf32, #tpu.memory_space<vmem>> -> memref<128x128xf32, #tpu.memory_space<vmem>>
      %dma_start3A_89 = arith.constant 0 : i32
      %dma_start3A_90 = tpu.memref_slice %arg6[%add3A_12, %dma_start3A_89] : memref<10000x128xf32, #tpu.memory_space<vmem_shared>> -> memref<128x128xf32, #tpu.memory_space<vmem_shared>>
      %dma_start3A_91 = arith.constant 0 : i32
      %dma_start3A_92 = tpu.memref_slice %arg6[%add3A_12, %dma_start3A_91] : memref<10000x128xf32, #tpu.memory_space<vmem_shared>> -> memref<128x128xf32, #tpu.memory_space<vmem_shared>>
      %dma_start3A_93 = arith.constant 0 : i32
      %dma_start3A_94 = arith.constant 0 : i32
      %dma_start3A_95 = tpu.memref_slice %arg7[%dma_start3A_93, %dma_start3A_94] : memref<128x128xf32, #tpu.memory_space<vmem>> -> memref<128x128xf32, #tpu.memory_space<vmem>>
      tpu.enqueue_dma source(%dma_start3A_95 : memref<128x128xf32, #tpu.memory_space<vmem>>) target(%dma_start3A_92 : memref<128x128xf32, #tpu.memory_space<vmem_shared>>) target_semaphore(%run_scoped3A : memref<!tpu.dma_semaphore, #tpu.memory_space<semaphore_mem>>)
      %dma_wait3A_96 = arith.constant 0 : i32
      %dma_wait3A_97 = arith.constant 0 : i32
      %dma_wait3A_98 = tpu.memref_slice %arg7[%dma_wait3A_96, %dma_wait3A_97] : memref<128x128xf32, #tpu.memory_space<vmem>> -> memref<128x128xf32, #tpu.memory_space<vmem>>
      %dma_wait3A_99 = arith.constant 0 : i32
      %dma_wait3A_100 = tpu.memref_slice %arg6[%add3A_12, %dma_wait3A_99] : memref<10000x128xf32, #tpu.memory_space<vmem_shared>> -> memref<128x128xf32, #tpu.memory_space<vmem_shared>>
      %dma_wait3A_101 = arith.constant 0 : i32
      %dma_wait3A_102 = tpu.memref_slice %arg6[%add3A_12, %dma_wait3A_101] : memref<10000x128xf32, #tpu.memory_space<vmem_shared>> -> memref<128x128xf32, #tpu.memory_space<vmem_shared>>
      %dma_wait3A_103 = arith.constant 0 : i32
      %dma_wait3A_104 = arith.constant 0 : i32
      %dma_wait3A_105 = tpu.memref_slice %arg7[%dma_wait3A_103, %dma_wait3A_104] : memref<128x128xf32, #tpu.memory_space<vmem>> -> memref<128x128xf32, #tpu.memory_space<vmem>>
      tpu.wait_dma2 semaphore(%run_scoped3A : memref<!tpu.dma_semaphore, #tpu.memory_space<semaphore_mem>>) src(%dma_wait3A_105 : memref<128x128xf32, #tpu.memory_space<vmem>>) dst(%dma_wait3A_102 : memref<128x128xf32, #tpu.memory_space<vmem_shared>>)
      tpu.yield
    }) : () -> ()
    %add3A_13 = arith.constant 256 : i32
    %add3A_14 = arith.addi %multiple_of3A, %add3A_13 : i32
    "tpu.region"() ({
      %run_scoped3A = tpu.sem_alloc : memref<!tpu.dma_semaphore, #tpu.memory_space<semaphore_mem>>
      %dma_start3A_86 = arith.constant 0 : i32
      %dma_start3A_87 = arith.constant 0 : i32
      %dma_start3A_88 = tpu.memref_slice %arg7[%dma_start3A_86, %dma_start3A_87] : memref<128x128xf32, #tpu.memory_space<vmem>> -> memref<128x128xf32, #tpu.memory_space<vmem>>
      %dma_start3A_89 = arith.constant 0 : i32
      %dma_start3A_90 = tpu.memref_slice %arg6[%add3A_14, %dma_start3A_89] : memref<10000x128xf32, #tpu.memory_space<vmem_shared>> -> memref<128x128xf32, #tpu.memory_space<vmem_shared>>
      %dma_start3A_91 = arith.constant 0 : i32
      %dma_start3A_92 = tpu.memref_slice %arg6[%add3A_14, %dma_start3A_91] : memref<10000x128xf32, #tpu.memory_space<vmem_shared>> -> memref<128x128xf32, #tpu.memory_space<vmem_shared>>
      %dma_start3A_93 = arith.constant 0 : i32
      %dma_start3A_94 = arith.constant 0 : i32
      %dma_start3A_95 = tpu.memref_slice %arg7[%dma_start3A_93, %dma_start3A_94] : memref<128x128xf32, #tpu.memory_space<vmem>> -> memref<128x128xf32, #tpu.memory_space<vmem>>
      tpu.enqueue_dma source(%dma_start3A_95 : memref<128x128xf32, #tpu.memory_space<vmem>>) target(%dma_start3A_92 : memref<128x128xf32, #tpu.memory_space<vmem_shared>>) target_semaphore(%run_scoped3A : memref<!tpu.dma_semaphore, #tpu.memory_space<semaphore_mem>>)
      %dma_wait3A_96 = arith.constant 0 : i32
      %dma_wait3A_97 = arith.constant 0 : i32
      %dma_wait3A_98 = tpu.memref_slice %arg7[%dma_wait3A_96, %dma_wait3A_97] : memref<128x128xf32, #tpu.memory_space<vmem>> -> memref<128x128xf32, #tpu.memory_space<vmem>>
      %dma_wait3A_99 = arith.constant 0 : i32
      %dma_wait3A_100 = tpu.memref_slice %arg6[%add3A_14, %dma_wait3A_99] : memref<10000x128xf32, #tpu.memory_space<vmem_shared>> -> memref<128x128xf32, #tpu.memory_space<vmem_shared>>
      %dma_wait3A_101 = arith.constant 0 : i32
      %dma_wait3A_102 = tpu.memref_slice %arg6[%add3A_14, %dma_wait3A_101] : memref<10000x128xf32, #tpu.memory_space<vmem_shared>> -> memref<128x128xf32, #tpu.memory_space<vmem_shared>>
      %dma_wait3A_103 = arith.constant 0 : i32
      %dma_wait3A_104 = arith.constant 0 : i32
      %dma_wait3A_105 = tpu.memref_slice %arg7[%dma_wait3A_103, %dma_wait3A_104] : memref<128x128xf32, #tpu.memory_space<vmem>> -> memref<128x128xf32, #tpu.memory_space<vmem>>
      tpu.wait_dma2 semaphore(%run_scoped3A : memref<!tpu.dma_semaphore, #tpu.memory_space<semaphore_mem>>) src(%dma_wait3A_105 : memref<128x128xf32, #tpu.memory_space<vmem>>) dst(%dma_wait3A_102 : memref<128x128xf32, #tpu.memory_space<vmem_shared>>)
      tpu.yield
    }) : () -> ()
    %add3A_15 = arith.constant 384 : i32
    %add3A_16 = arith.addi %multiple_of3A, %add3A_15 : i32
    "tpu.region"() ({
      %run_scoped3A = tpu.sem_alloc : memref<!tpu.dma_semaphore, #tpu.memory_space<semaphore_mem>>
      %dma_start3A_86 = arith.constant 0 : i32
      %dma_start3A_87 = arith.constant 0 : i32
      %dma_start3A_88 = tpu.memref_slice %arg7[%dma_start3A_86, %dma_start3A_87] : memref<128x128xf32, #tpu.memory_space<vmem>> -> memref<128x128xf32, #tpu.memory_space<vmem>>
      %dma_start3A_89 = arith.constant 0 : i32
      %dma_start3A_90 = tpu.memref_slice %arg6[%add3A_16, %dma_start3A_89] : memref<10000x128xf32, #tpu.memory_space<vmem_shared>> -> memref<128x128xf32, #tpu.memory_space<vmem_shared>>
      %dma_start3A_91 = arith.constant 0 : i32
      %dma_start3A_92 = tpu.memref_slice %arg6[%add3A_16, %dma_start3A_91] : memref<10000x128xf32, #tpu.memory_space<vmem_shared>> -> memref<128x128xf32, #tpu.memory_space<vmem_shared>>
      %dma_start3A_93 = arith.constant 0 : i32
      %dma_start3A_94 = arith.constant 0 : i32
      %dma_start3A_95 = tpu.memref_slice %arg7[%dma_start3A_93, %dma_start3A_94] : memref<128x128xf32, #tpu.memory_space<vmem>> -> memref<128x128xf32, #tpu.memory_space<vmem>>
      tpu.enqueue_dma source(%dma_start3A_95 : memref<128x128xf32, #tpu.memory_space<vmem>>) target(%dma_start3A_92 : memref<128x128xf32, #tpu.memory_space<vmem_shared>>) target_semaphore(%run_scoped3A : memref<!tpu.dma_semaphore, #tpu.memory_space<semaphore_mem>>)
      %dma_wait3A_96 = arith.constant 0 : i32
      %dma_wait3A_97 = arith.constant 0 : i32
      %dma_wait3A_98 = tpu.memref_slice %arg7[%dma_wait3A_96, %dma_wait3A_97] : memref<128x128xf32, #tpu.memory_space<vmem>> -> memref<128x128xf32, #tpu.memory_space<vmem>>
      %dma_wait3A_99 = arith.constant 0 : i32
      %dma_wait3A_100 = tpu.memref_slice %arg6[%add3A_16, %dma_wait3A_99] : memref<10000x128xf32, #tpu.memory_space<vmem_shared>> -> memref<128x128xf32, #tpu.memory_space<vmem_shared>>
      %dma_wait3A_101 = arith.constant 0 : i32
      %dma_wait3A_102 = tpu.memref_slice %arg6[%add3A_16, %dma_wait3A_101] : memref<10000x128xf32, #tpu.memory_space<vmem_shared>> -> memref<128x128xf32, #tpu.memory_space<vmem_shared>>
      %dma_wait3A_103 = arith.constant 0 : i32
      %dma_wait3A_104 = arith.constant 0 : i32
      %dma_wait3A_105 = tpu.memref_slice %arg7[%dma_wait3A_103, %dma_wait3A_104] : memref<128x128xf32, #tpu.memory_space<vmem>> -> memref<128x128xf32, #tpu.memory_space<vmem>>
      tpu.wait_dma2 semaphore(%run_scoped3A : memref<!tpu.dma_semaphore, #tpu.memory_space<semaphore_mem>>) src(%dma_wait3A_105 : memref<128x128xf32, #tpu.memory_space<vmem>>) dst(%dma_wait3A_102 : memref<128x128xf32, #tpu.memory_space<vmem_shared>>)
      tpu.yield
    }) : () -> ()
    %add3A_17 = arith.constant 512 : i32
    %add3A_18 = arith.addi %multiple_of3A, %add3A_17 : i32
    "tpu.region"() ({
      %run_scoped3A = tpu.sem_alloc : memref<!tpu.dma_semaphore, #tpu.memory_space<semaphore_mem>>
      %dma_start3A_86 = arith.constant 0 : i32
      %dma_start3A_87 = arith.constant 0 : i32
      %dma_start3A_88 = tpu.memref_slice %arg7[%dma_start3A_86, %dma_start3A_87] : memref<128x128xf32, #tpu.memory_space<vmem>> -> memref<112x128xf32, #tpu.memory_space<vmem>>
      %dma_start3A_89 = arith.constant 0 : i32
      %dma_start3A_90 = tpu.memref_slice %arg6[%add3A_18, %dma_start3A_89] : memref<10000x128xf32, #tpu.memory_space<vmem_shared>> -> memref<112x128xf32, #tpu.memory_space<vmem_shared>>
      %dma_start3A_91 = arith.constant 0 : i32
      %dma_start3A_92 = tpu.memref_slice %arg6[%add3A_18, %dma_start3A_91] : memref<10000x128xf32, #tpu.memory_space<vmem_shared>> -> memref<112x128xf32, #tpu.memory_space<vmem_shared>>
      %dma_start3A_93 = arith.constant 0 : i32
      %dma_start3A_94 = arith.constant 0 : i32
      %dma_start3A_95 = tpu.memref_slice %arg7[%dma_start3A_93, %dma_start3A_94] : memref<128x128xf32, #tpu.memory_space<vmem>> -> memref<112x128xf32, #tpu.memory_space<vmem>>
      tpu.enqueue_dma source(%dma_start3A_95 : memref<112x128xf32, #tpu.memory_space<vmem>>) target(%dma_start3A_92 : memref<112x128xf32, #tpu.memory_space<vmem_shared>>) target_semaphore(%run_scoped3A : memref<!tpu.dma_semaphore, #tpu.memory_space<semaphore_mem>>)
      %dma_wait3A_96 = arith.constant 0 : i32
      %dma_wait3A_97 = arith.constant 0 : i32
      %dma_wait3A_98 = tpu.memref_slice %arg7[%dma_wait3A_96, %dma_wait3A_97] : memref<128x128xf32, #tpu.memory_space<vmem>> -> memref<112x128xf32, #tpu.memory_space<vmem>>
      %dma_wait3A_99 = arith.constant 0 : i32
      %dma_wait3A_100 = tpu.memref_slice %arg6[%add3A_18, %dma_wait3A_99] : memref<10000x128xf32, #tpu.memory_space<vmem_shared>> -> memref<112x128xf32, #tpu.memory_space<vmem_shared>>
      %dma_wait3A_101 = arith.constant 0 : i32
      %dma_wait3A_102 = tpu.memref_slice %arg6[%add3A_18, %dma_wait3A_101] : memref<10000x128xf32, #tpu.memory_space<vmem_shared>> -> memref<112x128xf32, #tpu.memory_space<vmem_shared>>
      %dma_wait3A_103 = arith.constant 0 : i32
      %dma_wait3A_104 = arith.constant 0 : i32
      %dma_wait3A_105 = tpu.memref_slice %arg7[%dma_wait3A_103, %dma_wait3A_104] : memref<128x128xf32, #tpu.memory_space<vmem>> -> memref<112x128xf32, #tpu.memory_space<vmem>>
      tpu.wait_dma2 semaphore(%run_scoped3A : memref<!tpu.dma_semaphore, #tpu.memory_space<semaphore_mem>>) src(%dma_wait3A_105 : memref<112x128xf32, #tpu.memory_space<vmem>>) dst(%dma_wait3A_102 : memref<112x128xf32, #tpu.memory_space<vmem_shared>>)
      tpu.yield
    }) : () -> ()
    %eq3A = arith.constant 15 : i32
    %eq3A_19 = arith.cmpi eq, %arg1, %eq3A : i32
    %convert_element_type3A = arith.extui %eq3A_19 : i1 to i32
    %cond3A = arith.constant 0 : i32
    %cond3A_20 = arith.cmpi ne, %convert_element_type3A, %cond3A : i32
    scf.if %cond3A_20 {
      "tpu.region"() ({
        %run_scoped3A = tpu.sem_alloc : memref<!tpu.dma_semaphore, #tpu.memory_space<semaphore_mem>>
        %dma_start3A_86 = arith.constant 0 : i32
        %dma_start3A_87 = arith.constant 0 : i32
        %dma_start3A_88 = tpu.memref_slice %arg7[%dma_start3A_86, %dma_start3A_87] : memref<128x128xf32, #tpu.memory_space<vmem>> -> memref<16x128xf32, #tpu.memory_space<vmem>>
        %dma_start3A_89 = arith.constant 9984 : i32
        %dma_start3A_90 = arith.constant 0 : i32
        %dma_start3A_91 = tpu.memref_slice %arg6[%dma_start3A_89, %dma_start3A_90] : memref<10000x128xf32, #tpu.memory_space<vmem_shared>> -> memref<16x128xf32, #tpu.memory_space<vmem_shared>>
        %dma_start3A_92 = arith.constant 9984 : i32
        %dma_start3A_93 = arith.constant 0 : i32
        %dma_start3A_94 = tpu.memref_slice %arg6[%dma_start3A_92, %dma_start3A_93] : memref<10000x128xf32, #tpu.memory_space<vmem_shared>> -> memref<16x128xf32, #tpu.memory_space<vmem_shared>>
        %dma_start3A_95 = arith.constant 0 : i32
        %dma_start3A_96 = arith.constant 0 : i32
        %dma_start3A_97 = tpu.memref_slice %arg7[%dma_start3A_95, %dma_start3A_96] : memref<128x128xf32, #tpu.memory_space<vmem>> -> memref<16x128xf32, #tpu.memory_space<vmem>>
        tpu.enqueue_dma source(%dma_start3A_97 : memref<16x128xf32, #tpu.memory_space<vmem>>) target(%dma_start3A_94 : memref<16x128xf32, #tpu.memory_space<vmem_shared>>) target_semaphore(%run_scoped3A : memref<!tpu.dma_semaphore, #tpu.memory_space<semaphore_mem>>)
        %dma_wait3A_98 = arith.constant 0 : i32
        %dma_wait3A_99 = arith.constant 0 : i32
        %dma_wait3A_100 = tpu.memref_slice %arg7[%dma_wait3A_98, %dma_wait3A_99] : memref<128x128xf32, #tpu.memory_space<vmem>> -> memref<16x128xf32, #tpu.memory_space<vmem>>
        %dma_wait3A_101 = arith.constant 9984 : i32
        %dma_wait3A_102 = arith.constant 0 : i32
        %dma_wait3A_103 = tpu.memref_slice %arg6[%dma_wait3A_101, %dma_wait3A_102] : memref<10000x128xf32, #tpu.memory_space<vmem_shared>> -> memref<16x128xf32, #tpu.memory_space<vmem_shared>>
        %dma_wait3A_104 = arith.constant 9984 : i32
        %dma_wait3A_105 = arith.constant 0 : i32
        %dma_wait3A_106 = tpu.memref_slice %arg6[%dma_wait3A_104, %dma_wait3A_105] : memref<10000x128xf32, #tpu.memory_space<vmem_shared>> -> memref<16x128xf32, #tpu.memory_space<vmem_shared>>
        %dma_wait3A_107 = arith.constant 0 : i32
        %dma_wait3A_108 = arith.constant 0 : i32
        %dma_wait3A_109 = tpu.memref_slice %arg7[%dma_wait3A_107, %dma_wait3A_108] : memref<128x128xf32, #tpu.memory_space<vmem>> -> memref<16x128xf32, #tpu.memory_space<vmem>>
        tpu.wait_dma2 semaphore(%run_scoped3A : memref<!tpu.dma_semaphore, #tpu.memory_space<semaphore_mem>>) src(%dma_wait3A_109 : memref<16x128xf32, #tpu.memory_space<vmem>>) dst(%dma_wait3A_106 : memref<16x128xf32, #tpu.memory_space<vmem_shared>>)
        tpu.yield
      }) : () -> ()
    } else {
    }
    %barrier3A = arith.constant 0 : index
    tpu.barrier barrier_id(%barrier3A)
    %mul3A_21 = arith.constant 10000 : i32
    %mul3A_22 = arith.muli %add3A, %mul3A_21 : i32
    %add3A_23 = arith.constant 0 : i32
    %add3A_24 = arith.addi %mul3A_22, %add3A_23 : i32
    %multiple_of3A_25 = tpu.assume_multiple %add3A_24, 8 : i32
    "tpu.region"() ({
      %run_scoped3A = tpu.sem_alloc : memref<!tpu.dma_semaphore, #tpu.memory_space<semaphore_mem>>
      %dma_start3A_86 = tpu.memref_slice %arg3[%multiple_of3A_25] : memref<320000xi32, #tpu.memory_space<hbm>> -> memref<128xi32, #tpu.memory_space<hbm>>
      %dma_start3A_87 = tpu.memref_slice %arg3[%multiple_of3A_25] : memref<320000xi32, #tpu.memory_space<hbm>> -> memref<128xi32, #tpu.memory_space<hbm>>
      tpu.enqueue_dma source(%dma_start3A_87 : memref<128xi32, #tpu.memory_space<hbm>>) target(%arg9 : memref<128xi32, #tpu.memory_space<vmem>>) target_semaphore(%run_scoped3A : memref<!tpu.dma_semaphore, #tpu.memory_space<semaphore_mem>>)
      %dma_wait3A_88 = tpu.memref_slice %arg3[%multiple_of3A_25] : memref<320000xi32, #tpu.memory_space<hbm>> -> memref<128xi32, #tpu.memory_space<hbm>>
      %dma_wait3A_89 = tpu.memref_slice %arg3[%multiple_of3A_25] : memref<320000xi32, #tpu.memory_space<hbm>> -> memref<128xi32, #tpu.memory_space<hbm>>
      tpu.wait_dma2 semaphore(%run_scoped3A : memref<!tpu.dma_semaphore, #tpu.memory_space<semaphore_mem>>) src(%dma_wait3A_89 : memref<128xi32, #tpu.memory_space<hbm>>) dst(%arg9 : memref<128xi32, #tpu.memory_space<vmem>>)
      tpu.yield
    }) : () -> ()
    "tpu.region"() ({
      %run_scoped3A = tpu.sem_alloc : memref<!tpu.dma_semaphore, #tpu.memory_space<semaphore_mem>>
      %dma_start3A_86 = tpu.memref_slice %arg4[%multiple_of3A_25] : memref<320000xi32, #tpu.memory_space<hbm>> -> memref<128xi32, #tpu.memory_space<hbm>>
      %dma_start3A_87 = tpu.memref_slice %arg4[%multiple_of3A_25] : memref<320000xi32, #tpu.memory_space<hbm>> -> memref<128xi32, #tpu.memory_space<hbm>>
      tpu.enqueue_dma source(%dma_start3A_87 : memref<128xi32, #tpu.memory_space<hbm>>) target(%arg11 : memref<128xi32, #tpu.memory_space<vmem>>) target_semaphore(%run_scoped3A : memref<!tpu.dma_semaphore, #tpu.memory_space<semaphore_mem>>)
      %dma_wait3A_88 = tpu.memref_slice %arg4[%multiple_of3A_25] : memref<320000xi32, #tpu.memory_space<hbm>> -> memref<128xi32, #tpu.memory_space<hbm>>
      %dma_wait3A_89 = tpu.memref_slice %arg4[%multiple_of3A_25] : memref<320000xi32, #tpu.memory_space<hbm>> -> memref<128xi32, #tpu.memory_space<hbm>>
      tpu.wait_dma2 semaphore(%run_scoped3A : memref<!tpu.dma_semaphore, #tpu.memory_space<semaphore_mem>>) src(%dma_wait3A_89 : memref<128xi32, #tpu.memory_space<hbm>>) dst(%arg11 : memref<128xi32, #tpu.memory_space<vmem>>)
      tpu.yield
    }) : () -> ()
    %dma_start3A = arith.constant 0 : i32
    %dma_start3A_26 = arith.constant 0 : i32
    %dma_start3A_27 = tpu.memref_slice %arg2[%dma_start3A, %dma_start3A_26] : memref<10000x128xf32, #tpu.memory_space<hbm>> -> memref<10000x128xf32, #tpu.memory_space<hbm>>
    tpu.enqueue_indirect_dma source(%dma_start3A_27 : memref<10000x128xf32, #tpu.memory_space<hbm>>) target(%arg7 : memref<128x128xf32, #tpu.memory_space<vmem>>) offsets(%arg9 : memref<128xi32, #tpu.memory_space<vmem>>) semaphore(%arg16 : memref<!tpu.dma_semaphore, #tpu.memory_space<semaphore_mem>>)
    %scan3A_28 = arith.constant 0 : i32
    %scan3A_29 = arith.constant 0 : i32
    %scan3A_30 = arith.constant 38 : i32
    %scan3A_31 = arith.addi %scan3A_29, %scan3A_30 : i32
    %scan3A_32 = arith.constant 1 : i32
    scf.for %scan3A_86 = %scan3A_29 to %scan3A_31 step %scan3A_32  : i32 {
      %mul3A_87 = arith.constant 2 : i32
      %mul3A_88 = arith.muli %scan3A_86, %mul3A_87 : i32
      %add3A_89 = arith.constant 1 : i32
      %add3A_90 = arith.addi %mul3A_88, %add3A_89 : i32
      %mul3A_91 = arith.constant 128 : i32
      %mul3A_92 = arith.muli %add3A_90, %mul3A_91 : i32
      %add3A_93 = arith.addi %mul3A_22, %mul3A_92 : i32
      %multiple_of3A_94 = tpu.assume_multiple %add3A_93, 8 : i32
      "tpu.region"() ({
        %run_scoped3A = tpu.sem_alloc : memref<!tpu.dma_semaphore, #tpu.memory_space<semaphore_mem>>
        %dma_start3A_113 = tpu.memref_slice %arg3[%multiple_of3A_94] : memref<320000xi32, #tpu.memory_space<hbm>> -> memref<128xi32, #tpu.memory_space<hbm>>
        %dma_start3A_114 = tpu.memref_slice %arg3[%multiple_of3A_94] : memref<320000xi32, #tpu.memory_space<hbm>> -> memref<128xi32, #tpu.memory_space<hbm>>
        tpu.enqueue_dma source(%dma_start3A_114 : memref<128xi32, #tpu.memory_space<hbm>>) target(%arg10 : memref<128xi32, #tpu.memory_space<vmem>>) target_semaphore(%run_scoped3A : memref<!tpu.dma_semaphore, #tpu.memory_space<semaphore_mem>>)
        %dma_wait3A_115 = tpu.memref_slice %arg3[%multiple_of3A_94] : memref<320000xi32, #tpu.memory_space<hbm>> -> memref<128xi32, #tpu.memory_space<hbm>>
        %dma_wait3A_116 = tpu.memref_slice %arg3[%multiple_of3A_94] : memref<320000xi32, #tpu.memory_space<hbm>> -> memref<128xi32, #tpu.memory_space<hbm>>
        tpu.wait_dma2 semaphore(%run_scoped3A : memref<!tpu.dma_semaphore, #tpu.memory_space<semaphore_mem>>) src(%dma_wait3A_116 : memref<128xi32, #tpu.memory_space<hbm>>) dst(%arg10 : memref<128xi32, #tpu.memory_space<vmem>>)
        tpu.yield
      }) : () -> ()
      "tpu.region"() ({
        %run_scoped3A = tpu.sem_alloc : memref<!tpu.dma_semaphore, #tpu.memory_space<semaphore_mem>>
        %dma_start3A_113 = tpu.memref_slice %arg4[%multiple_of3A_94] : memref<320000xi32, #tpu.memory_space<hbm>> -> memref<128xi32, #tpu.memory_space<hbm>>
        %dma_start3A_114 = tpu.memref_slice %arg4[%multiple_of3A_94] : memref<320000xi32, #tpu.memory_space<hbm>> -> memref<128xi32, #tpu.memory_space<hbm>>
        tpu.enqueue_dma source(%dma_start3A_114 : memref<128xi32, #tpu.memory_space<hbm>>) target(%arg12 : memref<128xi32, #tpu.memory_space<vmem>>) target_semaphore(%run_scoped3A : memref<!tpu.dma_semaphore, #tpu.memory_space<semaphore_mem>>)
        %dma_wait3A_115 = tpu.memref_slice %arg4[%multiple_of3A_94] : memref<320000xi32, #tpu.memory_space<hbm>> -> memref<128xi32, #tpu.memory_space<hbm>>
        %dma_wait3A_116 = tpu.memref_slice %arg4[%multiple_of3A_94] : memref<320000xi32, #tpu.memory_space<hbm>> -> memref<128xi32, #tpu.memory_space<hbm>>
        tpu.wait_dma2 semaphore(%run_scoped3A : memref<!tpu.dma_semaphore, #tpu.memory_space<semaphore_mem>>) src(%dma_wait3A_116 : memref<128xi32, #tpu.memory_space<hbm>>) dst(%arg12 : memref<128xi32, #tpu.memory_space<vmem>>)
        tpu.yield
      }) : () -> ()
      %dma_start3A_95 = arith.constant 0 : i32
      %dma_start3A_96 = arith.constant 0 : i32
      %dma_start3A_97 = tpu.memref_slice %arg2[%dma_start3A_95, %dma_start3A_96] : memref<10000x128xf32, #tpu.memory_space<hbm>> -> memref<10000x128xf32, #tpu.memory_space<hbm>>
      tpu.enqueue_indirect_dma source(%dma_start3A_97 : memref<10000x128xf32, #tpu.memory_space<hbm>>) target(%arg8 : memref<128x128xf32, #tpu.memory_space<vmem>>) offsets(%arg10 : memref<128xi32, #tpu.memory_space<vmem>>) semaphore(%arg17 : memref<!tpu.dma_semaphore, #tpu.memory_space<semaphore_mem>>)
      %dma_wait3A_98 = arith.constant 0 : i32
      %dma_wait3A_99 = arith.constant 0 : i32
      %dma_wait3A_100 = tpu.memref_slice %arg2[%dma_wait3A_98, %dma_wait3A_99] : memref<10000x128xf32, #tpu.memory_space<hbm>> -> memref<10000x128xf32, #tpu.memory_space<hbm>>
      tpu.wait_indirect_dma semaphore(%arg16 : memref<!tpu.dma_semaphore, #tpu.memory_space<semaphore_mem>>) src(%dma_wait3A_100 : memref<10000x128xf32, #tpu.memory_space<hbm>>) dst(%arg7 : memref<128x128xf32, #tpu.memory_space<vmem>>)
      "tpu.region"() ({
        %run_scoped3A = tpu.sem_alloc : memref<!tpu.dma_semaphore, #tpu.memory_space<semaphore_mem>>
        %dma_start3A_113 = arith.constant 0 : i32
        %dma_start3A_114 = arith.constant 0 : i32
        %dma_start3A_115 = tpu.memref_slice %arg6[%dma_start3A_113, %dma_start3A_114] : memref<10000x128xf32, #tpu.memory_space<vmem_shared>> -> memref<10000x128xf32, #tpu.memory_space<vmem_shared>>
        tpu.enqueue_indirect_dma source(%arg7 : memref<128x128xf32, #tpu.memory_space<vmem>>) target(%dma_start3A_115 : memref<10000x128xf32, #tpu.memory_space<vmem_shared>>) offsets(%arg11 : memref<128xi32, #tpu.memory_space<vmem>>) semaphore(%run_scoped3A : memref<!tpu.dma_semaphore, #tpu.memory_space<semaphore_mem>>) {add = true}
        %dma_wait3A_116 = arith.constant 0 : i32
        %dma_wait3A_117 = arith.constant 0 : i32
        %dma_wait3A_118 = tpu.memref_slice %arg6[%dma_wait3A_116, %dma_wait3A_117] : memref<10000x128xf32, #tpu.memory_space<vmem_shared>> -> memref<10000x128xf32, #tpu.memory_space<vmem_shared>>
        tpu.wait_indirect_dma semaphore(%run_scoped3A : memref<!tpu.dma_semaphore, #tpu.memory_space<semaphore_mem>>) src(%arg7 : memref<128x128xf32, #tpu.memory_space<vmem>>) dst(%dma_wait3A_118 : memref<10000x128xf32, #tpu.memory_space<vmem_shared>>)
        tpu.yield
      }) : () -> ()
      %add3A_101 = arith.constant 2 : i32
      %add3A_102 = arith.addi %mul3A_88, %add3A_101 : i32
      %mul3A_103 = arith.constant 128 : i32
      %mul3A_104 = arith.muli %add3A_102, %mul3A_103 : i32
      %add3A_105 = arith.addi %mul3A_22, %mul3A_104 : i32
      %multiple_of3A_106 = tpu.assume_multiple %add3A_105, 8 : i32
      "tpu.region"() ({
        %run_scoped3A = tpu.sem_alloc : memref<!tpu.dma_semaphore, #tpu.memory_space<semaphore_mem>>
        %dma_start3A_113 = tpu.memref_slice %arg3[%multiple_of3A_106] : memref<320000xi32, #tpu.memory_space<hbm>> -> memref<128xi32, #tpu.memory_space<hbm>>
        %dma_start3A_114 = tpu.memref_slice %arg3[%multiple_of3A_106] : memref<320000xi32, #tpu.memory_space<hbm>> -> memref<128xi32, #tpu.memory_space<hbm>>
        tpu.enqueue_dma source(%dma_start3A_114 : memref<128xi32, #tpu.memory_space<hbm>>) target(%arg9 : memref<128xi32, #tpu.memory_space<vmem>>) target_semaphore(%run_scoped3A : memref<!tpu.dma_semaphore, #tpu.memory_space<semaphore_mem>>)
        %dma_wait3A_115 = tpu.memref_slice %arg3[%multiple_of3A_106] : memref<320000xi32, #tpu.memory_space<hbm>> -> memref<128xi32, #tpu.memory_space<hbm>>
        %dma_wait3A_116 = tpu.memref_slice %arg3[%multiple_of3A_106] : memref<320000xi32, #tpu.memory_space<hbm>> -> memref<128xi32, #tpu.memory_space<hbm>>
        tpu.wait_dma2 semaphore(%run_scoped3A : memref<!tpu.dma_semaphore, #tpu.memory_space<semaphore_mem>>) src(%dma_wait3A_116 : memref<128xi32, #tpu.memory_space<hbm>>) dst(%arg9 : memref<128xi32, #tpu.memory_space<vmem>>)
        tpu.yield
      }) : () -> ()
      "tpu.region"() ({
        %run_scoped3A = tpu.sem_alloc : memref<!tpu.dma_semaphore, #tpu.memory_space<semaphore_mem>>
        %dma_start3A_113 = tpu.memref_slice %arg4[%multiple_of3A_106] : memref<320000xi32, #tpu.memory_space<hbm>> -> memref<128xi32, #tpu.memory_space<hbm>>
        %dma_start3A_114 = tpu.memref_slice %arg4[%multiple_of3A_106] : memref<320000xi32, #tpu.memory_space<hbm>> -> memref<128xi32, #tpu.memory_space<hbm>>
        tpu.enqueue_dma source(%dma_start3A_114 : memref<128xi32, #tpu.memory_space<hbm>>) target(%arg11 : memref<128xi32, #tpu.memory_space<vmem>>) target_semaphore(%run_scoped3A : memref<!tpu.dma_semaphore, #tpu.memory_space<semaphore_mem>>)
        %dma_wait3A_115 = tpu.memref_slice %arg4[%multiple_of3A_106] : memref<320000xi32, #tpu.memory_space<hbm>> -> memref<128xi32, #tpu.memory_space<hbm>>
        %dma_wait3A_116 = tpu.memref_slice %arg4[%multiple_of3A_106] : memref<320000xi32, #tpu.memory_space<hbm>> -> memref<128xi32, #tpu.memory_space<hbm>>
        tpu.wait_dma2 semaphore(%run_scoped3A : memref<!tpu.dma_semaphore, #tpu.memory_space<semaphore_mem>>) src(%dma_wait3A_116 : memref<128xi32, #tpu.memory_space<hbm>>) dst(%arg11 : memref<128xi32, #tpu.memory_space<vmem>>)
        tpu.yield
      }) : () -> ()
      %dma_start3A_107 = arith.constant 0 : i32
      %dma_start3A_108 = arith.constant 0 : i32
      %dma_start3A_109 = tpu.memref_slice %arg2[%dma_start3A_107, %dma_start3A_108] : memref<10000x128xf32, #tpu.memory_space<hbm>> -> memref<10000x128xf32, #tpu.memory_space<hbm>>
      tpu.enqueue_indirect_dma source(%dma_start3A_109 : memref<10000x128xf32, #tpu.memory_space<hbm>>) target(%arg7 : memref<128x128xf32, #tpu.memory_space<vmem>>) offsets(%arg9 : memref<128xi32, #tpu.memory_space<vmem>>) semaphore(%arg16 : memref<!tpu.dma_semaphore, #tpu.memory_space<semaphore_mem>>)
      %dma_wait3A_110 = arith.constant 0 : i32
      %dma_wait3A_111 = arith.constant 0 : i32
      %dma_wait3A_112 = tpu.memref_slice %arg2[%dma_wait3A_110, %dma_wait3A_111] : memref<10000x128xf32, #tpu.memory_space<hbm>> -> memref<10000x128xf32, #tpu.memory_space<hbm>>
      tpu.wait_indirect_dma semaphore(%arg17 : memref<!tpu.dma_semaphore, #tpu.memory_space<semaphore_mem>>) src(%dma_wait3A_112 : memref<10000x128xf32, #tpu.memory_space<hbm>>) dst(%arg8 : memref<128x128xf32, #tpu.memory_space<vmem>>)
      "tpu.region"() ({
        %run_scoped3A = tpu.sem_alloc : memref<!tpu.dma_semaphore, #tpu.memory_space<semaphore_mem>>
        %dma_start3A_113 = arith.constant 0 : i32
        %dma_start3A_114 = arith.constant 0 : i32
        %dma_start3A_115 = tpu.memref_slice %arg6[%dma_start3A_113, %dma_start3A_114] : memref<10000x128xf32, #tpu.memory_space<vmem_shared>> -> memref<10000x128xf32, #tpu.memory_space<vmem_shared>>
        tpu.enqueue_indirect_dma source(%arg8 : memref<128x128xf32, #tpu.memory_space<vmem>>) target(%dma_start3A_115 : memref<10000x128xf32, #tpu.memory_space<vmem_shared>>) offsets(%arg12 : memref<128xi32, #tpu.memory_space<vmem>>) semaphore(%run_scoped3A : memref<!tpu.dma_semaphore, #tpu.memory_space<semaphore_mem>>) {add = true}
        %dma_wait3A_116 = arith.constant 0 : i32
        %dma_wait3A_117 = arith.constant 0 : i32
        %dma_wait3A_118 = tpu.memref_slice %arg6[%dma_wait3A_116, %dma_wait3A_117] : memref<10000x128xf32, #tpu.memory_space<vmem_shared>> -> memref<10000x128xf32, #tpu.memory_space<vmem_shared>>
        tpu.wait_indirect_dma semaphore(%run_scoped3A : memref<!tpu.dma_semaphore, #tpu.memory_space<semaphore_mem>>) src(%arg8 : memref<128x128xf32, #tpu.memory_space<vmem>>) dst(%dma_wait3A_118 : memref<10000x128xf32, #tpu.memory_space<vmem_shared>>)
        tpu.yield
      }) : () -> ()
    }
    %scan3A_33 = arith.constant 38 : i32
    %add3A_34 = arith.constant 9856 : i32
    %add3A_35 = arith.addi %mul3A_22, %add3A_34 : i32
    %multiple_of3A_36 = tpu.assume_multiple %add3A_35, 8 : i32
    "tpu.region"() ({
      %run_scoped3A = tpu.sem_alloc : memref<!tpu.dma_semaphore, #tpu.memory_space<semaphore_mem>>
      %dma_start3A_86 = tpu.memref_slice %arg3[%multiple_of3A_36] : memref<320000xi32, #tpu.memory_space<hbm>> -> memref<128xi32, #tpu.memory_space<hbm>>
      %dma_start3A_87 = tpu.memref_slice %arg3[%multiple_of3A_36] : memref<320000xi32, #tpu.memory_space<hbm>> -> memref<128xi32, #tpu.memory_space<hbm>>
      tpu.enqueue_dma source(%dma_start3A_87 : memref<128xi32, #tpu.memory_space<hbm>>) target(%arg10 : memref<128xi32, #tpu.memory_space<vmem>>) target_semaphore(%run_scoped3A : memref<!tpu.dma_semaphore, #tpu.memory_space<semaphore_mem>>)
      %dma_wait3A_88 = tpu.memref_slice %arg3[%multiple_of3A_36] : memref<320000xi32, #tpu.memory_space<hbm>> -> memref<128xi32, #tpu.memory_space<hbm>>
      %dma_wait3A_89 = tpu.memref_slice %arg3[%multiple_of3A_36] : memref<320000xi32, #tpu.memory_space<hbm>> -> memref<128xi32, #tpu.memory_space<hbm>>
      tpu.wait_dma2 semaphore(%run_scoped3A : memref<!tpu.dma_semaphore, #tpu.memory_space<semaphore_mem>>) src(%dma_wait3A_89 : memref<128xi32, #tpu.memory_space<hbm>>) dst(%arg10 : memref<128xi32, #tpu.memory_space<vmem>>)
      tpu.yield
    }) : () -> ()
    "tpu.region"() ({
      %run_scoped3A = tpu.sem_alloc : memref<!tpu.dma_semaphore, #tpu.memory_space<semaphore_mem>>
      %dma_start3A_86 = tpu.memref_slice %arg4[%multiple_of3A_36] : memref<320000xi32, #tpu.memory_space<hbm>> -> memref<128xi32, #tpu.memory_space<hbm>>
      %dma_start3A_87 = tpu.memref_slice %arg4[%multiple_of3A_36] : memref<320000xi32, #tpu.memory_space<hbm>> -> memref<128xi32, #tpu.memory_space<hbm>>
      tpu.enqueue_dma source(%dma_start3A_87 : memref<128xi32, #tpu.memory_space<hbm>>) target(%arg12 : memref<128xi32, #tpu.memory_space<vmem>>) target_semaphore(%run_scoped3A : memref<!tpu.dma_semaphore, #tpu.memory_space<semaphore_mem>>)
      %dma_wait3A_88 = tpu.memref_slice %arg4[%multiple_of3A_36] : memref<320000xi32, #tpu.memory_space<hbm>> -> memref<128xi32, #tpu.memory_space<hbm>>
      %dma_wait3A_89 = tpu.memref_slice %arg4[%multiple_of3A_36] : memref<320000xi32, #tpu.memory_space<hbm>> -> memref<128xi32, #tpu.memory_space<hbm>>
      tpu.wait_dma2 semaphore(%run_scoped3A : memref<!tpu.dma_semaphore, #tpu.memory_space<semaphore_mem>>) src(%dma_wait3A_89 : memref<128xi32, #tpu.memory_space<hbm>>) dst(%arg12 : memref<128xi32, #tpu.memory_space<vmem>>)
      tpu.yield
    }) : () -> ()
    %dma_start3A_37 = arith.constant 0 : i32
    %dma_start3A_38 = arith.constant 0 : i32
    %dma_start3A_39 = tpu.memref_slice %arg2[%dma_start3A_37, %dma_start3A_38] : memref<10000x128xf32, #tpu.memory_space<hbm>> -> memref<10000x128xf32, #tpu.memory_space<hbm>>
    tpu.enqueue_indirect_dma source(%dma_start3A_39 : memref<10000x128xf32, #tpu.memory_space<hbm>>) target(%arg8 : memref<128x128xf32, #tpu.memory_space<vmem>>) offsets(%arg10 : memref<128xi32, #tpu.memory_space<vmem>>) semaphore(%arg17 : memref<!tpu.dma_semaphore, #tpu.memory_space<semaphore_mem>>)
    %dma_wait3A = arith.constant 0 : i32
    %dma_wait3A_40 = arith.constant 0 : i32
    %dma_wait3A_41 = tpu.memref_slice %arg2[%dma_wait3A, %dma_wait3A_40] : memref<10000x128xf32, #tpu.memory_space<hbm>> -> memref<10000x128xf32, #tpu.memory_space<hbm>>
    tpu.wait_indirect_dma semaphore(%arg16 : memref<!tpu.dma_semaphore, #tpu.memory_space<semaphore_mem>>) src(%dma_wait3A_41 : memref<10000x128xf32, #tpu.memory_space<hbm>>) dst(%arg7 : memref<128x128xf32, #tpu.memory_space<vmem>>)
    "tpu.region"() ({
      %run_scoped3A = tpu.sem_alloc : memref<!tpu.dma_semaphore, #tpu.memory_space<semaphore_mem>>
      %dma_start3A_86 = arith.constant 0 : i32
      %dma_start3A_87 = arith.constant 0 : i32
      %dma_start3A_88 = tpu.memref_slice %arg6[%dma_start3A_86, %dma_start3A_87] : memref<10000x128xf32, #tpu.memory_space<vmem_shared>> -> memref<10000x128xf32, #tpu.memory_space<vmem_shared>>
      tpu.enqueue_indirect_dma source(%arg7 : memref<128x128xf32, #tpu.memory_space<vmem>>) target(%dma_start3A_88 : memref<10000x128xf32, #tpu.memory_space<vmem_shared>>) offsets(%arg11 : memref<128xi32, #tpu.memory_space<vmem>>) semaphore(%run_scoped3A : memref<!tpu.dma_semaphore, #tpu.memory_space<semaphore_mem>>) {add = true}
      %dma_wait3A_89 = arith.constant 0 : i32
      %dma_wait3A_90 = arith.constant 0 : i32
      %dma_wait3A_91 = tpu.memref_slice %arg6[%dma_wait3A_89, %dma_wait3A_90] : memref<10000x128xf32, #tpu.memory_space<vmem_shared>> -> memref<10000x128xf32, #tpu.memory_space<vmem_shared>>
      tpu.wait_indirect_dma semaphore(%run_scoped3A : memref<!tpu.dma_semaphore, #tpu.memory_space<semaphore_mem>>) src(%arg7 : memref<128x128xf32, #tpu.memory_space<vmem>>) dst(%dma_wait3A_91 : memref<10000x128xf32, #tpu.memory_space<vmem_shared>>)
      tpu.yield
    }) : () -> ()
    %dma_wait3A_42 = arith.constant 0 : i32
    %dma_wait3A_43 = arith.constant 0 : i32
    %dma_wait3A_44 = tpu.memref_slice %arg2[%dma_wait3A_42, %dma_wait3A_43] : memref<10000x128xf32, #tpu.memory_space<hbm>> -> memref<10000x128xf32, #tpu.memory_space<hbm>>
    tpu.wait_indirect_dma semaphore(%arg17 : memref<!tpu.dma_semaphore, #tpu.memory_space<semaphore_mem>>) src(%dma_wait3A_44 : memref<10000x128xf32, #tpu.memory_space<hbm>>) dst(%arg8 : memref<128x128xf32, #tpu.memory_space<vmem>>)
    "tpu.region"() ({
      %run_scoped3A = tpu.sem_alloc : memref<!tpu.dma_semaphore, #tpu.memory_space<semaphore_mem>>
      %dma_start3A_86 = arith.constant 0 : i32
      %dma_start3A_87 = arith.constant 0 : i32
      %dma_start3A_88 = tpu.memref_slice %arg6[%dma_start3A_86, %dma_start3A_87] : memref<10000x128xf32, #tpu.memory_space<vmem_shared>> -> memref<10000x128xf32, #tpu.memory_space<vmem_shared>>
      tpu.enqueue_indirect_dma source(%arg8 : memref<128x128xf32, #tpu.memory_space<vmem>>) target(%dma_start3A_88 : memref<10000x128xf32, #tpu.memory_space<vmem_shared>>) offsets(%arg12 : memref<128xi32, #tpu.memory_space<vmem>>) semaphore(%run_scoped3A : memref<!tpu.dma_semaphore, #tpu.memory_space<semaphore_mem>>) {add = true}
      %dma_wait3A_89 = arith.constant 0 : i32
      %dma_wait3A_90 = arith.constant 0 : i32
      %dma_wait3A_91 = tpu.memref_slice %arg6[%dma_wait3A_89, %dma_wait3A_90] : memref<10000x128xf32, #tpu.memory_space<vmem_shared>> -> memref<10000x128xf32, #tpu.memory_space<vmem_shared>>
      tpu.wait_indirect_dma semaphore(%run_scoped3A : memref<!tpu.dma_semaphore, #tpu.memory_space<semaphore_mem>>) src(%arg8 : memref<128x128xf32, #tpu.memory_space<vmem>>) dst(%dma_wait3A_91 : memref<10000x128xf32, #tpu.memory_space<vmem_shared>>)
      tpu.yield
    }) : () -> ()
    %add3A_45 = arith.constant 9984 : i32
    %add3A_46 = arith.addi %mul3A_22, %add3A_45 : i32
    %multiple_of3A_47 = tpu.assume_multiple %add3A_46, 8 : i32
    "tpu.region"() ({
      %run_scoped3A = tpu.sem_alloc : memref<!tpu.dma_semaphore, #tpu.memory_space<semaphore_mem>>
      %dma_start3A_86 = tpu.memref_slice %arg3[%multiple_of3A_47] : memref<320000xi32, #tpu.memory_space<hbm>> -> memref<16xi32, #tpu.memory_space<hbm>>
      %dma_start3A_87 = tpu.memref_slice %arg3[%multiple_of3A_47] : memref<320000xi32, #tpu.memory_space<hbm>> -> memref<16xi32, #tpu.memory_space<hbm>>
      tpu.enqueue_dma source(%dma_start3A_87 : memref<16xi32, #tpu.memory_space<hbm>>) target(%arg14 : memref<16xi32, #tpu.memory_space<vmem>>) target_semaphore(%run_scoped3A : memref<!tpu.dma_semaphore, #tpu.memory_space<semaphore_mem>>)
      %dma_wait3A_88 = tpu.memref_slice %arg3[%multiple_of3A_47] : memref<320000xi32, #tpu.memory_space<hbm>> -> memref<16xi32, #tpu.memory_space<hbm>>
      %dma_wait3A_89 = tpu.memref_slice %arg3[%multiple_of3A_47] : memref<320000xi32, #tpu.memory_space<hbm>> -> memref<16xi32, #tpu.memory_space<hbm>>
      tpu.wait_dma2 semaphore(%run_scoped3A : memref<!tpu.dma_semaphore, #tpu.memory_space<semaphore_mem>>) src(%dma_wait3A_89 : memref<16xi32, #tpu.memory_space<hbm>>) dst(%arg14 : memref<16xi32, #tpu.memory_space<vmem>>)
      tpu.yield
    }) : () -> ()
    "tpu.region"() ({
      %run_scoped3A = tpu.sem_alloc : memref<!tpu.dma_semaphore, #tpu.memory_space<semaphore_mem>>
      %dma_start3A_86 = tpu.memref_slice %arg4[%multiple_of3A_47] : memref<320000xi32, #tpu.memory_space<hbm>> -> memref<16xi32, #tpu.memory_space<hbm>>
      %dma_start3A_87 = tpu.memref_slice %arg4[%multiple_of3A_47] : memref<320000xi32, #tpu.memory_space<hbm>> -> memref<16xi32, #tpu.memory_space<hbm>>
      tpu.enqueue_dma source(%dma_start3A_87 : memref<16xi32, #tpu.memory_space<hbm>>) target(%arg15 : memref<16xi32, #tpu.memory_space<vmem>>) target_semaphore(%run_scoped3A : memref<!tpu.dma_semaphore, #tpu.memory_space<semaphore_mem>>)
      %dma_wait3A_88 = tpu.memref_slice %arg4[%multiple_of3A_47] : memref<320000xi32, #tpu.memory_space<hbm>> -> memref<16xi32, #tpu.memory_space<hbm>>
      %dma_wait3A_89 = tpu.memref_slice %arg4[%multiple_of3A_47] : memref<320000xi32, #tpu.memory_space<hbm>> -> memref<16xi32, #tpu.memory_space<hbm>>
      tpu.wait_dma2 semaphore(%run_scoped3A : memref<!tpu.dma_semaphore, #tpu.memory_space<semaphore_mem>>) src(%dma_wait3A_89 : memref<16xi32, #tpu.memory_space<hbm>>) dst(%arg15 : memref<16xi32, #tpu.memory_space<vmem>>)
      tpu.yield
    }) : () -> ()
    %dma_start3A_48 = arith.constant 0 : i32
    %dma_start3A_49 = arith.constant 0 : i32
    %dma_start3A_50 = tpu.memref_slice %arg2[%dma_start3A_48, %dma_start3A_49] : memref<10000x128xf32, #tpu.memory_space<hbm>> -> memref<10000x128xf32, #tpu.memory_space<hbm>>
    tpu.enqueue_indirect_dma source(%dma_start3A_50 : memref<10000x128xf32, #tpu.memory_space<hbm>>) target(%arg13 : memref<16x128xf32, #tpu.memory_space<vmem>>) offsets(%arg14 : memref<16xi32, #tpu.memory_space<vmem>>) semaphore(%arg16 : memref<!tpu.dma_semaphore, #tpu.memory_space<semaphore_mem>>)
    %dma_wait3A_51 = arith.constant 0 : i32
    %dma_wait3A_52 = arith.constant 0 : i32
    %dma_wait3A_53 = tpu.memref_slice %arg2[%dma_wait3A_51, %dma_wait3A_52] : memref<10000x128xf32, #tpu.memory_space<hbm>> -> memref<10000x128xf32, #tpu.memory_space<hbm>>
    tpu.wait_indirect_dma semaphore(%arg16 : memref<!tpu.dma_semaphore, #tpu.memory_space<semaphore_mem>>) src(%dma_wait3A_53 : memref<10000x128xf32, #tpu.memory_space<hbm>>) dst(%arg13 : memref<16x128xf32, #tpu.memory_space<vmem>>)
    "tpu.region"() ({
      %run_scoped3A = tpu.sem_alloc : memref<!tpu.dma_semaphore, #tpu.memory_space<semaphore_mem>>
      %dma_start3A_86 = arith.constant 0 : i32
      %dma_start3A_87 = arith.constant 0 : i32
      %dma_start3A_88 = tpu.memref_slice %arg6[%dma_start3A_86, %dma_start3A_87] : memref<10000x128xf32, #tpu.memory_space<vmem_shared>> -> memref<10000x128xf32, #tpu.memory_space<vmem_shared>>
      tpu.enqueue_indirect_dma source(%arg13 : memref<16x128xf32, #tpu.memory_space<vmem>>) target(%dma_start3A_88 : memref<10000x128xf32, #tpu.memory_space<vmem_shared>>) offsets(%arg15 : memref<16xi32, #tpu.memory_space<vmem>>) semaphore(%run_scoped3A : memref<!tpu.dma_semaphore, #tpu.memory_space<semaphore_mem>>) {add = true}
      %dma_wait3A_89 = arith.constant 0 : i32
      %dma_wait3A_90 = arith.constant 0 : i32
      %dma_wait3A_91 = tpu.memref_slice %arg6[%dma_wait3A_89, %dma_wait3A_90] : memref<10000x128xf32, #tpu.memory_space<vmem_shared>> -> memref<10000x128xf32, #tpu.memory_space<vmem_shared>>
      tpu.wait_indirect_dma semaphore(%run_scoped3A : memref<!tpu.dma_semaphore, #tpu.memory_space<semaphore_mem>>) src(%arg13 : memref<16x128xf32, #tpu.memory_space<vmem>>) dst(%dma_wait3A_91 : memref<10000x128xf32, #tpu.memory_space<vmem_shared>>)
      tpu.yield
    }) : () -> ()
    %barrier3A_54 = arith.constant 0 : index
    tpu.barrier barrier_id(%barrier3A_54)
    %mul3A_55 = arith.constant 10000 : i32
    %mul3A_56 = arith.muli %arg0, %mul3A_55 : i32
    %mul3A_57 = arith.constant 624 : i32
    %mul3A_58 = arith.muli %arg1, %mul3A_57 : i32
    %add3A_59 = arith.addi %mul3A_56, %mul3A_58 : i32
    %multiple_of3A_60 = tpu.assume_multiple %add3A_59, 8 : i32
    %add3A_61 = arith.constant 0 : i32
    %add3A_62 = arith.addi %multiple_of3A, %add3A_61 : i32
    %add3A_63 = arith.constant 0 : i32
    %add3A_64 = arith.addi %multiple_of3A_60, %add3A_63 : i32
    "tpu.region"() ({
      %run_scoped3A = tpu.sem_alloc : memref<!tpu.dma_semaphore, #tpu.memory_space<semaphore_mem>>
      %dma_start3A_86 = arith.constant 0 : i32
      %dma_start3A_87 = tpu.memref_slice %arg5[%add3A_64, %dma_start3A_86] : memref<20000x128xf32, #tpu.memory_space<hbm>> -> memref<128x128xf32, #tpu.memory_space<hbm>>
      %dma_start3A_88 = arith.constant 0 : i32
      %dma_start3A_89 = tpu.memref_slice %arg6[%add3A_62, %dma_start3A_88] : memref<10000x128xf32, #tpu.memory_space<vmem_shared>> -> memref<128x128xf32, #tpu.memory_space<vmem_shared>>
      tpu.enqueue_dma source(%dma_start3A_89 : memref<128x128xf32, #tpu.memory_space<vmem_shared>>) target(%dma_start3A_87 : memref<128x128xf32, #tpu.memory_space<hbm>>) target_semaphore(%run_scoped3A : memref<!tpu.dma_semaphore, #tpu.memory_space<semaphore_mem>>)
      %dma_wait3A_90 = arith.constant 0 : i32
      %dma_wait3A_91 = tpu.memref_slice %arg5[%add3A_64, %dma_wait3A_90] : memref<20000x128xf32, #tpu.memory_space<hbm>> -> memref<128x128xf32, #tpu.memory_space<hbm>>
      %dma_wait3A_92 = arith.constant 0 : i32
      %dma_wait3A_93 = tpu.memref_slice %arg6[%add3A_62, %dma_wait3A_92] : memref<10000x128xf32, #tpu.memory_space<vmem_shared>> -> memref<128x128xf32, #tpu.memory_space<vmem_shared>>
      tpu.wait_dma2 semaphore(%run_scoped3A : memref<!tpu.dma_semaphore, #tpu.memory_space<semaphore_mem>>) src(%dma_wait3A_93 : memref<128x128xf32, #tpu.memory_space<vmem_shared>>) dst(%dma_wait3A_91 : memref<128x128xf32, #tpu.memory_space<hbm>>)
      tpu.yield
    }) : () -> ()
    %add3A_65 = arith.constant 128 : i32
    %add3A_66 = arith.addi %multiple_of3A, %add3A_65 : i32
    %add3A_67 = arith.constant 128 : i32
    %add3A_68 = arith.addi %multiple_of3A_60, %add3A_67 : i32
    "tpu.region"() ({
      %run_scoped3A = tpu.sem_alloc : memref<!tpu.dma_semaphore, #tpu.memory_space<semaphore_mem>>
      %dma_start3A_86 = arith.constant 0 : i32
      %dma_start3A_87 = tpu.memref_slice %arg5[%add3A_68, %dma_start3A_86] : memref<20000x128xf32, #tpu.memory_space<hbm>> -> memref<128x128xf32, #tpu.memory_space<hbm>>
      %dma_start3A_88 = arith.constant 0 : i32
      %dma_start3A_89 = tpu.memref_slice %arg6[%add3A_66, %dma_start3A_88] : memref<10000x128xf32, #tpu.memory_space<vmem_shared>> -> memref<128x128xf32, #tpu.memory_space<vmem_shared>>
      tpu.enqueue_dma source(%dma_start3A_89 : memref<128x128xf32, #tpu.memory_space<vmem_shared>>) target(%dma_start3A_87 : memref<128x128xf32, #tpu.memory_space<hbm>>) target_semaphore(%run_scoped3A : memref<!tpu.dma_semaphore, #tpu.memory_space<semaphore_mem>>)
      %dma_wait3A_90 = arith.constant 0 : i32
      %dma_wait3A_91 = tpu.memref_slice %arg5[%add3A_68, %dma_wait3A_90] : memref<20000x128xf32, #tpu.memory_space<hbm>> -> memref<128x128xf32, #tpu.memory_space<hbm>>
      %dma_wait3A_92 = arith.constant 0 : i32
      %dma_wait3A_93 = tpu.memref_slice %arg6[%add3A_66, %dma_wait3A_92] : memref<10000x128xf32, #tpu.memory_space<vmem_shared>> -> memref<128x128xf32, #tpu.memory_space<vmem_shared>>
      tpu.wait_dma2 semaphore(%run_scoped3A : memref<!tpu.dma_semaphore, #tpu.memory_space<semaphore_mem>>) src(%dma_wait3A_93 : memref<128x128xf32, #tpu.memory_space<vmem_shared>>) dst(%dma_wait3A_91 : memref<128x128xf32, #tpu.memory_space<hbm>>)
      tpu.yield
    }) : () -> ()
    %add3A_69 = arith.constant 256 : i32
    %add3A_70 = arith.addi %multiple_of3A, %add3A_69 : i32
    %add3A_71 = arith.constant 256 : i32
    %add3A_72 = arith.addi %multiple_of3A_60, %add3A_71 : i32
    "tpu.region"() ({
      %run_scoped3A = tpu.sem_alloc : memref<!tpu.dma_semaphore, #tpu.memory_space<semaphore_mem>>
      %dma_start3A_86 = arith.constant 0 : i32
      %dma_start3A_87 = tpu.memref_slice %arg5[%add3A_72, %dma_start3A_86] : memref<20000x128xf32, #tpu.memory_space<hbm>> -> memref<128x128xf32, #tpu.memory_space<hbm>>
      %dma_start3A_88 = arith.constant 0 : i32
      %dma_start3A_89 = tpu.memref_slice %arg6[%add3A_70, %dma_start3A_88] : memref<10000x128xf32, #tpu.memory_space<vmem_shared>> -> memref<128x128xf32, #tpu.memory_space<vmem_shared>>
      tpu.enqueue_dma source(%dma_start3A_89 : memref<128x128xf32, #tpu.memory_space<vmem_shared>>) target(%dma_start3A_87 : memref<128x128xf32, #tpu.memory_space<hbm>>) target_semaphore(%run_scoped3A : memref<!tpu.dma_semaphore, #tpu.memory_space<semaphore_mem>>)
      %dma_wait3A_90 = arith.constant 0 : i32
      %dma_wait3A_91 = tpu.memref_slice %arg5[%add3A_72, %dma_wait3A_90] : memref<20000x128xf32, #tpu.memory_space<hbm>> -> memref<128x128xf32, #tpu.memory_space<hbm>>
      %dma_wait3A_92 = arith.constant 0 : i32
      %dma_wait3A_93 = tpu.memref_slice %arg6[%add3A_70, %dma_wait3A_92] : memref<10000x128xf32, #tpu.memory_space<vmem_shared>> -> memref<128x128xf32, #tpu.memory_space<vmem_shared>>
      tpu.wait_dma2 semaphore(%run_scoped3A : memref<!tpu.dma_semaphore, #tpu.memory_space<semaphore_mem>>) src(%dma_wait3A_93 : memref<128x128xf32, #tpu.memory_space<vmem_shared>>) dst(%dma_wait3A_91 : memref<128x128xf32, #tpu.memory_space<hbm>>)
      tpu.yield
    }) : () -> ()
    %add3A_73 = arith.constant 384 : i32
    %add3A_74 = arith.addi %multiple_of3A, %add3A_73 : i32
    %add3A_75 = arith.constant 384 : i32
    %add3A_76 = arith.addi %multiple_of3A_60, %add3A_75 : i32
    "tpu.region"() ({
      %run_scoped3A = tpu.sem_alloc : memref<!tpu.dma_semaphore, #tpu.memory_space<semaphore_mem>>
      %dma_start3A_86 = arith.constant 0 : i32
      %dma_start3A_87 = tpu.memref_slice %arg5[%add3A_76, %dma_start3A_86] : memref<20000x128xf32, #tpu.memory_space<hbm>> -> memref<128x128xf32, #tpu.memory_space<hbm>>
      %dma_start3A_88 = arith.constant 0 : i32
      %dma_start3A_89 = tpu.memref_slice %arg6[%add3A_74, %dma_start3A_88] : memref<10000x128xf32, #tpu.memory_space<vmem_shared>> -> memref<128x128xf32, #tpu.memory_space<vmem_shared>>
      tpu.enqueue_dma source(%dma_start3A_89 : memref<128x128xf32, #tpu.memory_space<vmem_shared>>) target(%dma_start3A_87 : memref<128x128xf32, #tpu.memory_space<hbm>>) target_semaphore(%run_scoped3A : memref<!tpu.dma_semaphore, #tpu.memory_space<semaphore_mem>>)
      %dma_wait3A_90 = arith.constant 0 : i32
      %dma_wait3A_91 = tpu.memref_slice %arg5[%add3A_76, %dma_wait3A_90] : memref<20000x128xf32, #tpu.memory_space<hbm>> -> memref<128x128xf32, #tpu.memory_space<hbm>>
      %dma_wait3A_92 = arith.constant 0 : i32
      %dma_wait3A_93 = tpu.memref_slice %arg6[%add3A_74, %dma_wait3A_92] : memref<10000x128xf32, #tpu.memory_space<vmem_shared>> -> memref<128x128xf32, #tpu.memory_space<vmem_shared>>
      tpu.wait_dma2 semaphore(%run_scoped3A : memref<!tpu.dma_semaphore, #tpu.memory_space<semaphore_mem>>) src(%dma_wait3A_93 : memref<128x128xf32, #tpu.memory_space<vmem_shared>>) dst(%dma_wait3A_91 : memref<128x128xf32, #tpu.memory_space<hbm>>)
      tpu.yield
    }) : () -> ()
    %add3A_77 = arith.constant 512 : i32
    %add3A_78 = arith.addi %multiple_of3A, %add3A_77 : i32
    %add3A_79 = arith.constant 512 : i32
    %add3A_80 = arith.addi %multiple_of3A_60, %add3A_79 : i32
    "tpu.region"() ({
      %run_scoped3A = tpu.sem_alloc : memref<!tpu.dma_semaphore, #tpu.memory_space<semaphore_mem>>
      %dma_start3A_86 = arith.constant 0 : i32
      %dma_start3A_87 = tpu.memref_slice %arg5[%add3A_80, %dma_start3A_86] : memref<20000x128xf32, #tpu.memory_space<hbm>> -> memref<112x128xf32, #tpu.memory_space<hbm>>
      %dma_start3A_88 = arith.constant 0 : i32
      %dma_start3A_89 = tpu.memref_slice %arg6[%add3A_78, %dma_start3A_88] : memref<10000x128xf32, #tpu.memory_space<vmem_shared>> -> memref<112x128xf32, #tpu.memory_space<vmem_shared>>
      tpu.enqueue_dma source(%dma_start3A_89 : memref<112x128xf32, #tpu.memory_space<vmem_shared>>) target(%dma_start3A_87 : memref<112x128xf32, #tpu.memory_space<hbm>>) target_semaphore(%run_scoped3A : memref<!tpu.dma_semaphore, #tpu.memory_space<semaphore_mem>>)
      %dma_wait3A_90 = arith.constant 0 : i32
      %dma_wait3A_91 = tpu.memref_slice %arg5[%add3A_80, %dma_wait3A_90] : memref<20000x128xf32, #tpu.memory_space<hbm>> -> memref<112x128xf32, #tpu.memory_space<hbm>>
      %dma_wait3A_92 = arith.constant 0 : i32
      %dma_wait3A_93 = tpu.memref_slice %arg6[%add3A_78, %dma_wait3A_92] : memref<10000x128xf32, #tpu.memory_space<vmem_shared>> -> memref<112x128xf32, #tpu.memory_space<vmem_shared>>
      tpu.wait_dma2 semaphore(%run_scoped3A : memref<!tpu.dma_semaphore, #tpu.memory_space<semaphore_mem>>) src(%dma_wait3A_93 : memref<112x128xf32, #tpu.memory_space<vmem_shared>>) dst(%dma_wait3A_91 : memref<112x128xf32, #tpu.memory_space<hbm>>)
      tpu.yield
    }) : () -> ()
    %eq3A_81 = arith.constant 15 : i32
    %eq3A_82 = arith.cmpi eq, %arg1, %eq3A_81 : i32
    %convert_element_type3A_83 = arith.extui %eq3A_82 : i1 to i32
    %cond3A_84 = arith.constant 0 : i32
    %cond3A_85 = arith.cmpi ne, %convert_element_type3A_83, %cond3A_84 : i32
    scf.if %cond3A_85 {
      %mul3A_86 = arith.constant 10000 : i32
      %mul3A_87 = arith.muli %arg0, %mul3A_86 : i32
      %add3A_88 = arith.constant 9984 : i32
      %add3A_89 = arith.addi %mul3A_87, %add3A_88 : i32
      %multiple_of3A_90 = tpu.assume_multiple %add3A_89, 8 : i32
      "tpu.region"() ({
        %run_scoped3A = tpu.sem_alloc : memref<!tpu.dma_semaphore, #tpu.memory_space<semaphore_mem>>
        %dma_start3A_91 = arith.constant 0 : i32
        %dma_start3A_92 = tpu.memref_slice %arg5[%multiple_of3A_90, %dma_start3A_91] : memref<20000x128xf32, #tpu.memory_space<hbm>> -> memref<16x128xf32, #tpu.memory_space<hbm>>
        %dma_start3A_93 = arith.constant 9984 : i32
        %dma_start3A_94 = arith.constant 0 : i32
        %dma_start3A_95 = tpu.memref_slice %arg6[%dma_start3A_93, %dma_start3A_94] : memref<10000x128xf32, #tpu.memory_space<vmem_shared>> -> memref<16x128xf32, #tpu.memory_space<vmem_shared>>
        tpu.enqueue_dma source(%dma_start3A_95 : memref<16x128xf32, #tpu.memory_space<vmem_shared>>) target(%dma_start3A_92 : memref<16x128xf32, #tpu.memory_space<hbm>>) target_semaphore(%run_scoped3A : memref<!tpu.dma_semaphore, #tpu.memory_space<semaphore_mem>>)
        %dma_wait3A_96 = arith.constant 0 : i32
        %dma_wait3A_97 = tpu.memref_slice %arg5[%multiple_of3A_90, %dma_wait3A_96] : memref<20000x128xf32, #tpu.memory_space<hbm>> -> memref<16x128xf32, #tpu.memory_space<hbm>>
        %dma_wait3A_98 = arith.constant 9984 : i32
        %dma_wait3A_99 = arith.constant 0 : i32
        %dma_wait3A_100 = tpu.memref_slice %arg6[%dma_wait3A_98, %dma_wait3A_99] : memref<10000x128xf32, #tpu.memory_space<vmem_shared>> -> memref<16x128xf32, #tpu.memory_space<vmem_shared>>
        tpu.wait_dma2 semaphore(%run_scoped3A : memref<!tpu.dma_semaphore, #tpu.memory_space<semaphore_mem>>) src(%dma_wait3A_100 : memref<16x128xf32, #tpu.memory_space<vmem_shared>>) dst(%dma_wait3A_97 : memref<16x128xf32, #tpu.memory_space<hbm>>)
        tpu.yield
      }) : () -> ()
    } else {
    }
    return
  }
}

#map = affine_map<(d0, d1) -> (0)>
module attributes {stable_mosaic.version = 14 : i64} {
  func.func @_deg_kernel(%arg0: i32, %arg1: i32, %arg2: memref<320000xi32, #tpu.memory_space<hbm>>, %arg3: memref<320000xi32, #tpu.memory_space<hbm>>, %arg4: memref<16x5000xi32, #tpu.memory_space<vmem>>, %arg5: memref<2000xi32, #tpu.memory_space<vmem>>, %arg6: memref<5000xi32, #tpu.memory_space<vmem>>) attributes {dimension_semantics = [#tpu.dimension_semantics<core_parallel>, #tpu.dimension_semantics<subcore_parallel>], iteration_bounds = array<i64: 2, 16>, scalar_prefetch = 0 : i64, scratch_operands = 3 : i64, tpu.core_type = #tpu.core_type<sc_vector_subcore>, window_params = [{transform_indices = #map}, {transform_indices = #map}]} {
    %mul3A = arith.constant 2 : i32
    %mul3A_0 = arith.muli %arg1, %mul3A : i32
    %add3A = arith.addi %mul3A_0, %arg0 : i32
    %iota3A = tpu.iota {dimensions = array<i32: 0>} : vector<16xi32>
    %broadcast_in_dim3A = arith.constant 0 : i32
    %broadcast_in_dim3A_1 = vector.broadcast %broadcast_in_dim3A : i32 to vector<16xi32>
    %broadcast_in_dim3A_2 = arith.constant 1 : i32
    %broadcast_in_dim3A_3 = vector.broadcast %broadcast_in_dim3A_2 : i32 to vector<16xi32>
    %scan3A = arith.constant 0 : i32
    %scan3A_4 = arith.constant 0 : i32
    %scan3A_5 = arith.constant 4992 : i32
    %scan3A_6 = arith.addi %scan3A_4, %scan3A_5 : i32
    %scan3A_7 = arith.constant 8 : i32
    scf.for %scan3A_48 = %scan3A_4 to %scan3A_6 step %scan3A_7  : i32 {
      %jit3A = arith.constant 312 : i32
      %div3A = arith.divsi %scan3A_48, %jit3A : i32
      %sign3A = arith.constant 0 : i32
      %sign3A_49 = arith.cmpi sgt, %scan3A_48, %sign3A : i32
      %sign3A_50 = arith.extui %sign3A_49 : i1 to i32
      %sign3A_51 = arith.constant 0 : i32
      %sign3A_52 = arith.cmpi slt, %scan3A_48, %sign3A_51 : i32
      %sign3A_53 = arith.extui %sign3A_52 : i1 to i32
      %sign3A_54 = arith.subi %sign3A_50, %sign3A_53 : i32
      %sign3A_55 = arith.constant 0 : i32
      %sign3A_56 = arith.cmpi sgt, %jit3A, %sign3A_55 : i32
      %sign3A_57 = arith.extui %sign3A_56 : i1 to i32
      %sign3A_58 = arith.constant 0 : i32
      %sign3A_59 = arith.cmpi slt, %jit3A, %sign3A_58 : i32
      %sign3A_60 = arith.extui %sign3A_59 : i1 to i32
      %sign3A_61 = arith.subi %sign3A_57, %sign3A_60 : i32
      %ne3A = arith.cmpi ne, %sign3A_54, %sign3A_61 : i32
      %rem3A = arith.remsi %scan3A_48, %jit3A : i32
      %ne3A_62 = arith.constant 0 : i32
      %ne3A_63 = arith.cmpi ne, %rem3A, %ne3A_62 : i32
      %and3A = arith.andi %ne3A, %ne3A_63 : i1
      %sub3A = arith.constant 1 : i32
      %sub3A_64 = arith.subi %div3A, %sub3A : i32
      %select_n3A = arith.select %and3A, %sub3A_64, %div3A : i32
      %jit3A_65 = arith.constant 312 : i32
      %eq3A = arith.constant 0 : i32
      %eq3A_66 = arith.cmpi eq, %jit3A_65, %eq3A : i32
      %jit3A_67 = arith.constant 1 : i32
      %select_n3A_68 = arith.select %eq3A_66, %jit3A_67, %jit3A_65 : i32
      %rem3A_69 = arith.remsi %scan3A_48, %select_n3A_68 : i32
      %ne3A_70 = arith.constant 0 : i32
      %ne3A_71 = arith.cmpi ne, %rem3A_69, %ne3A_70 : i32
      %lt3A = arith.constant 0 : i32
      %lt3A_72 = arith.cmpi slt, %rem3A_69, %lt3A : i32
      %lt3A_73 = arith.constant 0 : i32
      %lt3A_74 = arith.cmpi slt, %select_n3A_68, %lt3A_73 : i32
      %ne3A_75 = arith.xori %lt3A_72, %lt3A_74 : i1
      %and3A_76 = arith.andi %ne3A_75, %ne3A_71 : i1
      %add3A_77 = arith.addi %rem3A_69, %select_n3A_68 : i32
      %select_n3A_78 = arith.select %and3A_76, %add3A_77, %rem3A_69 : i32
      %mul3A_79 = arith.constant 16 : i32
      %mul3A_80 = arith.muli %select_n3A_78, %mul3A_79 : i32
      %swap3A = arith.index_cast %select_n3A : i32 to index
      %swap3A_81 = arith.index_cast %mul3A_80 : i32 to index
      %swap3A_82 = tpu.vector_load %arg4[%swap3A, %swap3A_81] {strides = array<i32>} : memref<16x5000xi32, #tpu.memory_space<vmem>>, vector<16xi32>,
      tpu.vector_store %arg4[%swap3A, %swap3A_81], %broadcast_in_dim3A_1 {strides = array<i32>} : memref<16x5000xi32, #tpu.memory_space<vmem>>, vector<16xi32>,
      %scan3A_83 = arith.constant 1 : i32
      %scan3A_84 = arith.addi %scan3A_48, %scan3A_83 : i32
      %jit3A_85 = arith.constant 312 : i32
      %div3A_86 = arith.divsi %scan3A_84, %jit3A_85 : i32
      %sign3A_87 = arith.constant 0 : i32
      %sign3A_88 = arith.cmpi sgt, %scan3A_84, %sign3A_87 : i32
      %sign3A_89 = arith.extui %sign3A_88 : i1 to i32
      %sign3A_90 = arith.constant 0 : i32
      %sign3A_91 = arith.cmpi slt, %scan3A_84, %sign3A_90 : i32
      %sign3A_92 = arith.extui %sign3A_91 : i1 to i32
      %sign3A_93 = arith.subi %sign3A_89, %sign3A_92 : i32
      %sign3A_94 = arith.constant 0 : i32
      %sign3A_95 = arith.cmpi sgt, %jit3A_85, %sign3A_94 : i32
      %sign3A_96 = arith.extui %sign3A_95 : i1 to i32
      %sign3A_97 = arith.constant 0 : i32
      %sign3A_98 = arith.cmpi slt, %jit3A_85, %sign3A_97 : i32
      %sign3A_99 = arith.extui %sign3A_98 : i1 to i32
      %sign3A_100 = arith.subi %sign3A_96, %sign3A_99 : i32
      %ne3A_101 = arith.cmpi ne, %sign3A_93, %sign3A_100 : i32
      %rem3A_102 = arith.remsi %scan3A_84, %jit3A_85 : i32
      %ne3A_103 = arith.constant 0 : i32
      %ne3A_104 = arith.cmpi ne, %rem3A_102, %ne3A_103 : i32
      %and3A_105 = arith.andi %ne3A_101, %ne3A_104 : i1
      %sub3A_106 = arith.constant 1 : i32
      %sub3A_107 = arith.subi %div3A_86, %sub3A_106 : i32
      %select_n3A_108 = arith.select %and3A_105, %sub3A_107, %div3A_86 : i32
      %jit3A_109 = arith.constant 312 : i32
      %eq3A_110 = arith.constant 0 : i32
      %eq3A_111 = arith.cmpi eq, %jit3A_109, %eq3A_110 : i32
      %jit3A_112 = arith.constant 1 : i32
      %select_n3A_113 = arith.select %eq3A_111, %jit3A_112, %jit3A_109 : i32
      %rem3A_114 = arith.remsi %scan3A_84, %select_n3A_113 : i32
      %ne3A_115 = arith.constant 0 : i32
      %ne3A_116 = arith.cmpi ne, %rem3A_114, %ne3A_115 : i32
      %lt3A_117 = arith.constant 0 : i32
      %lt3A_118 = arith.cmpi slt, %rem3A_114, %lt3A_117 : i32
      %lt3A_119 = arith.constant 0 : i32
      %lt3A_120 = arith.cmpi slt, %select_n3A_113, %lt3A_119 : i32
      %ne3A_121 = arith.xori %lt3A_118, %lt3A_120 : i1
      %and3A_122 = arith.andi %ne3A_121, %ne3A_116 : i1
      %add3A_123 = arith.addi %rem3A_114, %select_n3A_113 : i32
      %select_n3A_124 = arith.select %and3A_122, %add3A_123, %rem3A_114 : i32
      %mul3A_125 = arith.constant 16 : i32
      %mul3A_126 = arith.muli %select_n3A_124, %mul3A_125 : i32
      %swap3A_127 = arith.index_cast %select_n3A_108 : i32 to index
      %swap3A_128 = arith.index_cast %mul3A_126 : i32 to index
      %swap3A_129 = tpu.vector_load %arg4[%swap3A_127, %swap3A_128] {strides = array<i32>} : memref<16x5000xi32, #tpu.memory_space<vmem>>, vector<16xi32>,
      tpu.vector_store %arg4[%swap3A_127, %swap3A_128], %broadcast_in_dim3A_1 {strides = array<i32>} : memref<16x5000xi32, #tpu.memory_space<vmem>>, vector<16xi32>,
      %scan3A_130 = arith.constant 2 : i32
      %scan3A_131 = arith.addi %scan3A_48, %scan3A_130 : i32
      %jit3A_132 = arith.constant 312 : i32
      %div3A_133 = arith.divsi %scan3A_131, %jit3A_132 : i32
      %sign3A_134 = arith.constant 0 : i32
      %sign3A_135 = arith.cmpi sgt, %scan3A_131, %sign3A_134 : i32
      %sign3A_136 = arith.extui %sign3A_135 : i1 to i32
      %sign3A_137 = arith.constant 0 : i32
      %sign3A_138 = arith.cmpi slt, %scan3A_131, %sign3A_137 : i32
      %sign3A_139 = arith.extui %sign3A_138 : i1 to i32
      %sign3A_140 = arith.subi %sign3A_136, %sign3A_139 : i32
      %sign3A_141 = arith.constant 0 : i32
      %sign3A_142 = arith.cmpi sgt, %jit3A_132, %sign3A_141 : i32
      %sign3A_143 = arith.extui %sign3A_142 : i1 to i32
      %sign3A_144 = arith.constant 0 : i32
      %sign3A_145 = arith.cmpi slt, %jit3A_132, %sign3A_144 : i32
      %sign3A_146 = arith.extui %sign3A_145 : i1 to i32
      %sign3A_147 = arith.subi %sign3A_143, %sign3A_146 : i32
      %ne3A_148 = arith.cmpi ne, %sign3A_140, %sign3A_147 : i32
      %rem3A_149 = arith.remsi %scan3A_131, %jit3A_132 : i32
      %ne3A_150 = arith.constant 0 : i32
      %ne3A_151 = arith.cmpi ne, %rem3A_149, %ne3A_150 : i32
      %and3A_152 = arith.andi %ne3A_148, %ne3A_151 : i1
      %sub3A_153 = arith.constant 1 : i32
      %sub3A_154 = arith.subi %div3A_133, %sub3A_153 : i32
      %select_n3A_155 = arith.select %and3A_152, %sub3A_154, %div3A_133 : i32
      %jit3A_156 = arith.constant 312 : i32
      %eq3A_157 = arith.constant 0 : i32
      %eq3A_158 = arith.cmpi eq, %jit3A_156, %eq3A_157 : i32
      %jit3A_159 = arith.constant 1 : i32
      %select_n3A_160 = arith.select %eq3A_158, %jit3A_159, %jit3A_156 : i32
      %rem3A_161 = arith.remsi %scan3A_131, %select_n3A_160 : i32
      %ne3A_162 = arith.constant 0 : i32
      %ne3A_163 = arith.cmpi ne, %rem3A_161, %ne3A_162 : i32
      %lt3A_164 = arith.constant 0 : i32
      %lt3A_165 = arith.cmpi slt, %rem3A_161, %lt3A_164 : i32
      %lt3A_166 = arith.constant 0 : i32
      %lt3A_167 = arith.cmpi slt, %select_n3A_160, %lt3A_166 : i32
      %ne3A_168 = arith.xori %lt3A_165, %lt3A_167 : i1
      %and3A_169 = arith.andi %ne3A_168, %ne3A_163 : i1
      %add3A_170 = arith.addi %rem3A_161, %select_n3A_160 : i32
      %select_n3A_171 = arith.select %and3A_169, %add3A_170, %rem3A_161 : i32
      %mul3A_172 = arith.constant 16 : i32
      %mul3A_173 = arith.muli %select_n3A_171, %mul3A_172 : i32
      %swap3A_174 = arith.index_cast %select_n3A_155 : i32 to index
      %swap3A_175 = arith.index_cast %mul3A_173 : i32 to index
      %swap3A_176 = tpu.vector_load %arg4[%swap3A_174, %swap3A_175] {strides = array<i32>} : memref<16x5000xi32, #tpu.memory_space<vmem>>, vector<16xi32>,
      tpu.vector_store %arg4[%swap3A_174, %swap3A_175], %broadcast_in_dim3A_1 {strides = array<i32>} : memref<16x5000xi32, #tpu.memory_space<vmem>>, vector<16xi32>,
      %scan3A_177 = arith.constant 3 : i32
      %scan3A_178 = arith.addi %scan3A_48, %scan3A_177 : i32
      %jit3A_179 = arith.constant 312 : i32
      %div3A_180 = arith.divsi %scan3A_178, %jit3A_179 : i32
      %sign3A_181 = arith.constant 0 : i32
      %sign3A_182 = arith.cmpi sgt, %scan3A_178, %sign3A_181 : i32
      %sign3A_183 = arith.extui %sign3A_182 : i1 to i32
      %sign3A_184 = arith.constant 0 : i32
      %sign3A_185 = arith.cmpi slt, %scan3A_178, %sign3A_184 : i32
      %sign3A_186 = arith.extui %sign3A_185 : i1 to i32
      %sign3A_187 = arith.subi %sign3A_183, %sign3A_186 : i32
      %sign3A_188 = arith.constant 0 : i32
      %sign3A_189 = arith.cmpi sgt, %jit3A_179, %sign3A_188 : i32
      %sign3A_190 = arith.extui %sign3A_189 : i1 to i32
      %sign3A_191 = arith.constant 0 : i32
      %sign3A_192 = arith.cmpi slt, %jit3A_179, %sign3A_191 : i32
      %sign3A_193 = arith.extui %sign3A_192 : i1 to i32
      %sign3A_194 = arith.subi %sign3A_190, %sign3A_193 : i32
      %ne3A_195 = arith.cmpi ne, %sign3A_187, %sign3A_194 : i32
      %rem3A_196 = arith.remsi %scan3A_178, %jit3A_179 : i32
      %ne3A_197 = arith.constant 0 : i32
      %ne3A_198 = arith.cmpi ne, %rem3A_196, %ne3A_197 : i32
      %and3A_199 = arith.andi %ne3A_195, %ne3A_198 : i1
      %sub3A_200 = arith.constant 1 : i32
      %sub3A_201 = arith.subi %div3A_180, %sub3A_200 : i32
      %select_n3A_202 = arith.select %and3A_199, %sub3A_201, %div3A_180 : i32
      %jit3A_203 = arith.constant 312 : i32
      %eq3A_204 = arith.constant 0 : i32
      %eq3A_205 = arith.cmpi eq, %jit3A_203, %eq3A_204 : i32
      %jit3A_206 = arith.constant 1 : i32
      %select_n3A_207 = arith.select %eq3A_205, %jit3A_206, %jit3A_203 : i32
      %rem3A_208 = arith.remsi %scan3A_178, %select_n3A_207 : i32
      %ne3A_209 = arith.constant 0 : i32
      %ne3A_210 = arith.cmpi ne, %rem3A_208, %ne3A_209 : i32
      %lt3A_211 = arith.constant 0 : i32
      %lt3A_212 = arith.cmpi slt, %rem3A_208, %lt3A_211 : i32
      %lt3A_213 = arith.constant 0 : i32
      %lt3A_214 = arith.cmpi slt, %select_n3A_207, %lt3A_213 : i32
      %ne3A_215 = arith.xori %lt3A_212, %lt3A_214 : i1
      %and3A_216 = arith.andi %ne3A_215, %ne3A_210 : i1
      %add3A_217 = arith.addi %rem3A_208, %select_n3A_207 : i32
      %select_n3A_218 = arith.select %and3A_216, %add3A_217, %rem3A_208 : i32
      %mul3A_219 = arith.constant 16 : i32
      %mul3A_220 = arith.muli %select_n3A_218, %mul3A_219 : i32
      %swap3A_221 = arith.index_cast %select_n3A_202 : i32 to index
      %swap3A_222 = arith.index_cast %mul3A_220 : i32 to index
      %swap3A_223 = tpu.vector_load %arg4[%swap3A_221, %swap3A_222] {strides = array<i32>} : memref<16x5000xi32, #tpu.memory_space<vmem>>, vector<16xi32>,
      tpu.vector_store %arg4[%swap3A_221, %swap3A_222], %broadcast_in_dim3A_1 {strides = array<i32>} : memref<16x5000xi32, #tpu.memory_space<vmem>>, vector<16xi32>,
      %scan3A_224 = arith.constant 4 : i32
      %scan3A_225 = arith.addi %scan3A_48, %scan3A_224 : i32
      %jit3A_226 = arith.constant 312 : i32
      %div3A_227 = arith.divsi %scan3A_225, %jit3A_226 : i32
      %sign3A_228 = arith.constant 0 : i32
      %sign3A_229 = arith.cmpi sgt, %scan3A_225, %sign3A_228 : i32
      %sign3A_230 = arith.extui %sign3A_229 : i1 to i32
      %sign3A_231 = arith.constant 0 : i32
      %sign3A_232 = arith.cmpi slt, %scan3A_225, %sign3A_231 : i32
      %sign3A_233 = arith.extui %sign3A_232 : i1 to i32
      %sign3A_234 = arith.subi %sign3A_230, %sign3A_233 : i32
      %sign3A_235 = arith.constant 0 : i32
      %sign3A_236 = arith.cmpi sgt, %jit3A_226, %sign3A_235 : i32
      %sign3A_237 = arith.extui %sign3A_236 : i1 to i32
      %sign3A_238 = arith.constant 0 : i32
      %sign3A_239 = arith.cmpi slt, %jit3A_226, %sign3A_238 : i32
      %sign3A_240 = arith.extui %sign3A_239 : i1 to i32
      %sign3A_241 = arith.subi %sign3A_237, %sign3A_240 : i32
      %ne3A_242 = arith.cmpi ne, %sign3A_234, %sign3A_241 : i32
      %rem3A_243 = arith.remsi %scan3A_225, %jit3A_226 : i32
      %ne3A_244 = arith.constant 0 : i32
      %ne3A_245 = arith.cmpi ne, %rem3A_243, %ne3A_244 : i32
      %and3A_246 = arith.andi %ne3A_242, %ne3A_245 : i1
      %sub3A_247 = arith.constant 1 : i32
      %sub3A_248 = arith.subi %div3A_227, %sub3A_247 : i32
      %select_n3A_249 = arith.select %and3A_246, %sub3A_248, %div3A_227 : i32
      %jit3A_250 = arith.constant 312 : i32
      %eq3A_251 = arith.constant 0 : i32
      %eq3A_252 = arith.cmpi eq, %jit3A_250, %eq3A_251 : i32
      %jit3A_253 = arith.constant 1 : i32
      %select_n3A_254 = arith.select %eq3A_252, %jit3A_253, %jit3A_250 : i32
      %rem3A_255 = arith.remsi %scan3A_225, %select_n3A_254 : i32
      %ne3A_256 = arith.constant 0 : i32
      %ne3A_257 = arith.cmpi ne, %rem3A_255, %ne3A_256 : i32
      %lt3A_258 = arith.constant 0 : i32
      %lt3A_259 = arith.cmpi slt, %rem3A_255, %lt3A_258 : i32
      %lt3A_260 = arith.constant 0 : i32
      %lt3A_261 = arith.cmpi slt, %select_n3A_254, %lt3A_260 : i32
      %ne3A_262 = arith.xori %lt3A_259, %lt3A_261 : i1
      %and3A_263 = arith.andi %ne3A_262, %ne3A_257 : i1
      %add3A_264 = arith.addi %rem3A_255, %select_n3A_254 : i32
      %select_n3A_265 = arith.select %and3A_263, %add3A_264, %rem3A_255 : i32
      %mul3A_266 = arith.constant 16 : i32
      %mul3A_267 = arith.muli %select_n3A_265, %mul3A_266 : i32
      %swap3A_268 = arith.index_cast %select_n3A_249 : i32 to index
      %swap3A_269 = arith.index_cast %mul3A_267 : i32 to index
      %swap3A_270 = tpu.vector_load %arg4[%swap3A_268, %swap3A_269] {strides = array<i32>} : memref<16x5000xi32, #tpu.memory_space<vmem>>, vector<16xi32>,
      tpu.vector_store %arg4[%swap3A_268, %swap3A_269], %broadcast_in_dim3A_1 {strides = array<i32>} : memref<16x5000xi32, #tpu.memory_space<vmem>>, vector<16xi32>,
      %scan3A_271 = arith.constant 5 : i32
      %scan3A_272 = arith.addi %scan3A_48, %scan3A_271 : i32
      %jit3A_273 = arith.constant 312 : i32
      %div3A_274 = arith.divsi %scan3A_272, %jit3A_273 : i32
      %sign3A_275 = arith.constant 0 : i32
      %sign3A_276 = arith.cmpi sgt, %scan3A_272, %sign3A_275 : i32
      %sign3A_277 = arith.extui %sign3A_276 : i1 to i32
      %sign3A_278 = arith.constant 0 : i32
      %sign3A_279 = arith.cmpi slt, %scan3A_272, %sign3A_278 : i32
      %sign3A_280 = arith.extui %sign3A_279 : i1 to i32
      %sign3A_281 = arith.subi %sign3A_277, %sign3A_280 : i32
      %sign3A_282 = arith.constant 0 : i32
      %sign3A_283 = arith.cmpi sgt, %jit3A_273, %sign3A_282 : i32
      %sign3A_284 = arith.extui %sign3A_283 : i1 to i32
      %sign3A_285 = arith.constant 0 : i32
      %sign3A_286 = arith.cmpi slt, %jit3A_273, %sign3A_285 : i32
      %sign3A_287 = arith.extui %sign3A_286 : i1 to i32
      %sign3A_288 = arith.subi %sign3A_284, %sign3A_287 : i32
      %ne3A_289 = arith.cmpi ne, %sign3A_281, %sign3A_288 : i32
      %rem3A_290 = arith.remsi %scan3A_272, %jit3A_273 : i32
      %ne3A_291 = arith.constant 0 : i32
      %ne3A_292 = arith.cmpi ne, %rem3A_290, %ne3A_291 : i32
      %and3A_293 = arith.andi %ne3A_289, %ne3A_292 : i1
      %sub3A_294 = arith.constant 1 : i32
      %sub3A_295 = arith.subi %div3A_274, %sub3A_294 : i32
      %select_n3A_296 = arith.select %and3A_293, %sub3A_295, %div3A_274 : i32
      %jit3A_297 = arith.constant 312 : i32
      %eq3A_298 = arith.constant 0 : i32
      %eq3A_299 = arith.cmpi eq, %jit3A_297, %eq3A_298 : i32
      %jit3A_300 = arith.constant 1 : i32
      %select_n3A_301 = arith.select %eq3A_299, %jit3A_300, %jit3A_297 : i32
      %rem3A_302 = arith.remsi %scan3A_272, %select_n3A_301 : i32
      %ne3A_303 = arith.constant 0 : i32
      %ne3A_304 = arith.cmpi ne, %rem3A_302, %ne3A_303 : i32
      %lt3A_305 = arith.constant 0 : i32
      %lt3A_306 = arith.cmpi slt, %rem3A_302, %lt3A_305 : i32
      %lt3A_307 = arith.constant 0 : i32
      %lt3A_308 = arith.cmpi slt, %select_n3A_301, %lt3A_307 : i32
      %ne3A_309 = arith.xori %lt3A_306, %lt3A_308 : i1
      %and3A_310 = arith.andi %ne3A_309, %ne3A_304 : i1
      %add3A_311 = arith.addi %rem3A_302, %select_n3A_301 : i32
      %select_n3A_312 = arith.select %and3A_310, %add3A_311, %rem3A_302 : i32
      %mul3A_313 = arith.constant 16 : i32
      %mul3A_314 = arith.muli %select_n3A_312, %mul3A_313 : i32
      %swap3A_315 = arith.index_cast %select_n3A_296 : i32 to index
      %swap3A_316 = arith.index_cast %mul3A_314 : i32 to index
      %swap3A_317 = tpu.vector_load %arg4[%swap3A_315, %swap3A_316] {strides = array<i32>} : memref<16x5000xi32, #tpu.memory_space<vmem>>, vector<16xi32>,
      tpu.vector_store %arg4[%swap3A_315, %swap3A_316], %broadcast_in_dim3A_1 {strides = array<i32>} : memref<16x5000xi32, #tpu.memory_space<vmem>>, vector<16xi32>,
      %scan3A_318 = arith.constant 6 : i32
      %scan3A_319 = arith.addi %scan3A_48, %scan3A_318 : i32
      %jit3A_320 = arith.constant 312 : i32
      %div3A_321 = arith.divsi %scan3A_319, %jit3A_320 : i32
      %sign3A_322 = arith.constant 0 : i32
      %sign3A_323 = arith.cmpi sgt, %scan3A_319, %sign3A_322 : i32
      %sign3A_324 = arith.extui %sign3A_323 : i1 to i32
      %sign3A_325 = arith.constant 0 : i32
      %sign3A_326 = arith.cmpi slt, %scan3A_319, %sign3A_325 : i32
      %sign3A_327 = arith.extui %sign3A_326 : i1 to i32
      %sign3A_328 = arith.subi %sign3A_324, %sign3A_327 : i32
      %sign3A_329 = arith.constant 0 : i32
      %sign3A_330 = arith.cmpi sgt, %jit3A_320, %sign3A_329 : i32
      %sign3A_331 = arith.extui %sign3A_330 : i1 to i32
      %sign3A_332 = arith.constant 0 : i32
      %sign3A_333 = arith.cmpi slt, %jit3A_320, %sign3A_332 : i32
      %sign3A_334 = arith.extui %sign3A_333 : i1 to i32
      %sign3A_335 = arith.subi %sign3A_331, %sign3A_334 : i32
      %ne3A_336 = arith.cmpi ne, %sign3A_328, %sign3A_335 : i32
      %rem3A_337 = arith.remsi %scan3A_319, %jit3A_320 : i32
      %ne3A_338 = arith.constant 0 : i32
      %ne3A_339 = arith.cmpi ne, %rem3A_337, %ne3A_338 : i32
      %and3A_340 = arith.andi %ne3A_336, %ne3A_339 : i1
      %sub3A_341 = arith.constant 1 : i32
      %sub3A_342 = arith.subi %div3A_321, %sub3A_341 : i32
      %select_n3A_343 = arith.select %and3A_340, %sub3A_342, %div3A_321 : i32
      %jit3A_344 = arith.constant 312 : i32
      %eq3A_345 = arith.constant 0 : i32
      %eq3A_346 = arith.cmpi eq, %jit3A_344, %eq3A_345 : i32
      %jit3A_347 = arith.constant 1 : i32
      %select_n3A_348 = arith.select %eq3A_346, %jit3A_347, %jit3A_344 : i32
      %rem3A_349 = arith.remsi %scan3A_319, %select_n3A_348 : i32
      %ne3A_350 = arith.constant 0 : i32
      %ne3A_351 = arith.cmpi ne, %rem3A_349, %ne3A_350 : i32
      %lt3A_352 = arith.constant 0 : i32
      %lt3A_353 = arith.cmpi slt, %rem3A_349, %lt3A_352 : i32
      %lt3A_354 = arith.constant 0 : i32
      %lt3A_355 = arith.cmpi slt, %select_n3A_348, %lt3A_354 : i32
      %ne3A_356 = arith.xori %lt3A_353, %lt3A_355 : i1
      %and3A_357 = arith.andi %ne3A_356, %ne3A_351 : i1
      %add3A_358 = arith.addi %rem3A_349, %select_n3A_348 : i32
      %select_n3A_359 = arith.select %and3A_357, %add3A_358, %rem3A_349 : i32
      %mul3A_360 = arith.constant 16 : i32
      %mul3A_361 = arith.muli %select_n3A_359, %mul3A_360 : i32
      %swap3A_362 = arith.index_cast %select_n3A_343 : i32 to index
      %swap3A_363 = arith.index_cast %mul3A_361 : i32 to index
      %swap3A_364 = tpu.vector_load %arg4[%swap3A_362, %swap3A_363] {strides = array<i32>} : memref<16x5000xi32, #tpu.memory_space<vmem>>, vector<16xi32>,
      tpu.vector_store %arg4[%swap3A_362, %swap3A_363], %broadcast_in_dim3A_1 {strides = array<i32>} : memref<16x5000xi32, #tpu.memory_space<vmem>>, vector<16xi32>,
      %scan3A_365 = arith.constant 7 : i32
      %scan3A_366 = arith.addi %scan3A_48, %scan3A_365 : i32
      %jit3A_367 = arith.constant 312 : i32
      %div3A_368 = arith.divsi %scan3A_366, %jit3A_367 : i32
      %sign3A_369 = arith.constant 0 : i32
      %sign3A_370 = arith.cmpi sgt, %scan3A_366, %sign3A_369 : i32
      %sign3A_371 = arith.extui %sign3A_370 : i1 to i32
      %sign3A_372 = arith.constant 0 : i32
      %sign3A_373 = arith.cmpi slt, %scan3A_366, %sign3A_372 : i32
      %sign3A_374 = arith.extui %sign3A_373 : i1 to i32
      %sign3A_375 = arith.subi %sign3A_371, %sign3A_374 : i32
      %sign3A_376 = arith.constant 0 : i32
      %sign3A_377 = arith.cmpi sgt, %jit3A_367, %sign3A_376 : i32
      %sign3A_378 = arith.extui %sign3A_377 : i1 to i32
      %sign3A_379 = arith.constant 0 : i32
      %sign3A_380 = arith.cmpi slt, %jit3A_367, %sign3A_379 : i32
      %sign3A_381 = arith.extui %sign3A_380 : i1 to i32
      %sign3A_382 = arith.subi %sign3A_378, %sign3A_381 : i32
      %ne3A_383 = arith.cmpi ne, %sign3A_375, %sign3A_382 : i32
      %rem3A_384 = arith.remsi %scan3A_366, %jit3A_367 : i32
      %ne3A_385 = arith.constant 0 : i32
      %ne3A_386 = arith.cmpi ne, %rem3A_384, %ne3A_385 : i32
      %and3A_387 = arith.andi %ne3A_383, %ne3A_386 : i1
      %sub3A_388 = arith.constant 1 : i32
      %sub3A_389 = arith.subi %div3A_368, %sub3A_388 : i32
      %select_n3A_390 = arith.select %and3A_387, %sub3A_389, %div3A_368 : i32
      %jit3A_391 = arith.constant 312 : i32
      %eq3A_392 = arith.constant 0 : i32
      %eq3A_393 = arith.cmpi eq, %jit3A_391, %eq3A_392 : i32
      %jit3A_394 = arith.constant 1 : i32
      %select_n3A_395 = arith.select %eq3A_393, %jit3A_394, %jit3A_391 : i32
      %rem3A_396 = arith.remsi %scan3A_366, %select_n3A_395 : i32
      %ne3A_397 = arith.constant 0 : i32
      %ne3A_398 = arith.cmpi ne, %rem3A_396, %ne3A_397 : i32
      %lt3A_399 = arith.constant 0 : i32
      %lt3A_400 = arith.cmpi slt, %rem3A_396, %lt3A_399 : i32
      %lt3A_401 = arith.constant 0 : i32
      %lt3A_402 = arith.cmpi slt, %select_n3A_395, %lt3A_401 : i32
      %ne3A_403 = arith.xori %lt3A_400, %lt3A_402 : i1
      %and3A_404 = arith.andi %ne3A_403, %ne3A_398 : i1
      %add3A_405 = arith.addi %rem3A_396, %select_n3A_395 : i32
      %select_n3A_406 = arith.select %and3A_404, %add3A_405, %rem3A_396 : i32
      %mul3A_407 = arith.constant 16 : i32
      %mul3A_408 = arith.muli %select_n3A_406, %mul3A_407 : i32
      %swap3A_409 = arith.index_cast %select_n3A_390 : i32 to index
      %swap3A_410 = arith.index_cast %mul3A_408 : i32 to index
      %swap3A_411 = tpu.vector_load %arg4[%swap3A_409, %swap3A_410] {strides = array<i32>} : memref<16x5000xi32, #tpu.memory_space<vmem>>, vector<16xi32>,
      tpu.vector_store %arg4[%swap3A_409, %swap3A_410], %broadcast_in_dim3A_1 {strides = array<i32>} : memref<16x5000xi32, #tpu.memory_space<vmem>>, vector<16xi32>,
    }
    %scan3A_8 = arith.constant 4992 : i32
    %scan3A_9 = arith.constant 0 : i32
    %scan3A_10 = arith.constant 0 : i32
    %scan3A_11 = arith.constant 5 : i32
    %scan3A_12 = arith.addi %scan3A_10, %scan3A_11 : i32
    %scan3A_13 = arith.constant 1 : i32
    scf.for %scan3A_48 = %scan3A_10 to %scan3A_12 step %scan3A_13  : i32 {
      %mul3A_49 = arith.constant 10000 : i32
      %mul3A_50 = arith.muli %add3A, %mul3A_49 : i32
      %mul3A_51 = arith.constant 2000 : i32
      %mul3A_52 = arith.muli %scan3A_48, %mul3A_51 : i32
      %add3A_53 = arith.addi %mul3A_50, %mul3A_52 : i32
      %multiple_of3A_54 = tpu.assume_multiple %add3A_53, 8 : i32
      "tpu.region"() ({
        %run_scoped3A = tpu.sem_alloc : memref<!tpu.dma_semaphore, #tpu.memory_space<semaphore_mem>>
        %dma_start3A = tpu.memref_slice %arg2[%multiple_of3A_54] : memref<320000xi32, #tpu.memory_space<hbm>> -> memref<2000xi32, #tpu.memory_space<hbm>>
        %dma_start3A_61 = tpu.memref_slice %arg2[%multiple_of3A_54] : memref<320000xi32, #tpu.memory_space<hbm>> -> memref<2000xi32, #tpu.memory_space<hbm>>
        tpu.enqueue_dma source(%dma_start3A_61 : memref<2000xi32, #tpu.memory_space<hbm>>) target(%arg5 : memref<2000xi32, #tpu.memory_space<vmem>>) target_semaphore(%run_scoped3A : memref<!tpu.dma_semaphore, #tpu.memory_space<semaphore_mem>>)
        %dma_wait3A = tpu.memref_slice %arg2[%multiple_of3A_54] : memref<320000xi32, #tpu.memory_space<hbm>> -> memref<2000xi32, #tpu.memory_space<hbm>>
        %dma_wait3A_62 = tpu.memref_slice %arg2[%multiple_of3A_54] : memref<320000xi32, #tpu.memory_space<hbm>> -> memref<2000xi32, #tpu.memory_space<hbm>>
        tpu.wait_dma2 semaphore(%run_scoped3A : memref<!tpu.dma_semaphore, #tpu.memory_space<semaphore_mem>>) src(%dma_wait3A_62 : memref<2000xi32, #tpu.memory_space<hbm>>) dst(%arg5 : memref<2000xi32, #tpu.memory_space<vmem>>)
        tpu.yield
      }) : () -> ()
      %scan3A_55 = arith.constant 0 : i32
      %scan3A_56 = arith.constant 0 : i32
      %scan3A_57 = arith.constant 125 : i32
      %scan3A_58 = arith.addi %scan3A_56, %scan3A_57 : i32
      %scan3A_59 = arith.constant 1 : i32
      scf.for %scan3A_61 = %scan3A_56 to %scan3A_58 step %scan3A_59  : i32 {
        %mul3A_62 = arith.constant 16 : i32
        %mul3A_63 = arith.muli %scan3A_61, %mul3A_62 : i32
        %get3A = arith.index_cast %mul3A_63 : i32 to index
        %get3A_64 = tpu.vector_load %arg5[%get3A] {strides = array<i32>} : memref<2000xi32, #tpu.memory_space<vmem>>, vector<16xi32>,
        %ge3A = arith.constant 0 : i32
        %ge3A_65 = vector.broadcast %ge3A : i32 to vector<16xi32>
        %ge3A_66 = arith.cmpi sge, %get3A_64, %ge3A_65 : vector<16xi32>
        %lt3A = arith.constant 5000 : i32
        %lt3A_67 = vector.broadcast %lt3A : i32 to vector<16xi32>
        %lt3A_68 = arith.cmpi slt, %get3A_64, %lt3A_67 : vector<16xi32>
        %and3A = arith.andi %ge3A_66, %lt3A_68 : vector<16xi1>
        %sub3A = arith.constant 0 : i32
        %sub3A_69 = vector.broadcast %sub3A : i32 to vector<16xi32>
        %sub3A_70 = arith.subi %get3A_64, %sub3A_69 : vector<16xi32>
        %jit3A = arith.constant 0 : i32
        %jit3A_71 = arith.constant 4999 : i32
        %max3A = vector.broadcast %jit3A : i32 to vector<16xi32>
        %max3A_72 = arith.maxsi %max3A, %sub3A_70 : vector<16xi32>
        %min3A = vector.broadcast %jit3A_71 : i32 to vector<16xi32>
        %min3A_73 = arith.minsi %min3A, %max3A_72 : vector<16xi32>
        %gather3A = tpu.vector_load_idx %arg4[%iota3A, %min3A_73] masked %and3A : memref<16x5000xi32, #tpu.memory_space<vmem>>[vector<16xi32>, vector<16xi32>], vector<16xi32>, vector<16xi1>
        %add3A_74 = arith.addi %gather3A, %broadcast_in_dim3A_3 : vector<16xi32>
        tpu.vector_store_idx %arg4[%iota3A, %min3A_73], %add3A_74 masked %and3A : memref<16x5000xi32, #tpu.memory_space<vmem>>[vector<16xi32>, vector<16xi32>], vector<16xi32>, vector<16xi1>
      }
      %scan3A_60 = arith.constant 125 : i32
    }
    %scan3A_14 = arith.constant 5 : i32
    %scan3A_15 = arith.constant 0 : i32
    %scan3A_16 = arith.constant 0 : i32
    %scan3A_17 = arith.constant 312 : i32
    %scan3A_18 = arith.addi %scan3A_16, %scan3A_17 : i32
    %scan3A_19 = arith.constant 1 : i32
    scf.for %scan3A_48 = %scan3A_16 to %scan3A_18 step %scan3A_19  : i32 {
      %mul3A_49 = arith.constant 16 : i32
      %mul3A_50 = arith.muli %scan3A_48, %mul3A_49 : i32
      %get3A = arith.constant 0 : i32
      %get3A_51 = arith.index_cast %get3A : i32 to index
      %get3A_52 = arith.index_cast %mul3A_50 : i32 to index
      %get3A_53 = tpu.vector_load %arg4[%get3A_51, %get3A_52] {strides = array<i32>} : memref<16x5000xi32, #tpu.memory_space<vmem>>, vector<16xi32>,
      %add3A_54 = arith.addi %broadcast_in_dim3A_1, %get3A_53 : vector<16xi32>
      %get3A_55 = arith.constant 1 : i32
      %get3A_56 = arith.index_cast %get3A_55 : i32 to index
      %get3A_57 = arith.index_cast %mul3A_50 : i32 to index
      %get3A_58 = tpu.vector_load %arg4[%get3A_56, %get3A_57] {strides = array<i32>} : memref<16x5000xi32, #tpu.memory_space<vmem>>, vector<16xi32>,
      %add3A_59 = arith.addi %add3A_54, %get3A_58 : vector<16xi32>
      %get3A_60 = arith.constant 2 : i32
      %get3A_61 = arith.index_cast %get3A_60 : i32 to index
      %get3A_62 = arith.index_cast %mul3A_50 : i32 to index
      %get3A_63 = tpu.vector_load %arg4[%get3A_61, %get3A_62] {strides = array<i32>} : memref<16x5000xi32, #tpu.memory_space<vmem>>, vector<16xi32>,
      %add3A_64 = arith.addi %add3A_59, %get3A_63 : vector<16xi32>
      %get3A_65 = arith.constant 3 : i32
      %get3A_66 = arith.index_cast %get3A_65 : i32 to index
      %get3A_67 = arith.index_cast %mul3A_50 : i32 to index
      %get3A_68 = tpu.vector_load %arg4[%get3A_66, %get3A_67] {strides = array<i32>} : memref<16x5000xi32, #tpu.memory_space<vmem>>, vector<16xi32>,
      %add3A_69 = arith.addi %add3A_64, %get3A_68 : vector<16xi32>
      %get3A_70 = arith.constant 4 : i32
      %get3A_71 = arith.index_cast %get3A_70 : i32 to index
      %get3A_72 = arith.index_cast %mul3A_50 : i32 to index
      %get3A_73 = tpu.vector_load %arg4[%get3A_71, %get3A_72] {strides = array<i32>} : memref<16x5000xi32, #tpu.memory_space<vmem>>, vector<16xi32>,
      %add3A_74 = arith.addi %add3A_69, %get3A_73 : vector<16xi32>
      %get3A_75 = arith.constant 5 : i32
      %get3A_76 = arith.index_cast %get3A_75 : i32 to index
      %get3A_77 = arith.index_cast %mul3A_50 : i32 to index
      %get3A_78 = tpu.vector_load %arg4[%get3A_76, %get3A_77] {strides = array<i32>} : memref<16x5000xi32, #tpu.memory_space<vmem>>, vector<16xi32>,
      %add3A_79 = arith.addi %add3A_74, %get3A_78 : vector<16xi32>
      %get3A_80 = arith.constant 6 : i32
      %get3A_81 = arith.index_cast %get3A_80 : i32 to index
      %get3A_82 = arith.index_cast %mul3A_50 : i32 to index
      %get3A_83 = tpu.vector_load %arg4[%get3A_81, %get3A_82] {strides = array<i32>} : memref<16x5000xi32, #tpu.memory_space<vmem>>, vector<16xi32>,
      %add3A_84 = arith.addi %add3A_79, %get3A_83 : vector<16xi32>
      %get3A_85 = arith.constant 7 : i32
      %get3A_86 = arith.index_cast %get3A_85 : i32 to index
      %get3A_87 = arith.index_cast %mul3A_50 : i32 to index
      %get3A_88 = tpu.vector_load %arg4[%get3A_86, %get3A_87] {strides = array<i32>} : memref<16x5000xi32, #tpu.memory_space<vmem>>, vector<16xi32>,
      %add3A_89 = arith.addi %add3A_84, %get3A_88 : vector<16xi32>
      %get3A_90 = arith.constant 8 : i32
      %get3A_91 = arith.index_cast %get3A_90 : i32 to index
      %get3A_92 = arith.index_cast %mul3A_50 : i32 to index
      %get3A_93 = tpu.vector_load %arg4[%get3A_91, %get3A_92] {strides = array<i32>} : memref<16x5000xi32, #tpu.memory_space<vmem>>, vector<16xi32>,
      %add3A_94 = arith.addi %add3A_89, %get3A_93 : vector<16xi32>
      %get3A_95 = arith.constant 9 : i32
      %get3A_96 = arith.index_cast %get3A_95 : i32 to index
      %get3A_97 = arith.index_cast %mul3A_50 : i32 to index
      %get3A_98 = tpu.vector_load %arg4[%get3A_96, %get3A_97] {strides = array<i32>} : memref<16x5000xi32, #tpu.memory_space<vmem>>, vector<16xi32>,
      %add3A_99 = arith.addi %add3A_94, %get3A_98 : vector<16xi32>
      %get3A_100 = arith.constant 10 : i32
      %get3A_101 = arith.index_cast %get3A_100 : i32 to index
      %get3A_102 = arith.index_cast %mul3A_50 : i32 to index
      %get3A_103 = tpu.vector_load %arg4[%get3A_101, %get3A_102] {strides = array<i32>} : memref<16x5000xi32, #tpu.memory_space<vmem>>, vector<16xi32>,
      %add3A_104 = arith.addi %add3A_99, %get3A_103 : vector<16xi32>
      %get3A_105 = arith.constant 11 : i32
      %get3A_106 = arith.index_cast %get3A_105 : i32 to index
      %get3A_107 = arith.index_cast %mul3A_50 : i32 to index
      %get3A_108 = tpu.vector_load %arg4[%get3A_106, %get3A_107] {strides = array<i32>} : memref<16x5000xi32, #tpu.memory_space<vmem>>, vector<16xi32>,
      %add3A_109 = arith.addi %add3A_104, %get3A_108 : vector<16xi32>
      %get3A_110 = arith.constant 12 : i32
      %get3A_111 = arith.index_cast %get3A_110 : i32 to index
      %get3A_112 = arith.index_cast %mul3A_50 : i32 to index
      %get3A_113 = tpu.vector_load %arg4[%get3A_111, %get3A_112] {strides = array<i32>} : memref<16x5000xi32, #tpu.memory_space<vmem>>, vector<16xi32>,
      %add3A_114 = arith.addi %add3A_109, %get3A_113 : vector<16xi32>
      %get3A_115 = arith.constant 13 : i32
      %get3A_116 = arith.index_cast %get3A_115 : i32 to index
      %get3A_117 = arith.index_cast %mul3A_50 : i32 to index
      %get3A_118 = tpu.vector_load %arg4[%get3A_116, %get3A_117] {strides = array<i32>} : memref<16x5000xi32, #tpu.memory_space<vmem>>, vector<16xi32>,
      %add3A_119 = arith.addi %add3A_114, %get3A_118 : vector<16xi32>
      %get3A_120 = arith.constant 14 : i32
      %get3A_121 = arith.index_cast %get3A_120 : i32 to index
      %get3A_122 = arith.index_cast %mul3A_50 : i32 to index
      %get3A_123 = tpu.vector_load %arg4[%get3A_121, %get3A_122] {strides = array<i32>} : memref<16x5000xi32, #tpu.memory_space<vmem>>, vector<16xi32>,
      %add3A_124 = arith.addi %add3A_119, %get3A_123 : vector<16xi32>
      %get3A_125 = arith.constant 15 : i32
      %get3A_126 = arith.index_cast %get3A_125 : i32 to index
      %get3A_127 = arith.index_cast %mul3A_50 : i32 to index
      %get3A_128 = tpu.vector_load %arg4[%get3A_126, %get3A_127] {strides = array<i32>} : memref<16x5000xi32, #tpu.memory_space<vmem>>, vector<16xi32>,
      %add3A_129 = arith.addi %add3A_124, %get3A_128 : vector<16xi32>
      %swap3A = arith.index_cast %mul3A_50 : i32 to index
      %swap3A_130 = tpu.vector_load %arg6[%swap3A] {strides = array<i32>} : memref<5000xi32, #tpu.memory_space<vmem>>, vector<16xi32>,
      tpu.vector_store %arg6[%swap3A], %add3A_129 {strides = array<i32>} : memref<5000xi32, #tpu.memory_space<vmem>>, vector<16xi32>,
    }
    %scan3A_20 = arith.constant 312 : i32
    %mul3A_21 = arith.constant 10000 : i32
    %mul3A_22 = arith.muli %add3A, %mul3A_21 : i32
    %add3A_23 = arith.constant 0 : i32
    %add3A_24 = arith.addi %mul3A_22, %add3A_23 : i32
    %multiple_of3A = tpu.assume_multiple %add3A_24, 8 : i32
    "tpu.region"() ({
      %run_scoped3A = tpu.sem_alloc : memref<!tpu.dma_semaphore, #tpu.memory_space<semaphore_mem>>
      %dma_start3A = tpu.memref_slice %arg3[%multiple_of3A] : memref<320000xi32, #tpu.memory_space<hbm>> -> memref<5000xi32, #tpu.memory_space<hbm>>
      %dma_start3A_48 = tpu.memref_slice %arg3[%multiple_of3A] : memref<320000xi32, #tpu.memory_space<hbm>> -> memref<5000xi32, #tpu.memory_space<hbm>>
      tpu.enqueue_dma source(%arg6 : memref<5000xi32, #tpu.memory_space<vmem>>) target(%dma_start3A_48 : memref<5000xi32, #tpu.memory_space<hbm>>) target_semaphore(%run_scoped3A : memref<!tpu.dma_semaphore, #tpu.memory_space<semaphore_mem>>)
      %dma_wait3A = tpu.memref_slice %arg3[%multiple_of3A] : memref<320000xi32, #tpu.memory_space<hbm>> -> memref<5000xi32, #tpu.memory_space<hbm>>
      %dma_wait3A_49 = tpu.memref_slice %arg3[%multiple_of3A] : memref<320000xi32, #tpu.memory_space<hbm>> -> memref<5000xi32, #tpu.memory_space<hbm>>
      tpu.wait_dma2 semaphore(%run_scoped3A : memref<!tpu.dma_semaphore, #tpu.memory_space<semaphore_mem>>) src(%arg6 : memref<5000xi32, #tpu.memory_space<vmem>>) dst(%dma_wait3A_49 : memref<5000xi32, #tpu.memory_space<hbm>>)
      tpu.yield
    }) : () -> ()
    %scan3A_25 = arith.constant 0 : i32
    %scan3A_26 = arith.constant 0 : i32
    %scan3A_27 = arith.constant 4992 : i32
    %scan3A_28 = arith.addi %scan3A_26, %scan3A_27 : i32
    %scan3A_29 = arith.constant 8 : i32
    scf.for %scan3A_48 = %scan3A_26 to %scan3A_28 step %scan3A_29  : i32 {
      %jit3A = arith.constant 312 : i32
      %div3A = arith.divsi %scan3A_48, %jit3A : i32
      %sign3A = arith.constant 0 : i32
      %sign3A_49 = arith.cmpi sgt, %scan3A_48, %sign3A : i32
      %sign3A_50 = arith.extui %sign3A_49 : i1 to i32
      %sign3A_51 = arith.constant 0 : i32
      %sign3A_52 = arith.cmpi slt, %scan3A_48, %sign3A_51 : i32
      %sign3A_53 = arith.extui %sign3A_52 : i1 to i32
      %sign3A_54 = arith.subi %sign3A_50, %sign3A_53 : i32
      %sign3A_55 = arith.constant 0 : i32
      %sign3A_56 = arith.cmpi sgt, %jit3A, %sign3A_55 : i32
      %sign3A_57 = arith.extui %sign3A_56 : i1 to i32
      %sign3A_58 = arith.constant 0 : i32
      %sign3A_59 = arith.cmpi slt, %jit3A, %sign3A_58 : i32
      %sign3A_60 = arith.extui %sign3A_59 : i1 to i32
      %sign3A_61 = arith.subi %sign3A_57, %sign3A_60 : i32
      %ne3A = arith.cmpi ne, %sign3A_54, %sign3A_61 : i32
      %rem3A = arith.remsi %scan3A_48, %jit3A : i32
      %ne3A_62 = arith.constant 0 : i32
      %ne3A_63 = arith.cmpi ne, %rem3A, %ne3A_62 : i32
      %and3A = arith.andi %ne3A, %ne3A_63 : i1
      %sub3A = arith.constant 1 : i32
      %sub3A_64 = arith.subi %div3A, %sub3A : i32
      %select_n3A = arith.select %and3A, %sub3A_64, %div3A : i32
      %jit3A_65 = arith.constant 312 : i32
      %eq3A = arith.constant 0 : i32
      %eq3A_66 = arith.cmpi eq, %jit3A_65, %eq3A : i32
      %jit3A_67 = arith.constant 1 : i32
      %select_n3A_68 = arith.select %eq3A_66, %jit3A_67, %jit3A_65 : i32
      %rem3A_69 = arith.remsi %scan3A_48, %select_n3A_68 : i32
      %ne3A_70 = arith.constant 0 : i32
      %ne3A_71 = arith.cmpi ne, %rem3A_69, %ne3A_70 : i32
      %lt3A = arith.constant 0 : i32
      %lt3A_72 = arith.cmpi slt, %rem3A_69, %lt3A : i32
      %lt3A_73 = arith.constant 0 : i32
      %lt3A_74 = arith.cmpi slt, %select_n3A_68, %lt3A_73 : i32
      %ne3A_75 = arith.xori %lt3A_72, %lt3A_74 : i1
      %and3A_76 = arith.andi %ne3A_75, %ne3A_71 : i1
      %add3A_77 = arith.addi %rem3A_69, %select_n3A_68 : i32
      %select_n3A_78 = arith.select %and3A_76, %add3A_77, %rem3A_69 : i32
      %mul3A_79 = arith.constant 16 : i32
      %mul3A_80 = arith.muli %select_n3A_78, %mul3A_79 : i32
      %swap3A = arith.index_cast %select_n3A : i32 to index
      %swap3A_81 = arith.index_cast %mul3A_80 : i32 to index
      %swap3A_82 = tpu.vector_load %arg4[%swap3A, %swap3A_81] {strides = array<i32>} : memref<16x5000xi32, #tpu.memory_space<vmem>>, vector<16xi32>,
      tpu.vector_store %arg4[%swap3A, %swap3A_81], %broadcast_in_dim3A_1 {strides = array<i32>} : memref<16x5000xi32, #tpu.memory_space<vmem>>, vector<16xi32>,
      %scan3A_83 = arith.constant 1 : i32
      %scan3A_84 = arith.addi %scan3A_48, %scan3A_83 : i32
      %jit3A_85 = arith.constant 312 : i32
      %div3A_86 = arith.divsi %scan3A_84, %jit3A_85 : i32
      %sign3A_87 = arith.constant 0 : i32
      %sign3A_88 = arith.cmpi sgt, %scan3A_84, %sign3A_87 : i32
      %sign3A_89 = arith.extui %sign3A_88 : i1 to i32
      %sign3A_90 = arith.constant 0 : i32
      %sign3A_91 = arith.cmpi slt, %scan3A_84, %sign3A_90 : i32
      %sign3A_92 = arith.extui %sign3A_91 : i1 to i32
      %sign3A_93 = arith.subi %sign3A_89, %sign3A_92 : i32
      %sign3A_94 = arith.constant 0 : i32
      %sign3A_95 = arith.cmpi sgt, %jit3A_85, %sign3A_94 : i32
      %sign3A_96 = arith.extui %sign3A_95 : i1 to i32
      %sign3A_97 = arith.constant 0 : i32
      %sign3A_98 = arith.cmpi slt, %jit3A_85, %sign3A_97 : i32
      %sign3A_99 = arith.extui %sign3A_98 : i1 to i32
      %sign3A_100 = arith.subi %sign3A_96, %sign3A_99 : i32
      %ne3A_101 = arith.cmpi ne, %sign3A_93, %sign3A_100 : i32
      %rem3A_102 = arith.remsi %scan3A_84, %jit3A_85 : i32
      %ne3A_103 = arith.constant 0 : i32
      %ne3A_104 = arith.cmpi ne, %rem3A_102, %ne3A_103 : i32
      %and3A_105 = arith.andi %ne3A_101, %ne3A_104 : i1
      %sub3A_106 = arith.constant 1 : i32
      %sub3A_107 = arith.subi %div3A_86, %sub3A_106 : i32
      %select_n3A_108 = arith.select %and3A_105, %sub3A_107, %div3A_86 : i32
      %jit3A_109 = arith.constant 312 : i32
      %eq3A_110 = arith.constant 0 : i32
      %eq3A_111 = arith.cmpi eq, %jit3A_109, %eq3A_110 : i32
      %jit3A_112 = arith.constant 1 : i32
      %select_n3A_113 = arith.select %eq3A_111, %jit3A_112, %jit3A_109 : i32
      %rem3A_114 = arith.remsi %scan3A_84, %select_n3A_113 : i32
      %ne3A_115 = arith.constant 0 : i32
      %ne3A_116 = arith.cmpi ne, %rem3A_114, %ne3A_115 : i32
      %lt3A_117 = arith.constant 0 : i32
      %lt3A_118 = arith.cmpi slt, %rem3A_114, %lt3A_117 : i32
      %lt3A_119 = arith.constant 0 : i32
      %lt3A_120 = arith.cmpi slt, %select_n3A_113, %lt3A_119 : i32
      %ne3A_121 = arith.xori %lt3A_118, %lt3A_120 : i1
      %and3A_122 = arith.andi %ne3A_121, %ne3A_116 : i1
      %add3A_123 = arith.addi %rem3A_114, %select_n3A_113 : i32
      %select_n3A_124 = arith.select %and3A_122, %add3A_123, %rem3A_114 : i32
      %mul3A_125 = arith.constant 16 : i32
      %mul3A_126 = arith.muli %select_n3A_124, %mul3A_125 : i32
      %swap3A_127 = arith.index_cast %select_n3A_108 : i32 to index
      %swap3A_128 = arith.index_cast %mul3A_126 : i32 to index
      %swap3A_129 = tpu.vector_load %arg4[%swap3A_127, %swap3A_128] {strides = array<i32>} : memref<16x5000xi32, #tpu.memory_space<vmem>>, vector<16xi32>,
      tpu.vector_store %arg4[%swap3A_127, %swap3A_128], %broadcast_in_dim3A_1 {strides = array<i32>} : memref<16x5000xi32, #tpu.memory_space<vmem>>, vector<16xi32>,
      %scan3A_130 = arith.constant 2 : i32
      %scan3A_131 = arith.addi %scan3A_48, %scan3A_130 : i32
      %jit3A_132 = arith.constant 312 : i32
      %div3A_133 = arith.divsi %scan3A_131, %jit3A_132 : i32
      %sign3A_134 = arith.constant 0 : i32
      %sign3A_135 = arith.cmpi sgt, %scan3A_131, %sign3A_134 : i32
      %sign3A_136 = arith.extui %sign3A_135 : i1 to i32
      %sign3A_137 = arith.constant 0 : i32
      %sign3A_138 = arith.cmpi slt, %scan3A_131, %sign3A_137 : i32
      %sign3A_139 = arith.extui %sign3A_138 : i1 to i32
      %sign3A_140 = arith.subi %sign3A_136, %sign3A_139 : i32
      %sign3A_141 = arith.constant 0 : i32
      %sign3A_142 = arith.cmpi sgt, %jit3A_132, %sign3A_141 : i32
      %sign3A_143 = arith.extui %sign3A_142 : i1 to i32
      %sign3A_144 = arith.constant 0 : i32
      %sign3A_145 = arith.cmpi slt, %jit3A_132, %sign3A_144 : i32
      %sign3A_146 = arith.extui %sign3A_145 : i1 to i32
      %sign3A_147 = arith.subi %sign3A_143, %sign3A_146 : i32
      %ne3A_148 = arith.cmpi ne, %sign3A_140, %sign3A_147 : i32
      %rem3A_149 = arith.remsi %scan3A_131, %jit3A_132 : i32
      %ne3A_150 = arith.constant 0 : i32
      %ne3A_151 = arith.cmpi ne, %rem3A_149, %ne3A_150 : i32
      %and3A_152 = arith.andi %ne3A_148, %ne3A_151 : i1
      %sub3A_153 = arith.constant 1 : i32
      %sub3A_154 = arith.subi %div3A_133, %sub3A_153 : i32
      %select_n3A_155 = arith.select %and3A_152, %sub3A_154, %div3A_133 : i32
      %jit3A_156 = arith.constant 312 : i32
      %eq3A_157 = arith.constant 0 : i32
      %eq3A_158 = arith.cmpi eq, %jit3A_156, %eq3A_157 : i32
      %jit3A_159 = arith.constant 1 : i32
      %select_n3A_160 = arith.select %eq3A_158, %jit3A_159, %jit3A_156 : i32
      %rem3A_161 = arith.remsi %scan3A_131, %select_n3A_160 : i32
      %ne3A_162 = arith.constant 0 : i32
      %ne3A_163 = arith.cmpi ne, %rem3A_161, %ne3A_162 : i32
      %lt3A_164 = arith.constant 0 : i32
      %lt3A_165 = arith.cmpi slt, %rem3A_161, %lt3A_164 : i32
      %lt3A_166 = arith.constant 0 : i32
      %lt3A_167 = arith.cmpi slt, %select_n3A_160, %lt3A_166 : i32
      %ne3A_168 = arith.xori %lt3A_165, %lt3A_167 : i1
      %and3A_169 = arith.andi %ne3A_168, %ne3A_163 : i1
      %add3A_170 = arith.addi %rem3A_161, %select_n3A_160 : i32
      %select_n3A_171 = arith.select %and3A_169, %add3A_170, %rem3A_161 : i32
      %mul3A_172 = arith.constant 16 : i32
      %mul3A_173 = arith.muli %select_n3A_171, %mul3A_172 : i32
      %swap3A_174 = arith.index_cast %select_n3A_155 : i32 to index
      %swap3A_175 = arith.index_cast %mul3A_173 : i32 to index
      %swap3A_176 = tpu.vector_load %arg4[%swap3A_174, %swap3A_175] {strides = array<i32>} : memref<16x5000xi32, #tpu.memory_space<vmem>>, vector<16xi32>,
      tpu.vector_store %arg4[%swap3A_174, %swap3A_175], %broadcast_in_dim3A_1 {strides = array<i32>} : memref<16x5000xi32, #tpu.memory_space<vmem>>, vector<16xi32>,
      %scan3A_177 = arith.constant 3 : i32
      %scan3A_178 = arith.addi %scan3A_48, %scan3A_177 : i32
      %jit3A_179 = arith.constant 312 : i32
      %div3A_180 = arith.divsi %scan3A_178, %jit3A_179 : i32
      %sign3A_181 = arith.constant 0 : i32
      %sign3A_182 = arith.cmpi sgt, %scan3A_178, %sign3A_181 : i32
      %sign3A_183 = arith.extui %sign3A_182 : i1 to i32
      %sign3A_184 = arith.constant 0 : i32
      %sign3A_185 = arith.cmpi slt, %scan3A_178, %sign3A_184 : i32
      %sign3A_186 = arith.extui %sign3A_185 : i1 to i32
      %sign3A_187 = arith.subi %sign3A_183, %sign3A_186 : i32
      %sign3A_188 = arith.constant 0 : i32
      %sign3A_189 = arith.cmpi sgt, %jit3A_179, %sign3A_188 : i32
      %sign3A_190 = arith.extui %sign3A_189 : i1 to i32
      %sign3A_191 = arith.constant 0 : i32
      %sign3A_192 = arith.cmpi slt, %jit3A_179, %sign3A_191 : i32
      %sign3A_193 = arith.extui %sign3A_192 : i1 to i32
      %sign3A_194 = arith.subi %sign3A_190, %sign3A_193 : i32
      %ne3A_195 = arith.cmpi ne, %sign3A_187, %sign3A_194 : i32
      %rem3A_196 = arith.remsi %scan3A_178, %jit3A_179 : i32
      %ne3A_197 = arith.constant 0 : i32
      %ne3A_198 = arith.cmpi ne, %rem3A_196, %ne3A_197 : i32
      %and3A_199 = arith.andi %ne3A_195, %ne3A_198 : i1
      %sub3A_200 = arith.constant 1 : i32
      %sub3A_201 = arith.subi %div3A_180, %sub3A_200 : i32
      %select_n3A_202 = arith.select %and3A_199, %sub3A_201, %div3A_180 : i32
      %jit3A_203 = arith.constant 312 : i32
      %eq3A_204 = arith.constant 0 : i32
      %eq3A_205 = arith.cmpi eq, %jit3A_203, %eq3A_204 : i32
      %jit3A_206 = arith.constant 1 : i32
      %select_n3A_207 = arith.select %eq3A_205, %jit3A_206, %jit3A_203 : i32
      %rem3A_208 = arith.remsi %scan3A_178, %select_n3A_207 : i32
      %ne3A_209 = arith.constant 0 : i32
      %ne3A_210 = arith.cmpi ne, %rem3A_208, %ne3A_209 : i32
      %lt3A_211 = arith.constant 0 : i32
      %lt3A_212 = arith.cmpi slt, %rem3A_208, %lt3A_211 : i32
      %lt3A_213 = arith.constant 0 : i32
      %lt3A_214 = arith.cmpi slt, %select_n3A_207, %lt3A_213 : i32
      %ne3A_215 = arith.xori %lt3A_212, %lt3A_214 : i1
      %and3A_216 = arith.andi %ne3A_215, %ne3A_210 : i1
      %add3A_217 = arith.addi %rem3A_208, %select_n3A_207 : i32
      %select_n3A_218 = arith.select %and3A_216, %add3A_217, %rem3A_208 : i32
      %mul3A_219 = arith.constant 16 : i32
      %mul3A_220 = arith.muli %select_n3A_218, %mul3A_219 : i32
      %swap3A_221 = arith.index_cast %select_n3A_202 : i32 to index
      %swap3A_222 = arith.index_cast %mul3A_220 : i32 to index
      %swap3A_223 = tpu.vector_load %arg4[%swap3A_221, %swap3A_222] {strides = array<i32>} : memref<16x5000xi32, #tpu.memory_space<vmem>>, vector<16xi32>,
      tpu.vector_store %arg4[%swap3A_221, %swap3A_222], %broadcast_in_dim3A_1 {strides = array<i32>} : memref<16x5000xi32, #tpu.memory_space<vmem>>, vector<16xi32>,
      %scan3A_224 = arith.constant 4 : i32
      %scan3A_225 = arith.addi %scan3A_48, %scan3A_224 : i32
      %jit3A_226 = arith.constant 312 : i32
      %div3A_227 = arith.divsi %scan3A_225, %jit3A_226 : i32
      %sign3A_228 = arith.constant 0 : i32
      %sign3A_229 = arith.cmpi sgt, %scan3A_225, %sign3A_228 : i32
      %sign3A_230 = arith.extui %sign3A_229 : i1 to i32
      %sign3A_231 = arith.constant 0 : i32
      %sign3A_232 = arith.cmpi slt, %scan3A_225, %sign3A_231 : i32
      %sign3A_233 = arith.extui %sign3A_232 : i1 to i32
      %sign3A_234 = arith.subi %sign3A_230, %sign3A_233 : i32
      %sign3A_235 = arith.constant 0 : i32
      %sign3A_236 = arith.cmpi sgt, %jit3A_226, %sign3A_235 : i32
      %sign3A_237 = arith.extui %sign3A_236 : i1 to i32
      %sign3A_238 = arith.constant 0 : i32
      %sign3A_239 = arith.cmpi slt, %jit3A_226, %sign3A_238 : i32
      %sign3A_240 = arith.extui %sign3A_239 : i1 to i32
      %sign3A_241 = arith.subi %sign3A_237, %sign3A_240 : i32
      %ne3A_242 = arith.cmpi ne, %sign3A_234, %sign3A_241 : i32
      %rem3A_243 = arith.remsi %scan3A_225, %jit3A_226 : i32
      %ne3A_244 = arith.constant 0 : i32
      %ne3A_245 = arith.cmpi ne, %rem3A_243, %ne3A_244 : i32
      %and3A_246 = arith.andi %ne3A_242, %ne3A_245 : i1
      %sub3A_247 = arith.constant 1 : i32
      %sub3A_248 = arith.subi %div3A_227, %sub3A_247 : i32
      %select_n3A_249 = arith.select %and3A_246, %sub3A_248, %div3A_227 : i32
      %jit3A_250 = arith.constant 312 : i32
      %eq3A_251 = arith.constant 0 : i32
      %eq3A_252 = arith.cmpi eq, %jit3A_250, %eq3A_251 : i32
      %jit3A_253 = arith.constant 1 : i32
      %select_n3A_254 = arith.select %eq3A_252, %jit3A_253, %jit3A_250 : i32
      %rem3A_255 = arith.remsi %scan3A_225, %select_n3A_254 : i32
      %ne3A_256 = arith.constant 0 : i32
      %ne3A_257 = arith.cmpi ne, %rem3A_255, %ne3A_256 : i32
      %lt3A_258 = arith.constant 0 : i32
      %lt3A_259 = arith.cmpi slt, %rem3A_255, %lt3A_258 : i32
      %lt3A_260 = arith.constant 0 : i32
      %lt3A_261 = arith.cmpi slt, %select_n3A_254, %lt3A_260 : i32
      %ne3A_262 = arith.xori %lt3A_259, %lt3A_261 : i1
      %and3A_263 = arith.andi %ne3A_262, %ne3A_257 : i1
      %add3A_264 = arith.addi %rem3A_255, %select_n3A_254 : i32
      %select_n3A_265 = arith.select %and3A_263, %add3A_264, %rem3A_255 : i32
      %mul3A_266 = arith.constant 16 : i32
      %mul3A_267 = arith.muli %select_n3A_265, %mul3A_266 : i32
      %swap3A_268 = arith.index_cast %select_n3A_249 : i32 to index
      %swap3A_269 = arith.index_cast %mul3A_267 : i32 to index
      %swap3A_270 = tpu.vector_load %arg4[%swap3A_268, %swap3A_269] {strides = array<i32>} : memref<16x5000xi32, #tpu.memory_space<vmem>>, vector<16xi32>,
      tpu.vector_store %arg4[%swap3A_268, %swap3A_269], %broadcast_in_dim3A_1 {strides = array<i32>} : memref<16x5000xi32, #tpu.memory_space<vmem>>, vector<16xi32>,
      %scan3A_271 = arith.constant 5 : i32
      %scan3A_272 = arith.addi %scan3A_48, %scan3A_271 : i32
      %jit3A_273 = arith.constant 312 : i32
      %div3A_274 = arith.divsi %scan3A_272, %jit3A_273 : i32
      %sign3A_275 = arith.constant 0 : i32
      %sign3A_276 = arith.cmpi sgt, %scan3A_272, %sign3A_275 : i32
      %sign3A_277 = arith.extui %sign3A_276 : i1 to i32
      %sign3A_278 = arith.constant 0 : i32
      %sign3A_279 = arith.cmpi slt, %scan3A_272, %sign3A_278 : i32
      %sign3A_280 = arith.extui %sign3A_279 : i1 to i32
      %sign3A_281 = arith.subi %sign3A_277, %sign3A_280 : i32
      %sign3A_282 = arith.constant 0 : i32
      %sign3A_283 = arith.cmpi sgt, %jit3A_273, %sign3A_282 : i32
      %sign3A_284 = arith.extui %sign3A_283 : i1 to i32
      %sign3A_285 = arith.constant 0 : i32
      %sign3A_286 = arith.cmpi slt, %jit3A_273, %sign3A_285 : i32
      %sign3A_287 = arith.extui %sign3A_286 : i1 to i32
      %sign3A_288 = arith.subi %sign3A_284, %sign3A_287 : i32
      %ne3A_289 = arith.cmpi ne, %sign3A_281, %sign3A_288 : i32
      %rem3A_290 = arith.remsi %scan3A_272, %jit3A_273 : i32
      %ne3A_291 = arith.constant 0 : i32
      %ne3A_292 = arith.cmpi ne, %rem3A_290, %ne3A_291 : i32
      %and3A_293 = arith.andi %ne3A_289, %ne3A_292 : i1
      %sub3A_294 = arith.constant 1 : i32
      %sub3A_295 = arith.subi %div3A_274, %sub3A_294 : i32
      %select_n3A_296 = arith.select %and3A_293, %sub3A_295, %div3A_274 : i32
      %jit3A_297 = arith.constant 312 : i32
      %eq3A_298 = arith.constant 0 : i32
      %eq3A_299 = arith.cmpi eq, %jit3A_297, %eq3A_298 : i32
      %jit3A_300 = arith.constant 1 : i32
      %select_n3A_301 = arith.select %eq3A_299, %jit3A_300, %jit3A_297 : i32
      %rem3A_302 = arith.remsi %scan3A_272, %select_n3A_301 : i32
      %ne3A_303 = arith.constant 0 : i32
      %ne3A_304 = arith.cmpi ne, %rem3A_302, %ne3A_303 : i32
      %lt3A_305 = arith.constant 0 : i32
      %lt3A_306 = arith.cmpi slt, %rem3A_302, %lt3A_305 : i32
      %lt3A_307 = arith.constant 0 : i32
      %lt3A_308 = arith.cmpi slt, %select_n3A_301, %lt3A_307 : i32
      %ne3A_309 = arith.xori %lt3A_306, %lt3A_308 : i1
      %and3A_310 = arith.andi %ne3A_309, %ne3A_304 : i1
      %add3A_311 = arith.addi %rem3A_302, %select_n3A_301 : i32
      %select_n3A_312 = arith.select %and3A_310, %add3A_311, %rem3A_302 : i32
      %mul3A_313 = arith.constant 16 : i32
      %mul3A_314 = arith.muli %select_n3A_312, %mul3A_313 : i32
      %swap3A_315 = arith.index_cast %select_n3A_296 : i32 to index
      %swap3A_316 = arith.index_cast %mul3A_314 : i32 to index
      %swap3A_317 = tpu.vector_load %arg4[%swap3A_315, %swap3A_316] {strides = array<i32>} : memref<16x5000xi32, #tpu.memory_space<vmem>>, vector<16xi32>,
      tpu.vector_store %arg4[%swap3A_315, %swap3A_316], %broadcast_in_dim3A_1 {strides = array<i32>} : memref<16x5000xi32, #tpu.memory_space<vmem>>, vector<16xi32>,
      %scan3A_318 = arith.constant 6 : i32
      %scan3A_319 = arith.addi %scan3A_48, %scan3A_318 : i32
      %jit3A_320 = arith.constant 312 : i32
      %div3A_321 = arith.divsi %scan3A_319, %jit3A_320 : i32
      %sign3A_322 = arith.constant 0 : i32
      %sign3A_323 = arith.cmpi sgt, %scan3A_319, %sign3A_322 : i32
      %sign3A_324 = arith.extui %sign3A_323 : i1 to i32
      %sign3A_325 = arith.constant 0 : i32
      %sign3A_326 = arith.cmpi slt, %scan3A_319, %sign3A_325 : i32
      %sign3A_327 = arith.extui %sign3A_326 : i1 to i32
      %sign3A_328 = arith.subi %sign3A_324, %sign3A_327 : i32
      %sign3A_329 = arith.constant 0 : i32
      %sign3A_330 = arith.cmpi sgt, %jit3A_320, %sign3A_329 : i32
      %sign3A_331 = arith.extui %sign3A_330 : i1 to i32
      %sign3A_332 = arith.constant 0 : i32
      %sign3A_333 = arith.cmpi slt, %jit3A_320, %sign3A_332 : i32
      %sign3A_334 = arith.extui %sign3A_333 : i1 to i32
      %sign3A_335 = arith.subi %sign3A_331, %sign3A_334 : i32
      %ne3A_336 = arith.cmpi ne, %sign3A_328, %sign3A_335 : i32
      %rem3A_337 = arith.remsi %scan3A_319, %jit3A_320 : i32
      %ne3A_338 = arith.constant 0 : i32
      %ne3A_339 = arith.cmpi ne, %rem3A_337, %ne3A_338 : i32
      %and3A_340 = arith.andi %ne3A_336, %ne3A_339 : i1
      %sub3A_341 = arith.constant 1 : i32
      %sub3A_342 = arith.subi %div3A_321, %sub3A_341 : i32
      %select_n3A_343 = arith.select %and3A_340, %sub3A_342, %div3A_321 : i32
      %jit3A_344 = arith.constant 312 : i32
      %eq3A_345 = arith.constant 0 : i32
      %eq3A_346 = arith.cmpi eq, %jit3A_344, %eq3A_345 : i32
      %jit3A_347 = arith.constant 1 : i32
      %select_n3A_348 = arith.select %eq3A_346, %jit3A_347, %jit3A_344 : i32
      %rem3A_349 = arith.remsi %scan3A_319, %select_n3A_348 : i32
      %ne3A_350 = arith.constant 0 : i32
      %ne3A_351 = arith.cmpi ne, %rem3A_349, %ne3A_350 : i32
      %lt3A_352 = arith.constant 0 : i32
      %lt3A_353 = arith.cmpi slt, %rem3A_349, %lt3A_352 : i32
      %lt3A_354 = arith.constant 0 : i32
      %lt3A_355 = arith.cmpi slt, %select_n3A_348, %lt3A_354 : i32
      %ne3A_356 = arith.xori %lt3A_353, %lt3A_355 : i1
      %and3A_357 = arith.andi %ne3A_356, %ne3A_351 : i1
      %add3A_358 = arith.addi %rem3A_349, %select_n3A_348 : i32
      %select_n3A_359 = arith.select %and3A_357, %add3A_358, %rem3A_349 : i32
      %mul3A_360 = arith.constant 16 : i32
      %mul3A_361 = arith.muli %select_n3A_359, %mul3A_360 : i32
      %swap3A_362 = arith.index_cast %select_n3A_343 : i32 to index
      %swap3A_363 = arith.index_cast %mul3A_361 : i32 to index
      %swap3A_364 = tpu.vector_load %arg4[%swap3A_362, %swap3A_363] {strides = array<i32>} : memref<16x5000xi32, #tpu.memory_space<vmem>>, vector<16xi32>,
      tpu.vector_store %arg4[%swap3A_362, %swap3A_363], %broadcast_in_dim3A_1 {strides = array<i32>} : memref<16x5000xi32, #tpu.memory_space<vmem>>, vector<16xi32>,
      %scan3A_365 = arith.constant 7 : i32
      %scan3A_366 = arith.addi %scan3A_48, %scan3A_365 : i32
      %jit3A_367 = arith.constant 312 : i32
      %div3A_368 = arith.divsi %scan3A_366, %jit3A_367 : i32
      %sign3A_369 = arith.constant 0 : i32
      %sign3A_370 = arith.cmpi sgt, %scan3A_366, %sign3A_369 : i32
      %sign3A_371 = arith.extui %sign3A_370 : i1 to i32
      %sign3A_372 = arith.constant 0 : i32
      %sign3A_373 = arith.cmpi slt, %scan3A_366, %sign3A_372 : i32
      %sign3A_374 = arith.extui %sign3A_373 : i1 to i32
      %sign3A_375 = arith.subi %sign3A_371, %sign3A_374 : i32
      %sign3A_376 = arith.constant 0 : i32
      %sign3A_377 = arith.cmpi sgt, %jit3A_367, %sign3A_376 : i32
      %sign3A_378 = arith.extui %sign3A_377 : i1 to i32
      %sign3A_379 = arith.constant 0 : i32
      %sign3A_380 = arith.cmpi slt, %jit3A_367, %sign3A_379 : i32
      %sign3A_381 = arith.extui %sign3A_380 : i1 to i32
      %sign3A_382 = arith.subi %sign3A_378, %sign3A_381 : i32
      %ne3A_383 = arith.cmpi ne, %sign3A_375, %sign3A_382 : i32
      %rem3A_384 = arith.remsi %scan3A_366, %jit3A_367 : i32
      %ne3A_385 = arith.constant 0 : i32
      %ne3A_386 = arith.cmpi ne, %rem3A_384, %ne3A_385 : i32
      %and3A_387 = arith.andi %ne3A_383, %ne3A_386 : i1
      %sub3A_388 = arith.constant 1 : i32
      %sub3A_389 = arith.subi %div3A_368, %sub3A_388 : i32
      %select_n3A_390 = arith.select %and3A_387, %sub3A_389, %div3A_368 : i32
      %jit3A_391 = arith.constant 312 : i32
      %eq3A_392 = arith.constant 0 : i32
      %eq3A_393 = arith.cmpi eq, %jit3A_391, %eq3A_392 : i32
      %jit3A_394 = arith.constant 1 : i32
      %select_n3A_395 = arith.select %eq3A_393, %jit3A_394, %jit3A_391 : i32
      %rem3A_396 = arith.remsi %scan3A_366, %select_n3A_395 : i32
      %ne3A_397 = arith.constant 0 : i32
      %ne3A_398 = arith.cmpi ne, %rem3A_396, %ne3A_397 : i32
      %lt3A_399 = arith.constant 0 : i32
      %lt3A_400 = arith.cmpi slt, %rem3A_396, %lt3A_399 : i32
      %lt3A_401 = arith.constant 0 : i32
      %lt3A_402 = arith.cmpi slt, %select_n3A_395, %lt3A_401 : i32
      %ne3A_403 = arith.xori %lt3A_400, %lt3A_402 : i1
      %and3A_404 = arith.andi %ne3A_403, %ne3A_398 : i1
      %add3A_405 = arith.addi %rem3A_396, %select_n3A_395 : i32
      %select_n3A_406 = arith.select %and3A_404, %add3A_405, %rem3A_396 : i32
      %mul3A_407 = arith.constant 16 : i32
      %mul3A_408 = arith.muli %select_n3A_406, %mul3A_407 : i32
      %swap3A_409 = arith.index_cast %select_n3A_390 : i32 to index
      %swap3A_410 = arith.index_cast %mul3A_408 : i32 to index
      %swap3A_411 = tpu.vector_load %arg4[%swap3A_409, %swap3A_410] {strides = array<i32>} : memref<16x5000xi32, #tpu.memory_space<vmem>>, vector<16xi32>,
      tpu.vector_store %arg4[%swap3A_409, %swap3A_410], %broadcast_in_dim3A_1 {strides = array<i32>} : memref<16x5000xi32, #tpu.memory_space<vmem>>, vector<16xi32>,
    }
    %scan3A_30 = arith.constant 4992 : i32
    %scan3A_31 = arith.constant 0 : i32
    %scan3A_32 = arith.constant 0 : i32
    %scan3A_33 = arith.constant 5 : i32
    %scan3A_34 = arith.addi %scan3A_32, %scan3A_33 : i32
    %scan3A_35 = arith.constant 1 : i32
    scf.for %scan3A_48 = %scan3A_32 to %scan3A_34 step %scan3A_35  : i32 {
      %mul3A_49 = arith.constant 10000 : i32
      %mul3A_50 = arith.muli %add3A, %mul3A_49 : i32
      %mul3A_51 = arith.constant 2000 : i32
      %mul3A_52 = arith.muli %scan3A_48, %mul3A_51 : i32
      %add3A_53 = arith.addi %mul3A_50, %mul3A_52 : i32
      %multiple_of3A_54 = tpu.assume_multiple %add3A_53, 8 : i32
      "tpu.region"() ({
        %run_scoped3A = tpu.sem_alloc : memref<!tpu.dma_semaphore, #tpu.memory_space<semaphore_mem>>
        %dma_start3A = tpu.memref_slice %arg2[%multiple_of3A_54] : memref<320000xi32, #tpu.memory_space<hbm>> -> memref<2000xi32, #tpu.memory_space<hbm>>
        %dma_start3A_61 = tpu.memref_slice %arg2[%multiple_of3A_54] : memref<320000xi32, #tpu.memory_space<hbm>> -> memref<2000xi32, #tpu.memory_space<hbm>>
        tpu.enqueue_dma source(%dma_start3A_61 : memref<2000xi32, #tpu.memory_space<hbm>>) target(%arg5 : memref<2000xi32, #tpu.memory_space<vmem>>) target_semaphore(%run_scoped3A : memref<!tpu.dma_semaphore, #tpu.memory_space<semaphore_mem>>)
        %dma_wait3A = tpu.memref_slice %arg2[%multiple_of3A_54] : memref<320000xi32, #tpu.memory_space<hbm>> -> memref<2000xi32, #tpu.memory_space<hbm>>
        %dma_wait3A_62 = tpu.memref_slice %arg2[%multiple_of3A_54] : memref<320000xi32, #tpu.memory_space<hbm>> -> memref<2000xi32, #tpu.memory_space<hbm>>
        tpu.wait_dma2 semaphore(%run_scoped3A : memref<!tpu.dma_semaphore, #tpu.memory_space<semaphore_mem>>) src(%dma_wait3A_62 : memref<2000xi32, #tpu.memory_space<hbm>>) dst(%arg5 : memref<2000xi32, #tpu.memory_space<vmem>>)
        tpu.yield
      }) : () -> ()
      %scan3A_55 = arith.constant 0 : i32
      %scan3A_56 = arith.constant 0 : i32
      %scan3A_57 = arith.constant 125 : i32
      %scan3A_58 = arith.addi %scan3A_56, %scan3A_57 : i32
      %scan3A_59 = arith.constant 1 : i32
      scf.for %scan3A_61 = %scan3A_56 to %scan3A_58 step %scan3A_59  : i32 {
        %mul3A_62 = arith.constant 16 : i32
        %mul3A_63 = arith.muli %scan3A_61, %mul3A_62 : i32
        %get3A = arith.index_cast %mul3A_63 : i32 to index
        %get3A_64 = tpu.vector_load %arg5[%get3A] {strides = array<i32>} : memref<2000xi32, #tpu.memory_space<vmem>>, vector<16xi32>,
        %ge3A = arith.constant 5000 : i32
        %ge3A_65 = vector.broadcast %ge3A : i32 to vector<16xi32>
        %ge3A_66 = arith.cmpi sge, %get3A_64, %ge3A_65 : vector<16xi32>
        %lt3A = arith.constant 10000 : i32
        %lt3A_67 = vector.broadcast %lt3A : i32 to vector<16xi32>
        %lt3A_68 = arith.cmpi slt, %get3A_64, %lt3A_67 : vector<16xi32>
        %and3A = arith.andi %ge3A_66, %lt3A_68 : vector<16xi1>
        %sub3A = arith.constant 5000 : i32
        %sub3A_69 = vector.broadcast %sub3A : i32 to vector<16xi32>
        %sub3A_70 = arith.subi %get3A_64, %sub3A_69 : vector<16xi32>
        %jit3A = arith.constant 0 : i32
        %jit3A_71 = arith.constant 4999 : i32
        %max3A = vector.broadcast %jit3A : i32 to vector<16xi32>
        %max3A_72 = arith.maxsi %max3A, %sub3A_70 : vector<16xi32>
        %min3A = vector.broadcast %jit3A_71 : i32 to vector<16xi32>
        %min3A_73 = arith.minsi %min3A, %max3A_72 : vector<16xi32>
        %gather3A = tpu.vector_load_idx %arg4[%iota3A, %min3A_73] masked %and3A : memref<16x5000xi32, #tpu.memory_space<vmem>>[vector<16xi32>, vector<16xi32>], vector<16xi32>, vector<16xi1>
        %add3A_74 = arith.addi %gather3A, %broadcast_in_dim3A_3 : vector<16xi32>
        tpu.vector_store_idx %arg4[%iota3A, %min3A_73], %add3A_74 masked %and3A : memref<16x5000xi32, #tpu.memory_space<vmem>>[vector<16xi32>, vector<16xi32>], vector<16xi32>, vector<16xi1>
      }
      %scan3A_60 = arith.constant 125 : i32
    }
    %scan3A_36 = arith.constant 5 : i32
    %scan3A_37 = arith.constant 0 : i32
    %scan3A_38 = arith.constant 0 : i32
    %scan3A_39 = arith.constant 312 : i32
    %scan3A_40 = arith.addi %scan3A_38, %scan3A_39 : i32
    %scan3A_41 = arith.constant 1 : i32
    scf.for %scan3A_48 = %scan3A_38 to %scan3A_40 step %scan3A_41  : i32 {
      %mul3A_49 = arith.constant 16 : i32
      %mul3A_50 = arith.muli %scan3A_48, %mul3A_49 : i32
      %get3A = arith.constant 0 : i32
      %get3A_51 = arith.index_cast %get3A : i32 to index
      %get3A_52 = arith.index_cast %mul3A_50 : i32 to index
      %get3A_53 = tpu.vector_load %arg4[%get3A_51, %get3A_52] {strides = array<i32>} : memref<16x5000xi32, #tpu.memory_space<vmem>>, vector<16xi32>,
      %add3A_54 = arith.addi %broadcast_in_dim3A_1, %get3A_53 : vector<16xi32>
      %get3A_55 = arith.constant 1 : i32
      %get3A_56 = arith.index_cast %get3A_55 : i32 to index
      %get3A_57 = arith.index_cast %mul3A_50 : i32 to index
      %get3A_58 = tpu.vector_load %arg4[%get3A_56, %get3A_57] {strides = array<i32>} : memref<16x5000xi32, #tpu.memory_space<vmem>>, vector<16xi32>,
      %add3A_59 = arith.addi %add3A_54, %get3A_58 : vector<16xi32>
      %get3A_60 = arith.constant 2 : i32
      %get3A_61 = arith.index_cast %get3A_60 : i32 to index
      %get3A_62 = arith.index_cast %mul3A_50 : i32 to index
      %get3A_63 = tpu.vector_load %arg4[%get3A_61, %get3A_62] {strides = array<i32>} : memref<16x5000xi32, #tpu.memory_space<vmem>>, vector<16xi32>,
      %add3A_64 = arith.addi %add3A_59, %get3A_63 : vector<16xi32>
      %get3A_65 = arith.constant 3 : i32
      %get3A_66 = arith.index_cast %get3A_65 : i32 to index
      %get3A_67 = arith.index_cast %mul3A_50 : i32 to index
      %get3A_68 = tpu.vector_load %arg4[%get3A_66, %get3A_67] {strides = array<i32>} : memref<16x5000xi32, #tpu.memory_space<vmem>>, vector<16xi32>,
      %add3A_69 = arith.addi %add3A_64, %get3A_68 : vector<16xi32>
      %get3A_70 = arith.constant 4 : i32
      %get3A_71 = arith.index_cast %get3A_70 : i32 to index
      %get3A_72 = arith.index_cast %mul3A_50 : i32 to index
      %get3A_73 = tpu.vector_load %arg4[%get3A_71, %get3A_72] {strides = array<i32>} : memref<16x5000xi32, #tpu.memory_space<vmem>>, vector<16xi32>,
      %add3A_74 = arith.addi %add3A_69, %get3A_73 : vector<16xi32>
      %get3A_75 = arith.constant 5 : i32
      %get3A_76 = arith.index_cast %get3A_75 : i32 to index
      %get3A_77 = arith.index_cast %mul3A_50 : i32 to index
      %get3A_78 = tpu.vector_load %arg4[%get3A_76, %get3A_77] {strides = array<i32>} : memref<16x5000xi32, #tpu.memory_space<vmem>>, vector<16xi32>,
      %add3A_79 = arith.addi %add3A_74, %get3A_78 : vector<16xi32>
      %get3A_80 = arith.constant 6 : i32
      %get3A_81 = arith.index_cast %get3A_80 : i32 to index
      %get3A_82 = arith.index_cast %mul3A_50 : i32 to index
      %get3A_83 = tpu.vector_load %arg4[%get3A_81, %get3A_82] {strides = array<i32>} : memref<16x5000xi32, #tpu.memory_space<vmem>>, vector<16xi32>,
      %add3A_84 = arith.addi %add3A_79, %get3A_83 : vector<16xi32>
      %get3A_85 = arith.constant 7 : i32
      %get3A_86 = arith.index_cast %get3A_85 : i32 to index
      %get3A_87 = arith.index_cast %mul3A_50 : i32 to index
      %get3A_88 = tpu.vector_load %arg4[%get3A_86, %get3A_87] {strides = array<i32>} : memref<16x5000xi32, #tpu.memory_space<vmem>>, vector<16xi32>,
      %add3A_89 = arith.addi %add3A_84, %get3A_88 : vector<16xi32>
      %get3A_90 = arith.constant 8 : i32
      %get3A_91 = arith.index_cast %get3A_90 : i32 to index
      %get3A_92 = arith.index_cast %mul3A_50 : i32 to index
      %get3A_93 = tpu.vector_load %arg4[%get3A_91, %get3A_92] {strides = array<i32>} : memref<16x5000xi32, #tpu.memory_space<vmem>>, vector<16xi32>,
      %add3A_94 = arith.addi %add3A_89, %get3A_93 : vector<16xi32>
      %get3A_95 = arith.constant 9 : i32
      %get3A_96 = arith.index_cast %get3A_95 : i32 to index
      %get3A_97 = arith.index_cast %mul3A_50 : i32 to index
      %get3A_98 = tpu.vector_load %arg4[%get3A_96, %get3A_97] {strides = array<i32>} : memref<16x5000xi32, #tpu.memory_space<vmem>>, vector<16xi32>,
      %add3A_99 = arith.addi %add3A_94, %get3A_98 : vector<16xi32>
      %get3A_100 = arith.constant 10 : i32
      %get3A_101 = arith.index_cast %get3A_100 : i32 to index
      %get3A_102 = arith.index_cast %mul3A_50 : i32 to index
      %get3A_103 = tpu.vector_load %arg4[%get3A_101, %get3A_102] {strides = array<i32>} : memref<16x5000xi32, #tpu.memory_space<vmem>>, vector<16xi32>,
      %add3A_104 = arith.addi %add3A_99, %get3A_103 : vector<16xi32>
      %get3A_105 = arith.constant 11 : i32
      %get3A_106 = arith.index_cast %get3A_105 : i32 to index
      %get3A_107 = arith.index_cast %mul3A_50 : i32 to index
      %get3A_108 = tpu.vector_load %arg4[%get3A_106, %get3A_107] {strides = array<i32>} : memref<16x5000xi32, #tpu.memory_space<vmem>>, vector<16xi32>,
      %add3A_109 = arith.addi %add3A_104, %get3A_108 : vector<16xi32>
      %get3A_110 = arith.constant 12 : i32
      %get3A_111 = arith.index_cast %get3A_110 : i32 to index
      %get3A_112 = arith.index_cast %mul3A_50 : i32 to index
      %get3A_113 = tpu.vector_load %arg4[%get3A_111, %get3A_112] {strides = array<i32>} : memref<16x5000xi32, #tpu.memory_space<vmem>>, vector<16xi32>,
      %add3A_114 = arith.addi %add3A_109, %get3A_113 : vector<16xi32>
      %get3A_115 = arith.constant 13 : i32
      %get3A_116 = arith.index_cast %get3A_115 : i32 to index
      %get3A_117 = arith.index_cast %mul3A_50 : i32 to index
      %get3A_118 = tpu.vector_load %arg4[%get3A_116, %get3A_117] {strides = array<i32>} : memref<16x5000xi32, #tpu.memory_space<vmem>>, vector<16xi32>,
      %add3A_119 = arith.addi %add3A_114, %get3A_118 : vector<16xi32>
      %get3A_120 = arith.constant 14 : i32
      %get3A_121 = arith.index_cast %get3A_120 : i32 to index
      %get3A_122 = arith.index_cast %mul3A_50 : i32 to index
      %get3A_123 = tpu.vector_load %arg4[%get3A_121, %get3A_122] {strides = array<i32>} : memref<16x5000xi32, #tpu.memory_space<vmem>>, vector<16xi32>,
      %add3A_124 = arith.addi %add3A_119, %get3A_123 : vector<16xi32>
      %get3A_125 = arith.constant 15 : i32
      %get3A_126 = arith.index_cast %get3A_125 : i32 to index
      %get3A_127 = arith.index_cast %mul3A_50 : i32 to index
      %get3A_128 = tpu.vector_load %arg4[%get3A_126, %get3A_127] {strides = array<i32>} : memref<16x5000xi32, #tpu.memory_space<vmem>>, vector<16xi32>,
      %add3A_129 = arith.addi %add3A_124, %get3A_128 : vector<16xi32>
      %swap3A = arith.index_cast %mul3A_50 : i32 to index
      %swap3A_130 = tpu.vector_load %arg6[%swap3A] {strides = array<i32>} : memref<5000xi32, #tpu.memory_space<vmem>>, vector<16xi32>,
      tpu.vector_store %arg6[%swap3A], %add3A_129 {strides = array<i32>} : memref<5000xi32, #tpu.memory_space<vmem>>, vector<16xi32>,
    }
    %scan3A_42 = arith.constant 312 : i32
    %mul3A_43 = arith.constant 10000 : i32
    %mul3A_44 = arith.muli %add3A, %mul3A_43 : i32
    %add3A_45 = arith.constant 5000 : i32
    %add3A_46 = arith.addi %mul3A_44, %add3A_45 : i32
    %multiple_of3A_47 = tpu.assume_multiple %add3A_46, 8 : i32
    "tpu.region"() ({
      %run_scoped3A = tpu.sem_alloc : memref<!tpu.dma_semaphore, #tpu.memory_space<semaphore_mem>>
      %dma_start3A = tpu.memref_slice %arg3[%multiple_of3A_47] : memref<320000xi32, #tpu.memory_space<hbm>> -> memref<5000xi32, #tpu.memory_space<hbm>>
      %dma_start3A_48 = tpu.memref_slice %arg3[%multiple_of3A_47] : memref<320000xi32, #tpu.memory_space<hbm>> -> memref<5000xi32, #tpu.memory_space<hbm>>
      tpu.enqueue_dma source(%arg6 : memref<5000xi32, #tpu.memory_space<vmem>>) target(%dma_start3A_48 : memref<5000xi32, #tpu.memory_space<hbm>>) target_semaphore(%run_scoped3A : memref<!tpu.dma_semaphore, #tpu.memory_space<semaphore_mem>>)
      %dma_wait3A = tpu.memref_slice %arg3[%multiple_of3A_47] : memref<320000xi32, #tpu.memory_space<hbm>> -> memref<5000xi32, #tpu.memory_space<hbm>>
      %dma_wait3A_49 = tpu.memref_slice %arg3[%multiple_of3A_47] : memref<320000xi32, #tpu.memory_space<hbm>> -> memref<5000xi32, #tpu.memory_space<hbm>>
      tpu.wait_dma2 semaphore(%run_scoped3A : memref<!tpu.dma_semaphore, #tpu.memory_space<semaphore_mem>>) src(%arg6 : memref<5000xi32, #tpu.memory_space<vmem>>) dst(%dma_wait3A_49 : memref<5000xi32, #tpu.memory_space<hbm>>)
      tpu.yield
    }) : () -> ()
    return
  }
}

#map = affine_map<(d0, d1) -> (0, 0)>
#map1 = affine_map<(d0, d1) -> (0)>
module attributes {stable_mosaic.version = 14 : i64} {
  func.func @_edge_kernel(%arg0: i32, %arg1: i32, %arg2: memref<10000x128xf32, #tpu.memory_space<hbm>>, %arg3: memref<320000xi32, #tpu.memory_space<hbm>>, %arg4: memref<320000xi32, #tpu.memory_space<hbm>>, %arg5: memref<20000x128xf32, #tpu.memory_space<hbm>>, %arg6: memref<10000x128xf32, #tpu.memory_space<vmem_shared>>, %arg7: memref<128x128xf32, #tpu.memory_space<vmem>>, %arg8: memref<128x128xf32, #tpu.memory_space<vmem>>, %arg9: memref<128xi32, #tpu.memory_space<vmem>>, %arg10: memref<128xi32, #tpu.memory_space<vmem>>, %arg11: memref<128xi32, #tpu.memory_space<vmem>>, %arg12: memref<128xi32, #tpu.memory_space<vmem>>, %arg13: memref<16x128xf32, #tpu.memory_space<vmem>>, %arg14: memref<16xi32, #tpu.memory_space<vmem>>, %arg15: memref<16xi32, #tpu.memory_space<vmem>>, %arg16: memref<!tpu.dma_semaphore, #tpu.memory_space<semaphore_mem>>, %arg17: memref<!tpu.dma_semaphore, #tpu.memory_space<semaphore_mem>>) attributes {dimension_semantics = [#tpu.dimension_semantics<core_parallel>, #tpu.dimension_semantics<subcore_parallel>], iteration_bounds = array<i64: 2, 16>, scalar_prefetch = 0 : i64, scratch_operands = 12 : i64, tpu.core_type = #tpu.core_type<sc_vector_subcore>, window_params = [{transform_indices = #map}, {transform_indices = #map1}, {transform_indices = #map1}, {transform_indices = #map}]} {
    %mul3A = arith.constant 2 : i32
    %mul3A_0 = arith.muli %arg1, %mul3A : i32
    %add3A = arith.addi %mul3A_0, %arg0 : i32
    %broadcast_in_dim3A = arith.constant 0.000000e+00 : f32
    %broadcast_in_dim3A_1 = vector.broadcast %broadcast_in_dim3A : f32 to vector<16xf32>
    %scan3A = arith.constant 0 : i32
    %scan3A_2 = arith.constant 0 : i32
    %scan3A_3 = arith.constant 1024 : i32
    %scan3A_4 = arith.addi %scan3A_2, %scan3A_3 : i32
    %scan3A_5 = arith.constant 8 : i32
    scf.for %scan3A_86 = %scan3A_2 to %scan3A_4 step %scan3A_5  : i32 {
      %jit3A = arith.constant 8 : i32
      %div3A = arith.divsi %scan3A_86, %jit3A : i32
      %sign3A = arith.constant 0 : i32
      %sign3A_87 = arith.cmpi sgt, %scan3A_86, %sign3A : i32
      %sign3A_88 = arith.extui %sign3A_87 : i1 to i32
      %sign3A_89 = arith.constant 0 : i32
      %sign3A_90 = arith.cmpi slt, %scan3A_86, %sign3A_89 : i32
      %sign3A_91 = arith.extui %sign3A_90 : i1 to i32
      %sign3A_92 = arith.subi %sign3A_88, %sign3A_91 : i32
      %sign3A_93 = arith.constant 0 : i32
      %sign3A_94 = arith.cmpi sgt, %jit3A, %sign3A_93 : i32
      %sign3A_95 = arith.extui %sign3A_94 : i1 to i32
      %sign3A_96 = arith.constant 0 : i32
      %sign3A_97 = arith.cmpi slt, %jit3A, %sign3A_96 : i32
      %sign3A_98 = arith.extui %sign3A_97 : i1 to i32
      %sign3A_99 = arith.subi %sign3A_95, %sign3A_98 : i32
      %ne3A = arith.cmpi ne, %sign3A_92, %sign3A_99 : i32
      %rem3A = arith.remsi %scan3A_86, %jit3A : i32
      %ne3A_100 = arith.constant 0 : i32
      %ne3A_101 = arith.cmpi ne, %rem3A, %ne3A_100 : i32
      %and3A = arith.andi %ne3A, %ne3A_101 : i1
      %sub3A = arith.constant 1 : i32
      %sub3A_102 = arith.subi %div3A, %sub3A : i32
      %select_n3A = arith.select %and3A, %sub3A_102, %div3A : i32
      %jit3A_103 = arith.constant 8 : i32
      %eq3A_104 = arith.constant 0 : i32
      %eq3A_105 = arith.cmpi eq, %jit3A_103, %eq3A_104 : i32
      %jit3A_106 = arith.constant 1 : i32
      %select_n3A_107 = arith.select %eq3A_105, %jit3A_106, %jit3A_103 : i32
      %rem3A_108 = arith.remsi %scan3A_86, %select_n3A_107 : i32
      %ne3A_109 = arith.constant 0 : i32
      %ne3A_110 = arith.cmpi ne, %rem3A_108, %ne3A_109 : i32
      %lt3A = arith.constant 0 : i32
      %lt3A_111 = arith.cmpi slt, %rem3A_108, %lt3A : i32
      %lt3A_112 = arith.constant 0 : i32
      %lt3A_113 = arith.cmpi slt, %select_n3A_107, %lt3A_112 : i32
      %ne3A_114 = arith.xori %lt3A_111, %lt3A_113 : i1
      %and3A_115 = arith.andi %ne3A_114, %ne3A_110 : i1
      %add3A_116 = arith.addi %rem3A_108, %select_n3A_107 : i32
      %select_n3A_117 = arith.select %and3A_115, %add3A_116, %rem3A_108 : i32
      %mul3A_118 = arith.constant 16 : i32
      %mul3A_119 = arith.muli %select_n3A_117, %mul3A_118 : i32
      %swap3A = arith.index_cast %select_n3A : i32 to index
      %swap3A_120 = arith.index_cast %mul3A_119 : i32 to index
      %swap3A_121 = tpu.vector_load %arg7[%swap3A, %swap3A_120] {strides = array<i32>} : memref<128x128xf32, #tpu.memory_space<vmem>>, vector<1x16xf32>,
      %swap3A_122 = vector.shape_cast %swap3A_121 : vector<1x16xf32> to vector<16xf32>
      %swap3A_123 = vector.shape_cast %broadcast_in_dim3A_1 : vector<16xf32> to vector<1x16xf32>
      tpu.vector_store %arg7[%swap3A, %swap3A_120], %swap3A_123 {strides = array<i32>} : memref<128x128xf32, #tpu.memory_space<vmem>>, vector<1x16xf32>,
      %scan3A_124 = arith.constant 1 : i32
      %scan3A_125 = arith.addi %scan3A_86, %scan3A_124 : i32
      %jit3A_126 = arith.constant 8 : i32
      %div3A_127 = arith.divsi %scan3A_125, %jit3A_126 : i32
      %sign3A_128 = arith.constant 0 : i32
      %sign3A_129 = arith.cmpi sgt, %scan3A_125, %sign3A_128 : i32
      %sign3A_130 = arith.extui %sign3A_129 : i1 to i32
      %sign3A_131 = arith.constant 0 : i32
      %sign3A_132 = arith.cmpi slt, %scan3A_125, %sign3A_131 : i32
      %sign3A_133 = arith.extui %sign3A_132 : i1 to i32
      %sign3A_134 = arith.subi %sign3A_130, %sign3A_133 : i32
      %sign3A_135 = arith.constant 0 : i32
      %sign3A_136 = arith.cmpi sgt, %jit3A_126, %sign3A_135 : i32
      %sign3A_137 = arith.extui %sign3A_136 : i1 to i32
      %sign3A_138 = arith.constant 0 : i32
      %sign3A_139 = arith.cmpi slt, %jit3A_126, %sign3A_138 : i32
      %sign3A_140 = arith.extui %sign3A_139 : i1 to i32
      %sign3A_141 = arith.subi %sign3A_137, %sign3A_140 : i32
      %ne3A_142 = arith.cmpi ne, %sign3A_134, %sign3A_141 : i32
      %rem3A_143 = arith.remsi %scan3A_125, %jit3A_126 : i32
      %ne3A_144 = arith.constant 0 : i32
      %ne3A_145 = arith.cmpi ne, %rem3A_143, %ne3A_144 : i32
      %and3A_146 = arith.andi %ne3A_142, %ne3A_145 : i1
      %sub3A_147 = arith.constant 1 : i32
      %sub3A_148 = arith.subi %div3A_127, %sub3A_147 : i32
      %select_n3A_149 = arith.select %and3A_146, %sub3A_148, %div3A_127 : i32
      %jit3A_150 = arith.constant 8 : i32
      %eq3A_151 = arith.constant 0 : i32
      %eq3A_152 = arith.cmpi eq, %jit3A_150, %eq3A_151 : i32
      %jit3A_153 = arith.constant 1 : i32
      %select_n3A_154 = arith.select %eq3A_152, %jit3A_153, %jit3A_150 : i32
      %rem3A_155 = arith.remsi %scan3A_125, %select_n3A_154 : i32
      %ne3A_156 = arith.constant 0 : i32
      %ne3A_157 = arith.cmpi ne, %rem3A_155, %ne3A_156 : i32
      %lt3A_158 = arith.constant 0 : i32
      %lt3A_159 = arith.cmpi slt, %rem3A_155, %lt3A_158 : i32
      %lt3A_160 = arith.constant 0 : i32
      %lt3A_161 = arith.cmpi slt, %select_n3A_154, %lt3A_160 : i32
      %ne3A_162 = arith.xori %lt3A_159, %lt3A_161 : i1
      %and3A_163 = arith.andi %ne3A_162, %ne3A_157 : i1
      %add3A_164 = arith.addi %rem3A_155, %select_n3A_154 : i32
      %select_n3A_165 = arith.select %and3A_163, %add3A_164, %rem3A_155 : i32
      %mul3A_166 = arith.constant 16 : i32
      %mul3A_167 = arith.muli %select_n3A_165, %mul3A_166 : i32
      %swap3A_168 = arith.index_cast %select_n3A_149 : i32 to index
      %swap3A_169 = arith.index_cast %mul3A_167 : i32 to index
      %swap3A_170 = tpu.vector_load %arg7[%swap3A_168, %swap3A_169] {strides = array<i32>} : memref<128x128xf32, #tpu.memory_space<vmem>>, vector<1x16xf32>,
      %swap3A_171 = vector.shape_cast %swap3A_170 : vector<1x16xf32> to vector<16xf32>
      %swap3A_172 = vector.shape_cast %broadcast_in_dim3A_1 : vector<16xf32> to vector<1x16xf32>
      tpu.vector_store %arg7[%swap3A_168, %swap3A_169], %swap3A_172 {strides = array<i32>} : memref<128x128xf32, #tpu.memory_space<vmem>>, vector<1x16xf32>,
      %scan3A_173 = arith.constant 2 : i32
      %scan3A_174 = arith.addi %scan3A_86, %scan3A_173 : i32
      %jit3A_175 = arith.constant 8 : i32
      %div3A_176 = arith.divsi %scan3A_174, %jit3A_175 : i32
      %sign3A_177 = arith.constant 0 : i32
      %sign3A_178 = arith.cmpi sgt, %scan3A_174, %sign3A_177 : i32
      %sign3A_179 = arith.extui %sign3A_178 : i1 to i32
      %sign3A_180 = arith.constant 0 : i32
      %sign3A_181 = arith.cmpi slt, %scan3A_174, %sign3A_180 : i32
      %sign3A_182 = arith.extui %sign3A_181 : i1 to i32
      %sign3A_183 = arith.subi %sign3A_179, %sign3A_182 : i32
      %sign3A_184 = arith.constant 0 : i32
      %sign3A_185 = arith.cmpi sgt, %jit3A_175, %sign3A_184 : i32
      %sign3A_186 = arith.extui %sign3A_185 : i1 to i32
      %sign3A_187 = arith.constant 0 : i32
      %sign3A_188 = arith.cmpi slt, %jit3A_175, %sign3A_187 : i32
      %sign3A_189 = arith.extui %sign3A_188 : i1 to i32
      %sign3A_190 = arith.subi %sign3A_186, %sign3A_189 : i32
      %ne3A_191 = arith.cmpi ne, %sign3A_183, %sign3A_190 : i32
      %rem3A_192 = arith.remsi %scan3A_174, %jit3A_175 : i32
      %ne3A_193 = arith.constant 0 : i32
      %ne3A_194 = arith.cmpi ne, %rem3A_192, %ne3A_193 : i32
      %and3A_195 = arith.andi %ne3A_191, %ne3A_194 : i1
      %sub3A_196 = arith.constant 1 : i32
      %sub3A_197 = arith.subi %div3A_176, %sub3A_196 : i32
      %select_n3A_198 = arith.select %and3A_195, %sub3A_197, %div3A_176 : i32
      %jit3A_199 = arith.constant 8 : i32
      %eq3A_200 = arith.constant 0 : i32
      %eq3A_201 = arith.cmpi eq, %jit3A_199, %eq3A_200 : i32
      %jit3A_202 = arith.constant 1 : i32
      %select_n3A_203 = arith.select %eq3A_201, %jit3A_202, %jit3A_199 : i32
      %rem3A_204 = arith.remsi %scan3A_174, %select_n3A_203 : i32
      %ne3A_205 = arith.constant 0 : i32
      %ne3A_206 = arith.cmpi ne, %rem3A_204, %ne3A_205 : i32
      %lt3A_207 = arith.constant 0 : i32
      %lt3A_208 = arith.cmpi slt, %rem3A_204, %lt3A_207 : i32
      %lt3A_209 = arith.constant 0 : i32
      %lt3A_210 = arith.cmpi slt, %select_n3A_203, %lt3A_209 : i32
      %ne3A_211 = arith.xori %lt3A_208, %lt3A_210 : i1
      %and3A_212 = arith.andi %ne3A_211, %ne3A_206 : i1
      %add3A_213 = arith.addi %rem3A_204, %select_n3A_203 : i32
      %select_n3A_214 = arith.select %and3A_212, %add3A_213, %rem3A_204 : i32
      %mul3A_215 = arith.constant 16 : i32
      %mul3A_216 = arith.muli %select_n3A_214, %mul3A_215 : i32
      %swap3A_217 = arith.index_cast %select_n3A_198 : i32 to index
      %swap3A_218 = arith.index_cast %mul3A_216 : i32 to index
      %swap3A_219 = tpu.vector_load %arg7[%swap3A_217, %swap3A_218] {strides = array<i32>} : memref<128x128xf32, #tpu.memory_space<vmem>>, vector<1x16xf32>,
      %swap3A_220 = vector.shape_cast %swap3A_219 : vector<1x16xf32> to vector<16xf32>
      %swap3A_221 = vector.shape_cast %broadcast_in_dim3A_1 : vector<16xf32> to vector<1x16xf32>
      tpu.vector_store %arg7[%swap3A_217, %swap3A_218], %swap3A_221 {strides = array<i32>} : memref<128x128xf32, #tpu.memory_space<vmem>>, vector<1x16xf32>,
      %scan3A_222 = arith.constant 3 : i32
      %scan3A_223 = arith.addi %scan3A_86, %scan3A_222 : i32
      %jit3A_224 = arith.constant 8 : i32
      %div3A_225 = arith.divsi %scan3A_223, %jit3A_224 : i32
      %sign3A_226 = arith.constant 0 : i32
      %sign3A_227 = arith.cmpi sgt, %scan3A_223, %sign3A_226 : i32
      %sign3A_228 = arith.extui %sign3A_227 : i1 to i32
      %sign3A_229 = arith.constant 0 : i32
      %sign3A_230 = arith.cmpi slt, %scan3A_223, %sign3A_229 : i32
      %sign3A_231 = arith.extui %sign3A_230 : i1 to i32
      %sign3A_232 = arith.subi %sign3A_228, %sign3A_231 : i32
      %sign3A_233 = arith.constant 0 : i32
      %sign3A_234 = arith.cmpi sgt, %jit3A_224, %sign3A_233 : i32
      %sign3A_235 = arith.extui %sign3A_234 : i1 to i32
      %sign3A_236 = arith.constant 0 : i32
      %sign3A_237 = arith.cmpi slt, %jit3A_224, %sign3A_236 : i32
      %sign3A_238 = arith.extui %sign3A_237 : i1 to i32
      %sign3A_239 = arith.subi %sign3A_235, %sign3A_238 : i32
      %ne3A_240 = arith.cmpi ne, %sign3A_232, %sign3A_239 : i32
      %rem3A_241 = arith.remsi %scan3A_223, %jit3A_224 : i32
      %ne3A_242 = arith.constant 0 : i32
      %ne3A_243 = arith.cmpi ne, %rem3A_241, %ne3A_242 : i32
      %and3A_244 = arith.andi %ne3A_240, %ne3A_243 : i1
      %sub3A_245 = arith.constant 1 : i32
      %sub3A_246 = arith.subi %div3A_225, %sub3A_245 : i32
      %select_n3A_247 = arith.select %and3A_244, %sub3A_246, %div3A_225 : i32
      %jit3A_248 = arith.constant 8 : i32
      %eq3A_249 = arith.constant 0 : i32
      %eq3A_250 = arith.cmpi eq, %jit3A_248, %eq3A_249 : i32
      %jit3A_251 = arith.constant 1 : i32
      %select_n3A_252 = arith.select %eq3A_250, %jit3A_251, %jit3A_248 : i32
      %rem3A_253 = arith.remsi %scan3A_223, %select_n3A_252 : i32
      %ne3A_254 = arith.constant 0 : i32
      %ne3A_255 = arith.cmpi ne, %rem3A_253, %ne3A_254 : i32
      %lt3A_256 = arith.constant 0 : i32
      %lt3A_257 = arith.cmpi slt, %rem3A_253, %lt3A_256 : i32
      %lt3A_258 = arith.constant 0 : i32
      %lt3A_259 = arith.cmpi slt, %select_n3A_252, %lt3A_258 : i32
      %ne3A_260 = arith.xori %lt3A_257, %lt3A_259 : i1
      %and3A_261 = arith.andi %ne3A_260, %ne3A_255 : i1
      %add3A_262 = arith.addi %rem3A_253, %select_n3A_252 : i32
      %select_n3A_263 = arith.select %and3A_261, %add3A_262, %rem3A_253 : i32
      %mul3A_264 = arith.constant 16 : i32
      %mul3A_265 = arith.muli %select_n3A_263, %mul3A_264 : i32
      %swap3A_266 = arith.index_cast %select_n3A_247 : i32 to index
      %swap3A_267 = arith.index_cast %mul3A_265 : i32 to index
      %swap3A_268 = tpu.vector_load %arg7[%swap3A_266, %swap3A_267] {strides = array<i32>} : memref<128x128xf32, #tpu.memory_space<vmem>>, vector<1x16xf32>,
      %swap3A_269 = vector.shape_cast %swap3A_268 : vector<1x16xf32> to vector<16xf32>
      %swap3A_270 = vector.shape_cast %broadcast_in_dim3A_1 : vector<16xf32> to vector<1x16xf32>
      tpu.vector_store %arg7[%swap3A_266, %swap3A_267], %swap3A_270 {strides = array<i32>} : memref<128x128xf32, #tpu.memory_space<vmem>>, vector<1x16xf32>,
      %scan3A_271 = arith.constant 4 : i32
      %scan3A_272 = arith.addi %scan3A_86, %scan3A_271 : i32
      %jit3A_273 = arith.constant 8 : i32
      %div3A_274 = arith.divsi %scan3A_272, %jit3A_273 : i32
      %sign3A_275 = arith.constant 0 : i32
      %sign3A_276 = arith.cmpi sgt, %scan3A_272, %sign3A_275 : i32
      %sign3A_277 = arith.extui %sign3A_276 : i1 to i32
      %sign3A_278 = arith.constant 0 : i32
      %sign3A_279 = arith.cmpi slt, %scan3A_272, %sign3A_278 : i32
      %sign3A_280 = arith.extui %sign3A_279 : i1 to i32
      %sign3A_281 = arith.subi %sign3A_277, %sign3A_280 : i32
      %sign3A_282 = arith.constant 0 : i32
      %sign3A_283 = arith.cmpi sgt, %jit3A_273, %sign3A_282 : i32
      %sign3A_284 = arith.extui %sign3A_283 : i1 to i32
      %sign3A_285 = arith.constant 0 : i32
      %sign3A_286 = arith.cmpi slt, %jit3A_273, %sign3A_285 : i32
      %sign3A_287 = arith.extui %sign3A_286 : i1 to i32
      %sign3A_288 = arith.subi %sign3A_284, %sign3A_287 : i32
      %ne3A_289 = arith.cmpi ne, %sign3A_281, %sign3A_288 : i32
      %rem3A_290 = arith.remsi %scan3A_272, %jit3A_273 : i32
      %ne3A_291 = arith.constant 0 : i32
      %ne3A_292 = arith.cmpi ne, %rem3A_290, %ne3A_291 : i32
      %and3A_293 = arith.andi %ne3A_289, %ne3A_292 : i1
      %sub3A_294 = arith.constant 1 : i32
      %sub3A_295 = arith.subi %div3A_274, %sub3A_294 : i32
      %select_n3A_296 = arith.select %and3A_293, %sub3A_295, %div3A_274 : i32
      %jit3A_297 = arith.constant 8 : i32
      %eq3A_298 = arith.constant 0 : i32
      %eq3A_299 = arith.cmpi eq, %jit3A_297, %eq3A_298 : i32
      %jit3A_300 = arith.constant 1 : i32
      %select_n3A_301 = arith.select %eq3A_299, %jit3A_300, %jit3A_297 : i32
      %rem3A_302 = arith.remsi %scan3A_272, %select_n3A_301 : i32
      %ne3A_303 = arith.constant 0 : i32
      %ne3A_304 = arith.cmpi ne, %rem3A_302, %ne3A_303 : i32
      %lt3A_305 = arith.constant 0 : i32
      %lt3A_306 = arith.cmpi slt, %rem3A_302, %lt3A_305 : i32
      %lt3A_307 = arith.constant 0 : i32
      %lt3A_308 = arith.cmpi slt, %select_n3A_301, %lt3A_307 : i32
      %ne3A_309 = arith.xori %lt3A_306, %lt3A_308 : i1
      %and3A_310 = arith.andi %ne3A_309, %ne3A_304 : i1
      %add3A_311 = arith.addi %rem3A_302, %select_n3A_301 : i32
      %select_n3A_312 = arith.select %and3A_310, %add3A_311, %rem3A_302 : i32
      %mul3A_313 = arith.constant 16 : i32
      %mul3A_314 = arith.muli %select_n3A_312, %mul3A_313 : i32
      %swap3A_315 = arith.index_cast %select_n3A_296 : i32 to index
      %swap3A_316 = arith.index_cast %mul3A_314 : i32 to index
      %swap3A_317 = tpu.vector_load %arg7[%swap3A_315, %swap3A_316] {strides = array<i32>} : memref<128x128xf32, #tpu.memory_space<vmem>>, vector<1x16xf32>,
      %swap3A_318 = vector.shape_cast %swap3A_317 : vector<1x16xf32> to vector<16xf32>
      %swap3A_319 = vector.shape_cast %broadcast_in_dim3A_1 : vector<16xf32> to vector<1x16xf32>
      tpu.vector_store %arg7[%swap3A_315, %swap3A_316], %swap3A_319 {strides = array<i32>} : memref<128x128xf32, #tpu.memory_space<vmem>>, vector<1x16xf32>,
      %scan3A_320 = arith.constant 5 : i32
      %scan3A_321 = arith.addi %scan3A_86, %scan3A_320 : i32
      %jit3A_322 = arith.constant 8 : i32
      %div3A_323 = arith.divsi %scan3A_321, %jit3A_322 : i32
      %sign3A_324 = arith.constant 0 : i32
      %sign3A_325 = arith.cmpi sgt, %scan3A_321, %sign3A_324 : i32
      %sign3A_326 = arith.extui %sign3A_325 : i1 to i32
      %sign3A_327 = arith.constant 0 : i32
      %sign3A_328 = arith.cmpi slt, %scan3A_321, %sign3A_327 : i32
      %sign3A_329 = arith.extui %sign3A_328 : i1 to i32
      %sign3A_330 = arith.subi %sign3A_326, %sign3A_329 : i32
      %sign3A_331 = arith.constant 0 : i32
      %sign3A_332 = arith.cmpi sgt, %jit3A_322, %sign3A_331 : i32
      %sign3A_333 = arith.extui %sign3A_332 : i1 to i32
      %sign3A_334 = arith.constant 0 : i32
      %sign3A_335 = arith.cmpi slt, %jit3A_322, %sign3A_334 : i32
      %sign3A_336 = arith.extui %sign3A_335 : i1 to i32
      %sign3A_337 = arith.subi %sign3A_333, %sign3A_336 : i32
      %ne3A_338 = arith.cmpi ne, %sign3A_330, %sign3A_337 : i32
      %rem3A_339 = arith.remsi %scan3A_321, %jit3A_322 : i32
      %ne3A_340 = arith.constant 0 : i32
      %ne3A_341 = arith.cmpi ne, %rem3A_339, %ne3A_340 : i32
      %and3A_342 = arith.andi %ne3A_338, %ne3A_341 : i1
      %sub3A_343 = arith.constant 1 : i32
      %sub3A_344 = arith.subi %div3A_323, %sub3A_343 : i32
      %select_n3A_345 = arith.select %and3A_342, %sub3A_344, %div3A_323 : i32
      %jit3A_346 = arith.constant 8 : i32
      %eq3A_347 = arith.constant 0 : i32
      %eq3A_348 = arith.cmpi eq, %jit3A_346, %eq3A_347 : i32
      %jit3A_349 = arith.constant 1 : i32
      %select_n3A_350 = arith.select %eq3A_348, %jit3A_349, %jit3A_346 : i32
      %rem3A_351 = arith.remsi %scan3A_321, %select_n3A_350 : i32
      %ne3A_352 = arith.constant 0 : i32
      %ne3A_353 = arith.cmpi ne, %rem3A_351, %ne3A_352 : i32
      %lt3A_354 = arith.constant 0 : i32
      %lt3A_355 = arith.cmpi slt, %rem3A_351, %lt3A_354 : i32
      %lt3A_356 = arith.constant 0 : i32
      %lt3A_357 = arith.cmpi slt, %select_n3A_350, %lt3A_356 : i32
      %ne3A_358 = arith.xori %lt3A_355, %lt3A_357 : i1
      %and3A_359 = arith.andi %ne3A_358, %ne3A_353 : i1
      %add3A_360 = arith.addi %rem3A_351, %select_n3A_350 : i32
      %select_n3A_361 = arith.select %and3A_359, %add3A_360, %rem3A_351 : i32
      %mul3A_362 = arith.constant 16 : i32
      %mul3A_363 = arith.muli %select_n3A_361, %mul3A_362 : i32
      %swap3A_364 = arith.index_cast %select_n3A_345 : i32 to index
      %swap3A_365 = arith.index_cast %mul3A_363 : i32 to index
      %swap3A_366 = tpu.vector_load %arg7[%swap3A_364, %swap3A_365] {strides = array<i32>} : memref<128x128xf32, #tpu.memory_space<vmem>>, vector<1x16xf32>,
      %swap3A_367 = vector.shape_cast %swap3A_366 : vector<1x16xf32> to vector<16xf32>
      %swap3A_368 = vector.shape_cast %broadcast_in_dim3A_1 : vector<16xf32> to vector<1x16xf32>
      tpu.vector_store %arg7[%swap3A_364, %swap3A_365], %swap3A_368 {strides = array<i32>} : memref<128x128xf32, #tpu.memory_space<vmem>>, vector<1x16xf32>,
      %scan3A_369 = arith.constant 6 : i32
      %scan3A_370 = arith.addi %scan3A_86, %scan3A_369 : i32
      %jit3A_371 = arith.constant 8 : i32
      %div3A_372 = arith.divsi %scan3A_370, %jit3A_371 : i32
      %sign3A_373 = arith.constant 0 : i32
      %sign3A_374 = arith.cmpi sgt, %scan3A_370, %sign3A_373 : i32
      %sign3A_375 = arith.extui %sign3A_374 : i1 to i32
      %sign3A_376 = arith.constant 0 : i32
      %sign3A_377 = arith.cmpi slt, %scan3A_370, %sign3A_376 : i32
      %sign3A_378 = arith.extui %sign3A_377 : i1 to i32
      %sign3A_379 = arith.subi %sign3A_375, %sign3A_378 : i32
      %sign3A_380 = arith.constant 0 : i32
      %sign3A_381 = arith.cmpi sgt, %jit3A_371, %sign3A_380 : i32
      %sign3A_382 = arith.extui %sign3A_381 : i1 to i32
      %sign3A_383 = arith.constant 0 : i32
      %sign3A_384 = arith.cmpi slt, %jit3A_371, %sign3A_383 : i32
      %sign3A_385 = arith.extui %sign3A_384 : i1 to i32
      %sign3A_386 = arith.subi %sign3A_382, %sign3A_385 : i32
      %ne3A_387 = arith.cmpi ne, %sign3A_379, %sign3A_386 : i32
      %rem3A_388 = arith.remsi %scan3A_370, %jit3A_371 : i32
      %ne3A_389 = arith.constant 0 : i32
      %ne3A_390 = arith.cmpi ne, %rem3A_388, %ne3A_389 : i32
      %and3A_391 = arith.andi %ne3A_387, %ne3A_390 : i1
      %sub3A_392 = arith.constant 1 : i32
      %sub3A_393 = arith.subi %div3A_372, %sub3A_392 : i32
      %select_n3A_394 = arith.select %and3A_391, %sub3A_393, %div3A_372 : i32
      %jit3A_395 = arith.constant 8 : i32
      %eq3A_396 = arith.constant 0 : i32
      %eq3A_397 = arith.cmpi eq, %jit3A_395, %eq3A_396 : i32
      %jit3A_398 = arith.constant 1 : i32
      %select_n3A_399 = arith.select %eq3A_397, %jit3A_398, %jit3A_395 : i32
      %rem3A_400 = arith.remsi %scan3A_370, %select_n3A_399 : i32
      %ne3A_401 = arith.constant 0 : i32
      %ne3A_402 = arith.cmpi ne, %rem3A_400, %ne3A_401 : i32
      %lt3A_403 = arith.constant 0 : i32
      %lt3A_404 = arith.cmpi slt, %rem3A_400, %lt3A_403 : i32
      %lt3A_405 = arith.constant 0 : i32
      %lt3A_406 = arith.cmpi slt, %select_n3A_399, %lt3A_405 : i32
      %ne3A_407 = arith.xori %lt3A_404, %lt3A_406 : i1
      %and3A_408 = arith.andi %ne3A_407, %ne3A_402 : i1
      %add3A_409 = arith.addi %rem3A_400, %select_n3A_399 : i32
      %select_n3A_410 = arith.select %and3A_408, %add3A_409, %rem3A_400 : i32
      %mul3A_411 = arith.constant 16 : i32
      %mul3A_412 = arith.muli %select_n3A_410, %mul3A_411 : i32
      %swap3A_413 = arith.index_cast %select_n3A_394 : i32 to index
      %swap3A_414 = arith.index_cast %mul3A_412 : i32 to index
      %swap3A_415 = tpu.vector_load %arg7[%swap3A_413, %swap3A_414] {strides = array<i32>} : memref<128x128xf32, #tpu.memory_space<vmem>>, vector<1x16xf32>,
      %swap3A_416 = vector.shape_cast %swap3A_415 : vector<1x16xf32> to vector<16xf32>
      %swap3A_417 = vector.shape_cast %broadcast_in_dim3A_1 : vector<16xf32> to vector<1x16xf32>
      tpu.vector_store %arg7[%swap3A_413, %swap3A_414], %swap3A_417 {strides = array<i32>} : memref<128x128xf32, #tpu.memory_space<vmem>>, vector<1x16xf32>,
      %scan3A_418 = arith.constant 7 : i32
      %scan3A_419 = arith.addi %scan3A_86, %scan3A_418 : i32
      %jit3A_420 = arith.constant 8 : i32
      %div3A_421 = arith.divsi %scan3A_419, %jit3A_420 : i32
      %sign3A_422 = arith.constant 0 : i32
      %sign3A_423 = arith.cmpi sgt, %scan3A_419, %sign3A_422 : i32
      %sign3A_424 = arith.extui %sign3A_423 : i1 to i32
      %sign3A_425 = arith.constant 0 : i32
      %sign3A_426 = arith.cmpi slt, %scan3A_419, %sign3A_425 : i32
      %sign3A_427 = arith.extui %sign3A_426 : i1 to i32
      %sign3A_428 = arith.subi %sign3A_424, %sign3A_427 : i32
      %sign3A_429 = arith.constant 0 : i32
      %sign3A_430 = arith.cmpi sgt, %jit3A_420, %sign3A_429 : i32
      %sign3A_431 = arith.extui %sign3A_430 : i1 to i32
      %sign3A_432 = arith.constant 0 : i32
      %sign3A_433 = arith.cmpi slt, %jit3A_420, %sign3A_432 : i32
      %sign3A_434 = arith.extui %sign3A_433 : i1 to i32
      %sign3A_435 = arith.subi %sign3A_431, %sign3A_434 : i32
      %ne3A_436 = arith.cmpi ne, %sign3A_428, %sign3A_435 : i32
      %rem3A_437 = arith.remsi %scan3A_419, %jit3A_420 : i32
      %ne3A_438 = arith.constant 0 : i32
      %ne3A_439 = arith.cmpi ne, %rem3A_437, %ne3A_438 : i32
      %and3A_440 = arith.andi %ne3A_436, %ne3A_439 : i1
      %sub3A_441 = arith.constant 1 : i32
      %sub3A_442 = arith.subi %div3A_421, %sub3A_441 : i32
      %select_n3A_443 = arith.select %and3A_440, %sub3A_442, %div3A_421 : i32
      %jit3A_444 = arith.constant 8 : i32
      %eq3A_445 = arith.constant 0 : i32
      %eq3A_446 = arith.cmpi eq, %jit3A_444, %eq3A_445 : i32
      %jit3A_447 = arith.constant 1 : i32
      %select_n3A_448 = arith.select %eq3A_446, %jit3A_447, %jit3A_444 : i32
      %rem3A_449 = arith.remsi %scan3A_419, %select_n3A_448 : i32
      %ne3A_450 = arith.constant 0 : i32
      %ne3A_451 = arith.cmpi ne, %rem3A_449, %ne3A_450 : i32
      %lt3A_452 = arith.constant 0 : i32
      %lt3A_453 = arith.cmpi slt, %rem3A_449, %lt3A_452 : i32
      %lt3A_454 = arith.constant 0 : i32
      %lt3A_455 = arith.cmpi slt, %select_n3A_448, %lt3A_454 : i32
      %ne3A_456 = arith.xori %lt3A_453, %lt3A_455 : i1
      %and3A_457 = arith.andi %ne3A_456, %ne3A_451 : i1
      %add3A_458 = arith.addi %rem3A_449, %select_n3A_448 : i32
      %select_n3A_459 = arith.select %and3A_457, %add3A_458, %rem3A_449 : i32
      %mul3A_460 = arith.constant 16 : i32
      %mul3A_461 = arith.muli %select_n3A_459, %mul3A_460 : i32
      %swap3A_462 = arith.index_cast %select_n3A_443 : i32 to index
      %swap3A_463 = arith.index_cast %mul3A_461 : i32 to index
      %swap3A_464 = tpu.vector_load %arg7[%swap3A_462, %swap3A_463] {strides = array<i32>} : memref<128x128xf32, #tpu.memory_space<vmem>>, vector<1x16xf32>,
      %swap3A_465 = vector.shape_cast %swap3A_464 : vector<1x16xf32> to vector<16xf32>
      %swap3A_466 = vector.shape_cast %broadcast_in_dim3A_1 : vector<16xf32> to vector<1x16xf32>
      tpu.vector_store %arg7[%swap3A_462, %swap3A_463], %swap3A_466 {strides = array<i32>} : memref<128x128xf32, #tpu.memory_space<vmem>>, vector<1x16xf32>,
    }
    %scan3A_6 = arith.constant 1024 : i32
    %mul3A_7 = arith.constant 624 : i32
    %mul3A_8 = arith.muli %arg1, %mul3A_7 : i32
    %multiple_of3A = tpu.assume_multiple %mul3A_8, 8 : i32
    %add3A_9 = arith.constant 0 : i32
    %add3A_10 = arith.addi %multiple_of3A, %add3A_9 : i32
    "tpu.region"() ({
      %run_scoped3A = tpu.sem_alloc : memref<!tpu.dma_semaphore, #tpu.memory_space<semaphore_mem>>
      %dma_start3A_86 = arith.constant 0 : i32
      %dma_start3A_87 = arith.constant 0 : i32
      %dma_start3A_88 = tpu.memref_slice %arg7[%dma_start3A_86, %dma_start3A_87] : memref<128x128xf32, #tpu.memory_space<vmem>> -> memref<128x128xf32, #tpu.memory_space<vmem>>
      %dma_start3A_89 = arith.constant 0 : i32
      %dma_start3A_90 = tpu.memref_slice %arg6[%add3A_10, %dma_start3A_89] : memref<10000x128xf32, #tpu.memory_space<vmem_shared>> -> memref<128x128xf32, #tpu.memory_space<vmem_shared>>
      %dma_start3A_91 = arith.constant 0 : i32
      %dma_start3A_92 = tpu.memref_slice %arg6[%add3A_10, %dma_start3A_91] : memref<10000x128xf32, #tpu.memory_space<vmem_shared>> -> memref<128x128xf32, #tpu.memory_space<vmem_shared>>
      %dma_start3A_93 = arith.constant 0 : i32
      %dma_start3A_94 = arith.constant 0 : i32
      %dma_start3A_95 = tpu.memref_slice %arg7[%dma_start3A_93, %dma_start3A_94] : memref<128x128xf32, #tpu.memory_space<vmem>> -> memref<128x128xf32, #tpu.memory_space<vmem>>
      tpu.enqueue_dma source(%dma_start3A_95 : memref<128x128xf32, #tpu.memory_space<vmem>>) target(%dma_start3A_92 : memref<128x128xf32, #tpu.memory_space<vmem_shared>>) target_semaphore(%run_scoped3A : memref<!tpu.dma_semaphore, #tpu.memory_space<semaphore_mem>>)
      %dma_wait3A_96 = arith.constant 0 : i32
      %dma_wait3A_97 = arith.constant 0 : i32
      %dma_wait3A_98 = tpu.memref_slice %arg7[%dma_wait3A_96, %dma_wait3A_97] : memref<128x128xf32, #tpu.memory_space<vmem>> -> memref<128x128xf32, #tpu.memory_space<vmem>>
      %dma_wait3A_99 = arith.constant 0 : i32
      %dma_wait3A_100 = tpu.memref_slice %arg6[%add3A_10, %dma_wait3A_99] : memref<10000x128xf32, #tpu.memory_space<vmem_shared>> -> memref<128x128xf32, #tpu.memory_space<vmem_shared>>
      %dma_wait3A_101 = arith.constant 0 : i32
      %dma_wait3A_102 = tpu.memref_slice %arg6[%add3A_10, %dma_wait3A_101] : memref<10000x128xf32, #tpu.memory_space<vmem_shared>> -> memref<128x128xf32, #tpu.memory_space<vmem_shared>>
      %dma_wait3A_103 = arith.constant 0 : i32
      %dma_wait3A_104 = arith.constant 0 : i32
      %dma_wait3A_105 = tpu.memref_slice %arg7[%dma_wait3A_103, %dma_wait3A_104] : memref<128x128xf32, #tpu.memory_space<vmem>> -> memref<128x128xf32, #tpu.memory_space<vmem>>
      tpu.wait_dma2 semaphore(%run_scoped3A : memref<!tpu.dma_semaphore, #tpu.memory_space<semaphore_mem>>) src(%dma_wait3A_105 : memref<128x128xf32, #tpu.memory_space<vmem>>) dst(%dma_wait3A_102 : memref<128x128xf32, #tpu.memory_space<vmem_shared>>)
      tpu.yield
    }) : () -> ()
    %add3A_11 = arith.constant 128 : i32
    %add3A_12 = arith.addi %multiple_of3A, %add3A_11 : i32
    "tpu.region"() ({
      %run_scoped3A = tpu.sem_alloc : memref<!tpu.dma_semaphore, #tpu.memory_space<semaphore_mem>>
      %dma_start3A_86 = arith.constant 0 : i32
      %dma_start3A_87 = arith.constant 0 : i32
      %dma_start3A_88 = tpu.memref_slice %arg7[%dma_start3A_86, %dma_start3A_87] : memref<128x128xf32, #tpu.memory_space<vmem>> -> memref<128x128xf32, #tpu.memory_space<vmem>>
      %dma_start3A_89 = arith.constant 0 : i32
      %dma_start3A_90 = tpu.memref_slice %arg6[%add3A_12, %dma_start3A_89] : memref<10000x128xf32, #tpu.memory_space<vmem_shared>> -> memref<128x128xf32, #tpu.memory_space<vmem_shared>>
      %dma_start3A_91 = arith.constant 0 : i32
      %dma_start3A_92 = tpu.memref_slice %arg6[%add3A_12, %dma_start3A_91] : memref<10000x128xf32, #tpu.memory_space<vmem_shared>> -> memref<128x128xf32, #tpu.memory_space<vmem_shared>>
      %dma_start3A_93 = arith.constant 0 : i32
      %dma_start3A_94 = arith.constant 0 : i32
      %dma_start3A_95 = tpu.memref_slice %arg7[%dma_start3A_93, %dma_start3A_94] : memref<128x128xf32, #tpu.memory_space<vmem>> -> memref<128x128xf32, #tpu.memory_space<vmem>>
      tpu.enqueue_dma source(%dma_start3A_95 : memref<128x128xf32, #tpu.memory_space<vmem>>) target(%dma_start3A_92 : memref<128x128xf32, #tpu.memory_space<vmem_shared>>) target_semaphore(%run_scoped3A : memref<!tpu.dma_semaphore, #tpu.memory_space<semaphore_mem>>)
      %dma_wait3A_96 = arith.constant 0 : i32
      %dma_wait3A_97 = arith.constant 0 : i32
      %dma_wait3A_98 = tpu.memref_slice %arg7[%dma_wait3A_96, %dma_wait3A_97] : memref<128x128xf32, #tpu.memory_space<vmem>> -> memref<128x128xf32, #tpu.memory_space<vmem>>
      %dma_wait3A_99 = arith.constant 0 : i32
      %dma_wait3A_100 = tpu.memref_slice %arg6[%add3A_12, %dma_wait3A_99] : memref<10000x128xf32, #tpu.memory_space<vmem_shared>> -> memref<128x128xf32, #tpu.memory_space<vmem_shared>>
      %dma_wait3A_101 = arith.constant 0 : i32
      %dma_wait3A_102 = tpu.memref_slice %arg6[%add3A_12, %dma_wait3A_101] : memref<10000x128xf32, #tpu.memory_space<vmem_shared>> -> memref<128x128xf32, #tpu.memory_space<vmem_shared>>
      %dma_wait3A_103 = arith.constant 0 : i32
      %dma_wait3A_104 = arith.constant 0 : i32
      %dma_wait3A_105 = tpu.memref_slice %arg7[%dma_wait3A_103, %dma_wait3A_104] : memref<128x128xf32, #tpu.memory_space<vmem>> -> memref<128x128xf32, #tpu.memory_space<vmem>>
      tpu.wait_dma2 semaphore(%run_scoped3A : memref<!tpu.dma_semaphore, #tpu.memory_space<semaphore_mem>>) src(%dma_wait3A_105 : memref<128x128xf32, #tpu.memory_space<vmem>>) dst(%dma_wait3A_102 : memref<128x128xf32, #tpu.memory_space<vmem_shared>>)
      tpu.yield
    }) : () -> ()
    %add3A_13 = arith.constant 256 : i32
    %add3A_14 = arith.addi %multiple_of3A, %add3A_13 : i32
    "tpu.region"() ({
      %run_scoped3A = tpu.sem_alloc : memref<!tpu.dma_semaphore, #tpu.memory_space<semaphore_mem>>
      %dma_start3A_86 = arith.constant 0 : i32
      %dma_start3A_87 = arith.constant 0 : i32
      %dma_start3A_88 = tpu.memref_slice %arg7[%dma_start3A_86, %dma_start3A_87] : memref<128x128xf32, #tpu.memory_space<vmem>> -> memref<128x128xf32, #tpu.memory_space<vmem>>
      %dma_start3A_89 = arith.constant 0 : i32
      %dma_start3A_90 = tpu.memref_slice %arg6[%add3A_14, %dma_start3A_89] : memref<10000x128xf32, #tpu.memory_space<vmem_shared>> -> memref<128x128xf32, #tpu.memory_space<vmem_shared>>
      %dma_start3A_91 = arith.constant 0 : i32
      %dma_start3A_92 = tpu.memref_slice %arg6[%add3A_14, %dma_start3A_91] : memref<10000x128xf32, #tpu.memory_space<vmem_shared>> -> memref<128x128xf32, #tpu.memory_space<vmem_shared>>
      %dma_start3A_93 = arith.constant 0 : i32
      %dma_start3A_94 = arith.constant 0 : i32
      %dma_start3A_95 = tpu.memref_slice %arg7[%dma_start3A_93, %dma_start3A_94] : memref<128x128xf32, #tpu.memory_space<vmem>> -> memref<128x128xf32, #tpu.memory_space<vmem>>
      tpu.enqueue_dma source(%dma_start3A_95 : memref<128x128xf32, #tpu.memory_space<vmem>>) target(%dma_start3A_92 : memref<128x128xf32, #tpu.memory_space<vmem_shared>>) target_semaphore(%run_scoped3A : memref<!tpu.dma_semaphore, #tpu.memory_space<semaphore_mem>>)
      %dma_wait3A_96 = arith.constant 0 : i32
      %dma_wait3A_97 = arith.constant 0 : i32
      %dma_wait3A_98 = tpu.memref_slice %arg7[%dma_wait3A_96, %dma_wait3A_97] : memref<128x128xf32, #tpu.memory_space<vmem>> -> memref<128x128xf32, #tpu.memory_space<vmem>>
      %dma_wait3A_99 = arith.constant 0 : i32
      %dma_wait3A_100 = tpu.memref_slice %arg6[%add3A_14, %dma_wait3A_99] : memref<10000x128xf32, #tpu.memory_space<vmem_shared>> -> memref<128x128xf32, #tpu.memory_space<vmem_shared>>
      %dma_wait3A_101 = arith.constant 0 : i32
      %dma_wait3A_102 = tpu.memref_slice %arg6[%add3A_14, %dma_wait3A_101] : memref<10000x128xf32, #tpu.memory_space<vmem_shared>> -> memref<128x128xf32, #tpu.memory_space<vmem_shared>>
      %dma_wait3A_103 = arith.constant 0 : i32
      %dma_wait3A_104 = arith.constant 0 : i32
      %dma_wait3A_105 = tpu.memref_slice %arg7[%dma_wait3A_103, %dma_wait3A_104] : memref<128x128xf32, #tpu.memory_space<vmem>> -> memref<128x128xf32, #tpu.memory_space<vmem>>
      tpu.wait_dma2 semaphore(%run_scoped3A : memref<!tpu.dma_semaphore, #tpu.memory_space<semaphore_mem>>) src(%dma_wait3A_105 : memref<128x128xf32, #tpu.memory_space<vmem>>) dst(%dma_wait3A_102 : memref<128x128xf32, #tpu.memory_space<vmem_shared>>)
      tpu.yield
    }) : () -> ()
    %add3A_15 = arith.constant 384 : i32
    %add3A_16 = arith.addi %multiple_of3A, %add3A_15 : i32
    "tpu.region"() ({
      %run_scoped3A = tpu.sem_alloc : memref<!tpu.dma_semaphore, #tpu.memory_space<semaphore_mem>>
      %dma_start3A_86 = arith.constant 0 : i32
      %dma_start3A_87 = arith.constant 0 : i32
      %dma_start3A_88 = tpu.memref_slice %arg7[%dma_start3A_86, %dma_start3A_87] : memref<128x128xf32, #tpu.memory_space<vmem>> -> memref<128x128xf32, #tpu.memory_space<vmem>>
      %dma_start3A_89 = arith.constant 0 : i32
      %dma_start3A_90 = tpu.memref_slice %arg6[%add3A_16, %dma_start3A_89] : memref<10000x128xf32, #tpu.memory_space<vmem_shared>> -> memref<128x128xf32, #tpu.memory_space<vmem_shared>>
      %dma_start3A_91 = arith.constant 0 : i32
      %dma_start3A_92 = tpu.memref_slice %arg6[%add3A_16, %dma_start3A_91] : memref<10000x128xf32, #tpu.memory_space<vmem_shared>> -> memref<128x128xf32, #tpu.memory_space<vmem_shared>>
      %dma_start3A_93 = arith.constant 0 : i32
      %dma_start3A_94 = arith.constant 0 : i32
      %dma_start3A_95 = tpu.memref_slice %arg7[%dma_start3A_93, %dma_start3A_94] : memref<128x128xf32, #tpu.memory_space<vmem>> -> memref<128x128xf32, #tpu.memory_space<vmem>>
      tpu.enqueue_dma source(%dma_start3A_95 : memref<128x128xf32, #tpu.memory_space<vmem>>) target(%dma_start3A_92 : memref<128x128xf32, #tpu.memory_space<vmem_shared>>) target_semaphore(%run_scoped3A : memref<!tpu.dma_semaphore, #tpu.memory_space<semaphore_mem>>)
      %dma_wait3A_96 = arith.constant 0 : i32
      %dma_wait3A_97 = arith.constant 0 : i32
      %dma_wait3A_98 = tpu.memref_slice %arg7[%dma_wait3A_96, %dma_wait3A_97] : memref<128x128xf32, #tpu.memory_space<vmem>> -> memref<128x128xf32, #tpu.memory_space<vmem>>
      %dma_wait3A_99 = arith.constant 0 : i32
      %dma_wait3A_100 = tpu.memref_slice %arg6[%add3A_16, %dma_wait3A_99] : memref<10000x128xf32, #tpu.memory_space<vmem_shared>> -> memref<128x128xf32, #tpu.memory_space<vmem_shared>>
      %dma_wait3A_101 = arith.constant 0 : i32
      %dma_wait3A_102 = tpu.memref_slice %arg6[%add3A_16, %dma_wait3A_101] : memref<10000x128xf32, #tpu.memory_space<vmem_shared>> -> memref<128x128xf32, #tpu.memory_space<vmem_shared>>
      %dma_wait3A_103 = arith.constant 0 : i32
      %dma_wait3A_104 = arith.constant 0 : i32
      %dma_wait3A_105 = tpu.memref_slice %arg7[%dma_wait3A_103, %dma_wait3A_104] : memref<128x128xf32, #tpu.memory_space<vmem>> -> memref<128x128xf32, #tpu.memory_space<vmem>>
      tpu.wait_dma2 semaphore(%run_scoped3A : memref<!tpu.dma_semaphore, #tpu.memory_space<semaphore_mem>>) src(%dma_wait3A_105 : memref<128x128xf32, #tpu.memory_space<vmem>>) dst(%dma_wait3A_102 : memref<128x128xf32, #tpu.memory_space<vmem_shared>>)
      tpu.yield
    }) : () -> ()
    %add3A_17 = arith.constant 512 : i32
    %add3A_18 = arith.addi %multiple_of3A, %add3A_17 : i32
    "tpu.region"() ({
      %run_scoped3A = tpu.sem_alloc : memref<!tpu.dma_semaphore, #tpu.memory_space<semaphore_mem>>
      %dma_start3A_86 = arith.constant 0 : i32
      %dma_start3A_87 = arith.constant 0 : i32
      %dma_start3A_88 = tpu.memref_slice %arg7[%dma_start3A_86, %dma_start3A_87] : memref<128x128xf32, #tpu.memory_space<vmem>> -> memref<112x128xf32, #tpu.memory_space<vmem>>
      %dma_start3A_89 = arith.constant 0 : i32
      %dma_start3A_90 = tpu.memref_slice %arg6[%add3A_18, %dma_start3A_89] : memref<10000x128xf32, #tpu.memory_space<vmem_shared>> -> memref<112x128xf32, #tpu.memory_space<vmem_shared>>
      %dma_start3A_91 = arith.constant 0 : i32
      %dma_start3A_92 = tpu.memref_slice %arg6[%add3A_18, %dma_start3A_91] : memref<10000x128xf32, #tpu.memory_space<vmem_shared>> -> memref<112x128xf32, #tpu.memory_space<vmem_shared>>
      %dma_start3A_93 = arith.constant 0 : i32
      %dma_start3A_94 = arith.constant 0 : i32
      %dma_start3A_95 = tpu.memref_slice %arg7[%dma_start3A_93, %dma_start3A_94] : memref<128x128xf32, #tpu.memory_space<vmem>> -> memref<112x128xf32, #tpu.memory_space<vmem>>
      tpu.enqueue_dma source(%dma_start3A_95 : memref<112x128xf32, #tpu.memory_space<vmem>>) target(%dma_start3A_92 : memref<112x128xf32, #tpu.memory_space<vmem_shared>>) target_semaphore(%run_scoped3A : memref<!tpu.dma_semaphore, #tpu.memory_space<semaphore_mem>>)
      %dma_wait3A_96 = arith.constant 0 : i32
      %dma_wait3A_97 = arith.constant 0 : i32
      %dma_wait3A_98 = tpu.memref_slice %arg7[%dma_wait3A_96, %dma_wait3A_97] : memref<128x128xf32, #tpu.memory_space<vmem>> -> memref<112x128xf32, #tpu.memory_space<vmem>>
      %dma_wait3A_99 = arith.constant 0 : i32
      %dma_wait3A_100 = tpu.memref_slice %arg6[%add3A_18, %dma_wait3A_99] : memref<10000x128xf32, #tpu.memory_space<vmem_shared>> -> memref<112x128xf32, #tpu.memory_space<vmem_shared>>
      %dma_wait3A_101 = arith.constant 0 : i32
      %dma_wait3A_102 = tpu.memref_slice %arg6[%add3A_18, %dma_wait3A_101] : memref<10000x128xf32, #tpu.memory_space<vmem_shared>> -> memref<112x128xf32, #tpu.memory_space<vmem_shared>>
      %dma_wait3A_103 = arith.constant 0 : i32
      %dma_wait3A_104 = arith.constant 0 : i32
      %dma_wait3A_105 = tpu.memref_slice %arg7[%dma_wait3A_103, %dma_wait3A_104] : memref<128x128xf32, #tpu.memory_space<vmem>> -> memref<112x128xf32, #tpu.memory_space<vmem>>
      tpu.wait_dma2 semaphore(%run_scoped3A : memref<!tpu.dma_semaphore, #tpu.memory_space<semaphore_mem>>) src(%dma_wait3A_105 : memref<112x128xf32, #tpu.memory_space<vmem>>) dst(%dma_wait3A_102 : memref<112x128xf32, #tpu.memory_space<vmem_shared>>)
      tpu.yield
    }) : () -> ()
    %eq3A = arith.constant 15 : i32
    %eq3A_19 = arith.cmpi eq, %arg1, %eq3A : i32
    %convert_element_type3A = arith.extui %eq3A_19 : i1 to i32
    %cond3A = arith.constant 0 : i32
    %cond3A_20 = arith.cmpi ne, %convert_element_type3A, %cond3A : i32
    scf.if %cond3A_20 {
      "tpu.region"() ({
        %run_scoped3A = tpu.sem_alloc : memref<!tpu.dma_semaphore, #tpu.memory_space<semaphore_mem>>
        %dma_start3A_86 = arith.constant 0 : i32
        %dma_start3A_87 = arith.constant 0 : i32
        %dma_start3A_88 = tpu.memref_slice %arg7[%dma_start3A_86, %dma_start3A_87] : memref<128x128xf32, #tpu.memory_space<vmem>> -> memref<16x128xf32, #tpu.memory_space<vmem>>
        %dma_start3A_89 = arith.constant 9984 : i32
        %dma_start3A_90 = arith.constant 0 : i32
        %dma_start3A_91 = tpu.memref_slice %arg6[%dma_start3A_89, %dma_start3A_90] : memref<10000x128xf32, #tpu.memory_space<vmem_shared>> -> memref<16x128xf32, #tpu.memory_space<vmem_shared>>
        %dma_start3A_92 = arith.constant 9984 : i32
        %dma_start3A_93 = arith.constant 0 : i32
        %dma_start3A_94 = tpu.memref_slice %arg6[%dma_start3A_92, %dma_start3A_93] : memref<10000x128xf32, #tpu.memory_space<vmem_shared>> -> memref<16x128xf32, #tpu.memory_space<vmem_shared>>
        %dma_start3A_95 = arith.constant 0 : i32
        %dma_start3A_96 = arith.constant 0 : i32
        %dma_start3A_97 = tpu.memref_slice %arg7[%dma_start3A_95, %dma_start3A_96] : memref<128x128xf32, #tpu.memory_space<vmem>> -> memref<16x128xf32, #tpu.memory_space<vmem>>
        tpu.enqueue_dma source(%dma_start3A_97 : memref<16x128xf32, #tpu.memory_space<vmem>>) target(%dma_start3A_94 : memref<16x128xf32, #tpu.memory_space<vmem_shared>>) target_semaphore(%run_scoped3A : memref<!tpu.dma_semaphore, #tpu.memory_space<semaphore_mem>>)
        %dma_wait3A_98 = arith.constant 0 : i32
        %dma_wait3A_99 = arith.constant 0 : i32
        %dma_wait3A_100 = tpu.memref_slice %arg7[%dma_wait3A_98, %dma_wait3A_99] : memref<128x128xf32, #tpu.memory_space<vmem>> -> memref<16x128xf32, #tpu.memory_space<vmem>>
        %dma_wait3A_101 = arith.constant 9984 : i32
        %dma_wait3A_102 = arith.constant 0 : i32
        %dma_wait3A_103 = tpu.memref_slice %arg6[%dma_wait3A_101, %dma_wait3A_102] : memref<10000x128xf32, #tpu.memory_space<vmem_shared>> -> memref<16x128xf32, #tpu.memory_space<vmem_shared>>
        %dma_wait3A_104 = arith.constant 9984 : i32
        %dma_wait3A_105 = arith.constant 0 : i32
        %dma_wait3A_106 = tpu.memref_slice %arg6[%dma_wait3A_104, %dma_wait3A_105] : memref<10000x128xf32, #tpu.memory_space<vmem_shared>> -> memref<16x128xf32, #tpu.memory_space<vmem_shared>>
        %dma_wait3A_107 = arith.constant 0 : i32
        %dma_wait3A_108 = arith.constant 0 : i32
        %dma_wait3A_109 = tpu.memref_slice %arg7[%dma_wait3A_107, %dma_wait3A_108] : memref<128x128xf32, #tpu.memory_space<vmem>> -> memref<16x128xf32, #tpu.memory_space<vmem>>
        tpu.wait_dma2 semaphore(%run_scoped3A : memref<!tpu.dma_semaphore, #tpu.memory_space<semaphore_mem>>) src(%dma_wait3A_109 : memref<16x128xf32, #tpu.memory_space<vmem>>) dst(%dma_wait3A_106 : memref<16x128xf32, #tpu.memory_space<vmem_shared>>)
        tpu.yield
      }) : () -> ()
    } else {
    }
    %barrier3A = arith.constant 0 : index
    tpu.barrier barrier_id(%barrier3A)
    %mul3A_21 = arith.constant 10000 : i32
    %mul3A_22 = arith.muli %add3A, %mul3A_21 : i32
    %add3A_23 = arith.constant 0 : i32
    %add3A_24 = arith.addi %mul3A_22, %add3A_23 : i32
    %multiple_of3A_25 = tpu.assume_multiple %add3A_24, 8 : i32
    "tpu.region"() ({
      %run_scoped3A = tpu.sem_alloc : memref<!tpu.dma_semaphore, #tpu.memory_space<semaphore_mem>>
      %dma_start3A_86 = tpu.memref_slice %arg3[%multiple_of3A_25] : memref<320000xi32, #tpu.memory_space<hbm>> -> memref<128xi32, #tpu.memory_space<hbm>>
      %dma_start3A_87 = tpu.memref_slice %arg3[%multiple_of3A_25] : memref<320000xi32, #tpu.memory_space<hbm>> -> memref<128xi32, #tpu.memory_space<hbm>>
      tpu.enqueue_dma source(%dma_start3A_87 : memref<128xi32, #tpu.memory_space<hbm>>) target(%arg9 : memref<128xi32, #tpu.memory_space<vmem>>) target_semaphore(%run_scoped3A : memref<!tpu.dma_semaphore, #tpu.memory_space<semaphore_mem>>)
      %dma_wait3A_88 = tpu.memref_slice %arg3[%multiple_of3A_25] : memref<320000xi32, #tpu.memory_space<hbm>> -> memref<128xi32, #tpu.memory_space<hbm>>
      %dma_wait3A_89 = tpu.memref_slice %arg3[%multiple_of3A_25] : memref<320000xi32, #tpu.memory_space<hbm>> -> memref<128xi32, #tpu.memory_space<hbm>>
      tpu.wait_dma2 semaphore(%run_scoped3A : memref<!tpu.dma_semaphore, #tpu.memory_space<semaphore_mem>>) src(%dma_wait3A_89 : memref<128xi32, #tpu.memory_space<hbm>>) dst(%arg9 : memref<128xi32, #tpu.memory_space<vmem>>)
      tpu.yield
    }) : () -> ()
    "tpu.region"() ({
      %run_scoped3A = tpu.sem_alloc : memref<!tpu.dma_semaphore, #tpu.memory_space<semaphore_mem>>
      %dma_start3A_86 = tpu.memref_slice %arg4[%multiple_of3A_25] : memref<320000xi32, #tpu.memory_space<hbm>> -> memref<128xi32, #tpu.memory_space<hbm>>
      %dma_start3A_87 = tpu.memref_slice %arg4[%multiple_of3A_25] : memref<320000xi32, #tpu.memory_space<hbm>> -> memref<128xi32, #tpu.memory_space<hbm>>
      tpu.enqueue_dma source(%dma_start3A_87 : memref<128xi32, #tpu.memory_space<hbm>>) target(%arg11 : memref<128xi32, #tpu.memory_space<vmem>>) target_semaphore(%run_scoped3A : memref<!tpu.dma_semaphore, #tpu.memory_space<semaphore_mem>>)
      %dma_wait3A_88 = tpu.memref_slice %arg4[%multiple_of3A_25] : memref<320000xi32, #tpu.memory_space<hbm>> -> memref<128xi32, #tpu.memory_space<hbm>>
      %dma_wait3A_89 = tpu.memref_slice %arg4[%multiple_of3A_25] : memref<320000xi32, #tpu.memory_space<hbm>> -> memref<128xi32, #tpu.memory_space<hbm>>
      tpu.wait_dma2 semaphore(%run_scoped3A : memref<!tpu.dma_semaphore, #tpu.memory_space<semaphore_mem>>) src(%dma_wait3A_89 : memref<128xi32, #tpu.memory_space<hbm>>) dst(%arg11 : memref<128xi32, #tpu.memory_space<vmem>>)
      tpu.yield
    }) : () -> ()
    %dma_start3A = arith.constant 0 : i32
    %dma_start3A_26 = arith.constant 0 : i32
    %dma_start3A_27 = tpu.memref_slice %arg2[%dma_start3A, %dma_start3A_26] : memref<10000x128xf32, #tpu.memory_space<hbm>> -> memref<10000x128xf32, #tpu.memory_space<hbm>>
    tpu.enqueue_indirect_dma source(%dma_start3A_27 : memref<10000x128xf32, #tpu.memory_space<hbm>>) target(%arg7 : memref<128x128xf32, #tpu.memory_space<vmem>>) offsets(%arg9 : memref<128xi32, #tpu.memory_space<vmem>>) semaphore(%arg16 : memref<!tpu.dma_semaphore, #tpu.memory_space<semaphore_mem>>)
    %scan3A_28 = arith.constant 0 : i32
    %scan3A_29 = arith.constant 0 : i32
    %scan3A_30 = arith.constant 38 : i32
    %scan3A_31 = arith.addi %scan3A_29, %scan3A_30 : i32
    %scan3A_32 = arith.constant 1 : i32
    scf.for %scan3A_86 = %scan3A_29 to %scan3A_31 step %scan3A_32  : i32 {
      %mul3A_87 = arith.constant 2 : i32
      %mul3A_88 = arith.muli %scan3A_86, %mul3A_87 : i32
      %add3A_89 = arith.constant 1 : i32
      %add3A_90 = arith.addi %mul3A_88, %add3A_89 : i32
      %mul3A_91 = arith.constant 128 : i32
      %mul3A_92 = arith.muli %add3A_90, %mul3A_91 : i32
      %add3A_93 = arith.addi %mul3A_22, %mul3A_92 : i32
      %multiple_of3A_94 = tpu.assume_multiple %add3A_93, 8 : i32
      "tpu.region"() ({
        %run_scoped3A = tpu.sem_alloc : memref<!tpu.dma_semaphore, #tpu.memory_space<semaphore_mem>>
        %dma_start3A_113 = tpu.memref_slice %arg3[%multiple_of3A_94] : memref<320000xi32, #tpu.memory_space<hbm>> -> memref<128xi32, #tpu.memory_space<hbm>>
        %dma_start3A_114 = tpu.memref_slice %arg3[%multiple_of3A_94] : memref<320000xi32, #tpu.memory_space<hbm>> -> memref<128xi32, #tpu.memory_space<hbm>>
        tpu.enqueue_dma source(%dma_start3A_114 : memref<128xi32, #tpu.memory_space<hbm>>) target(%arg10 : memref<128xi32, #tpu.memory_space<vmem>>) target_semaphore(%run_scoped3A : memref<!tpu.dma_semaphore, #tpu.memory_space<semaphore_mem>>)
        %dma_wait3A_115 = tpu.memref_slice %arg3[%multiple_of3A_94] : memref<320000xi32, #tpu.memory_space<hbm>> -> memref<128xi32, #tpu.memory_space<hbm>>
        %dma_wait3A_116 = tpu.memref_slice %arg3[%multiple_of3A_94] : memref<320000xi32, #tpu.memory_space<hbm>> -> memref<128xi32, #tpu.memory_space<hbm>>
        tpu.wait_dma2 semaphore(%run_scoped3A : memref<!tpu.dma_semaphore, #tpu.memory_space<semaphore_mem>>) src(%dma_wait3A_116 : memref<128xi32, #tpu.memory_space<hbm>>) dst(%arg10 : memref<128xi32, #tpu.memory_space<vmem>>)
        tpu.yield
      }) : () -> ()
      "tpu.region"() ({
        %run_scoped3A = tpu.sem_alloc : memref<!tpu.dma_semaphore, #tpu.memory_space<semaphore_mem>>
        %dma_start3A_113 = tpu.memref_slice %arg4[%multiple_of3A_94] : memref<320000xi32, #tpu.memory_space<hbm>> -> memref<128xi32, #tpu.memory_space<hbm>>
        %dma_start3A_114 = tpu.memref_slice %arg4[%multiple_of3A_94] : memref<320000xi32, #tpu.memory_space<hbm>> -> memref<128xi32, #tpu.memory_space<hbm>>
        tpu.enqueue_dma source(%dma_start3A_114 : memref<128xi32, #tpu.memory_space<hbm>>) target(%arg12 : memref<128xi32, #tpu.memory_space<vmem>>) target_semaphore(%run_scoped3A : memref<!tpu.dma_semaphore, #tpu.memory_space<semaphore_mem>>)
        %dma_wait3A_115 = tpu.memref_slice %arg4[%multiple_of3A_94] : memref<320000xi32, #tpu.memory_space<hbm>> -> memref<128xi32, #tpu.memory_space<hbm>>
        %dma_wait3A_116 = tpu.memref_slice %arg4[%multiple_of3A_94] : memref<320000xi32, #tpu.memory_space<hbm>> -> memref<128xi32, #tpu.memory_space<hbm>>
        tpu.wait_dma2 semaphore(%run_scoped3A : memref<!tpu.dma_semaphore, #tpu.memory_space<semaphore_mem>>) src(%dma_wait3A_116 : memref<128xi32, #tpu.memory_space<hbm>>) dst(%arg12 : memref<128xi32, #tpu.memory_space<vmem>>)
        tpu.yield
      }) : () -> ()
      %dma_start3A_95 = arith.constant 0 : i32
      %dma_start3A_96 = arith.constant 0 : i32
      %dma_start3A_97 = tpu.memref_slice %arg2[%dma_start3A_95, %dma_start3A_96] : memref<10000x128xf32, #tpu.memory_space<hbm>> -> memref<10000x128xf32, #tpu.memory_space<hbm>>
      tpu.enqueue_indirect_dma source(%dma_start3A_97 : memref<10000x128xf32, #tpu.memory_space<hbm>>) target(%arg8 : memref<128x128xf32, #tpu.memory_space<vmem>>) offsets(%arg10 : memref<128xi32, #tpu.memory_space<vmem>>) semaphore(%arg17 : memref<!tpu.dma_semaphore, #tpu.memory_space<semaphore_mem>>)
      %dma_wait3A_98 = arith.constant 0 : i32
      %dma_wait3A_99 = arith.constant 0 : i32
      %dma_wait3A_100 = tpu.memref_slice %arg2[%dma_wait3A_98, %dma_wait3A_99] : memref<10000x128xf32, #tpu.memory_space<hbm>> -> memref<10000x128xf32, #tpu.memory_space<hbm>>
      tpu.wait_indirect_dma semaphore(%arg16 : memref<!tpu.dma_semaphore, #tpu.memory_space<semaphore_mem>>) src(%dma_wait3A_100 : memref<10000x128xf32, #tpu.memory_space<hbm>>) dst(%arg7 : memref<128x128xf32, #tpu.memory_space<vmem>>)
      "tpu.region"() ({
        %run_scoped3A = tpu.sem_alloc : memref<!tpu.dma_semaphore, #tpu.memory_space<semaphore_mem>>
        %dma_start3A_113 = arith.constant 0 : i32
        %dma_start3A_114 = arith.constant 0 : i32
        %dma_start3A_115 = tpu.memref_slice %arg6[%dma_start3A_113, %dma_start3A_114] : memref<10000x128xf32, #tpu.memory_space<vmem_shared>> -> memref<10000x128xf32, #tpu.memory_space<vmem_shared>>
        tpu.enqueue_indirect_dma source(%arg7 : memref<128x128xf32, #tpu.memory_space<vmem>>) target(%dma_start3A_115 : memref<10000x128xf32, #tpu.memory_space<vmem_shared>>) offsets(%arg11 : memref<128xi32, #tpu.memory_space<vmem>>) semaphore(%run_scoped3A : memref<!tpu.dma_semaphore, #tpu.memory_space<semaphore_mem>>) {add = true}
        %dma_wait3A_116 = arith.constant 0 : i32
        %dma_wait3A_117 = arith.constant 0 : i32
        %dma_wait3A_118 = tpu.memref_slice %arg6[%dma_wait3A_116, %dma_wait3A_117] : memref<10000x128xf32, #tpu.memory_space<vmem_shared>> -> memref<10000x128xf32, #tpu.memory_space<vmem_shared>>
        tpu.wait_indirect_dma semaphore(%run_scoped3A : memref<!tpu.dma_semaphore, #tpu.memory_space<semaphore_mem>>) src(%arg7 : memref<128x128xf32, #tpu.memory_space<vmem>>) dst(%dma_wait3A_118 : memref<10000x128xf32, #tpu.memory_space<vmem_shared>>)
        tpu.yield
      }) : () -> ()
      %add3A_101 = arith.constant 2 : i32
      %add3A_102 = arith.addi %mul3A_88, %add3A_101 : i32
      %mul3A_103 = arith.constant 128 : i32
      %mul3A_104 = arith.muli %add3A_102, %mul3A_103 : i32
      %add3A_105 = arith.addi %mul3A_22, %mul3A_104 : i32
      %multiple_of3A_106 = tpu.assume_multiple %add3A_105, 8 : i32
      "tpu.region"() ({
        %run_scoped3A = tpu.sem_alloc : memref<!tpu.dma_semaphore, #tpu.memory_space<semaphore_mem>>
        %dma_start3A_113 = tpu.memref_slice %arg3[%multiple_of3A_106] : memref<320000xi32, #tpu.memory_space<hbm>> -> memref<128xi32, #tpu.memory_space<hbm>>
        %dma_start3A_114 = tpu.memref_slice %arg3[%multiple_of3A_106] : memref<320000xi32, #tpu.memory_space<hbm>> -> memref<128xi32, #tpu.memory_space<hbm>>
        tpu.enqueue_dma source(%dma_start3A_114 : memref<128xi32, #tpu.memory_space<hbm>>) target(%arg9 : memref<128xi32, #tpu.memory_space<vmem>>) target_semaphore(%run_scoped3A : memref<!tpu.dma_semaphore, #tpu.memory_space<semaphore_mem>>)
        %dma_wait3A_115 = tpu.memref_slice %arg3[%multiple_of3A_106] : memref<320000xi32, #tpu.memory_space<hbm>> -> memref<128xi32, #tpu.memory_space<hbm>>
        %dma_wait3A_116 = tpu.memref_slice %arg3[%multiple_of3A_106] : memref<320000xi32, #tpu.memory_space<hbm>> -> memref<128xi32, #tpu.memory_space<hbm>>
        tpu.wait_dma2 semaphore(%run_scoped3A : memref<!tpu.dma_semaphore, #tpu.memory_space<semaphore_mem>>) src(%dma_wait3A_116 : memref<128xi32, #tpu.memory_space<hbm>>) dst(%arg9 : memref<128xi32, #tpu.memory_space<vmem>>)
        tpu.yield
      }) : () -> ()
      "tpu.region"() ({
        %run_scoped3A = tpu.sem_alloc : memref<!tpu.dma_semaphore, #tpu.memory_space<semaphore_mem>>
        %dma_start3A_113 = tpu.memref_slice %arg4[%multiple_of3A_106] : memref<320000xi32, #tpu.memory_space<hbm>> -> memref<128xi32, #tpu.memory_space<hbm>>
        %dma_start3A_114 = tpu.memref_slice %arg4[%multiple_of3A_106] : memref<320000xi32, #tpu.memory_space<hbm>> -> memref<128xi32, #tpu.memory_space<hbm>>
        tpu.enqueue_dma source(%dma_start3A_114 : memref<128xi32, #tpu.memory_space<hbm>>) target(%arg11 : memref<128xi32, #tpu.memory_space<vmem>>) target_semaphore(%run_scoped3A : memref<!tpu.dma_semaphore, #tpu.memory_space<semaphore_mem>>)
        %dma_wait3A_115 = tpu.memref_slice %arg4[%multiple_of3A_106] : memref<320000xi32, #tpu.memory_space<hbm>> -> memref<128xi32, #tpu.memory_space<hbm>>
        %dma_wait3A_116 = tpu.memref_slice %arg4[%multiple_of3A_106] : memref<320000xi32, #tpu.memory_space<hbm>> -> memref<128xi32, #tpu.memory_space<hbm>>
        tpu.wait_dma2 semaphore(%run_scoped3A : memref<!tpu.dma_semaphore, #tpu.memory_space<semaphore_mem>>) src(%dma_wait3A_116 : memref<128xi32, #tpu.memory_space<hbm>>) dst(%arg11 : memref<128xi32, #tpu.memory_space<vmem>>)
        tpu.yield
      }) : () -> ()
      %dma_start3A_107 = arith.constant 0 : i32
      %dma_start3A_108 = arith.constant 0 : i32
      %dma_start3A_109 = tpu.memref_slice %arg2[%dma_start3A_107, %dma_start3A_108] : memref<10000x128xf32, #tpu.memory_space<hbm>> -> memref<10000x128xf32, #tpu.memory_space<hbm>>
      tpu.enqueue_indirect_dma source(%dma_start3A_109 : memref<10000x128xf32, #tpu.memory_space<hbm>>) target(%arg7 : memref<128x128xf32, #tpu.memory_space<vmem>>) offsets(%arg9 : memref<128xi32, #tpu.memory_space<vmem>>) semaphore(%arg16 : memref<!tpu.dma_semaphore, #tpu.memory_space<semaphore_mem>>)
      %dma_wait3A_110 = arith.constant 0 : i32
      %dma_wait3A_111 = arith.constant 0 : i32
      %dma_wait3A_112 = tpu.memref_slice %arg2[%dma_wait3A_110, %dma_wait3A_111] : memref<10000x128xf32, #tpu.memory_space<hbm>> -> memref<10000x128xf32, #tpu.memory_space<hbm>>
      tpu.wait_indirect_dma semaphore(%arg17 : memref<!tpu.dma_semaphore, #tpu.memory_space<semaphore_mem>>) src(%dma_wait3A_112 : memref<10000x128xf32, #tpu.memory_space<hbm>>) dst(%arg8 : memref<128x128xf32, #tpu.memory_space<vmem>>)
      "tpu.region"() ({
        %run_scoped3A = tpu.sem_alloc : memref<!tpu.dma_semaphore, #tpu.memory_space<semaphore_mem>>
        %dma_start3A_113 = arith.constant 0 : i32
        %dma_start3A_114 = arith.constant 0 : i32
        %dma_start3A_115 = tpu.memref_slice %arg6[%dma_start3A_113, %dma_start3A_114] : memref<10000x128xf32, #tpu.memory_space<vmem_shared>> -> memref<10000x128xf32, #tpu.memory_space<vmem_shared>>
        tpu.enqueue_indirect_dma source(%arg8 : memref<128x128xf32, #tpu.memory_space<vmem>>) target(%dma_start3A_115 : memref<10000x128xf32, #tpu.memory_space<vmem_shared>>) offsets(%arg12 : memref<128xi32, #tpu.memory_space<vmem>>) semaphore(%run_scoped3A : memref<!tpu.dma_semaphore, #tpu.memory_space<semaphore_mem>>) {add = true}
        %dma_wait3A_116 = arith.constant 0 : i32
        %dma_wait3A_117 = arith.constant 0 : i32
        %dma_wait3A_118 = tpu.memref_slice %arg6[%dma_wait3A_116, %dma_wait3A_117] : memref<10000x128xf32, #tpu.memory_space<vmem_shared>> -> memref<10000x128xf32, #tpu.memory_space<vmem_shared>>
        tpu.wait_indirect_dma semaphore(%run_scoped3A : memref<!tpu.dma_semaphore, #tpu.memory_space<semaphore_mem>>) src(%arg8 : memref<128x128xf32, #tpu.memory_space<vmem>>) dst(%dma_wait3A_118 : memref<10000x128xf32, #tpu.memory_space<vmem_shared>>)
        tpu.yield
      }) : () -> ()
    }
    %scan3A_33 = arith.constant 38 : i32
    %add3A_34 = arith.constant 9856 : i32
    %add3A_35 = arith.addi %mul3A_22, %add3A_34 : i32
    %multiple_of3A_36 = tpu.assume_multiple %add3A_35, 8 : i32
    "tpu.region"() ({
      %run_scoped3A = tpu.sem_alloc : memref<!tpu.dma_semaphore, #tpu.memory_space<semaphore_mem>>
      %dma_start3A_86 = tpu.memref_slice %arg3[%multiple_of3A_36] : memref<320000xi32, #tpu.memory_space<hbm>> -> memref<128xi32, #tpu.memory_space<hbm>>
      %dma_start3A_87 = tpu.memref_slice %arg3[%multiple_of3A_36] : memref<320000xi32, #tpu.memory_space<hbm>> -> memref<128xi32, #tpu.memory_space<hbm>>
      tpu.enqueue_dma source(%dma_start3A_87 : memref<128xi32, #tpu.memory_space<hbm>>) target(%arg10 : memref<128xi32, #tpu.memory_space<vmem>>) target_semaphore(%run_scoped3A : memref<!tpu.dma_semaphore, #tpu.memory_space<semaphore_mem>>)
      %dma_wait3A_88 = tpu.memref_slice %arg3[%multiple_of3A_36] : memref<320000xi32, #tpu.memory_space<hbm>> -> memref<128xi32, #tpu.memory_space<hbm>>
      %dma_wait3A_89 = tpu.memref_slice %arg3[%multiple_of3A_36] : memref<320000xi32, #tpu.memory_space<hbm>> -> memref<128xi32, #tpu.memory_space<hbm>>
      tpu.wait_dma2 semaphore(%run_scoped3A : memref<!tpu.dma_semaphore, #tpu.memory_space<semaphore_mem>>) src(%dma_wait3A_89 : memref<128xi32, #tpu.memory_space<hbm>>) dst(%arg10 : memref<128xi32, #tpu.memory_space<vmem>>)
      tpu.yield
    }) : () -> ()
    "tpu.region"() ({
      %run_scoped3A = tpu.sem_alloc : memref<!tpu.dma_semaphore, #tpu.memory_space<semaphore_mem>>
      %dma_start3A_86 = tpu.memref_slice %arg4[%multiple_of3A_36] : memref<320000xi32, #tpu.memory_space<hbm>> -> memref<128xi32, #tpu.memory_space<hbm>>
      %dma_start3A_87 = tpu.memref_slice %arg4[%multiple_of3A_36] : memref<320000xi32, #tpu.memory_space<hbm>> -> memref<128xi32, #tpu.memory_space<hbm>>
      tpu.enqueue_dma source(%dma_start3A_87 : memref<128xi32, #tpu.memory_space<hbm>>) target(%arg12 : memref<128xi32, #tpu.memory_space<vmem>>) target_semaphore(%run_scoped3A : memref<!tpu.dma_semaphore, #tpu.memory_space<semaphore_mem>>)
      %dma_wait3A_88 = tpu.memref_slice %arg4[%multiple_of3A_36] : memref<320000xi32, #tpu.memory_space<hbm>> -> memref<128xi32, #tpu.memory_space<hbm>>
      %dma_wait3A_89 = tpu.memref_slice %arg4[%multiple_of3A_36] : memref<320000xi32, #tpu.memory_space<hbm>> -> memref<128xi32, #tpu.memory_space<hbm>>
      tpu.wait_dma2 semaphore(%run_scoped3A : memref<!tpu.dma_semaphore, #tpu.memory_space<semaphore_mem>>) src(%dma_wait3A_89 : memref<128xi32, #tpu.memory_space<hbm>>) dst(%arg12 : memref<128xi32, #tpu.memory_space<vmem>>)
      tpu.yield
    }) : () -> ()
    %dma_start3A_37 = arith.constant 0 : i32
    %dma_start3A_38 = arith.constant 0 : i32
    %dma_start3A_39 = tpu.memref_slice %arg2[%dma_start3A_37, %dma_start3A_38] : memref<10000x128xf32, #tpu.memory_space<hbm>> -> memref<10000x128xf32, #tpu.memory_space<hbm>>
    tpu.enqueue_indirect_dma source(%dma_start3A_39 : memref<10000x128xf32, #tpu.memory_space<hbm>>) target(%arg8 : memref<128x128xf32, #tpu.memory_space<vmem>>) offsets(%arg10 : memref<128xi32, #tpu.memory_space<vmem>>) semaphore(%arg17 : memref<!tpu.dma_semaphore, #tpu.memory_space<semaphore_mem>>)
    %dma_wait3A = arith.constant 0 : i32
    %dma_wait3A_40 = arith.constant 0 : i32
    %dma_wait3A_41 = tpu.memref_slice %arg2[%dma_wait3A, %dma_wait3A_40] : memref<10000x128xf32, #tpu.memory_space<hbm>> -> memref<10000x128xf32, #tpu.memory_space<hbm>>
    tpu.wait_indirect_dma semaphore(%arg16 : memref<!tpu.dma_semaphore, #tpu.memory_space<semaphore_mem>>) src(%dma_wait3A_41 : memref<10000x128xf32, #tpu.memory_space<hbm>>) dst(%arg7 : memref<128x128xf32, #tpu.memory_space<vmem>>)
    "tpu.region"() ({
      %run_scoped3A = tpu.sem_alloc : memref<!tpu.dma_semaphore, #tpu.memory_space<semaphore_mem>>
      %dma_start3A_86 = arith.constant 0 : i32
      %dma_start3A_87 = arith.constant 0 : i32
      %dma_start3A_88 = tpu.memref_slice %arg6[%dma_start3A_86, %dma_start3A_87] : memref<10000x128xf32, #tpu.memory_space<vmem_shared>> -> memref<10000x128xf32, #tpu.memory_space<vmem_shared>>
      tpu.enqueue_indirect_dma source(%arg7 : memref<128x128xf32, #tpu.memory_space<vmem>>) target(%dma_start3A_88 : memref<10000x128xf32, #tpu.memory_space<vmem_shared>>) offsets(%arg11 : memref<128xi32, #tpu.memory_space<vmem>>) semaphore(%run_scoped3A : memref<!tpu.dma_semaphore, #tpu.memory_space<semaphore_mem>>) {add = true}
      %dma_wait3A_89 = arith.constant 0 : i32
      %dma_wait3A_90 = arith.constant 0 : i32
      %dma_wait3A_91 = tpu.memref_slice %arg6[%dma_wait3A_89, %dma_wait3A_90] : memref<10000x128xf32, #tpu.memory_space<vmem_shared>> -> memref<10000x128xf32, #tpu.memory_space<vmem_shared>>
      tpu.wait_indirect_dma semaphore(%run_scoped3A : memref<!tpu.dma_semaphore, #tpu.memory_space<semaphore_mem>>) src(%arg7 : memref<128x128xf32, #tpu.memory_space<vmem>>) dst(%dma_wait3A_91 : memref<10000x128xf32, #tpu.memory_space<vmem_shared>>)
      tpu.yield
    }) : () -> ()
    %dma_wait3A_42 = arith.constant 0 : i32
    %dma_wait3A_43 = arith.constant 0 : i32
    %dma_wait3A_44 = tpu.memref_slice %arg2[%dma_wait3A_42, %dma_wait3A_43] : memref<10000x128xf32, #tpu.memory_space<hbm>> -> memref<10000x128xf32, #tpu.memory_space<hbm>>
    tpu.wait_indirect_dma semaphore(%arg17 : memref<!tpu.dma_semaphore, #tpu.memory_space<semaphore_mem>>) src(%dma_wait3A_44 : memref<10000x128xf32, #tpu.memory_space<hbm>>) dst(%arg8 : memref<128x128xf32, #tpu.memory_space<vmem>>)
    "tpu.region"() ({
      %run_scoped3A = tpu.sem_alloc : memref<!tpu.dma_semaphore, #tpu.memory_space<semaphore_mem>>
      %dma_start3A_86 = arith.constant 0 : i32
      %dma_start3A_87 = arith.constant 0 : i32
      %dma_start3A_88 = tpu.memref_slice %arg6[%dma_start3A_86, %dma_start3A_87] : memref<10000x128xf32, #tpu.memory_space<vmem_shared>> -> memref<10000x128xf32, #tpu.memory_space<vmem_shared>>
      tpu.enqueue_indirect_dma source(%arg8 : memref<128x128xf32, #tpu.memory_space<vmem>>) target(%dma_start3A_88 : memref<10000x128xf32, #tpu.memory_space<vmem_shared>>) offsets(%arg12 : memref<128xi32, #tpu.memory_space<vmem>>) semaphore(%run_scoped3A : memref<!tpu.dma_semaphore, #tpu.memory_space<semaphore_mem>>) {add = true}
      %dma_wait3A_89 = arith.constant 0 : i32
      %dma_wait3A_90 = arith.constant 0 : i32
      %dma_wait3A_91 = tpu.memref_slice %arg6[%dma_wait3A_89, %dma_wait3A_90] : memref<10000x128xf32, #tpu.memory_space<vmem_shared>> -> memref<10000x128xf32, #tpu.memory_space<vmem_shared>>
      tpu.wait_indirect_dma semaphore(%run_scoped3A : memref<!tpu.dma_semaphore, #tpu.memory_space<semaphore_mem>>) src(%arg8 : memref<128x128xf32, #tpu.memory_space<vmem>>) dst(%dma_wait3A_91 : memref<10000x128xf32, #tpu.memory_space<vmem_shared>>)
      tpu.yield
    }) : () -> ()
    %add3A_45 = arith.constant 9984 : i32
    %add3A_46 = arith.addi %mul3A_22, %add3A_45 : i32
    %multiple_of3A_47 = tpu.assume_multiple %add3A_46, 8 : i32
    "tpu.region"() ({
      %run_scoped3A = tpu.sem_alloc : memref<!tpu.dma_semaphore, #tpu.memory_space<semaphore_mem>>
      %dma_start3A_86 = tpu.memref_slice %arg3[%multiple_of3A_47] : memref<320000xi32, #tpu.memory_space<hbm>> -> memref<16xi32, #tpu.memory_space<hbm>>
      %dma_start3A_87 = tpu.memref_slice %arg3[%multiple_of3A_47] : memref<320000xi32, #tpu.memory_space<hbm>> -> memref<16xi32, #tpu.memory_space<hbm>>
      tpu.enqueue_dma source(%dma_start3A_87 : memref<16xi32, #tpu.memory_space<hbm>>) target(%arg14 : memref<16xi32, #tpu.memory_space<vmem>>) target_semaphore(%run_scoped3A : memref<!tpu.dma_semaphore, #tpu.memory_space<semaphore_mem>>)
      %dma_wait3A_88 = tpu.memref_slice %arg3[%multiple_of3A_47] : memref<320000xi32, #tpu.memory_space<hbm>> -> memref<16xi32, #tpu.memory_space<hbm>>
      %dma_wait3A_89 = tpu.memref_slice %arg3[%multiple_of3A_47] : memref<320000xi32, #tpu.memory_space<hbm>> -> memref<16xi32, #tpu.memory_space<hbm>>
      tpu.wait_dma2 semaphore(%run_scoped3A : memref<!tpu.dma_semaphore, #tpu.memory_space<semaphore_mem>>) src(%dma_wait3A_89 : memref<16xi32, #tpu.memory_space<hbm>>) dst(%arg14 : memref<16xi32, #tpu.memory_space<vmem>>)
      tpu.yield
    }) : () -> ()
    "tpu.region"() ({
      %run_scoped3A = tpu.sem_alloc : memref<!tpu.dma_semaphore, #tpu.memory_space<semaphore_mem>>
      %dma_start3A_86 = tpu.memref_slice %arg4[%multiple_of3A_47] : memref<320000xi32, #tpu.memory_space<hbm>> -> memref<16xi32, #tpu.memory_space<hbm>>
      %dma_start3A_87 = tpu.memref_slice %arg4[%multiple_of3A_47] : memref<320000xi32, #tpu.memory_space<hbm>> -> memref<16xi32, #tpu.memory_space<hbm>>
      tpu.enqueue_dma source(%dma_start3A_87 : memref<16xi32, #tpu.memory_space<hbm>>) target(%arg15 : memref<16xi32, #tpu.memory_space<vmem>>) target_semaphore(%run_scoped3A : memref<!tpu.dma_semaphore, #tpu.memory_space<semaphore_mem>>)
      %dma_wait3A_88 = tpu.memref_slice %arg4[%multiple_of3A_47] : memref<320000xi32, #tpu.memory_space<hbm>> -> memref<16xi32, #tpu.memory_space<hbm>>
      %dma_wait3A_89 = tpu.memref_slice %arg4[%multiple_of3A_47] : memref<320000xi32, #tpu.memory_space<hbm>> -> memref<16xi32, #tpu.memory_space<hbm>>
      tpu.wait_dma2 semaphore(%run_scoped3A : memref<!tpu.dma_semaphore, #tpu.memory_space<semaphore_mem>>) src(%dma_wait3A_89 : memref<16xi32, #tpu.memory_space<hbm>>) dst(%arg15 : memref<16xi32, #tpu.memory_space<vmem>>)
      tpu.yield
    }) : () -> ()
    %dma_start3A_48 = arith.constant 0 : i32
    %dma_start3A_49 = arith.constant 0 : i32
    %dma_start3A_50 = tpu.memref_slice %arg2[%dma_start3A_48, %dma_start3A_49] : memref<10000x128xf32, #tpu.memory_space<hbm>> -> memref<10000x128xf32, #tpu.memory_space<hbm>>
    tpu.enqueue_indirect_dma source(%dma_start3A_50 : memref<10000x128xf32, #tpu.memory_space<hbm>>) target(%arg13 : memref<16x128xf32, #tpu.memory_space<vmem>>) offsets(%arg14 : memref<16xi32, #tpu.memory_space<vmem>>) semaphore(%arg16 : memref<!tpu.dma_semaphore, #tpu.memory_space<semaphore_mem>>)
    %dma_wait3A_51 = arith.constant 0 : i32
    %dma_wait3A_52 = arith.constant 0 : i32
    %dma_wait3A_53 = tpu.memref_slice %arg2[%dma_wait3A_51, %dma_wait3A_52] : memref<10000x128xf32, #tpu.memory_space<hbm>> -> memref<10000x128xf32, #tpu.memory_space<hbm>>
    tpu.wait_indirect_dma semaphore(%arg16 : memref<!tpu.dma_semaphore, #tpu.memory_space<semaphore_mem>>) src(%dma_wait3A_53 : memref<10000x128xf32, #tpu.memory_space<hbm>>) dst(%arg13 : memref<16x128xf32, #tpu.memory_space<vmem>>)
    "tpu.region"() ({
      %run_scoped3A = tpu.sem_alloc : memref<!tpu.dma_semaphore, #tpu.memory_space<semaphore_mem>>
      %dma_start3A_86 = arith.constant 0 : i32
      %dma_start3A_87 = arith.constant 0 : i32
      %dma_start3A_88 = tpu.memref_slice %arg6[%dma_start3A_86, %dma_start3A_87] : memref<10000x128xf32, #tpu.memory_space<vmem_shared>> -> memref<10000x128xf32, #tpu.memory_space<vmem_shared>>
      tpu.enqueue_indirect_dma source(%arg13 : memref<16x128xf32, #tpu.memory_space<vmem>>) target(%dma_start3A_88 : memref<10000x128xf32, #tpu.memory_space<vmem_shared>>) offsets(%arg15 : memref<16xi32, #tpu.memory_space<vmem>>) semaphore(%run_scoped3A : memref<!tpu.dma_semaphore, #tpu.memory_space<semaphore_mem>>) {add = true}
      %dma_wait3A_89 = arith.constant 0 : i32
      %dma_wait3A_90 = arith.constant 0 : i32
      %dma_wait3A_91 = tpu.memref_slice %arg6[%dma_wait3A_89, %dma_wait3A_90] : memref<10000x128xf32, #tpu.memory_space<vmem_shared>> -> memref<10000x128xf32, #tpu.memory_space<vmem_shared>>
      tpu.wait_indirect_dma semaphore(%run_scoped3A : memref<!tpu.dma_semaphore, #tpu.memory_space<semaphore_mem>>) src(%arg13 : memref<16x128xf32, #tpu.memory_space<vmem>>) dst(%dma_wait3A_91 : memref<10000x128xf32, #tpu.memory_space<vmem_shared>>)
      tpu.yield
    }) : () -> ()
    %barrier3A_54 = arith.constant 0 : index
    tpu.barrier barrier_id(%barrier3A_54)
    %mul3A_55 = arith.constant 10000 : i32
    %mul3A_56 = arith.muli %arg0, %mul3A_55 : i32
    %mul3A_57 = arith.constant 624 : i32
    %mul3A_58 = arith.muli %arg1, %mul3A_57 : i32
    %add3A_59 = arith.addi %mul3A_56, %mul3A_58 : i32
    %multiple_of3A_60 = tpu.assume_multiple %add3A_59, 8 : i32
    %add3A_61 = arith.constant 0 : i32
    %add3A_62 = arith.addi %multiple_of3A, %add3A_61 : i32
    %add3A_63 = arith.constant 0 : i32
    %add3A_64 = arith.addi %multiple_of3A_60, %add3A_63 : i32
    "tpu.region"() ({
      %run_scoped3A = tpu.sem_alloc : memref<!tpu.dma_semaphore, #tpu.memory_space<semaphore_mem>>
      %dma_start3A_86 = arith.constant 0 : i32
      %dma_start3A_87 = tpu.memref_slice %arg5[%add3A_64, %dma_start3A_86] : memref<20000x128xf32, #tpu.memory_space<hbm>> -> memref<128x128xf32, #tpu.memory_space<hbm>>
      %dma_start3A_88 = arith.constant 0 : i32
      %dma_start3A_89 = tpu.memref_slice %arg6[%add3A_62, %dma_start3A_88] : memref<10000x128xf32, #tpu.memory_space<vmem_shared>> -> memref<128x128xf32, #tpu.memory_space<vmem_shared>>
      tpu.enqueue_dma source(%dma_start3A_89 : memref<128x128xf32, #tpu.memory_space<vmem_shared>>) target(%dma_start3A_87 : memref<128x128xf32, #tpu.memory_space<hbm>>) target_semaphore(%run_scoped3A : memref<!tpu.dma_semaphore, #tpu.memory_space<semaphore_mem>>)
      %dma_wait3A_90 = arith.constant 0 : i32
      %dma_wait3A_91 = tpu.memref_slice %arg5[%add3A_64, %dma_wait3A_90] : memref<20000x128xf32, #tpu.memory_space<hbm>> -> memref<128x128xf32, #tpu.memory_space<hbm>>
      %dma_wait3A_92 = arith.constant 0 : i32
      %dma_wait3A_93 = tpu.memref_slice %arg6[%add3A_62, %dma_wait3A_92] : memref<10000x128xf32, #tpu.memory_space<vmem_shared>> -> memref<128x128xf32, #tpu.memory_space<vmem_shared>>
      tpu.wait_dma2 semaphore(%run_scoped3A : memref<!tpu.dma_semaphore, #tpu.memory_space<semaphore_mem>>) src(%dma_wait3A_93 : memref<128x128xf32, #tpu.memory_space<vmem_shared>>) dst(%dma_wait3A_91 : memref<128x128xf32, #tpu.memory_space<hbm>>)
      tpu.yield
    }) : () -> ()
    %add3A_65 = arith.constant 128 : i32
    %add3A_66 = arith.addi %multiple_of3A, %add3A_65 : i32
    %add3A_67 = arith.constant 128 : i32
    %add3A_68 = arith.addi %multiple_of3A_60, %add3A_67 : i32
    "tpu.region"() ({
      %run_scoped3A = tpu.sem_alloc : memref<!tpu.dma_semaphore, #tpu.memory_space<semaphore_mem>>
      %dma_start3A_86 = arith.constant 0 : i32
      %dma_start3A_87 = tpu.memref_slice %arg5[%add3A_68, %dma_start3A_86] : memref<20000x128xf32, #tpu.memory_space<hbm>> -> memref<128x128xf32, #tpu.memory_space<hbm>>
      %dma_start3A_88 = arith.constant 0 : i32
      %dma_start3A_89 = tpu.memref_slice %arg6[%add3A_66, %dma_start3A_88] : memref<10000x128xf32, #tpu.memory_space<vmem_shared>> -> memref<128x128xf32, #tpu.memory_space<vmem_shared>>
      tpu.enqueue_dma source(%dma_start3A_89 : memref<128x128xf32, #tpu.memory_space<vmem_shared>>) target(%dma_start3A_87 : memref<128x128xf32, #tpu.memory_space<hbm>>) target_semaphore(%run_scoped3A : memref<!tpu.dma_semaphore, #tpu.memory_space<semaphore_mem>>)
      %dma_wait3A_90 = arith.constant 0 : i32
      %dma_wait3A_91 = tpu.memref_slice %arg5[%add3A_68, %dma_wait3A_90] : memref<20000x128xf32, #tpu.memory_space<hbm>> -> memref<128x128xf32, #tpu.memory_space<hbm>>
      %dma_wait3A_92 = arith.constant 0 : i32
      %dma_wait3A_93 = tpu.memref_slice %arg6[%add3A_66, %dma_wait3A_92] : memref<10000x128xf32, #tpu.memory_space<vmem_shared>> -> memref<128x128xf32, #tpu.memory_space<vmem_shared>>
      tpu.wait_dma2 semaphore(%run_scoped3A : memref<!tpu.dma_semaphore, #tpu.memory_space<semaphore_mem>>) src(%dma_wait3A_93 : memref<128x128xf32, #tpu.memory_space<vmem_shared>>) dst(%dma_wait3A_91 : memref<128x128xf32, #tpu.memory_space<hbm>>)
      tpu.yield
    }) : () -> ()
    %add3A_69 = arith.constant 256 : i32
    %add3A_70 = arith.addi %multiple_of3A, %add3A_69 : i32
    %add3A_71 = arith.constant 256 : i32
    %add3A_72 = arith.addi %multiple_of3A_60, %add3A_71 : i32
    "tpu.region"() ({
      %run_scoped3A = tpu.sem_alloc : memref<!tpu.dma_semaphore, #tpu.memory_space<semaphore_mem>>
      %dma_start3A_86 = arith.constant 0 : i32
      %dma_start3A_87 = tpu.memref_slice %arg5[%add3A_72, %dma_start3A_86] : memref<20000x128xf32, #tpu.memory_space<hbm>> -> memref<128x128xf32, #tpu.memory_space<hbm>>
      %dma_start3A_88 = arith.constant 0 : i32
      %dma_start3A_89 = tpu.memref_slice %arg6[%add3A_70, %dma_start3A_88] : memref<10000x128xf32, #tpu.memory_space<vmem_shared>> -> memref<128x128xf32, #tpu.memory_space<vmem_shared>>
      tpu.enqueue_dma source(%dma_start3A_89 : memref<128x128xf32, #tpu.memory_space<vmem_shared>>) target(%dma_start3A_87 : memref<128x128xf32, #tpu.memory_space<hbm>>) target_semaphore(%run_scoped3A : memref<!tpu.dma_semaphore, #tpu.memory_space<semaphore_mem>>)
      %dma_wait3A_90 = arith.constant 0 : i32
      %dma_wait3A_91 = tpu.memref_slice %arg5[%add3A_72, %dma_wait3A_90] : memref<20000x128xf32, #tpu.memory_space<hbm>> -> memref<128x128xf32, #tpu.memory_space<hbm>>
      %dma_wait3A_92 = arith.constant 0 : i32
      %dma_wait3A_93 = tpu.memref_slice %arg6[%add3A_70, %dma_wait3A_92] : memref<10000x128xf32, #tpu.memory_space<vmem_shared>> -> memref<128x128xf32, #tpu.memory_space<vmem_shared>>
      tpu.wait_dma2 semaphore(%run_scoped3A : memref<!tpu.dma_semaphore, #tpu.memory_space<semaphore_mem>>) src(%dma_wait3A_93 : memref<128x128xf32, #tpu.memory_space<vmem_shared>>) dst(%dma_wait3A_91 : memref<128x128xf32, #tpu.memory_space<hbm>>)
      tpu.yield
    }) : () -> ()
    %add3A_73 = arith.constant 384 : i32
    %add3A_74 = arith.addi %multiple_of3A, %add3A_73 : i32
    %add3A_75 = arith.constant 384 : i32
    %add3A_76 = arith.addi %multiple_of3A_60, %add3A_75 : i32
    "tpu.region"() ({
      %run_scoped3A = tpu.sem_alloc : memref<!tpu.dma_semaphore, #tpu.memory_space<semaphore_mem>>
      %dma_start3A_86 = arith.constant 0 : i32
      %dma_start3A_87 = tpu.memref_slice %arg5[%add3A_76, %dma_start3A_86] : memref<20000x128xf32, #tpu.memory_space<hbm>> -> memref<128x128xf32, #tpu.memory_space<hbm>>
      %dma_start3A_88 = arith.constant 0 : i32
      %dma_start3A_89 = tpu.memref_slice %arg6[%add3A_74, %dma_start3A_88] : memref<10000x128xf32, #tpu.memory_space<vmem_shared>> -> memref<128x128xf32, #tpu.memory_space<vmem_shared>>
      tpu.enqueue_dma source(%dma_start3A_89 : memref<128x128xf32, #tpu.memory_space<vmem_shared>>) target(%dma_start3A_87 : memref<128x128xf32, #tpu.memory_space<hbm>>) target_semaphore(%run_scoped3A : memref<!tpu.dma_semaphore, #tpu.memory_space<semaphore_mem>>)
      %dma_wait3A_90 = arith.constant 0 : i32
      %dma_wait3A_91 = tpu.memref_slice %arg5[%add3A_76, %dma_wait3A_90] : memref<20000x128xf32, #tpu.memory_space<hbm>> -> memref<128x128xf32, #tpu.memory_space<hbm>>
      %dma_wait3A_92 = arith.constant 0 : i32
      %dma_wait3A_93 = tpu.memref_slice %arg6[%add3A_74, %dma_wait3A_92] : memref<10000x128xf32, #tpu.memory_space<vmem_shared>> -> memref<128x128xf32, #tpu.memory_space<vmem_shared>>
      tpu.wait_dma2 semaphore(%run_scoped3A : memref<!tpu.dma_semaphore, #tpu.memory_space<semaphore_mem>>) src(%dma_wait3A_93 : memref<128x128xf32, #tpu.memory_space<vmem_shared>>) dst(%dma_wait3A_91 : memref<128x128xf32, #tpu.memory_space<hbm>>)
      tpu.yield
    }) : () -> ()
    %add3A_77 = arith.constant 512 : i32
    %add3A_78 = arith.addi %multiple_of3A, %add3A_77 : i32
    %add3A_79 = arith.constant 512 : i32
    %add3A_80 = arith.addi %multiple_of3A_60, %add3A_79 : i32
    "tpu.region"() ({
      %run_scoped3A = tpu.sem_alloc : memref<!tpu.dma_semaphore, #tpu.memory_space<semaphore_mem>>
      %dma_start3A_86 = arith.constant 0 : i32
      %dma_start3A_87 = tpu.memref_slice %arg5[%add3A_80, %dma_start3A_86] : memref<20000x128xf32, #tpu.memory_space<hbm>> -> memref<112x128xf32, #tpu.memory_space<hbm>>
      %dma_start3A_88 = arith.constant 0 : i32
      %dma_start3A_89 = tpu.memref_slice %arg6[%add3A_78, %dma_start3A_88] : memref<10000x128xf32, #tpu.memory_space<vmem_shared>> -> memref<112x128xf32, #tpu.memory_space<vmem_shared>>
      tpu.enqueue_dma source(%dma_start3A_89 : memref<112x128xf32, #tpu.memory_space<vmem_shared>>) target(%dma_start3A_87 : memref<112x128xf32, #tpu.memory_space<hbm>>) target_semaphore(%run_scoped3A : memref<!tpu.dma_semaphore, #tpu.memory_space<semaphore_mem>>)
      %dma_wait3A_90 = arith.constant 0 : i32
      %dma_wait3A_91 = tpu.memref_slice %arg5[%add3A_80, %dma_wait3A_90] : memref<20000x128xf32, #tpu.memory_space<hbm>> -> memref<112x128xf32, #tpu.memory_space<hbm>>
      %dma_wait3A_92 = arith.constant 0 : i32
      %dma_wait3A_93 = tpu.memref_slice %arg6[%add3A_78, %dma_wait3A_92] : memref<10000x128xf32, #tpu.memory_space<vmem_shared>> -> memref<112x128xf32, #tpu.memory_space<vmem_shared>>
      tpu.wait_dma2 semaphore(%run_scoped3A : memref<!tpu.dma_semaphore, #tpu.memory_space<semaphore_mem>>) src(%dma_wait3A_93 : memref<112x128xf32, #tpu.memory_space<vmem_shared>>) dst(%dma_wait3A_91 : memref<112x128xf32, #tpu.memory_space<hbm>>)
      tpu.yield
    }) : () -> ()
    %eq3A_81 = arith.constant 15 : i32
    %eq3A_82 = arith.cmpi eq, %arg1, %eq3A_81 : i32
    %convert_element_type3A_83 = arith.extui %eq3A_82 : i1 to i32
    %cond3A_84 = arith.constant 0 : i32
    %cond3A_85 = arith.cmpi ne, %convert_element_type3A_83, %cond3A_84 : i32
    scf.if %cond3A_85 {
      %mul3A_86 = arith.constant 10000 : i32
      %mul3A_87 = arith.muli %arg0, %mul3A_86 : i32
      %add3A_88 = arith.constant 9984 : i32
      %add3A_89 = arith.addi %mul3A_87, %add3A_88 : i32
      %multiple_of3A_90 = tpu.assume_multiple %add3A_89, 8 : i32
      "tpu.region"() ({
        %run_scoped3A = tpu.sem_alloc : memref<!tpu.dma_semaphore, #tpu.memory_space<semaphore_mem>>
        %dma_start3A_91 = arith.constant 0 : i32
        %dma_start3A_92 = tpu.memref_slice %arg5[%multiple_of3A_90, %dma_start3A_91] : memref<20000x128xf32, #tpu.memory_space<hbm>> -> memref<16x128xf32, #tpu.memory_space<hbm>>
        %dma_start3A_93 = arith.constant 9984 : i32
        %dma_start3A_94 = arith.constant 0 : i32
        %dma_start3A_95 = tpu.memref_slice %arg6[%dma_start3A_93, %dma_start3A_94] : memref<10000x128xf32, #tpu.memory_space<vmem_shared>> -> memref<16x128xf32, #tpu.memory_space<vmem_shared>>
        tpu.enqueue_dma source(%dma_start3A_95 : memref<16x128xf32, #tpu.memory_space<vmem_shared>>) target(%dma_start3A_92 : memref<16x128xf32, #tpu.memory_space<hbm>>) target_semaphore(%run_scoped3A : memref<!tpu.dma_semaphore, #tpu.memory_space<semaphore_mem>>)
        %dma_wait3A_96 = arith.constant 0 : i32
        %dma_wait3A_97 = tpu.memref_slice %arg5[%multiple_of3A_90, %dma_wait3A_96] : memref<20000x128xf32, #tpu.memory_space<hbm>> -> memref<16x128xf32, #tpu.memory_space<hbm>>
        %dma_wait3A_98 = arith.constant 9984 : i32
        %dma_wait3A_99 = arith.constant 0 : i32
        %dma_wait3A_100 = tpu.memref_slice %arg6[%dma_wait3A_98, %dma_wait3A_99] : memref<10000x128xf32, #tpu.memory_space<vmem_shared>> -> memref<16x128xf32, #tpu.memory_space<vmem_shared>>
        tpu.wait_dma2 semaphore(%run_scoped3A : memref<!tpu.dma_semaphore, #tpu.memory_space<semaphore_mem>>) src(%dma_wait3A_100 : memref<16x128xf32, #tpu.memory_space<vmem_shared>>) dst(%dma_wait3A_97 : memref<16x128xf32, #tpu.memory_space<hbm>>)
        tpu.yield
      }) : () -> ()
    } else {
    }
    return
  }
}

module attributes {stable_mosaic.version = 14 : i64} {
  func.func @_prep_body(%arg0: i32, %arg1: memref<1000x32xi32, #tpu.memory_space<vmem>>, %arg2: memref<1000x128xf32, #tpu.memory_space<vmem>>, %arg3: memref<128x128xf32, #tpu.memory_space<vmem>>, %arg4: memref<1000x128xf32, #tpu.memory_space<vmem>>, %arg5: memref<1000x1xf32, #tpu.memory_space<vmem>>) attributes {dimension_semantics = [#tpu.dimension_semantics<arbitrary>], iteration_bounds = array<i64: 10>, scalar_prefetch = 0 : i64, scratch_operands = 0 : i64, tpu.core_type = #tpu.core_type<tc>, window_params = [{transform_indices = @transform_0, window_bounds = array<i64: 1000, 32>}, {transform_indices = @transform_1, window_bounds = array<i64: 1000, 128>}, {pipeline_mode = #tpu.pipeline_mode<synchronous>, transform_indices = @transform_2, window_bounds = array<i64: 128, 128>}, {transform_indices = @transform_3, window_bounds = array<i64: 1000, 128>}, {transform_indices = @transform_4, window_bounds = array<i64: 1000, 1>}]} {
    %get3A = arith.constant 0 : index
    %get3A_0 = arith.constant 0 : index
    %get3A_1 = vector.load %arg1[%get3A, %get3A_0] : memref<1000x32xi32, #tpu.memory_space<vmem>>, vector<1000x32xi32>
    %convert_element_type3A = arith.sitofp %get3A_1 : vector<1000x32xi32> to vector<1000x32xf32>
    %reduce_sum3A = arith.constant dense<0.000000e+00> : vector<1000xf32>
    %reduce_sum3A_2 = vector.multi_reduction <add>, %convert_element_type3A, %reduce_sum3A [1] : vector<1000x32xf32> to vector<1000xf32>
    %broadcast_in_dim3A = vector.shape_cast %reduce_sum3A_2 : vector<1000xf32> to vector<1000x1xf32>
    %add3A = arith.constant 1.000000e+00 : f32
    %add3A_3 = vector.broadcast %add3A : f32 to vector<1000x1xf32>
    %add3A_4 = arith.addf %broadcast_in_dim3A, %add3A_3 : vector<1000x1xf32>
    %rsqrt3A = math.rsqrt %add3A_4 : vector<1000x1xf32>
    %get3A_5 = arith.constant 0 : index
    %get3A_6 = arith.constant 0 : index
    %get3A_7 = vector.load %arg2[%get3A_5, %get3A_6] : memref<1000x128xf32, #tpu.memory_space<vmem>>, vector<1000x128xf32>
    %get3A_8 = arith.constant 0 : index
    %get3A_9 = arith.constant 0 : index
    %get3A_10 = vector.load %arg3[%get3A_8, %get3A_9] : memref<128x128xf32, #tpu.memory_space<vmem>>, vector<128x128xf32>
    %dot_general3A = arith.constant dense<0.000000e+00> : vector<1000x128xf32>
    %dot_general3A_11 = tpu.matmul %get3A_7, %get3A_10, %dot_general3A {dimension_numbers = #tpu.dot_dimension_numbers<[1], [0], [0], [1], [0, 0, 1, 1], [], []>, transpose_lhs_hint = false} : vector<1000x128xf32>, vector<128x128xf32>, vector<1000x128xf32> -> vector<1000x128xf32>
    %mul3A = vector.broadcast %rsqrt3A : vector<1000x1xf32> to vector<1000x128xf32>
    %mul3A_12 = arith.mulf %dot_general3A_11, %mul3A : vector<1000x128xf32>
    %swap3A = arith.constant 0 : index
    %swap3A_13 = arith.constant 0 : index
    %swap3A_14 = vector.load %arg4[%swap3A, %swap3A_13] : memref<1000x128xf32, #tpu.memory_space<vmem>>, vector<1000x128xf32>
    tpu.vector_store %arg4[%swap3A, %swap3A_13], %mul3A_12 {strides = array<i32>} : memref<1000x128xf32, #tpu.memory_space<vmem>>, vector<1000x128xf32>,
    %swap3A_15 = arith.constant 0 : index
    %swap3A_16 = arith.constant 0 : index
    %swap3A_17 = vector.load %arg5[%swap3A_15, %swap3A_16] : memref<1000x1xf32, #tpu.memory_space<vmem>>, vector<1000x1xf32>
    tpu.vector_store %arg5[%swap3A_15, %swap3A_16], %rsqrt3A {strides = array<i32>} : memref<1000x1xf32, #tpu.memory_space<vmem>>, vector<1000x1xf32>,
    return
  }
  func.func @transform_0(%arg0: i32) -> (i32, i32) {
    %c0_i32 = arith.constant 0 : i32
    %c0_i32_0 = arith.constant 0 : i32
    return %arg0, %c0_i32 : i32, i32
  }
  func.func @transform_1(%arg0: i32) -> (i32, i32) {
    %c0_i32 = arith.constant 0 : i32
    %c0_i32_0 = arith.constant 0 : i32
    return %arg0, %c0_i32 : i32, i32
  }
  func.func @transform_2(%arg0: i32) -> (i32, i32) {
    %c0_i32 = arith.constant 0 : i32
    %c0_i32_0 = arith.constant 0 : i32
    %c0_i32_1 = arith.constant 0 : i32
    return %c0_i32, %c0_i32_0 : i32, i32
  }
  func.func @transform_3(%arg0: i32) -> (i32, i32) {
    %c0_i32 = arith.constant 0 : i32
    %c0_i32_0 = arith.constant 0 : i32
    return %arg0, %c0_i32 : i32, i32
  }
  func.func @transform_4(%arg0: i32) -> (i32, i32) {
    %c0_i32 = arith.constant 0 : i32
    %c0_i32_0 = arith.constant 0 : i32
    return %arg0, %c0_i32 : i32, i32
  }
}

module attributes {stable_mosaic.version = 14 : i64} {
  func.func @_mid_body(%arg0: i32, %arg1: memref<2x1000x128xf32, #tpu.memory_space<vmem>>, %arg2: memref<1000x128xf32, #tpu.memory_space<vmem>>, %arg3: memref<1000x1xf32, #tpu.memory_space<vmem>>, %arg4: memref<1000x128xf32, #tpu.memory_space<vmem>>, %arg5: memref<1x128xf32, #tpu.memory_space<vmem>>, %arg6: memref<1x128xf32, #tpu.memory_space<vmem>>, %arg7: memref<1x128xf32, #tpu.memory_space<vmem>>, %arg8: memref<128x128xf32, #tpu.memory_space<vmem>>, %arg9: memref<1000x128xf32, #tpu.memory_space<vmem>>, %arg10: memref<1000x128xf32, #tpu.memory_space<vmem>>) attributes {dimension_semantics = [#tpu.dimension_semantics<arbitrary>], iteration_bounds = array<i64: 10>, scalar_prefetch = 0 : i64, scratch_operands = 0 : i64, tpu.core_type = #tpu.core_type<tc>, window_params = [{transform_indices = @transform_0, window_bounds = array<i64: 2, 1000, 128>}, {transform_indices = @transform_1, window_bounds = array<i64: 1000, 128>}, {transform_indices = @transform_2, window_bounds = array<i64: 1000, 1>}, {transform_indices = @transform_3, window_bounds = array<i64: 1000, 128>}, {pipeline_mode = #tpu.pipeline_mode<synchronous>, transform_indices = @transform_4, window_bounds = array<i64: 1, 128>}, {pipeline_mode = #tpu.pipeline_mode<synchronous>, transform_indices = @transform_5, window_bounds = array<i64: 1, 128>}, {pipeline_mode = #tpu.pipeline_mode<synchronous>, transform_indices = @transform_6, window_bounds = array<i64: 1, 128>}, {pipeline_mode = #tpu.pipeline_mode<synchronous>, transform_indices = @transform_7, window_bounds = array<i64: 128, 128>}, {transform_indices = @transform_8, window_bounds = array<i64: 1000, 128>}, {transform_indices = @transform_9, window_bounds = array<i64: 1000, 128>}]} {
    %get3A = arith.constant 0 : index
    %get3A_0 = arith.constant 0 : index
    %get3A_1 = vector.load %arg3[%get3A, %get3A_0] : memref<1000x1xf32, #tpu.memory_space<vmem>>, vector<1000x1xf32>
    %get3A_2 = arith.constant 0 : index
    %get3A_3 = arith.constant 0 : index
    %get3A_4 = arith.constant 0 : index
    %get3A_5 = vector.load %arg1[%get3A_2, %get3A_3, %get3A_4] : memref<2x1000x128xf32, #tpu.memory_space<vmem>>, vector<1x1000x128xf32>
    %get3A_6 = vector.shape_cast %get3A_5 : vector<1x1000x128xf32> to vector<1000x128xf32>
    %get3A_7 = arith.constant 1 : index
    %get3A_8 = arith.constant 0 : index
    %get3A_9 = arith.constant 0 : index
    %get3A_10 = vector.load %arg1[%get3A_7, %get3A_8, %get3A_9] : memref<2x1000x128xf32, #tpu.memory_space<vmem>>, vector<1x1000x128xf32>
    %get3A_11 = vector.shape_cast %get3A_10 : vector<1x1000x128xf32> to vector<1000x128xf32>
    %add3A = arith.addf %get3A_6, %get3A_11 : vector<1000x128xf32>
    %get3A_12 = arith.constant 0 : index
    %get3A_13 = arith.constant 0 : index
    %get3A_14 = vector.load %arg2[%get3A_12, %get3A_13] : memref<1000x128xf32, #tpu.memory_space<vmem>>, vector<1000x128xf32>
    %add3A_15 = arith.addf %add3A, %get3A_14 : vector<1000x128xf32>
    %mul3A = vector.broadcast %get3A_1 : vector<1000x1xf32> to vector<1000x128xf32>
    %mul3A_16 = arith.mulf %add3A_15, %mul3A : vector<1000x128xf32>
    %get3A_17 = arith.constant 0 : index
    %get3A_18 = arith.constant 0 : index
    %get3A_19 = vector.load %arg5[%get3A_17, %get3A_18] : memref<1x128xf32, #tpu.memory_space<vmem>>, vector<1x128xf32>
    %add3A_20 = vector.broadcast %get3A_19 : vector<1x128xf32> to vector<1000x128xf32>
    %add3A_21 = arith.addf %mul3A_16, %add3A_20 : vector<1000x128xf32>
    %reduce_sum3A = arith.constant dense<0.000000e+00> : vector<1000xf32>
    %reduce_sum3A_22 = vector.multi_reduction <add>, %add3A_21, %reduce_sum3A [1] : vector<1000x128xf32> to vector<1000xf32>
    %broadcast_in_dim3A = vector.shape_cast %reduce_sum3A_22 : vector<1000xf32> to vector<1000x1xf32>
    %div3A = arith.constant 1.280000e+02 : f32
    %div3A_23 = vector.broadcast %div3A : f32 to vector<1000x1xf32>
    %div3A_24 = arith.divf %broadcast_in_dim3A, %div3A_23 : vector<1000x1xf32>
    %sub3A = vector.broadcast %div3A_24 : vector<1000x1xf32> to vector<1000x128xf32>
    %sub3A_25 = arith.subf %add3A_21, %sub3A : vector<1000x128xf32>
    %mul3A_26 = arith.mulf %sub3A_25, %sub3A_25 : vector<1000x128xf32>
    %reduce_sum3A_27 = arith.constant dense<0.000000e+00> : vector<1000xf32>
    %reduce_sum3A_28 = vector.multi_reduction <add>, %mul3A_26, %reduce_sum3A_27 [1] : vector<1000x128xf32> to vector<1000xf32>
    %broadcast_in_dim3A_29 = vector.shape_cast %reduce_sum3A_28 : vector<1000xf32> to vector<1000x1xf32>
    %div3A_30 = arith.constant 1.280000e+02 : f32
    %div3A_31 = vector.broadcast %div3A_30 : f32 to vector<1000x1xf32>
    %div3A_32 = arith.divf %broadcast_in_dim3A_29, %div3A_31 : vector<1000x1xf32>
    %add3A_33 = arith.constant 9.99999974E-6 : f32
    %add3A_34 = vector.broadcast %add3A_33 : f32 to vector<1000x1xf32>
    %add3A_35 = arith.addf %div3A_32, %add3A_34 : vector<1000x1xf32>
    %rsqrt3A = math.rsqrt %add3A_35 : vector<1000x1xf32>
    %mul3A_36 = vector.broadcast %rsqrt3A : vector<1000x1xf32> to vector<1000x128xf32>
    %mul3A_37 = arith.mulf %sub3A_25, %mul3A_36 : vector<1000x128xf32>
    %get3A_38 = arith.constant 0 : index
    %get3A_39 = arith.constant 0 : index
    %get3A_40 = vector.load %arg6[%get3A_38, %get3A_39] : memref<1x128xf32, #tpu.memory_space<vmem>>, vector<1x128xf32>
    %mul3A_41 = vector.broadcast %get3A_40 : vector<1x128xf32> to vector<1000x128xf32>
    %mul3A_42 = arith.mulf %mul3A_37, %mul3A_41 : vector<1000x128xf32>
    %get3A_43 = arith.constant 0 : index
    %get3A_44 = arith.constant 0 : index
    %get3A_45 = vector.load %arg7[%get3A_43, %get3A_44] : memref<1x128xf32, #tpu.memory_space<vmem>>, vector<1x128xf32>
    %add3A_46 = vector.broadcast %get3A_45 : vector<1x128xf32> to vector<1000x128xf32>
    %add3A_47 = arith.addf %mul3A_42, %add3A_46 : vector<1000x128xf32>
    %gt3A = arith.constant 0.000000e+00 : f32
    %gt3A_48 = vector.broadcast %gt3A : f32 to vector<1000x128xf32>
    %gt3A_49 = arith.cmpf ogt, %add3A_47, %gt3A_48 : vector<1000x128xf32>
    %exp3A = math.exp %add3A_47 : vector<1000x128xf32>
    %sub3A_50 = arith.constant 1.000000e+00 : f32
    %sub3A_51 = vector.broadcast %sub3A_50 : f32 to vector<1000x128xf32>
    %sub3A_52 = arith.subf %exp3A, %sub3A_51 : vector<1000x128xf32>
    %select_n3A = arith.select %gt3A_49, %add3A_47, %sub3A_52 : vector<1000x128xi1>, vector<1000x128xf32>
    %get3A_53 = arith.constant 0 : index
    %get3A_54 = arith.constant 0 : index
    %get3A_55 = vector.load %arg4[%get3A_53, %get3A_54] : memref<1000x128xf32, #tpu.memory_space<vmem>>, vector<1000x128xf32>
    %add3A_56 = arith.addf %select_n3A, %get3A_55 : vector<1000x128xf32>
    %swap3A = arith.constant 0 : index
    %swap3A_57 = arith.constant 0 : index
    %swap3A_58 = vector.load %arg9[%swap3A, %swap3A_57] : memref<1000x128xf32, #tpu.memory_space<vmem>>, vector<1000x128xf32>
    tpu.vector_store %arg9[%swap3A, %swap3A_57], %add3A_56 {strides = array<i32>} : memref<1000x128xf32, #tpu.memory_space<vmem>>, vector<1000x128xf32>,
    %get3A_59 = arith.constant 0 : index
    %get3A_60 = arith.constant 0 : index
    %get3A_61 = vector.load %arg8[%get3A_59, %get3A_60] : memref<128x128xf32, #tpu.memory_space<vmem>>, vector<128x128xf32>
    %dot_general3A = arith.constant dense<0.000000e+00> : vector<1000x128xf32>
    %dot_general3A_62 = tpu.matmul %add3A_56, %get3A_61, %dot_general3A {dimension_numbers = #tpu.dot_dimension_numbers<[1], [0], [0], [1], [0, 0, 1, 1], [], []>, transpose_lhs_hint = false} : vector<1000x128xf32>, vector<128x128xf32>, vector<1000x128xf32> -> vector<1000x128xf32>
    %get3A_63 = arith.constant 0 : index
    %get3A_64 = arith.constant 0 : index
    %get3A_65 = vector.load %arg3[%get3A_63, %get3A_64] : memref<1000x1xf32, #tpu.memory_space<vmem>>, vector<1000x1xf32>
    %mul3A_66 = vector.broadcast %get3A_65 : vector<1000x1xf32> to vector<1000x128xf32>
    %mul3A_67 = arith.mulf %dot_general3A_62, %mul3A_66 : vector<1000x128xf32>
    %swap3A_68 = arith.constant 0 : index
    %swap3A_69 = arith.constant 0 : index
    %swap3A_70 = vector.load %arg10[%swap3A_68, %swap3A_69] : memref<1000x128xf32, #tpu.memory_space<vmem>>, vector<1000x128xf32>
    tpu.vector_store %arg10[%swap3A_68, %swap3A_69], %mul3A_67 {strides = array<i32>} : memref<1000x128xf32, #tpu.memory_space<vmem>>, vector<1000x128xf32>,
    return
  }
  func.func @transform_0(%arg0: i32) -> (i32, i32, i32) {
    %c0_i32 = arith.constant 0 : i32
    %c0_i32_0 = arith.constant 0 : i32
    %c0_i32_1 = arith.constant 0 : i32
    return %c0_i32, %arg0, %c0_i32_0 : i32, i32, i32
  }
  func.func @transform_1(%arg0: i32) -> (i32, i32) {
    %c0_i32 = arith.constant 0 : i32
    %c0_i32_0 = arith.constant 0 : i32
    return %arg0, %c0_i32 : i32, i32
  }
  func.func @transform_2(%arg0: i32) -> (i32, i32) {
    %c0_i32 = arith.constant 0 : i32
    %c0_i32_0 = arith.constant 0 : i32
    return %arg0, %c0_i32 : i32, i32
  }
  func.func @transform_3(%arg0: i32) -> (i32, i32) {
    %c0_i32 = arith.constant 0 : i32
    %c0_i32_0 = arith.constant 0 : i32
    return %arg0, %c0_i32 : i32, i32
  }
  func.func @transform_4(%arg0: i32) -> (i32, i32) {
    %c0_i32 = arith.constant 0 : i32
    %c0_i32_0 = arith.constant 0 : i32
    %c0_i32_1 = arith.constant 0 : i32
    return %c0_i32, %c0_i32_0 : i32, i32
  }
  func.func @transform_5(%arg0: i32) -> (i32, i32) {
    %c0_i32 = arith.constant 0 : i32
    %c0_i32_0 = arith.constant 0 : i32
    %c0_i32_1 = arith.constant 0 : i32
    return %c0_i32, %c0_i32_0 : i32, i32
  }
  func.func @transform_6(%arg0: i32) -> (i32, i32) {
    %c0_i32 = arith.constant 0 : i32
    %c0_i32_0 = arith.constant 0 : i32
    %c0_i32_1 = arith.constant 0 : i32
    return %c0_i32, %c0_i32_0 : i32, i32
  }
  func.func @transform_7(%arg0: i32) -> (i32, i32) {
    %c0_i32 = arith.constant 0 : i32
    %c0_i32_0 = arith.constant 0 : i32
    %c0_i32_1 = arith.constant 0 : i32
    return %c0_i32, %c0_i32_0 : i32, i32
  }
  func.func @transform_8(%arg0: i32) -> (i32, i32) {
    %c0_i32 = arith.constant 0 : i32
    %c0_i32_0 = arith.constant 0 : i32
    return %arg0, %c0_i32 : i32, i32
  }
  func.func @transform_9(%arg0: i32) -> (i32, i32) {
    %c0_i32 = arith.constant 0 : i32
    %c0_i32_0 = arith.constant 0 : i32
    return %arg0, %c0_i32 : i32, i32
  }
}

module attributes {stable_mosaic.version = 14 : i64} {
  func.func @_fin_body(%arg0: i32, %arg1: memref<2x1000x128xf32, #tpu.memory_space<vmem>>, %arg2: memref<1000x128xf32, #tpu.memory_space<vmem>>, %arg3: memref<1000x1xf32, #tpu.memory_space<vmem>>, %arg4: memref<1000x128xf32, #tpu.memory_space<vmem>>, %arg5: memref<1x128xf32, #tpu.memory_space<vmem>>, %arg6: memref<1x128xf32, #tpu.memory_space<vmem>>, %arg7: memref<1x128xf32, #tpu.memory_space<vmem>>, %arg8: memref<1000x128xf32, #tpu.memory_space<vmem>>) attributes {dimension_semantics = [#tpu.dimension_semantics<arbitrary>], iteration_bounds = array<i64: 10>, scalar_prefetch = 0 : i64, scratch_operands = 0 : i64, tpu.core_type = #tpu.core_type<tc>, window_params = [{transform_indices = @transform_0, window_bounds = array<i64: 2, 1000, 128>}, {transform_indices = @transform_1, window_bounds = array<i64: 1000, 128>}, {transform_indices = @transform_2, window_bounds = array<i64: 1000, 1>}, {transform_indices = @transform_3, window_bounds = array<i64: 1000, 128>}, {pipeline_mode = #tpu.pipeline_mode<synchronous>, transform_indices = @transform_4, window_bounds = array<i64: 1, 128>}, {pipeline_mode = #tpu.pipeline_mode<synchronous>, transform_indices = @transform_5, window_bounds = array<i64: 1, 128>}, {pipeline_mode = #tpu.pipeline_mode<synchronous>, transform_indices = @transform_6, window_bounds = array<i64: 1, 128>}, {transform_indices = @transform_7, window_bounds = array<i64: 1000, 128>}]} {
    %get3A = arith.constant 0 : index
    %get3A_0 = arith.constant 0 : index
    %get3A_1 = vector.load %arg3[%get3A, %get3A_0] : memref<1000x1xf32, #tpu.memory_space<vmem>>, vector<1000x1xf32>
    %get3A_2 = arith.constant 0 : index
    %get3A_3 = arith.constant 0 : index
    %get3A_4 = arith.constant 0 : index
    %get3A_5 = vector.load %arg1[%get3A_2, %get3A_3, %get3A_4] : memref<2x1000x128xf32, #tpu.memory_space<vmem>>, vector<1x1000x128xf32>
    %get3A_6 = vector.shape_cast %get3A_5 : vector<1x1000x128xf32> to vector<1000x128xf32>
    %get3A_7 = arith.constant 1 : index
    %get3A_8 = arith.constant 0 : index
    %get3A_9 = arith.constant 0 : index
    %get3A_10 = vector.load %arg1[%get3A_7, %get3A_8, %get3A_9] : memref<2x1000x128xf32, #tpu.memory_space<vmem>>, vector<1x1000x128xf32>
    %get3A_11 = vector.shape_cast %get3A_10 : vector<1x1000x128xf32> to vector<1000x128xf32>
    %add3A = arith.addf %get3A_6, %get3A_11 : vector<1000x128xf32>
    %get3A_12 = arith.constant 0 : index
    %get3A_13 = arith.constant 0 : index
    %get3A_14 = vector.load %arg2[%get3A_12, %get3A_13] : memref<1000x128xf32, #tpu.memory_space<vmem>>, vector<1000x128xf32>
    %add3A_15 = arith.addf %add3A, %get3A_14 : vector<1000x128xf32>
    %mul3A = vector.broadcast %get3A_1 : vector<1000x1xf32> to vector<1000x128xf32>
    %mul3A_16 = arith.mulf %add3A_15, %mul3A : vector<1000x128xf32>
    %get3A_17 = arith.constant 0 : index
    %get3A_18 = arith.constant 0 : index
    %get3A_19 = vector.load %arg5[%get3A_17, %get3A_18] : memref<1x128xf32, #tpu.memory_space<vmem>>, vector<1x128xf32>
    %add3A_20 = vector.broadcast %get3A_19 : vector<1x128xf32> to vector<1000x128xf32>
    %add3A_21 = arith.addf %mul3A_16, %add3A_20 : vector<1000x128xf32>
    %reduce_sum3A = arith.constant dense<0.000000e+00> : vector<1000xf32>
    %reduce_sum3A_22 = vector.multi_reduction <add>, %add3A_21, %reduce_sum3A [1] : vector<1000x128xf32> to vector<1000xf32>
    %broadcast_in_dim3A = vector.shape_cast %reduce_sum3A_22 : vector<1000xf32> to vector<1000x1xf32>
    %div3A = arith.constant 1.280000e+02 : f32
    %div3A_23 = vector.broadcast %div3A : f32 to vector<1000x1xf32>
    %div3A_24 = arith.divf %broadcast_in_dim3A, %div3A_23 : vector<1000x1xf32>
    %sub3A = vector.broadcast %div3A_24 : vector<1000x1xf32> to vector<1000x128xf32>
    %sub3A_25 = arith.subf %add3A_21, %sub3A : vector<1000x128xf32>
    %mul3A_26 = arith.mulf %sub3A_25, %sub3A_25 : vector<1000x128xf32>
    %reduce_sum3A_27 = arith.constant dense<0.000000e+00> : vector<1000xf32>
    %reduce_sum3A_28 = vector.multi_reduction <add>, %mul3A_26, %reduce_sum3A_27 [1] : vector<1000x128xf32> to vector<1000xf32>
    %broadcast_in_dim3A_29 = vector.shape_cast %reduce_sum3A_28 : vector<1000xf32> to vector<1000x1xf32>
    %div3A_30 = arith.constant 1.280000e+02 : f32
    %div3A_31 = vector.broadcast %div3A_30 : f32 to vector<1000x1xf32>
    %div3A_32 = arith.divf %broadcast_in_dim3A_29, %div3A_31 : vector<1000x1xf32>
    %add3A_33 = arith.constant 9.99999974E-6 : f32
    %add3A_34 = vector.broadcast %add3A_33 : f32 to vector<1000x1xf32>
    %add3A_35 = arith.addf %div3A_32, %add3A_34 : vector<1000x1xf32>
    %rsqrt3A = math.rsqrt %add3A_35 : vector<1000x1xf32>
    %mul3A_36 = vector.broadcast %rsqrt3A : vector<1000x1xf32> to vector<1000x128xf32>
    %mul3A_37 = arith.mulf %sub3A_25, %mul3A_36 : vector<1000x128xf32>
    %get3A_38 = arith.constant 0 : index
    %get3A_39 = arith.constant 0 : index
    %get3A_40 = vector.load %arg6[%get3A_38, %get3A_39] : memref<1x128xf32, #tpu.memory_space<vmem>>, vector<1x128xf32>
    %mul3A_41 = vector.broadcast %get3A_40 : vector<1x128xf32> to vector<1000x128xf32>
    %mul3A_42 = arith.mulf %mul3A_37, %mul3A_41 : vector<1000x128xf32>
    %get3A_43 = arith.constant 0 : index
    %get3A_44 = arith.constant 0 : index
    %get3A_45 = vector.load %arg7[%get3A_43, %get3A_44] : memref<1x128xf32, #tpu.memory_space<vmem>>, vector<1x128xf32>
    %add3A_46 = vector.broadcast %get3A_45 : vector<1x128xf32> to vector<1000x128xf32>
    %add3A_47 = arith.addf %mul3A_42, %add3A_46 : vector<1000x128xf32>
    %gt3A = arith.constant 0.000000e+00 : f32
    %gt3A_48 = vector.broadcast %gt3A : f32 to vector<1000x128xf32>
    %gt3A_49 = arith.cmpf ogt, %add3A_47, %gt3A_48 : vector<1000x128xf32>
    %exp3A = math.exp %add3A_47 : vector<1000x128xf32>
    %sub3A_50 = arith.constant 1.000000e+00 : f32
    %sub3A_51 = vector.broadcast %sub3A_50 : f32 to vector<1000x128xf32>
    %sub3A_52 = arith.subf %exp3A, %sub3A_51 : vector<1000x128xf32>
    %select_n3A = arith.select %gt3A_49, %add3A_47, %sub3A_52 : vector<1000x128xi1>, vector<1000x128xf32>
    %get3A_53 = arith.constant 0 : index
    %get3A_54 = arith.constant 0 : index
    %get3A_55 = vector.load %arg4[%get3A_53, %get3A_54] : memref<1000x128xf32, #tpu.memory_space<vmem>>, vector<1000x128xf32>
    %add3A_56 = arith.addf %select_n3A, %get3A_55 : vector<1000x128xf32>
    %swap3A = arith.constant 0 : index
    %swap3A_57 = arith.constant 0 : index
    %swap3A_58 = vector.load %arg8[%swap3A, %swap3A_57] : memref<1000x128xf32, #tpu.memory_space<vmem>>, vector<1000x128xf32>
    tpu.vector_store %arg8[%swap3A, %swap3A_57], %add3A_56 {strides = array<i32>} : memref<1000x128xf32, #tpu.memory_space<vmem>>, vector<1000x128xf32>,
    return
  }
  func.func @transform_0(%arg0: i32) -> (i32, i32, i32) {
    %c0_i32 = arith.constant 0 : i32
    %c0_i32_0 = arith.constant 0 : i32
    %c0_i32_1 = arith.constant 0 : i32
    return %c0_i32, %arg0, %c0_i32_0 : i32, i32, i32
  }
  func.func @transform_1(%arg0: i32) -> (i32, i32) {
    %c0_i32 = arith.constant 0 : i32
    %c0_i32_0 = arith.constant 0 : i32
    return %arg0, %c0_i32 : i32, i32
  }
  func.func @transform_2(%arg0: i32) -> (i32, i32) {
    %c0_i32 = arith.constant 0 : i32
    %c0_i32_0 = arith.constant 0 : i32
    return %arg0, %c0_i32 : i32, i32
  }
  func.func @transform_3(%arg0: i32) -> (i32, i32) {
    %c0_i32 = arith.constant 0 : i32
    %c0_i32_0 = arith.constant 0 : i32
    return %arg0, %c0_i32 : i32, i32
  }
  func.func @transform_4(%arg0: i32) -> (i32, i32) {
    %c0_i32 = arith.constant 0 : i32
    %c0_i32_0 = arith.constant 0 : i32
    %c0_i32_1 = arith.constant 0 : i32
    return %c0_i32, %c0_i32_0 : i32, i32
  }
  func.func @transform_5(%arg0: i32) -> (i32, i32) {
    %c0_i32 = arith.constant 0 : i32
    %c0_i32_0 = arith.constant 0 : i32
    %c0_i32_1 = arith.constant 0 : i32
    return %c0_i32, %c0_i32_0 : i32, i32
  }
  func.func @transform_6(%arg0: i32) -> (i32, i32) {
    %c0_i32 = arith.constant 0 : i32
    %c0_i32_0 = arith.constant 0 : i32
    %c0_i32_1 = arith.constant 0 : i32
    return %c0_i32, %c0_i32_0 : i32, i32
  }
  func.func @transform_7(%arg0: i32) -> (i32, i32) {
    %c0_i32 = arith.constant 0 : i32
    %c0_i32_0 = arith.constant 0 : i32
    return %arg0, %c0_i32 : i32, i32
  }
}

</mosaic_0001>

<sc_bundles>
// kernel: kernel.11.cloned.1.call-start
scs
__scs_entry_jumppad:
0x0: {  	(pc) =	sbr.rel $0x88, $3  }
0x1: {  	(tag) =	ssettag $0x0;
	lr =	simm.s32 $0x1  }
0x2: {  	[smem:$0x3F97] =	sst lr;
	_ =	strace $0xD0000000  }
0x3: {  	_ = 	snop  }
0x4: {  	_ = 	snop  }
0x5: {  	_ = 	snop  }
0x6: {  	_ = 	snop  }
0x7: {  	_ = 	snop  }
__scs_overlays_trampoline_lowered:
0x8: {  	[smem:$0x3FA6] =	sst s0  }
0x9: {  	[smem:$0x3FA7] =	sst s1  }
0xa: {  	[smem:$0x3FA8] =	sst s2  }
0xb: {  	[smem:$0x3FA9] =	sst s3  }
0xc: {  	[smem:$0x3FAA] =	sst s4  }
0xd: {  	[smem:$0x3FAB] =	sst s5  }
0xe: {  	[smem:$0x3FAC] =	sst s6  }
0xf: {  	[smem:$0x3FAD] =	sst s7  }
0x10: {  	[smem:$0x3FAE] =	sst s8  }
0x11: {  	[smem:$0x3FAF] =	sst s9;
	s0 =	simm.s32 @!p0 $0x0  }
0x12: {  	s1 =	sld [smem:$0x3F95];
	s0 =	simm.s32 @p0 $0x1  }
0x13: {  	[smem:$0x3FB0] =	sst s0;
	s0 =	simm.s32 @!p1 $0x0  }
0x14: {  	s2 =	sld [smem:$0x3F94];
	s0 =	simm.s32 @p1 $0x1  }
0x15: {  	[smem:$0x3FB1] =	sst s0;
	s0 =	simm.s32 @!p2 $0x0  }
0x16: {  	s3 =	sld [smem:$0x3FDB];
	s0 =	simm.s32 @p2 $0x1  }
0x17: {  	s4 =	simm.s32 $0x1BF5;
	[smem:$0x3FB3] =	sst s0  }
0x18: {  	s0 =	sld [smem:$0x3F96];
	_ =	swait.ge [sflag:s4], $0x0  }
0x19: {  	s7 =	sld [smem:$0x3F97]  }
0x1a: {  	s8 =	sadd.s32 $0xFFFFE003, lr  }
0x1b: {  	s9 =	sadd.s32 $0xFFFFFEF7, lr;
	s5 =	simm.s32 $0xFFFFFFFF;
	p2 =	slt.u32 s8, $0xFFFFF086  }
0x1c: {  	p1 =	slt.u32 s9, $0xF7A;
	s5 =	simm.s32 @!p2 $0x0  }
0x1d: {  	s5 =	simm.s32 @p1 $0x1;
	p0 =	seq.s32 s7, s2  }
0x1e: {  	s7 =	smul.u32 @!p0 $0xF7A, s2;
	p2 =	seq.s32 @!p0 s5, $0x0  }
0x1f: {  	s9 =	smul.u32 $0xF7A, s1;
	s8 =	simm.s32 @!p0 $0x1BF5;
	p2 =	por !p2, p0  }
0x20: {  	[sflag:s8] =	ssyncset.s32 @!p0 $0xFFFFF086;
	s6 =	sadd.s32 @!p0 s3, s7;
	s7 =	simm.s32 @!p0 $0x108  }
0x21: {  	s3 =	sadd.s32 s3, s9;
	s6 =	sadd.s32 @!p0 $0x88, s6;
	s7 =	simm.s32 @p2 $0x1082  }
0x22: {  	[simem:s7], [sflag:s8] =	dma.local @!p0 [hbm:s6], $0xF7A  }
0x23: {  	s9 =	sor.u32 $0xD0000000, s2;
	s6 =	simm.s32 $0x108;
	_ =	swait.ge @!p0 [sflag:s8], $0x0  }
0x24: {  	s3 =	sadd.s32 $0x88, s3;
	s6 =	simm.s32 @!p1 $0x1082;
	[sflag:s4] =	ssyncset.s32 $0xFFFFF086  }
0x25: {  	[simem:s6], [sflag:s4] =	dma.local [hbm:s3], $0xF7A  }
0x26: {  	[smem:$0x3F97] =	sst s1;
	(tag) =	ssettag s2;
	_ =	strace s9  }
0x27: {  	s1 =	sld [smem:$0x3FA7]  }
0x28: {  	s2 =	sld [smem:$0x3FA8]  }
0x29: {  	s4 =	sld [smem:$0x3FAA]  }
0x2a: {  	p0 =	seq.s32 s5, $0x0;
	s5 =	sld [smem:$0x3FAB]  }
0x2b: {  	s6 =	sld [smem:$0x3FAC]  }
0x2c: {  	s7 =	sld [smem:$0x3FAD]  }
0x2d: {  	s3 =	simm.s32 $0x108;
	s8 =	sld [smem:$0x3FAE]  }
0x2e: {  	s3 =	simm.s32 @!p0 $0x1082;
	s9 =	sld [smem:$0x3FAF]  }
0x2f: {  	lr =	sadd.s32 s0, s3;
	s0 =	sld [smem:$0x3FA6]  }
0x30: {  	s3 =	sld [smem:$0x3FA9]  }
0x31: {  	[smem:$0x3FB2] =	sst s10  }
0x32: {  	s10 =	sld [smem:$0x3FB0];
	_ =	sdelay $0x3  }
0x33: {  	p0 =	seq.s32 s10, $0x1;
	s10 =	sld [smem:$0x3FB2];
	_ =	sdelay $0x3  }
0x34: {  	[smem:$0x3FB2] =	sst s10  }
0x35: {  	s10 =	sld [smem:$0x3FB1];
	_ =	sdelay $0x3  }
0x36: {  	p1 =	seq.s32 s10, $0x1;
	s10 =	sld [smem:$0x3FB2];
	_ =	sdelay $0x3  }
0x37: {  	[smem:$0x3FB2] =	sst s10  }
0x38: {  	s10 =	sld [smem:$0x3FB3]  }
0x39: {  	_ = 	snop;
	(pc) =	sbr.ind lr, $3  }
0x3a: {  	_ = 	snop  }
0x3b: {  	_ = 	snop  }
0x3c: {  	p2 =	seq.s32 s10, $0x1;
	s10 =	sld [smem:$0x3FB2]  }
0x3d: {  	_ =	shalt  }
0x3e: {  	_ =	shalt  }
0x3f: {  	_ =	shalt  }
0x40: {  	_ =	shalt  }
0x41: {  	_ =	shalt  }
0x42: {  	_ =	shalt  }
0x43: {  	_ =	shalt  }
0x44: {  	_ =	shalt  }
0x45: {  	_ =	shalt  }
0x46: {  	_ =	shalt  }
0x47: {  	_ =	shalt  }
0x48: {  	_ =	shalt  }
0x49: {  	_ =	shalt  }
0x4a: {  	_ =	shalt  }
0x4b: {  	_ =	shalt  }
0x4c: {  	_ =	shalt  }
0x4d: {  	_ =	shalt  }
0x4e: {  	_ =	shalt  }
0x4f: {  	_ =	shalt  }
0x50: {  	_ =	shalt  }
0x51: {  	_ =	shalt  }
0x52: {  	_ =	shalt  }
0x53: {  	_ =	shalt  }
0x54: {  	_ =	shalt  }
0x55: {  	_ =	shalt  }
0x56: {  	_ =	shalt  }
0x57: {  	_ =	shalt  }
0x58: {  	_ =	shalt  }
0x59: {  	_ =	shalt  }
0x5a: {  	_ =	shalt  }
0x5b: {  	_ =	shalt  }
0x5c: {  	_ =	shalt  }
0x5d: {  	_ =	shalt  }
0x5e: {  	_ =	shalt  }
0x5f: {  	_ =	shalt  }
0x60: {  	_ =	shalt  }
0x61: {  	_ =	shalt  }
0x62: {  	_ =	shalt  }
0x63: {  	_ =	shalt  }
0x64: {  	_ =	shalt  }
0x65: {  	_ =	shalt  }
0x66: {  	_ =	shalt  }
0x67: {  	_ =	shalt  }
0x68: {  	_ =	shalt  }
0x69: {  	_ =	shalt  }
0x6a: {  	_ =	shalt  }
0x6b: {  	_ =	shalt  }
0x6c: {  	_ =	shalt  }
0x6d: {  	_ =	shalt  }
0x6e: {  	_ =	shalt  }
0x6f: {  	_ =	shalt  }
0x70: {  	_ =	shalt  }
0x71: {  	_ =	shalt  }
0x72: {  	_ =	shalt  }
0x73: {  	_ =	shalt  }
0x74: {  	_ =	shalt  }
0x75: {  	_ =	shalt  }
0x76: {  	_ =	shalt  }
0x77: {  	_ =	shalt  }
0x78: {  	_ =	shalt  }
0x79: {  	_ =	shalt  }
0x7a: {  	_ =	shalt  }
0x7b: {  	_ =	shalt  }
0x7c: {  	_ =	shalt  }
0x7d: {  	_ =	shalt  }
0x7e: {  	_ =	shalt  }
0x7f: {  	_ =	shalt  }
0x80: {  	_ =	shalt  }
0x81: {  	_ =	shalt  }
0x82: {  	_ =	shalt  }
0x83: {  	_ =	shalt  }
0x84: {  	_ =	shalt  }
0x85: {  	_ =	shalt  }
0x86: {  	_ =	shalt  }
0x87: {  	_ =	shalt  }
.Lfunc_end0:
.L_simem_size_0:
called_computation.1_lowered:
.L_overlay_start_0:
0x88: {  	s2 =	sld [smem:$0x3FD9]  }
0x89: {  	s3 =	sld [smem:$0x3FFE];
	_ =	sdelay $0x1  }
0x8a: {  	s1 =	srdreg.scid  }
0x8b: {  	s0 =	sand.u32 $0x1, s1  }
0x8c: {  	s17 =	sshll.u32 s0, $0xA;
	s2 =	sadd.s32 s3, s2  }
0x8d: {  	s2 =	sadd.s32 s2, s17  }
0x8e: {  	[smem:$0x3FBE] =	sst s2  }
0x8f: {  	_ = 	snop  }
0x90: {  	s2 =	sld [smem:$0x3FD0];
	(tm) =	ssettm $0x1  }
0x91: {  	s18 =	sld [smem:$0x3FFB];
	_ =	sdelay $0x3  }
0x92: {  	_ =	strace s18  }
0x93: {  	s3 =	sld [smem:$0x3FFC];
	_ =	sdelay $0x3  }
0x94: {  	_ =	strace s3  }
0x95: {  	s3 =	sld [smem:$0x3FFD];
	_ =	sdelay $0x3  }
0x96: {  	_ =	strace s3  }
0x97: {  	_ =	strace $0x8FFFFFFF  }
0x98: {  	s19 =	sld [smem:$0x3FDB];
	_ =	sdelay $0x1  }
0x99: {  	s4 =	simm.s32 $_scs_section_size  }
0x9a: {  	s5 =	simm.s32 $_size__tile_overlayer_lowered;
	s6 =	simm.s32 $_tile_overlayer_lowered  }
0x9b: {  	s22 =	simm.s32 $0x1BFF;
	s21 =	sshll.u32 s6, $0x1;
	s3 =	sadd.s32 s4, s19  }
0x9c: {  	s7 =	simm.s32 $0x0;
	s20 =	sshll.u32 s5, $0x1;
	s5 =	sadd.s32 s21, s3  }
0x9d: {  	[timem:s7], [sflag:s22] =	dma.local [hbm:s5], s20  }
0x9e: {  	_ =	swait.ge [sflag:s22], s20  }
0x9f: {  	s4 =	ssub.s32 $0x0, s20;
	[sflag:s22] =	ssyncset.done $0x0  }
0xa0: {  	[sflag:s22] =	ssyncadd.s32 s4;
	_ =	sdelay $0x1  }
0xa1: {  	s23 =	simm.s32 $0x1B8B  }
0xa2: {  	_ =	swait.ge [sflag:s23], $0x1  }
0xa3: {  	[sflag:s23] =	ssyncset.done $0x0  }
0xa4: {  	s25 =	simm.s32 $0x1B8E;
	s24 =	sld [smem:$0x3FFE];
	[sflag:s23] =	ssyncadd.s32 $0xFFFFFFFF  }
0xa5: {  	s26 =	simm.s32 $execute0_lowered;
	[smem:$0x3FD2] =	sst s25  }
0xa6: {  	s5 =	sshll.u32 s26, $0x1;
	_ =	strace $0x80000049;
	[dreg:$0x1] =	wrdreg $0xFFFFFFFF  }
0xa7: {  	s28 =	simm.s32 $_size_execute0_lowered;
	s3 =	sadd.s32 s3, s5;
	[dreg:$0x0] =	wrdreg $0x0  }
0xa8: {  	s5 =	sshll.u32 s28, $0x1;
	[dreg:$0x2] =	wrdreg s3  }
0xa9: {  	[dreg:$0x3] =	wrdreg s5  }
0xaa: {  	[dreg:$0x4] =	wrdreg $0xC0  }
0xab: {  	_ =	task [dreg:s7], $0x5FFFF  }
0xac: {  	[dreg:$0x1] =	wrdreg $0xFFFFFFFF  }
0xad: {  	[dreg:$0x0] =	wrdreg $0x60  }
0xae: {  	[dreg:$0x2] =	wrdreg s2  }
0xaf: {  	[dreg:$0x3] =	wrdreg s24  }
0xb0: {  	[dreg:$0x4] =	wrdreg $0x0  }
0xb1: {  	[dreg:$0x5] =	wrdreg $0x9  }
0xb2: {  	_ =	task.clear_ibuf [dreg:s7], $0x6FFFF;
	_ =	strace $0x90000049  }
0xb3: {  	s29 =	simm.s32 $0x9;
	_ =	strace $0x8000004B  }
0xb4: {  	_ =	swait.ge [sflag:s29], $0x1  }
0xb5: {  	[sflag:s29] =	ssyncadd.s32 $0xFFFFFFFF  }
0xb6: {  	_ =	strace $0x9000004B  }
0xb7: {  	_ =	sfence  }
0xb8: {  	s30 =	sld [smem:$0x0];
	_ =	sdelay $0x2  }
0xb9: {  	s31 =	sshll.u32 s1, $0xD;
	s1 =	sshrl.u32 s1, $0x2  }
0xba: {  	s3 =	sand.u32 $0x4000, s31;
	s1 =	sadd.s32 s1, s30  }
0xbb: {  	s0 =	sor.u32 s3, s0;
	s1 =	sshll.u32 s1, $0x11  }
0xbc: {  	s0 =	sor.u32 s1, s0  }
0xbd: {  	s0 =	sadd.s32 $0x8F2B, s0  }
0xbe: {  	[sflag:s0] =	ssyncadd.remote.s32 $0x1  }
0xbf: {  	_ =	sfence.sel $0xFFFF  }
0xc0: {  	[dreg:$0x0] =	wrdreg $0xFFFFFFFF;
	(pc) =	sbr.abs _section_cstart, $3  }
0xc1: {  	[dreg:$0x1] =	wrdreg $0xFFFFFFFF  }
0xc2: {  	_ =	task.clear_ibuf [dreg:s7], $0x2FFFF;
	_ =	strace $0x9FFFFFFF  }
0xc3: {  	(tm) =	ssettm $0x7FFFFFFF  }
tec
execute0_lowered:
.L_overlay_start_1:
0x0: {  	(tag) =	ssettag $0x1  }
0x1: {  	s1 =	rddreg [dreg:$0x0]  }
0x2: {  	s0 =	rddreg [dreg:$0x1]  }
0x3: {  	s2 =	rddreg [dreg:$0x2]  }
0x4: {  	s3 =	simm.s32 $0x0;
	s4 =	srdreg.scid;
	s18 =	stileid.u32  }
0x5: {  	s30 =	simm.s32 $0x13880;
	s31 =	simm.s32 $0x3;
	s28 =	simm.s32 $0x0  }
0x6: {  	[smem:$0x7FF] =	sst s3;
	s5 =	sadd.s32 $0x3400, s0;
	s7 =	smul.u32 $0x4E000, s18  }
0x7: {  	s6 =	sadd.s32 $0xD200, s0;
	s4 =	sand.u32 $0x1, s4;
	s14 =	smul.u32 $0x270, s18  }
0x8: {  	s0 =	sadd.s32 $0x17000, s0;
	s9 =	sshll.u32 s18, $0x1;
	s29 =	smul.u32 $0x4E20, s18  }
0x9: {  	p0 =	sne.s32 s18, $0xF;
	s18 =	simm.s32 $0x2;
	_ =	strace $0x8000004A  }
0xa: {  	s8 =	ssub.s32 $0x2, s4;
	s9 =	sor.u32 s4, s9;
	s25 =	smul.u32 $0x2710, s4  }
0xb: {  	s4 =	smul.u32 $0x138800, s4;
	s10 =	sshrl.u32 s8, $0x1;
	s7 =	sshrl.u32 s7, $0x2  }
0xc: {  	s12 =	smul.u32 $0x2710, s9;
	s13 =	ssub.s32 s8, s10;
	s7 =	sadd.s32 s7, s2  }
0xd: {  	s14 =	sadd.s32 s14, s25;
	s4 =	sshrl.u32 s4, $0x3;
	s19 =	sadd.s32 s25, s29  }
0xe: {  	s8 =	sadd.s32 $0x4000, s7;
	s9 =	sadd.s32 $0x8000, s7;
	s10 =	sadd.s32 $0xC000, s7  }
0xf: {  	s11 =	sadd.s32 $0x10000, s7;
	s15 =	sshrl.u32 s12, $0x3;
	s13 =	smax.u32 s13, $0x1  }
0x10: {  	s12 =	sadd.s32 $0x138000, s2;
	s16 =	sadd.s32 s5, s15;
	[dreg:$0xd] =	wrdreg s13  }
0x11: {  	s14 =	sshll.u32 s14, $0x4;
	s17 =	sadd.s32 s6, s15;
	[dreg:$0x4] =	wrdreg s16  }
0x12: {  	s23 =	sadd.s32 $0x4D0, s15;
	s14 =	sadd.s32 s0, s14;
	[dreg:$0x5] =	wrdreg s17  }
0x13: {  	s21 =	sadd.s32 $0x80, s19;
	s24 =	sadd.s32 s5, s23;
	[dreg:$0xa] =	wrdreg s14  }
0x14: {  	s15 =	sadd.s32 $0x4E0, s15;
	s16 =	sadd.s32 s6, s23;
	[dreg:$0x6] =	wrdreg s24  }
0x15: {  	s0 =	sadd.s32 s0, s4;
	s26 =	sadd.s32 s5, s15;
	[dreg:$0x7] =	wrdreg s16  }
0x16: {  	s4 =	simm.s32 $0x1B980;
	s15 =	sadd.s32 s6, s15;
	[dreg:$0x8] =	wrdreg s26  }
0x17: {  	s13 =	simm.s32 $0x80;
	s20 =	sadd.s32 $0x800, s14;
	[dreg:$0x9] =	wrdreg s15  }
0x18: {  	s0 =	sadd.s32 $0x27000, s0;
	s23 =	sadd.s32 $0x100, s19;
	[dreg:$0xb] =	wrdreg s20  }
0x19: {  	s22 =	sadd.s32 $0x1000, s14;
	s29 =	sadd.s32 $0x2000, s14;
	[dreg:$0xc] =	wrdreg s0  }
0x1a: {  	s17 =	simm.s32 $0x1;
	s0 =	sshrl.u32 s21, $0x3;
	[dreg:$0xe] =	wrdreg s22  }
0x1b: {  	s26 =	sadd.s32 $0x1800, s14;
	[dreg:$0x10] =	wrdreg s29;
	s14 =	simm.s32 $0x1B900  }
0x1c: {  	s15 =	simm.s32 $0x1BA00;
	s16 =	simm.s32 $0x17880;
	s24 =	sadd.s32 s0, s6  }
0x1d: {  	v0 =	vimm.f32 $0.0e+00;
	s25 =	sadd.s32 s0, s5;
	[dreg:$0xf] =	wrdreg s26;
	s0 =	simm.s32 $0x1B880  }
.LBB2_1:
0x1e: {  	s20 =	simm.s32 $0x138C0  }
0x1f: {  	[tilespmem:s20+$0xFFFFFFC0] =	vst v0  }
0x20: {  	[tilespmem:s20+$0x30] =	vst v0  }
0x21: {  	[tilespmem:s20+$0x20] =	vst v0  }
0x22: {  	[tilespmem:s20+$0x10] =	vst v0  }
0x23: {  	[tilespmem:s20+$0x0] =	vst v0  }
0x24: {  	[tilespmem:s20+$0xFFFFFFF0] =	vst v0  }
0x25: {  	s21 =	simm.s32 $0x0;
	[tilespmem:s20+$0xFFFFFFE0] =	vst v0  }
.LBB2_2:
0x26: {  	s21 =	sadd.s32 $0x8, s21;
	[tilespmem:s20+$0xFFFFFFD0] =	vst v0;
	s20 =	sadd.s32 $0x80, s20  }
0x27: {  	[tilespmem:s20+$0xFFFFFFC0] =	vst v0;
	p1 =	slt.u32 s21, $0x3F8  }
0x28: {  	[tilespmem:s20+$0x30] =	vst v0  }
.Ltmp0:
0x29: {  	[tilespmem:s20+$0x20] =	vst v0;
	(pc) =	sbr.rel @p1 .LBB2_2-.Ltmp0, $4  }
0x2a: {  	[tilespmem:s20+$0x10] =	vst v0  }
0x2b: {  	[tilespmem:s20+$0x0] =	vst v0  }
0x2c: {  	[tilespmem:s20+$0xFFFFFFF0] =	vst v0  }
0x2d: {  	[tilespmem:s20+$0xFFFFFFE0] =	vst v0  }
0x2e: {  	[tilespmem:s20+$0xFFFFFFD0] =	vst v0  }
0x2f: {  	[spmem:s7] =	stream.linear.scatter [tilespmem:s30], [sflag:$0x3], $0x4000, $0x38;
	[tilespmem:$0x1C380] =	vst v63  }
0x30: {  	_ =	swait.ge [sflag:s31], $0x4000  }
0x31: {  	[sflag:s31] =	ssyncset.done $0x0  }
0x32: {  	[sflag:s31] =	ssyncadd.s32 $0xFFFFC000  }
0x33: {  	[spmem:s8] =	stream.linear.scatter [tilespmem:s30], [sflag:$0x3], $0x4000, $0x38;
	[tilespmem:$0x1C380] =	vst v63  }
0x34: {  	_ =	swait.ge [sflag:s31], $0x4000  }
0x35: {  	[sflag:s31] =	ssyncset.done $0x0  }
0x36: {  	[sflag:s31] =	ssyncadd.s32 $0xFFFFC000  }
0x37: {  	[spmem:s9] =	stream.linear.scatter [tilespmem:s30], [sflag:$0x3], $0x4000, $0x38;
	[tilespmem:$0x1C380] =	vst v63  }
0x38: {  	_ =	swait.ge [sflag:s31], $0x4000  }
0x39: {  	[sflag:s31] =	ssyncset.done $0x0  }
0x3a: {  	[sflag:s31] =	ssyncadd.s32 $0xFFFFC000  }
0x3b: {  	[spmem:s10] =	stream.linear.scatter [tilespmem:s30], [sflag:$0x3], $0x4000, $0x38;
	[tilespmem:$0x1C380] =	vst v63  }
0x3c: {  	_ =	swait.ge [sflag:s31], $0x4000  }
0x3d: {  	[sflag:s31] =	ssyncset.done $0x0  }
0x3e: {  	[sflag:s31] =	ssyncadd.s32 $0xFFFFC000  }
0x3f: {  	[spmem:s11] =	stream.linear.scatter [tilespmem:s30], [sflag:$0x3], $0x3800, $0x38;
	[tilespmem:$0x1C380] =	vst v63  }
0x40: {  	_ =	swait.ge [sflag:s31], $0x3800  }
0x41: {  	[sflag:s31] =	ssyncset.done $0x0  }
0x42: {  	s20 =	simm.s32 @!p0 $0x13880;
	[sflag:s31] =	ssyncadd.s32 $0xFFFFC800  }
0x43: {  	[spmem:s12] =	stream.linear.scatter @!p0 [tilespmem:s20], [sflag:$0x3], $0x800, $0x38;
	[tilespmem:$0x1C380] =	vst v63  }
0x44: {  	s20 =	simm.s32 @!p0 $0x3  }
0x45: {  	_ =	swait.ge @!p0 [sflag:s20], $0x800  }
0x46: {  	[sflag:s20] =	ssyncset.done @!p0 $0x0  }
0x47: {  	[sflag:s20] =	ssyncadd.s32 @!p0 $0xFFFFF800  }
0x48: {  	[bflag:$0x0] =	sbarrier.arrive $0xFFFF  }
0x49: {  	s22 =	simm.s32 $0x0;
	s19 =	rddreg [dreg:$0x4]  }
0x4a: {  	[tilespmem:s0], [sflag:$0x3] =	stream.linear.gather [hbm4b:s19+s22], $0x80, $0x38;
	[tilespmem:$0x1C380] =	vst v63  }
0x4b: {  	_ =	swait.ge [sflag:s31], $0x80  }
0x4c: {  	[sflag:s31] =	ssyncset.done $0x0  }
0x4d: {  	s26 =	rddreg [dreg:$0x5];
	[sflag:s31] =	ssyncadd.s32 $0xFFFFFF80  }
0x4e: {  	[tilespmem:s4], [sflag:$0x3] =	stream.linear.gather [hbm4b:s26+s22], $0x80, $0x38;
	[tilespmem:$0x1C380] =	vst v63  }
0x4f: {  	_ =	swait.ge [sflag:s31], $0x80  }
0x50: {  	[sflag:s31] =	ssyncset.done $0x0  }
0x51: {  	[sflag:s31] =	ssyncadd.s32 $0xFFFFFF80  }
0x52: {  	[tilespmem:s30], [sflag:$0x1] =	stream.indirect.gather [hbm4b:s1+s13], $0x80, s0, s13, $0xb8;
	[tilespmem:$0x1C380] =	vst v63  }
0x53: {  	s21 =	sadd.s32 $0x0, s25  }
0x54: {  	[tilespmem:s14], [sflag:$0x3] =	stream.linear.gather [hbm4b:s21+s3], $0x80, $0x38;
	[tilespmem:$0x1C380] =	vst v63  }
0x55: {  	_ =	swait.ge [sflag:s31], $0x80  }
0x56: {  	[sflag:s31] =	ssyncset.done $0x0  }
0x57: {  	s22 =	sadd.s32 $0x0, s24;
	[sflag:s31] =	ssyncadd.s32 $0xFFFFFF80  }
0x58: {  	[tilespmem:s15], [sflag:$0x3] =	stream.linear.gather [hbm4b:s22+s3], $0x80, $0x38;
	[tilespmem:$0x1C380] =	vst v63  }
0x59: {  	_ =	swait.ge [sflag:s31], $0x80  }
0x5a: {  	[sflag:s31] =	ssyncset.done $0x0  }
0x5b: {  	[sflag:s31] =	ssyncadd.s32 $0xFFFFFF80  }
0x5c: {  	[tilespmem:s16], [sflag:$0x2] =	stream.indirect.gather [hbm4b:s1+s13], $0x80, s14, s13, $0xb8;
	[tilespmem:$0x1C380] =	vst v63  }
0x5d: {  	_ =	swait.ge [sflag:s17], $0x4000  }
0x5e: {  	[sflag:s17] =	ssyncset.done $0x0  }
0x5f: {  	[sflag:s17] =	ssyncadd.s32 $0xFFFFC000  }
0x60: {  	[spmem:s2] =	stream.indirect.scatter.add.f32 [tilespmem:s30], [sflag:$0x3], $0x80, s4, s13, $0xb8;
	[tilespmem:$0x1C380] =	vst v63  }
0x61: {  	_ =	swait.ge [sflag:s31], $0x4000  }
0x62: {  	s26 =	sshrl.u32 s23, $0x3;
	[sflag:s31] =	ssyncset.done $0x0  }
0x63: {  	s21 =	sadd.s32 s5, s26;
	[sflag:s31] =	ssyncadd.s32 $0xFFFFC000  }
0x64: {  	[tilespmem:s0], [sflag:$0x3] =	stream.linear.gather [hbm4b:s21+s3], $0x80, $0x38;
	[tilespmem:$0x1C380] =	vst v63  }
0x65: {  	_ =	swait.ge [sflag:s31], $0x80  }
0x66: {  	[sflag:s31] =	ssyncset.done $0x0  }
0x67: {  	s20 =	sadd.s32 s6, s26;
	[sflag:s31] =	ssyncadd.s32 $0xFFFFFF80  }
0x68: {  	[tilespmem:s4], [sflag:$0x3] =	stream.linear.gather [hbm4b:s20+s3], $0x80, $0x38;
	[tilespmem:$0x1C380] =	vst v63  }
0x69: {  	_ =	swait.ge [sflag:s31], $0x80  }
0x6a: {  	[sflag:s31] =	ssyncset.done $0x0  }
0x6b: {  	[sflag:s31] =	ssyncadd.s32 $0xFFFFFF80  }
0x6c: {  	[tilespmem:s30], [sflag:$0x1] =	stream.indirect.gather [hbm4b:s1+s13], $0x80, s0, s13, $0xb8;
	[tilespmem:$0x1C380] =	vst v63  }
0x6d: {  	_ =	swait.ge [sflag:s18], $0x4000  }
0x6e: {  	[sflag:s18] =	ssyncset.done $0x0  }
0x6f: {  	[sflag:s18] =	ssyncadd.s32 $0xFFFFC000  }
0x70: {  	[spmem:s2] =	stream.indirect.scatter.add.f32 [tilespmem:s16], [sflag:$0x3], $0x80, s15, s13, $0xb8;
	[tilespmem:$0x1C380] =	vst v63  }
0x71: {  	s29 =	sadd.s32 $0x100, s23;
	_ =	swait.ge [sflag:s31], $0x4000  }
0x72: {  	s21 =	simm.s32 $0x40;
	s20 =	simm.s32 $0x20;
	[sflag:s31] =	ssyncset.done $0x0  }
.LBB2_4:
0x73: {  	s26 =	sadd.s32 s20, s25  }
0x74: {  	[sflag:s31] =	ssyncadd.s32 $0xFFFFC000;
	s19 =	smov.u32 s21;
	s22 =	sadd.s32 $0x20, s21  }
0x75: {  	[tilespmem:s14], [sflag:$0x3] =	stream.linear.gather [hbm4b:s26+s3], $0x80, $0x38;
	[tilespmem:$0x1C380] =	vst v63  }
0x76: {  	p1 =	sne.s32 s21, $0x4A0;
	_ =	swait.ge [sflag:s31], $0x80  }
0x77: {  	[sflag:s31] =	ssyncset.done $0x0  }
0x78: {  	s21 =	sadd.s32 s20, s24;
	s20 =	smov.u32 s19;
	[sflag:s31] =	ssyncadd.s32 $0xFFFFFF80  }
0x79: {  	[tilespmem:s15], [sflag:$0x3] =	stream.linear.gather [hbm4b:s21+s3], $0x80, $0x38;
	[tilespmem:$0x1C380] =	vst v63  }
0x7a: {  	_ =	swait.ge [sflag:s31], $0x80  }
0x7b: {  	[sflag:s31] =	ssyncset.done $0x0  }
0x7c: {  	[sflag:s31] =	ssyncadd.s32 $0xFFFFFF80  }
0x7d: {  	[tilespmem:s16], [sflag:$0x2] =	stream.indirect.gather [hbm4b:s1+s13], $0x80, s14, s13, $0xb8;
	[tilespmem:$0x1C380] =	vst v63  }
0x7e: {  	_ =	swait.ge [sflag:s17], $0x4000  }
0x7f: {  	[sflag:s17] =	ssyncset.done $0x0  }
0x80: {  	[sflag:s17] =	ssyncadd.s32 $0xFFFFC000  }
0x81: {  	[spmem:s2] =	stream.indirect.scatter.add.f32 [tilespmem:s30], [sflag:$0x3], $0x80, s4, s13, $0xb8;
	[tilespmem:$0x1C380] =	vst v63  }
0x82: {  	_ =	swait.ge [sflag:s31], $0x4000  }
0x83: {  	s19 =	sshrl.u32 s29, $0x3;
	[sflag:s31] =	ssyncset.done $0x0  }
0x84: {  	s21 =	sadd.s32 s5, s19;
	[sflag:s31] =	ssyncadd.s32 $0xFFFFC000  }
0x85: {  	[tilespmem:s0], [sflag:$0x3] =	stream.linear.gather [hbm4b:s21+s3], $0x80, $0x38;
	[tilespmem:$0x1C380] =	vst v63  }
0x86: {  	_ =	swait.ge [sflag:s31], $0x80  }
0x87: {  	[sflag:s31] =	ssyncset.done $0x0  }
0x88: {  	s19 =	sadd.s32 s6, s19;
	[sflag:s31] =	ssyncadd.s32 $0xFFFFFF80  }
0x89: {  	[tilespmem:s4], [sflag:$0x3] =	stream.linear.gather [hbm4b:s19+s3], $0x80, $0x38;
	[tilespmem:$0x1C380] =	vst v63  }
0x8a: {  	_ =	swait.ge [sflag:s31], $0x80  }
0x8b: {  	[sflag:s31] =	ssyncset.done $0x0  }
0x8c: {  	[sflag:s31] =	ssyncadd.s32 $0xFFFFFF80  }
0x8d: {  	[tilespmem:s30], [sflag:$0x1] =	stream.indirect.gather [hbm4b:s1+s13], $0x80, s0, s13, $0xb8;
	[tilespmem:$0x1C380] =	vst v63  }
0x8e: {  	_ =	swait.ge [sflag:s18], $0x4000  }
.Ltmp1:
0x8f: {  	[sflag:s18] =	ssyncset.done $0x0;
	(pc) =	sbr.rel @p1 .LBB2_4-.Ltmp1, $4  }
0x90: {  	[sflag:s18] =	ssyncadd.s32 $0xFFFFC000  }
0x91: {  	[spmem:s2] =	stream.indirect.scatter.add.f32 [tilespmem:s16], [sflag:$0x3], $0x80, s15, s13, $0xb8;
	[tilespmem:$0x1C380] =	vst v63  }
0x92: {  	_ =	swait.ge [sflag:s31], $0x4000  }
0x93: {  	s29 =	sadd.s32 $0x100, s29;
	s21 =	smov.u32 s22;
	[sflag:s31] =	ssyncset.done $0x0  }
0x94: {  	s19 =	sadd.s32 s20, s25;
	[sflag:s31] =	ssyncadd.s32 $0xFFFFC000  }
0x95: {  	[tilespmem:s14], [sflag:$0x3] =	stream.linear.gather [hbm4b:s19+s3], $0x80, $0x38;
	[tilespmem:$0x1C380] =	vst v63  }
0x96: {  	_ =	swait.ge [sflag:s31], $0x80  }
0x97: {  	[sflag:s31] =	ssyncset.done $0x0  }
0x98: {  	s22 =	sadd.s32 s20, s24;
	[sflag:s31] =	ssyncadd.s32 $0xFFFFFF80  }
0x99: {  	[tilespmem:s15], [sflag:$0x3] =	stream.linear.gather [hbm4b:s22+s3], $0x80, $0x38;
	[tilespmem:$0x1C380] =	vst v63  }
0x9a: {  	_ =	swait.ge [sflag:s31], $0x80  }
0x9b: {  	[sflag:s31] =	ssyncset.done $0x0  }
0x9c: {  	[sflag:s31] =	ssyncadd.s32 $0xFFFFFF80  }
0x9d: {  	[tilespmem:s16], [sflag:$0x2] =	stream.indirect.gather [hbm4b:s1+s13], $0x80, s14, s13, $0xb8;
	[tilespmem:$0x1C380] =	vst v63  }
0x9e: {  	_ =	swait.ge [sflag:s17], $0x4000  }
0x9f: {  	[sflag:s17] =	ssyncset.done $0x0  }
0xa0: {  	[sflag:s17] =	ssyncadd.s32 $0xFFFFC000  }
0xa1: {  	[spmem:s2] =	stream.indirect.scatter.add.f32 [tilespmem:s30], [sflag:$0x3], $0x80, s4, s13, $0xb8;
	[tilespmem:$0x1C380] =	vst v63  }
0xa2: {  	_ =	swait.ge [sflag:s31], $0x4000  }
0xa3: {  	s26 =	sshrl.u32 s29, $0x3;
	[sflag:s31] =	ssyncset.done $0x0  }
0xa4: {  	s29 =	sadd.s32 s5, s26;
	[sflag:s31] =	ssyncadd.s32 $0xFFFFC000  }
0xa5: {  	[tilespmem:s0], [sflag:$0x3] =	stream.linear.gather [hbm4b:s29+s3], $0x80, $0x38;
	[tilespmem:$0x1C380] =	vst v63  }
0xa6: {  	_ =	swait.ge [sflag:s31], $0x80  }
0xa7: {  	[sflag:s31] =	ssyncset.done $0x0  }
0xa8: {  	s19 =	sadd.s32 s6, s26;
	[sflag:s31] =	ssyncadd.s32 $0xFFFFFF80  }
0xa9: {  	[tilespmem:s4], [sflag:$0x3] =	stream.linear.gather [hbm4b:s19+s3], $0x80, $0x38;
	[tilespmem:$0x1C380] =	vst v63  }
0xaa: {  	_ =	swait.ge [sflag:s31], $0x80  }
0xab: {  	[sflag:s31] =	ssyncset.done $0x0  }
0xac: {  	[sflag:s31] =	ssyncadd.s32 $0xFFFFFF80  }
0xad: {  	[tilespmem:s30], [sflag:$0x1] =	stream.indirect.gather [hbm4b:s1+s13], $0x80, s0, s13, $0xb8;
	[tilespmem:$0x1C380] =	vst v63  }
0xae: {  	_ =	swait.ge [sflag:s18], $0x4000  }
0xaf: {  	[sflag:s18] =	ssyncset.done $0x0  }
0xb0: {  	[sflag:s18] =	ssyncadd.s32 $0xFFFFC000  }
0xb1: {  	[spmem:s2] =	stream.indirect.scatter.add.f32 [tilespmem:s16], [sflag:$0x3], $0x80, s15, s13, $0xb8;
	[tilespmem:$0x1C380] =	vst v63  }
0xb2: {  	_ =	swait.ge [sflag:s31], $0x4000  }
0xb3: {  	[sflag:s31] =	ssyncset.done $0x0  }
0xb4: {  	s20 =	rddreg [dreg:$0x6];
	[sflag:s31] =	ssyncadd.s32 $0xFFFFC000  }
0xb5: {  	[tilespmem:s14], [sflag:$0x3] =	stream.linear.gather [hbm4b:s20+s3], $0x80, $0x38;
	[tilespmem:$0x1C380] =	vst v63  }
0xb6: {  	_ =	swait.ge [sflag:s31], $0x80  }
0xb7: {  	[sflag:s31] =	ssyncset.done $0x0  }
0xb8: {  	s21 =	rddreg [dreg:$0x7];
	[sflag:s31] =	ssyncadd.s32 $0xFFFFFF80  }
0xb9: {  	[tilespmem:s15], [sflag:$0x3] =	stream.linear.gather [hbm4b:s21+s3], $0x80, $0x38;
	[tilespmem:$0x1C380] =	vst v63  }
0xba: {  	_ =	swait.ge [sflag:s31], $0x80  }
0xbb: {  	[sflag:s31] =	ssyncset.done $0x0  }
0xbc: {  	[sflag:s31] =	ssyncadd.s32 $0xFFFFFF80  }
0xbd: {  	[tilespmem:s16], [sflag:$0x2] =	stream.indirect.gather [hbm4b:s1+s13], $0x80, s14, s13, $0xb8;
	[tilespmem:$0x1C380] =	vst v63  }
0xbe: {  	_ =	swait.ge [sflag:s17], $0x4000  }
0xbf: {  	[sflag:s17] =	ssyncset.done $0x0  }
0xc0: {  	[sflag:s17] =	ssyncadd.s32 $0xFFFFC000  }
0xc1: {  	[spmem:s2] =	stream.indirect.scatter.add.f32 [tilespmem:s30], [sflag:$0x3], $0x80, s4, s13, $0xb8;
	[tilespmem:$0x1C380] =	vst v63  }
0xc2: {  	_ =	swait.ge [sflag:s31], $0x4000  }
0xc3: {  	[sflag:s31] =	ssyncset.done $0x0  }
0xc4: {  	[sflag:s31] =	ssyncadd.s32 $0xFFFFC000  }
0xc5: {  	_ =	swait.ge [sflag:s18], $0x4000  }
0xc6: {  	[sflag:s18] =	ssyncset.done $0x0  }
0xc7: {  	[sflag:s18] =	ssyncadd.s32 $0xFFFFC000  }
0xc8: {  	[spmem:s2] =	stream.indirect.scatter.add.f32 [tilespmem:s16], [sflag:$0x3], $0x80, s15, s13, $0xb8;
	[tilespmem:$0x1C380] =	vst v63  }
0xc9: {  	_ =	swait.ge [sflag:s31], $0x4000  }
0xca: {  	[sflag:s31] =	ssyncset.done $0x0  }
0xcb: {  	s20 =	simm.s32 $0x1C280;
	s22 =	rddreg [dreg:$0x8];
	[sflag:s31] =	ssyncadd.s32 $0xFFFFC000  }
0xcc: {  	[tilespmem:s20], [sflag:$0x3] =	stream.linear.gather [hbm4b:s22+s3], $0x10, $0x38;
	[tilespmem:$0x1C380] =	vst v63  }
0xcd: {  	_ =	swait.ge [sflag:s31], $0x10  }
0xce: {  	[sflag:s31] =	ssyncset.done $0x0  }
0xcf: {  	s21 =	simm.s32 $0x1C300;
	s26 =	rddreg [dreg:$0x9];
	[sflag:s31] =	ssyncadd.s32 $0xFFFFFFF0  }
0xd0: {  	[tilespmem:s21], [sflag:$0x3] =	stream.linear.gather [hbm4b:s26+s3], $0x10, $0x38;
	[tilespmem:$0x1C380] =	vst v63  }
0xd1: {  	_ =	swait.ge [sflag:s31], $0x10  }
0xd2: {  	[sflag:s31] =	ssyncset.done $0x0  }
0xd3: {  	s29 =	simm.s32 $0x10;
	s22 =	simm.s32 $0x1BA80;
	[sflag:s31] =	ssyncadd.s32 $0xFFFFFFF0  }
0xd4: {  	[tilespmem:s22], [sflag:$0x1] =	stream.indirect.gather [hbm4b:s1+s29], $0x80, s20, s29, $0xb8;
	[tilespmem:$0x1C380] =	vst v63  }
0xd5: {  	_ =	swait.ge [sflag:s17], $0x800  }
0xd6: {  	[sflag:s17] =	ssyncset.done $0x0  }
0xd7: {  	[sflag:s17] =	ssyncadd.s32 $0xFFFFF800  }
0xd8: {  	[spmem:s2] =	stream.indirect.scatter.add.f32 [tilespmem:s22], [sflag:$0x3], $0x80, s21, s29, $0xb8;
	[tilespmem:$0x1C380] =	vst v63  }
0xd9: {  	_ =	swait.ge [sflag:s31], $0x800  }
0xda: {  	[sflag:s31] =	ssyncset.done $0x0  }
0xdb: {  	s20 =	stileid.u32;
	[sflag:s31] =	ssyncadd.s32 $0xFFFFF800  }
0xdc: {  	s19 =	sshll.u32 s20, $0x6;
	[bflag:$0x0] =	sbarrier.arrive $0xFFFF  }
0xdd: {  	s19 =	sor.u32 $0x1C03, s19;
	s21 =	sshrl.u32 s7, $0x3;
	s22 =	rddreg [dreg:$0xa]  }
0xde: {  	[hbm:s22], [sflag:s19] =	dma.local [spmem:s21], $0x800  }
0xdf: {  	_ =	swait.ge [sflag:s31], $0x800  }
0xe0: {  	[sflag:s31] =	ssyncset.done $0x0  }
0xe1: {  	s26 =	sshrl.u32 s8, $0x3;
	s29 =	rddreg [dreg:$0xb];
	[sflag:s31] =	ssyncadd.s32 $0xFFFFF800  }
0xe2: {  	[hbm:s29], [sflag:s19] =	dma.local [spmem:s26], $0x800  }
0xe3: {  	_ =	swait.ge [sflag:s31], $0x800  }
0xe4: {  	[sflag:s31] =	ssyncset.done $0x0  }
0xe5: {  	s21 =	sshrl.u32 s9, $0x3;
	s22 =	rddreg [dreg:$0xe];
	[sflag:s31] =	ssyncadd.s32 $0xFFFFF800  }
0xe6: {  	[hbm:s22], [sflag:s19] =	dma.local [spmem:s21], $0x800  }
0xe7: {  	_ =	swait.ge [sflag:s31], $0x800  }
0xe8: {  	[sflag:s31] =	ssyncset.done $0x0  }
0xe9: {  	s26 =	sshrl.u32 s10, $0x3;
	s29 =	rddreg [dreg:$0xf];
	[sflag:s31] =	ssyncadd.s32 $0xFFFFF800  }
0xea: {  	[hbm:s29], [sflag:s19] =	dma.local [spmem:s26], $0x800  }
0xeb: {  	_ =	swait.ge [sflag:s31], $0x800  }
0xec: {  	[sflag:s31] =	ssyncset.done $0x0  }
0xed: {  	s22 =	sshrl.u32 s11, $0x3;
	s26 =	rddreg [dreg:$0x10];
	[sflag:s31] =	ssyncadd.s32 $0xFFFFF800  }
0xee: {  	[hbm:s26], [sflag:s19] =	dma.local [spmem:s22], $0x700  }
0xef: {  	_ =	swait.ge [sflag:s31], $0x700  }
0xf0: {  	[sflag:s31] =	ssyncset.done $0x0  }
0xf1: {  	s20 =	sshrl.u32 @!p0 s12, $0x3;
	s21 =	rddreg [dreg:$0xc];
	[sflag:s31] =	ssyncadd.s32 $0xFFFFF900  }
0xf2: {  	[hbm:s21], [sflag:s19] =	dma.local @!p0 [spmem:s20], $0x100  }
0xf3: {  	s19 =	simm.s32 @!p0 $0x3  }
0xf4: {  	_ =	swait.ge @!p0 [sflag:s19], $0x100  }
0xf5: {  	s28 =	sadd.s32 $0x1, s28;
	s29 =	rddreg [dreg:$0xd]  }
0xf6: {  	p1 =	sne.s32 s28, s29  }
.Ltmp2:
0xf7: {  	_ = 	snop;
	(pc) =	sbr.rel @p1 .LBB2_1-.Ltmp2, $3  }
0xf8: {  	_ =	sdelay $0x1  }
0xf9: {  	[sflag:s19] =	ssyncset.done @!p0 $0x0  }
0xfa: {  	[sflag:s19] =	ssyncadd.s32 @!p0 $0xFFFFFF00  }
0xfb: {  	_ =	sfence.sel $0x180000  }
0xfc: {  	[bflag:$0x0] =	sbarrier.arrive $0xFFFF  }
0xfd: {  	_ =	strace $0x9000004A  }
0xfe: {  	s0 =	stileid.u32;
	[bflag:$0x2] =	sbarrier.arrive $0xFFFF  }
0xff: {  	p0 =	sne.s32 s0, $0x0;
	s0 =	rddreg [dreg:$0x3]  }
0x100: {  	s0 =	sadd.s32 @!p0 $0x100000, s0  }
0x101: {  	[sflag:s0] =	ssyncadd.tile.s32 @!p0 $0x1;
	_ =	shalt  }
.Lfunc_end2:
_tile_overlayer_lowered:
.L_overlay_start_2:
0x102: {  	(tag) =	ssettag $0x2  }
0x103: {  	s0 =	rddreg [dreg:$0x0];
	s2 =	stileid.u32  }
0x104: {  	s1 =	rddreg [dreg:$0x1];
	p0 =	sne.s32 s2, $0x0  }
0x105: {  	s3 =	rddreg [dreg:$0x2];
	[bflag:$0x3] =	sbarrier.arrive $0xFFFF;
	s2 =	simm.s32 @!p0 $0x1C03  }
0x106: {  	[timem:s3], [sflag:s2] =	dma.local @!p0 [hbm:s0], s1  }
0x107: {  	s0 =	simm.s32 @!p0 $0x3  }
0x108: {  	_ =	swait.ge @!p0 [sflag:s0], s1  }
0x109: {  	s1 =	ssub.s32 @!p0 $0x0, s1;
	[sflag:s0] =	ssyncset.done @!p0 $0x0  }
0x10a: {  	[sflag:s0] =	ssyncadd.s32 @!p0 s1  }
0x10b: {  	[bflag:$0x3] =	sbarrier.arrive $0xFFFF  }
0x10c: {  	_ =	shalt  }

// kernel: kernel.14.cloned.1.call-start
scs
__scs_entry_jumppad:
0x0: {  	(pc) =	sbr.rel $0x88, $3  }
0x1: {  	(tag) =	ssettag $0x0;
	lr =	simm.s32 $0x1  }
0x2: {  	[smem:$0x3F97] =	sst lr;
	_ =	strace $0xD0000000  }
0x3: {  	_ = 	snop  }
0x4: {  	_ = 	snop  }
0x5: {  	_ = 	snop  }
0x6: {  	_ = 	snop  }
0x7: {  	_ = 	snop  }
__scs_overlays_trampoline_lowered:
0x8: {  	[smem:$0x3FA6] =	sst s0  }
0x9: {  	[smem:$0x3FA7] =	sst s1  }
0xa: {  	[smem:$0x3FA8] =	sst s2  }
0xb: {  	[smem:$0x3FA9] =	sst s3  }
0xc: {  	[smem:$0x3FAA] =	sst s4  }
0xd: {  	[smem:$0x3FAB] =	sst s5  }
0xe: {  	[smem:$0x3FAC] =	sst s6  }
0xf: {  	[smem:$0x3FAD] =	sst s7  }
0x10: {  	[smem:$0x3FAE] =	sst s8  }
0x11: {  	[smem:$0x3FAF] =	sst s9;
	s0 =	simm.s32 @!p0 $0x0  }
0x12: {  	s1 =	sld [smem:$0x3F95];
	s0 =	simm.s32 @p0 $0x1  }
0x13: {  	[smem:$0x3FB0] =	sst s0;
	s0 =	simm.s32 @!p1 $0x0  }
0x14: {  	s2 =	sld [smem:$0x3F94];
	s0 =	simm.s32 @p1 $0x1  }
0x15: {  	[smem:$0x3FB1] =	sst s0;
	s0 =	simm.s32 @!p2 $0x0  }
0x16: {  	s3 =	sld [smem:$0x3FDB];
	s0 =	simm.s32 @p2 $0x1  }
0x17: {  	s4 =	simm.s32 $0x1BF5;
	[smem:$0x3FB3] =	sst s0  }
0x18: {  	s0 =	sld [smem:$0x3F96];
	_ =	swait.ge [sflag:s4], $0x0  }
0x19: {  	s7 =	sld [smem:$0x3F97]  }
0x1a: {  	s8 =	sadd.s32 $0xFFFFE003, lr  }
0x1b: {  	s9 =	sadd.s32 $0xFFFFFEF7, lr;
	s5 =	simm.s32 $0xFFFFFFFF;
	p2 =	slt.u32 s8, $0xFFFFF086  }
0x1c: {  	p1 =	slt.u32 s9, $0xF7A;
	s5 =	simm.s32 @!p2 $0x0  }
0x1d: {  	s5 =	simm.s32 @p1 $0x1;
	p0 =	seq.s32 s7, s2  }
0x1e: {  	s7 =	smul.u32 @!p0 $0xF7A, s2;
	p2 =	seq.s32 @!p0 s5, $0x0  }
0x1f: {  	s9 =	smul.u32 $0xF7A, s1;
	s8 =	simm.s32 @!p0 $0x1BF5;
	p2 =	por !p2, p0  }
0x20: {  	[sflag:s8] =	ssyncset.s32 @!p0 $0xFFFFF086;
	s6 =	sadd.s32 @!p0 s3, s7;
	s7 =	simm.s32 @!p0 $0x108  }
0x21: {  	s3 =	sadd.s32 s3, s9;
	s6 =	sadd.s32 @!p0 $0x88, s6;
	s7 =	simm.s32 @p2 $0x1082  }
0x22: {  	[simem:s7], [sflag:s8] =	dma.local @!p0 [hbm:s6], $0xF7A  }
0x23: {  	s9 =	sor.u32 $0xD0000000, s2;
	s6 =	simm.s32 $0x108;
	_ =	swait.ge @!p0 [sflag:s8], $0x0  }
0x24: {  	s3 =	sadd.s32 $0x88, s3;
	s6 =	simm.s32 @!p1 $0x1082;
	[sflag:s4] =	ssyncset.s32 $0xFFFFF086  }
0x25: {  	[simem:s6], [sflag:s4] =	dma.local [hbm:s3], $0xF7A  }
0x26: {  	[smem:$0x3F97] =	sst s1;
	(tag) =	ssettag s2;
	_ =	strace s9  }
0x27: {  	s1 =	sld [smem:$0x3FA7]  }
0x28: {  	s2 =	sld [smem:$0x3FA8]  }
0x29: {  	s4 =	sld [smem:$0x3FAA]  }
0x2a: {  	p0 =	seq.s32 s5, $0x0;
	s5 =	sld [smem:$0x3FAB]  }
0x2b: {  	s6 =	sld [smem:$0x3FAC]  }
0x2c: {  	s7 =	sld [smem:$0x3FAD]  }
0x2d: {  	s3 =	simm.s32 $0x108;
	s8 =	sld [smem:$0x3FAE]  }
0x2e: {  	s3 =	simm.s32 @!p0 $0x1082;
	s9 =	sld [smem:$0x3FAF]  }
0x2f: {  	lr =	sadd.s32 s0, s3;
	s0 =	sld [smem:$0x3FA6]  }
0x30: {  	s3 =	sld [smem:$0x3FA9]  }
0x31: {  	[smem:$0x3FB2] =	sst s10  }
0x32: {  	s10 =	sld [smem:$0x3FB0];
	_ =	sdelay $0x3  }
0x33: {  	p0 =	seq.s32 s10, $0x1;
	s10 =	sld [smem:$0x3FB2];
	_ =	sdelay $0x3  }
0x34: {  	[smem:$0x3FB2] =	sst s10  }
0x35: {  	s10 =	sld [smem:$0x3FB1];
	_ =	sdelay $0x3  }
0x36: {  	p1 =	seq.s32 s10, $0x1;
	s10 =	sld [smem:$0x3FB2];
	_ =	sdelay $0x3  }
0x37: {  	[smem:$0x3FB2] =	sst s10  }
0x38: {  	s10 =	sld [smem:$0x3FB3]  }
0x39: {  	_ = 	snop;
	(pc) =	sbr.ind lr, $3  }
0x3a: {  	_ = 	snop  }
0x3b: {  	_ = 	snop  }
0x3c: {  	p2 =	seq.s32 s10, $0x1;
	s10 =	sld [smem:$0x3FB2]  }
0x3d: {  	_ =	shalt  }
0x3e: {  	_ =	shalt  }
0x3f: {  	_ =	shalt  }
0x40: {  	_ =	shalt  }
0x41: {  	_ =	shalt  }
0x42: {  	_ =	shalt  }
0x43: {  	_ =	shalt  }
0x44: {  	_ =	shalt  }
0x45: {  	_ =	shalt  }
0x46: {  	_ =	shalt  }
0x47: {  	_ =	shalt  }
0x48: {  	_ =	shalt  }
0x49: {  	_ =	shalt  }
0x4a: {  	_ =	shalt  }
0x4b: {  	_ =	shalt  }
0x4c: {  	_ =	shalt  }
0x4d: {  	_ =	shalt  }
0x4e: {  	_ =	shalt  }
0x4f: {  	_ =	shalt  }
0x50: {  	_ =	shalt  }
0x51: {  	_ =	shalt  }
0x52: {  	_ =	shalt  }
0x53: {  	_ =	shalt  }
0x54: {  	_ =	shalt  }
0x55: {  	_ =	shalt  }
0x56: {  	_ =	shalt  }
0x57: {  	_ =	shalt  }
0x58: {  	_ =	shalt  }
0x59: {  	_ =	shalt  }
0x5a: {  	_ =	shalt  }
0x5b: {  	_ =	shalt  }
0x5c: {  	_ =	shalt  }
0x5d: {  	_ =	shalt  }
0x5e: {  	_ =	shalt  }
0x5f: {  	_ =	shalt  }
0x60: {  	_ =	shalt  }
0x61: {  	_ =	shalt  }
0x62: {  	_ =	shalt  }
0x63: {  	_ =	shalt  }
0x64: {  	_ =	shalt  }
0x65: {  	_ =	shalt  }
0x66: {  	_ =	shalt  }
0x67: {  	_ =	shalt  }
0x68: {  	_ =	shalt  }
0x69: {  	_ =	shalt  }
0x6a: {  	_ =	shalt  }
0x6b: {  	_ =	shalt  }
0x6c: {  	_ =	shalt  }
0x6d: {  	_ =	shalt  }
0x6e: {  	_ =	shalt  }
0x6f: {  	_ =	shalt  }
0x70: {  	_ =	shalt  }
0x71: {  	_ =	shalt  }
0x72: {  	_ =	shalt  }
0x73: {  	_ =	shalt  }
0x74: {  	_ =	shalt  }
0x75: {  	_ =	shalt  }
0x76: {  	_ =	shalt  }
0x77: {  	_ =	shalt  }
0x78: {  	_ =	shalt  }
0x79: {  	_ =	shalt  }
0x7a: {  	_ =	shalt  }
0x7b: {  	_ =	shalt  }
0x7c: {  	_ =	shalt  }
0x7d: {  	_ =	shalt  }
0x7e: {  	_ =	shalt  }
0x7f: {  	_ =	shalt  }
0x80: {  	_ =	shalt  }
0x81: {  	_ =	shalt  }
0x82: {  	_ =	shalt  }
0x83: {  	_ =	shalt  }
0x84: {  	_ =	shalt  }
0x85: {  	_ =	shalt  }
0x86: {  	_ =	shalt  }
0x87: {  	_ =	shalt  }
.Lfunc_end0:
.L_simem_size_0:
called_computation.2_lowered:
.L_overlay_start_0:
0x88: {  	s2 =	sld [smem:$0x3FD9]  }
0x89: {  	s3 =	sld [smem:$0x3FFE];
	_ =	sdelay $0x1  }
0x8a: {  	s1 =	srdreg.scid  }
0x8b: {  	s0 =	sand.u32 $0x1, s1  }
0x8c: {  	s17 =	sshll.u32 s0, $0xA;
	s2 =	sadd.s32 s3, s2  }
0x8d: {  	s2 =	sadd.s32 s2, s17  }
0x8e: {  	[smem:$0x3FBE] =	sst s2  }
0x8f: {  	_ = 	snop  }
0x90: {  	s2 =	sld [smem:$0x3FD0];
	(tm) =	ssettm $0x1  }
0x91: {  	s18 =	sld [smem:$0x3FFB];
	_ =	sdelay $0x3  }
0x92: {  	_ =	strace s18  }
0x93: {  	s3 =	sld [smem:$0x3FFC];
	_ =	sdelay $0x3  }
0x94: {  	_ =	strace s3  }
0x95: {  	s3 =	sld [smem:$0x3FFD];
	_ =	sdelay $0x3  }
0x96: {  	_ =	strace s3  }
0x97: {  	_ =	strace $0x8FFFFFFF  }
0x98: {  	s19 =	sld [smem:$0x3FDB];
	_ =	sdelay $0x1  }
0x99: {  	s4 =	simm.s32 $_scs_section_size  }
0x9a: {  	s5 =	simm.s32 $_size__tile_overlayer_lowered;
	s6 =	simm.s32 $_tile_overlayer_lowered  }
0x9b: {  	s22 =	simm.s32 $0x1BFF;
	s21 =	sshll.u32 s6, $0x1;
	s3 =	sadd.s32 s4, s19  }
0x9c: {  	s7 =	simm.s32 $0x0;
	s20 =	sshll.u32 s5, $0x1;
	s5 =	sadd.s32 s21, s3  }
0x9d: {  	[timem:s7], [sflag:s22] =	dma.local [hbm:s5], s20  }
0x9e: {  	_ =	swait.ge [sflag:s22], s20  }
0x9f: {  	s4 =	ssub.s32 $0x0, s20;
	[sflag:s22] =	ssyncset.done $0x0  }
0xa0: {  	[sflag:s22] =	ssyncadd.s32 s4;
	_ =	sdelay $0x1  }
0xa1: {  	s23 =	simm.s32 $0x1B8B  }
0xa2: {  	_ =	swait.ge [sflag:s23], $0x1  }
0xa3: {  	[sflag:s23] =	ssyncset.done $0x0  }
0xa4: {  	s25 =	simm.s32 $0x1B8E;
	s24 =	sld [smem:$0x3FFE];
	[sflag:s23] =	ssyncadd.s32 $0xFFFFFFFF  }
0xa5: {  	s26 =	simm.s32 $execute0_lowered;
	[smem:$0x3FD2] =	sst s25  }
0xa6: {  	s5 =	sshll.u32 s26, $0x1;
	_ =	strace $0x8000004C;
	[dreg:$0x1] =	wrdreg $0xFFFFFFFF  }
0xa7: {  	s28 =	simm.s32 $_size_execute0_lowered;
	s3 =	sadd.s32 s3, s5;
	[dreg:$0x0] =	wrdreg $0x0  }
0xa8: {  	s5 =	sshll.u32 s28, $0x1;
	[dreg:$0x2] =	wrdreg s3  }
0xa9: {  	[dreg:$0x3] =	wrdreg s5  }
0xaa: {  	[dreg:$0x4] =	wrdreg $0xC0  }
0xab: {  	_ =	task [dreg:s7], $0x5FFFF  }
0xac: {  	[dreg:$0x1] =	wrdreg $0xFFFFFFFF  }
0xad: {  	[dreg:$0x0] =	wrdreg $0x60  }
0xae: {  	[dreg:$0x2] =	wrdreg s2  }
0xaf: {  	[dreg:$0x3] =	wrdreg s24  }
0xb0: {  	[dreg:$0x4] =	wrdreg $0x0  }
0xb1: {  	[dreg:$0x5] =	wrdreg $0x9  }
0xb2: {  	_ =	task.clear_ibuf [dreg:s7], $0x6FFFF;
	_ =	strace $0x9000004C  }
0xb3: {  	s29 =	simm.s32 $0x9;
	_ =	strace $0x8000004E  }
0xb4: {  	_ =	swait.ge [sflag:s29], $0x1  }
0xb5: {  	[sflag:s29] =	ssyncadd.s32 $0xFFFFFFFF  }
0xb6: {  	_ =	strace $0x9000004E  }
0xb7: {  	_ =	sfence  }
0xb8: {  	s30 =	sld [smem:$0x0];
	_ =	sdelay $0x2  }
0xb9: {  	s31 =	sshll.u32 s1, $0xD;
	s1 =	sshrl.u32 s1, $0x2  }
0xba: {  	s3 =	sand.u32 $0x4000, s31;
	s1 =	sadd.s32 s1, s30  }
0xbb: {  	s0 =	sor.u32 s3, s0;
	s1 =	sshll.u32 s1, $0x11  }
0xbc: {  	s0 =	sor.u32 s1, s0  }
0xbd: {  	s0 =	sadd.s32 $0x8F2B, s0  }
0xbe: {  	[sflag:s0] =	ssyncadd.remote.s32 $0x1  }
0xbf: {  	_ =	sfence.sel $0xFFFF  }
0xc0: {  	[dreg:$0x0] =	wrdreg $0xFFFFFFFF;
	(pc) =	sbr.abs _section_cstart, $3  }
0xc1: {  	[dreg:$0x1] =	wrdreg $0xFFFFFFFF  }
0xc2: {  	_ =	task.clear_ibuf [dreg:s7], $0x2FFFF;
	_ =	strace $0x9FFFFFFF  }
0xc3: {  	(tm) =	ssettm $0x7FFFFFFF  }
tec
execute0_lowered:
.L_overlay_start_1:
0x0: {  	(tag) =	ssettag $0x1  }
0x1: {  	s1 =	rddreg [dreg:$0x0]  }
0x2: {  	s0 =	rddreg [dreg:$0x1]  }
0x3: {  	s2 =	rddreg [dreg:$0x2]  }
0x4: {  	s3 =	simm.s32 $0x0;
	s4 =	srdreg.scid;
	s18 =	stileid.u32  }
0x5: {  	s30 =	simm.s32 $0x13880;
	s31 =	simm.s32 $0x3;
	s28 =	simm.s32 $0x0  }
0x6: {  	[smem:$0x7FF] =	sst s3;
	s5 =	sadd.s32 $0x3400, s0;
	s7 =	smul.u32 $0x4E000, s18  }
0x7: {  	s6 =	sadd.s32 $0xD200, s0;
	s4 =	sand.u32 $0x1, s4;
	s14 =	smul.u32 $0x270, s18  }
0x8: {  	s0 =	sadd.s32 $0x17000, s0;
	s9 =	sshll.u32 s18, $0x1;
	s29 =	smul.u32 $0x4E20, s18  }
0x9: {  	p0 =	sne.s32 s18, $0xF;
	s18 =	simm.s32 $0x2;
	_ =	strace $0x8000004D  }
0xa: {  	s8 =	ssub.s32 $0x2, s4;
	s9 =	sor.u32 s4, s9;
	s25 =	smul.u32 $0x2710, s4  }
0xb: {  	s4 =	smul.u32 $0x138800, s4;
	s10 =	sshrl.u32 s8, $0x1;
	s7 =	sshrl.u32 s7, $0x2  }
0xc: {  	s12 =	smul.u32 $0x2710, s9;
	s13 =	ssub.s32 s8, s10;
	s7 =	sadd.s32 s7, s2  }
0xd: {  	s14 =	sadd.s32 s14, s25;
	s4 =	sshrl.u32 s4, $0x3;
	s19 =	sadd.s32 s25, s29  }
0xe: {  	s8 =	sadd.s32 $0x4000, s7;
	s9 =	sadd.s32 $0x8000, s7;
	s10 =	sadd.s32 $0xC000, s7  }
0xf: {  	s11 =	sadd.s32 $0x10000, s7;
	s15 =	sshrl.u32 s12, $0x3;
	s13 =	smax.u32 s13, $0x1  }
0x10: {  	s12 =	sadd.s32 $0x138000, s2;
	s16 =	sadd.s32 s5, s15;
	[dreg:$0xd] =	wrdreg s13  }
0x11: {  	s14 =	sshll.u32 s14, $0x4;
	s17 =	sadd.s32 s6, s15;
	[dreg:$0x4] =	wrdreg s16  }
0x12: {  	s23 =	sadd.s32 $0x4D0, s15;
	s14 =	sadd.s32 s0, s14;
	[dreg:$0x5] =	wrdreg s17  }
0x13: {  	s21 =	sadd.s32 $0x80, s19;
	s24 =	sadd.s32 s5, s23;
	[dreg:$0xa] =	wrdreg s14  }
0x14: {  	s15 =	sadd.s32 $0x4E0, s15;
	s16 =	sadd.s32 s6, s23;
	[dreg:$0x6] =	wrdreg s24  }
0x15: {  	s0 =	sadd.s32 s0, s4;
	s26 =	sadd.s32 s5, s15;
	[dreg:$0x7] =	wrdreg s16  }
0x16: {  	s4 =	simm.s32 $0x1B980;
	s15 =	sadd.s32 s6, s15;
	[dreg:$0x8] =	wrdreg s26  }
0x17: {  	s13 =	simm.s32 $0x80;
	s20 =	sadd.s32 $0x800, s14;
	[dreg:$0x9] =	wrdreg s15  }
0x18: {  	s0 =	sadd.s32 $0x27000, s0;
	s23 =	sadd.s32 $0x100, s19;
	[dreg:$0xb] =	wrdreg s20  }
0x19: {  	s22 =	sadd.s32 $0x1000, s14;
	s29 =	sadd.s32 $0x2000, s14;
	[dreg:$0xc] =	wrdreg s0  }
0x1a: {  	s17 =	simm.s32 $0x1;
	s0 =	sshrl.u32 s21, $0x3;
	[dreg:$0xe] =	wrdreg s22  }
0x1b: {  	s26 =	sadd.s32 $0x1800, s14;
	[dreg:$0x10] =	wrdreg s29;
	s14 =	simm.s32 $0x1B900  }
0x1c: {  	s15 =	simm.s32 $0x1BA00;
	s16 =	simm.s32 $0x17880;
	s24 =	sadd.s32 s0, s6  }
0x1d: {  	v0 =	vimm.f32 $0.0e+00;
	s25 =	sadd.s32 s0, s5;
	[dreg:$0xf] =	wrdreg s26;
	s0 =	simm.s32 $0x1B880  }
.LBB2_1:
0x1e: {  	s20 =	simm.s32 $0x138C0  }
0x1f: {  	[tilespmem:s20+$0xFFFFFFC0] =	vst v0  }
0x20: {  	[tilespmem:s20+$0x30] =	vst v0  }
0x21: {  	[tilespmem:s20+$0x20] =	vst v0  }
0x22: {  	[tilespmem:s20+$0x10] =	vst v0  }
0x23: {  	[tilespmem:s20+$0x0] =	vst v0  }
0x24: {  	[tilespmem:s20+$0xFFFFFFF0] =	vst v0  }
0x25: {  	s21 =	simm.s32 $0x0;
	[tilespmem:s20+$0xFFFFFFE0] =	vst v0  }
.LBB2_2:
0x26: {  	s21 =	sadd.s32 $0x8, s21;
	[tilespmem:s20+$0xFFFFFFD0] =	vst v0;
	s20 =	sadd.s32 $0x80, s20  }
0x27: {  	[tilespmem:s20+$0xFFFFFFC0] =	vst v0;
	p1 =	slt.u32 s21, $0x3F8  }
0x28: {  	[tilespmem:s20+$0x30] =	vst v0  }
.Ltmp0:
0x29: {  	[tilespmem:s20+$0x20] =	vst v0;
	(pc) =	sbr.rel @p1 .LBB2_2-.Ltmp0, $4  }
0x2a: {  	[tilespmem:s20+$0x10] =	vst v0  }
0x2b: {  	[tilespmem:s20+$0x0] =	vst v0  }
0x2c: {  	[tilespmem:s20+$0xFFFFFFF0] =	vst v0  }
0x2d: {  	[tilespmem:s20+$0xFFFFFFE0] =	vst v0  }
0x2e: {  	[tilespmem:s20+$0xFFFFFFD0] =	vst v0  }
0x2f: {  	[spmem:s7] =	stream.linear.scatter [tilespmem:s30], [sflag:$0x3], $0x4000, $0x38;
	[tilespmem:$0x1C380] =	vst v63  }
0x30: {  	_ =	swait.ge [sflag:s31], $0x4000  }
0x31: {  	[sflag:s31] =	ssyncset.done $0x0  }
0x32: {  	[sflag:s31] =	ssyncadd.s32 $0xFFFFC000  }
0x33: {  	[spmem:s8] =	stream.linear.scatter [tilespmem:s30], [sflag:$0x3], $0x4000, $0x38;
	[tilespmem:$0x1C380] =	vst v63  }
0x34: {  	_ =	swait.ge [sflag:s31], $0x4000  }
0x35: {  	[sflag:s31] =	ssyncset.done $0x0  }
0x36: {  	[sflag:s31] =	ssyncadd.s32 $0xFFFFC000  }
0x37: {  	[spmem:s9] =	stream.linear.scatter [tilespmem:s30], [sflag:$0x3], $0x4000, $0x38;
	[tilespmem:$0x1C380] =	vst v63  }
0x38: {  	_ =	swait.ge [sflag:s31], $0x4000  }
0x39: {  	[sflag:s31] =	ssyncset.done $0x0  }
0x3a: {  	[sflag:s31] =	ssyncadd.s32 $0xFFFFC000  }
0x3b: {  	[spmem:s10] =	stream.linear.scatter [tilespmem:s30], [sflag:$0x3], $0x4000, $0x38;
	[tilespmem:$0x1C380] =	vst v63  }
0x3c: {  	_ =	swait.ge [sflag:s31], $0x4000  }
0x3d: {  	[sflag:s31] =	ssyncset.done $0x0  }
0x3e: {  	[sflag:s31] =	ssyncadd.s32 $0xFFFFC000  }
0x3f: {  	[spmem:s11] =	stream.linear.scatter [tilespmem:s30], [sflag:$0x3], $0x3800, $0x38;
	[tilespmem:$0x1C380] =	vst v63  }
0x40: {  	_ =	swait.ge [sflag:s31], $0x3800  }
0x41: {  	[sflag:s31] =	ssyncset.done $0x0  }
0x42: {  	s20 =	simm.s32 @!p0 $0x13880;
	[sflag:s31] =	ssyncadd.s32 $0xFFFFC800  }
0x43: {  	[spmem:s12] =	stream.linear.scatter @!p0 [tilespmem:s20], [sflag:$0x3], $0x800, $0x38;
	[tilespmem:$0x1C380] =	vst v63  }
0x44: {  	s20 =	simm.s32 @!p0 $0x3  }
0x45: {  	_ =	swait.ge @!p0 [sflag:s20], $0x800  }
0x46: {  	[sflag:s20] =	ssyncset.done @!p0 $0x0  }
0x47: {  	[sflag:s20] =	ssyncadd.s32 @!p0 $0xFFFFF800  }
0x48: {  	[bflag:$0x0] =	sbarrier.arrive $0xFFFF  }
0x49: {  	s22 =	simm.s32 $0x0;
	s19 =	rddreg [dreg:$0x4]  }
0x4a: {  	[tilespmem:s0], [sflag:$0x3] =	stream.linear.gather [hbm4b:s19+s22], $0x80, $0x38;
	[tilespmem:$0x1C380] =	vst v63  }
0x4b: {  	_ =	swait.ge [sflag:s31], $0x80  }
0x4c: {  	[sflag:s31] =	ssyncset.done $0x0  }
0x4d: {  	s26 =	rddreg [dreg:$0x5];
	[sflag:s31] =	ssyncadd.s32 $0xFFFFFF80  }
0x4e: {  	[tilespmem:s4], [sflag:$0x3] =	stream.linear.gather [hbm4b:s26+s22], $0x80, $0x38;
	[tilespmem:$0x1C380] =	vst v63  }
0x4f: {  	_ =	swait.ge [sflag:s31], $0x80  }
0x50: {  	[sflag:s31] =	ssyncset.done $0x0  }
0x51: {  	[sflag:s31] =	ssyncadd.s32 $0xFFFFFF80  }
0x52: {  	[tilespmem:s30], [sflag:$0x1] =	stream.indirect.gather [hbm4b:s1+s13], $0x80, s0, s13, $0xb8;
	[tilespmem:$0x1C380] =	vst v63  }
0x53: {  	s21 =	sadd.s32 $0x0, s25  }
0x54: {  	[tilespmem:s14], [sflag:$0x3] =	stream.linear.gather [hbm4b:s21+s3], $0x80, $0x38;
	[tilespmem:$0x1C380] =	vst v63  }
0x55: {  	_ =	swait.ge [sflag:s31], $0x80  }
0x56: {  	[sflag:s31] =	ssyncset.done $0x0  }
0x57: {  	s22 =	sadd.s32 $0x0, s24;
	[sflag:s31] =	ssyncadd.s32 $0xFFFFFF80  }
0x58: {  	[tilespmem:s15], [sflag:$0x3] =	stream.linear.gather [hbm4b:s22+s3], $0x80, $0x38;
	[tilespmem:$0x1C380] =	vst v63  }
0x59: {  	_ =	swait.ge [sflag:s31], $0x80  }
0x5a: {  	[sflag:s31] =	ssyncset.done $0x0  }
0x5b: {  	[sflag:s31] =	ssyncadd.s32 $0xFFFFFF80  }
0x5c: {  	[tilespmem:s16], [sflag:$0x2] =	stream.indirect.gather [hbm4b:s1+s13], $0x80, s14, s13, $0xb8;
	[tilespmem:$0x1C380] =	vst v63  }
0x5d: {  	_ =	swait.ge [sflag:s17], $0x4000  }
0x5e: {  	[sflag:s17] =	ssyncset.done $0x0  }
0x5f: {  	[sflag:s17] =	ssyncadd.s32 $0xFFFFC000  }
0x60: {  	[spmem:s2] =	stream.indirect.scatter.add.f32 [tilespmem:s30], [sflag:$0x3], $0x80, s4, s13, $0xb8;
	[tilespmem:$0x1C380] =	vst v63  }
0x61: {  	_ =	swait.ge [sflag:s31], $0x4000  }
0x62: {  	s26 =	sshrl.u32 s23, $0x3;
	[sflag:s31] =	ssyncset.done $0x0  }
0x63: {  	s21 =	sadd.s32 s5, s26;
	[sflag:s31] =	ssyncadd.s32 $0xFFFFC000  }
0x64: {  	[tilespmem:s0], [sflag:$0x3] =	stream.linear.gather [hbm4b:s21+s3], $0x80, $0x38;
	[tilespmem:$0x1C380] =	vst v63  }
0x65: {  	_ =	swait.ge [sflag:s31], $0x80  }
0x66: {  	[sflag:s31] =	ssyncset.done $0x0  }
0x67: {  	s20 =	sadd.s32 s6, s26;
	[sflag:s31] =	ssyncadd.s32 $0xFFFFFF80  }
0x68: {  	[tilespmem:s4], [sflag:$0x3] =	stream.linear.gather [hbm4b:s20+s3], $0x80, $0x38;
	[tilespmem:$0x1C380] =	vst v63  }
0x69: {  	_ =	swait.ge [sflag:s31], $0x80  }
0x6a: {  	[sflag:s31] =	ssyncset.done $0x0  }
0x6b: {  	[sflag:s31] =	ssyncadd.s32 $0xFFFFFF80  }
0x6c: {  	[tilespmem:s30], [sflag:$0x1] =	stream.indirect.gather [hbm4b:s1+s13], $0x80, s0, s13, $0xb8;
	[tilespmem:$0x1C380] =	vst v63  }
0x6d: {  	_ =	swait.ge [sflag:s18], $0x4000  }
0x6e: {  	[sflag:s18] =	ssyncset.done $0x0  }
0x6f: {  	[sflag:s18] =	ssyncadd.s32 $0xFFFFC000  }
0x70: {  	[spmem:s2] =	stream.indirect.scatter.add.f32 [tilespmem:s16], [sflag:$0x3], $0x80, s15, s13, $0xb8;
	[tilespmem:$0x1C380] =	vst v63  }
0x71: {  	s29 =	sadd.s32 $0x100, s23;
	_ =	swait.ge [sflag:s31], $0x4000  }
0x72: {  	s21 =	simm.s32 $0x40;
	s20 =	simm.s32 $0x20;
	[sflag:s31] =	ssyncset.done $0x0  }
.LBB2_4:
0x73: {  	s26 =	sadd.s32 s20, s25  }
0x74: {  	[sflag:s31] =	ssyncadd.s32 $0xFFFFC000;
	s19 =	smov.u32 s21;
	s22 =	sadd.s32 $0x20, s21  }
0x75: {  	[tilespmem:s14], [sflag:$0x3] =	stream.linear.gather [hbm4b:s26+s3], $0x80, $0x38;
	[tilespmem:$0x1C380] =	vst v63  }
0x76: {  	p1 =	sne.s32 s21, $0x4A0;
	_ =	swait.ge [sflag:s31], $0x80  }
0x77: {  	[sflag:s31] =	ssyncset.done $0x0  }
0x78: {  	s21 =	sadd.s32 s20, s24;
	s20 =	smov.u32 s19;
	[sflag:s31] =	ssyncadd.s32 $0xFFFFFF80  }
0x79: {  	[tilespmem:s15], [sflag:$0x3] =	stream.linear.gather [hbm4b:s21+s3], $0x80, $0x38;
	[tilespmem:$0x1C380] =	vst v63  }
0x7a: {  	_ =	swait.ge [sflag:s31], $0x80  }
0x7b: {  	[sflag:s31] =	ssyncset.done $0x0  }
0x7c: {  	[sflag:s31] =	ssyncadd.s32 $0xFFFFFF80  }
0x7d: {  	[tilespmem:s16], [sflag:$0x2] =	stream.indirect.gather [hbm4b:s1+s13], $0x80, s14, s13, $0xb8;
	[tilespmem:$0x1C380] =	vst v63  }
0x7e: {  	_ =	swait.ge [sflag:s17], $0x4000  }
0x7f: {  	[sflag:s17] =	ssyncset.done $0x0  }
0x80: {  	[sflag:s17] =	ssyncadd.s32 $0xFFFFC000  }
0x81: {  	[spmem:s2] =	stream.indirect.scatter.add.f32 [tilespmem:s30], [sflag:$0x3], $0x80, s4, s13, $0xb8;
	[tilespmem:$0x1C380] =	vst v63  }
0x82: {  	_ =	swait.ge [sflag:s31], $0x4000  }
0x83: {  	s19 =	sshrl.u32 s29, $0x3;
	[sflag:s31] =	ssyncset.done $0x0  }
0x84: {  	s21 =	sadd.s32 s5, s19;
	[sflag:s31] =	ssyncadd.s32 $0xFFFFC000  }
0x85: {  	[tilespmem:s0], [sflag:$0x3] =	stream.linear.gather [hbm4b:s21+s3], $0x80, $0x38;
	[tilespmem:$0x1C380] =	vst v63  }
0x86: {  	_ =	swait.ge [sflag:s31], $0x80  }
0x87: {  	[sflag:s31] =	ssyncset.done $0x0  }
0x88: {  	s19 =	sadd.s32 s6, s19;
	[sflag:s31] =	ssyncadd.s32 $0xFFFFFF80  }
0x89: {  	[tilespmem:s4], [sflag:$0x3] =	stream.linear.gather [hbm4b:s19+s3], $0x80, $0x38;
	[tilespmem:$0x1C380] =	vst v63  }
0x8a: {  	_ =	swait.ge [sflag:s31], $0x80  }
0x8b: {  	[sflag:s31] =	ssyncset.done $0x0  }
0x8c: {  	[sflag:s31] =	ssyncadd.s32 $0xFFFFFF80  }
0x8d: {  	[tilespmem:s30], [sflag:$0x1] =	stream.indirect.gather [hbm4b:s1+s13], $0x80, s0, s13, $0xb8;
	[tilespmem:$0x1C380] =	vst v63  }
0x8e: {  	_ =	swait.ge [sflag:s18], $0x4000  }
.Ltmp1:
0x8f: {  	[sflag:s18] =	ssyncset.done $0x0;
	(pc) =	sbr.rel @p1 .LBB2_4-.Ltmp1, $4  }
0x90: {  	[sflag:s18] =	ssyncadd.s32 $0xFFFFC000  }
0x91: {  	[spmem:s2] =	stream.indirect.scatter.add.f32 [tilespmem:s16], [sflag:$0x3], $0x80, s15, s13, $0xb8;
	[tilespmem:$0x1C380] =	vst v63  }
0x92: {  	_ =	swait.ge [sflag:s31], $0x4000  }
0x93: {  	s29 =	sadd.s32 $0x100, s29;
	s21 =	smov.u32 s22;
	[sflag:s31] =	ssyncset.done $0x0  }
0x94: {  	s19 =	sadd.s32 s20, s25;
	[sflag:s31] =	ssyncadd.s32 $0xFFFFC000  }
0x95: {  	[tilespmem:s14], [sflag:$0x3] =	stream.linear.gather [hbm4b:s19+s3], $0x80, $0x38;
	[tilespmem:$0x1C380] =	vst v63  }
0x96: {  	_ =	swait.ge [sflag:s31], $0x80  }
0x97: {  	[sflag:s31] =	ssyncset.done $0x0  }
0x98: {  	s22 =	sadd.s32 s20, s24;
	[sflag:s31] =	ssyncadd.s32 $0xFFFFFF80  }
0x99: {  	[tilespmem:s15], [sflag:$0x3] =	stream.linear.gather [hbm4b:s22+s3], $0x80, $0x38;
	[tilespmem:$0x1C380] =	vst v63  }
0x9a: {  	_ =	swait.ge [sflag:s31], $0x80  }
0x9b: {  	[sflag:s31] =	ssyncset.done $0x0  }
0x9c: {  	[sflag:s31] =	ssyncadd.s32 $0xFFFFFF80  }
0x9d: {  	[tilespmem:s16], [sflag:$0x2] =	stream.indirect.gather [hbm4b:s1+s13], $0x80, s14, s13, $0xb8;
	[tilespmem:$0x1C380] =	vst v63  }
0x9e: {  	_ =	swait.ge [sflag:s17], $0x4000  }
0x9f: {  	[sflag:s17] =	ssyncset.done $0x0  }
0xa0: {  	[sflag:s17] =	ssyncadd.s32 $0xFFFFC000  }
0xa1: {  	[spmem:s2] =	stream.indirect.scatter.add.f32 [tilespmem:s30], [sflag:$0x3], $0x80, s4, s13, $0xb8;
	[tilespmem:$0x1C380] =	vst v63  }
0xa2: {  	_ =	swait.ge [sflag:s31], $0x4000  }
0xa3: {  	s26 =	sshrl.u32 s29, $0x3;
	[sflag:s31] =	ssyncset.done $0x0  }
0xa4: {  	s29 =	sadd.s32 s5, s26;
	[sflag:s31] =	ssyncadd.s32 $0xFFFFC000  }
0xa5: {  	[tilespmem:s0], [sflag:$0x3] =	stream.linear.gather [hbm4b:s29+s3], $0x80, $0x38;
	[tilespmem:$0x1C380] =	vst v63  }
0xa6: {  	_ =	swait.ge [sflag:s31], $0x80  }
0xa7: {  	[sflag:s31] =	ssyncset.done $0x0  }
0xa8: {  	s19 =	sadd.s32 s6, s26;
	[sflag:s31] =	ssyncadd.s32 $0xFFFFFF80  }
0xa9: {  	[tilespmem:s4], [sflag:$0x3] =	stream.linear.gather [hbm4b:s19+s3], $0x80, $0x38;
	[tilespmem:$0x1C380] =	vst v63  }
0xaa: {  	_ =	swait.ge [sflag:s31], $0x80  }
0xab: {  	[sflag:s31] =	ssyncset.done $0x0  }
0xac: {  	[sflag:s31] =	ssyncadd.s32 $0xFFFFFF80  }
0xad: {  	[tilespmem:s30], [sflag:$0x1] =	stream.indirect.gather [hbm4b:s1+s13], $0x80, s0, s13, $0xb8;
	[tilespmem:$0x1C380] =	vst v63  }
0xae: {  	_ =	swait.ge [sflag:s18], $0x4000  }
0xaf: {  	[sflag:s18] =	ssyncset.done $0x0  }
0xb0: {  	[sflag:s18] =	ssyncadd.s32 $0xFFFFC000  }
0xb1: {  	[spmem:s2] =	stream.indirect.scatter.add.f32 [tilespmem:s16], [sflag:$0x3], $0x80, s15, s13, $0xb8;
	[tilespmem:$0x1C380] =	vst v63  }
0xb2: {  	_ =	swait.ge [sflag:s31], $0x4000  }
0xb3: {  	[sflag:s31] =	ssyncset.done $0x0  }
0xb4: {  	s20 =	rddreg [dreg:$0x6];
	[sflag:s31] =	ssyncadd.s32 $0xFFFFC000  }
0xb5: {  	[tilespmem:s14], [sflag:$0x3] =	stream.linear.gather [hbm4b:s20+s3], $0x80, $0x38;
	[tilespmem:$0x1C380] =	vst v63  }
0xb6: {  	_ =	swait.ge [sflag:s31], $0x80  }
0xb7: {  	[sflag:s31] =	ssyncset.done $0x0  }
0xb8: {  	s21 =	rddreg [dreg:$0x7];
	[sflag:s31] =	ssyncadd.s32 $0xFFFFFF80  }
0xb9: {  	[tilespmem:s15], [sflag:$0x3] =	stream.linear.gather [hbm4b:s21+s3], $0x80, $0x38;
	[tilespmem:$0x1C380] =	vst v63  }
0xba: {  	_ =	swait.ge [sflag:s31], $0x80  }
0xbb: {  	[sflag:s31] =	ssyncset.done $0x0  }
0xbc: {  	[sflag:s31] =	ssyncadd.s32 $0xFFFFFF80  }
0xbd: {  	[tilespmem:s16], [sflag:$0x2] =	stream.indirect.gather [hbm4b:s1+s13], $0x80, s14, s13, $0xb8;
	[tilespmem:$0x1C380] =	vst v63  }
0xbe: {  	_ =	swait.ge [sflag:s17], $0x4000  }
0xbf: {  	[sflag:s17] =	ssyncset.done $0x0  }
0xc0: {  	[sflag:s17] =	ssyncadd.s32 $0xFFFFC000  }
0xc1: {  	[spmem:s2] =	stream.indirect.scatter.add.f32 [tilespmem:s30], [sflag:$0x3], $0x80, s4, s13, $0xb8;
	[tilespmem:$0x1C380] =	vst v63  }
0xc2: {  	_ =	swait.ge [sflag:s31], $0x4000  }
0xc3: {  	[sflag:s31] =	ssyncset.done $0x0  }
0xc4: {  	[sflag:s31] =	ssyncadd.s32 $0xFFFFC000  }
0xc5: {  	_ =	swait.ge [sflag:s18], $0x4000  }
0xc6: {  	[sflag:s18] =	ssyncset.done $0x0  }
0xc7: {  	[sflag:s18] =	ssyncadd.s32 $0xFFFFC000  }
0xc8: {  	[spmem:s2] =	stream.indirect.scatter.add.f32 [tilespmem:s16], [sflag:$0x3], $0x80, s15, s13, $0xb8;
	[tilespmem:$0x1C380] =	vst v63  }
0xc9: {  	_ =	swait.ge [sflag:s31], $0x4000  }
0xca: {  	[sflag:s31] =	ssyncset.done $0x0  }
0xcb: {  	s20 =	simm.s32 $0x1C280;
	s22 =	rddreg [dreg:$0x8];
	[sflag:s31] =	ssyncadd.s32 $0xFFFFC000  }
0xcc: {  	[tilespmem:s20], [sflag:$0x3] =	stream.linear.gather [hbm4b:s22+s3], $0x10, $0x38;
	[tilespmem:$0x1C380] =	vst v63  }
0xcd: {  	_ =	swait.ge [sflag:s31], $0x10  }
0xce: {  	[sflag:s31] =	ssyncset.done $0x0  }
0xcf: {  	s21 =	simm.s32 $0x1C300;
	s26 =	rddreg [dreg:$0x9];
	[sflag:s31] =	ssyncadd.s32 $0xFFFFFFF0  }
0xd0: {  	[tilespmem:s21], [sflag:$0x3] =	stream.linear.gather [hbm4b:s26+s3], $0x10, $0x38;
	[tilespmem:$0x1C380] =	vst v63  }
0xd1: {  	_ =	swait.ge [sflag:s31], $0x10  }
0xd2: {  	[sflag:s31] =	ssyncset.done $0x0  }
0xd3: {  	s29 =	simm.s32 $0x10;
	s22 =	simm.s32 $0x1BA80;
	[sflag:s31] =	ssyncadd.s32 $0xFFFFFFF0  }
0xd4: {  	[tilespmem:s22], [sflag:$0x1] =	stream.indirect.gather [hbm4b:s1+s29], $0x80, s20, s29, $0xb8;
	[tilespmem:$0x1C380] =	vst v63  }
0xd5: {  	_ =	swait.ge [sflag:s17], $0x800  }
0xd6: {  	[sflag:s17] =	ssyncset.done $0x0  }
0xd7: {  	[sflag:s17] =	ssyncadd.s32 $0xFFFFF800  }
0xd8: {  	[spmem:s2] =	stream.indirect.scatter.add.f32 [tilespmem:s22], [sflag:$0x3], $0x80, s21, s29, $0xb8;
	[tilespmem:$0x1C380] =	vst v63  }
0xd9: {  	_ =	swait.ge [sflag:s31], $0x800  }
0xda: {  	[sflag:s31] =	ssyncset.done $0x0  }
0xdb: {  	s20 =	stileid.u32;
	[sflag:s31] =	ssyncadd.s32 $0xFFFFF800  }
0xdc: {  	s19 =	sshll.u32 s20, $0x6;
	[bflag:$0x0] =	sbarrier.arrive $0xFFFF  }
0xdd: {  	s19 =	sor.u32 $0x1C03, s19;
	s21 =	sshrl.u32 s7, $0x3;
	s22 =	rddreg [dreg:$0xa]  }
0xde: {  	[hbm:s22], [sflag:s19] =	dma.local [spmem:s21], $0x800  }
0xdf: {  	_ =	swait.ge [sflag:s31], $0x800  }
0xe0: {  	[sflag:s31] =	ssyncset.done $0x0  }
0xe1: {  	s26 =	sshrl.u32 s8, $0x3;
	s29 =	rddreg [dreg:$0xb];
	[sflag:s31] =	ssyncadd.s32 $0xFFFFF800  }
0xe2: {  	[hbm:s29], [sflag:s19] =	dma.local [spmem:s26], $0x800  }
0xe3: {  	_ =	swait.ge [sflag:s31], $0x800  }
0xe4: {  	[sflag:s31] =	ssyncset.done $0x0  }
0xe5: {  	s21 =	sshrl.u32 s9, $0x3;
	s22 =	rddreg [dreg:$0xe];
	[sflag:s31] =	ssyncadd.s32 $0xFFFFF800  }
0xe6: {  	[hbm:s22], [sflag:s19] =	dma.local [spmem:s21], $0x800  }
0xe7: {  	_ =	swait.ge [sflag:s31], $0x800  }
0xe8: {  	[sflag:s31] =	ssyncset.done $0x0  }
0xe9: {  	s26 =	sshrl.u32 s10, $0x3;
	s29 =	rddreg [dreg:$0xf];
	[sflag:s31] =	ssyncadd.s32 $0xFFFFF800  }
0xea: {  	[hbm:s29], [sflag:s19] =	dma.local [spmem:s26], $0x800  }
0xeb: {  	_ =	swait.ge [sflag:s31], $0x800  }
0xec: {  	[sflag:s31] =	ssyncset.done $0x0  }
0xed: {  	s22 =	sshrl.u32 s11, $0x3;
	s26 =	rddreg [dreg:$0x10];
	[sflag:s31] =	ssyncadd.s32 $0xFFFFF800  }
0xee: {  	[hbm:s26], [sflag:s19] =	dma.local [spmem:s22], $0x700  }
0xef: {  	_ =	swait.ge [sflag:s31], $0x700  }
0xf0: {  	[sflag:s31] =	ssyncset.done $0x0  }
0xf1: {  	s20 =	sshrl.u32 @!p0 s12, $0x3;
	s21 =	rddreg [dreg:$0xc];
	[sflag:s31] =	ssyncadd.s32 $0xFFFFF900  }
0xf2: {  	[hbm:s21], [sflag:s19] =	dma.local @!p0 [spmem:s20], $0x100  }
0xf3: {  	s19 =	simm.s32 @!p0 $0x3  }
0xf4: {  	_ =	swait.ge @!p0 [sflag:s19], $0x100  }
0xf5: {  	s28 =	sadd.s32 $0x1, s28;
	s29 =	rddreg [dreg:$0xd]  }
0xf6: {  	p1 =	sne.s32 s28, s29  }
.Ltmp2:
0xf7: {  	_ = 	snop;
	(pc) =	sbr.rel @p1 .LBB2_1-.Ltmp2, $3  }
0xf8: {  	_ =	sdelay $0x1  }
0xf9: {  	[sflag:s19] =	ssyncset.done @!p0 $0x0  }
0xfa: {  	[sflag:s19] =	ssyncadd.s32 @!p0 $0xFFFFFF00  }
0xfb: {  	_ =	sfence.sel $0x180000  }
0xfc: {  	[bflag:$0x0] =	sbarrier.arrive $0xFFFF  }
0xfd: {  	_ =	strace $0x9000004D  }
0xfe: {  	s0 =	stileid.u32;
	[bflag:$0x2] =	sbarrier.arrive $0xFFFF  }
0xff: {  	p0 =	sne.s32 s0, $0x0;
	s0 =	rddreg [dreg:$0x3]  }
0x100: {  	s0 =	sadd.s32 @!p0 $0x100000, s0  }
0x101: {  	[sflag:s0] =	ssyncadd.tile.s32 @!p0 $0x1;
	_ =	shalt  }
.Lfunc_end2:
_tile_overlayer_lowered:
.L_overlay_start_2:
0x102: {  	(tag) =	ssettag $0x2  }
0x103: {  	s0 =	rddreg [dreg:$0x0];
	s2 =	stileid.u32  }
0x104: {  	s1 =	rddreg [dreg:$0x1];
	p0 =	sne.s32 s2, $0x0  }
0x105: {  	s3 =	rddreg [dreg:$0x2];
	[bflag:$0x3] =	sbarrier.arrive $0xFFFF;
	s2 =	simm.s32 @!p0 $0x1C03  }
0x106: {  	[timem:s3], [sflag:s2] =	dma.local @!p0 [hbm:s0], s1  }
0x107: {  	s0 =	simm.s32 @!p0 $0x3  }
0x108: {  	_ =	swait.ge @!p0 [sflag:s0], s1  }
0x109: {  	s1 =	ssub.s32 @!p0 $0x0, s1;
	[sflag:s0] =	ssyncset.done @!p0 $0x0  }
0x10a: {  	[sflag:s0] =	ssyncadd.s32 @!p0 s1  }
0x10b: {  	[bflag:$0x3] =	sbarrier.arrive $0xFFFF  }
0x10c: {  	_ =	shalt  }

// kernel: kernel.8.cloned.1.call-start
scs
__scs_entry_jumppad:
0x0: {  	(pc) =	sbr.rel $0x88, $3  }
0x1: {  	(tag) =	ssettag $0x0;
	lr =	simm.s32 $0x1  }
0x2: {  	[smem:$0x3F97] =	sst lr;
	_ =	strace $0xD0000000  }
0x3: {  	_ = 	snop  }
0x4: {  	_ = 	snop  }
0x5: {  	_ = 	snop  }
0x6: {  	_ = 	snop  }
0x7: {  	_ = 	snop  }
__scs_overlays_trampoline_lowered:
0x8: {  	[smem:$0x3FA6] =	sst s0  }
0x9: {  	[smem:$0x3FA7] =	sst s1  }
0xa: {  	[smem:$0x3FA8] =	sst s2  }
0xb: {  	[smem:$0x3FA9] =	sst s3  }
0xc: {  	[smem:$0x3FAA] =	sst s4  }
0xd: {  	[smem:$0x3FAB] =	sst s5  }
0xe: {  	[smem:$0x3FAC] =	sst s6  }
0xf: {  	[smem:$0x3FAD] =	sst s7  }
0x10: {  	[smem:$0x3FAE] =	sst s8  }
0x11: {  	[smem:$0x3FAF] =	sst s9;
	s0 =	simm.s32 @!p0 $0x0  }
0x12: {  	s1 =	sld [smem:$0x3F95];
	s0 =	simm.s32 @p0 $0x1  }
0x13: {  	[smem:$0x3FB0] =	sst s0;
	s0 =	simm.s32 @!p1 $0x0  }
0x14: {  	s2 =	sld [smem:$0x3F94];
	s0 =	simm.s32 @p1 $0x1  }
0x15: {  	[smem:$0x3FB1] =	sst s0;
	s0 =	simm.s32 @!p2 $0x0  }
0x16: {  	s3 =	sld [smem:$0x3FDB];
	s0 =	simm.s32 @p2 $0x1  }
0x17: {  	s4 =	simm.s32 $0x1BF5;
	[smem:$0x3FB3] =	sst s0  }
0x18: {  	s0 =	sld [smem:$0x3F96];
	_ =	swait.ge [sflag:s4], $0x0  }
0x19: {  	s7 =	sld [smem:$0x3F97]  }
0x1a: {  	s8 =	sadd.s32 $0xFFFFE003, lr  }
0x1b: {  	s9 =	sadd.s32 $0xFFFFFEF7, lr;
	s5 =	simm.s32 $0xFFFFFFFF;
	p2 =	slt.u32 s8, $0xFFFFF086  }
0x1c: {  	p1 =	slt.u32 s9, $0xF7A;
	s5 =	simm.s32 @!p2 $0x0  }
0x1d: {  	s5 =	simm.s32 @p1 $0x1;
	p0 =	seq.s32 s7, s2  }
0x1e: {  	s7 =	smul.u32 @!p0 $0xF7A, s2;
	p2 =	seq.s32 @!p0 s5, $0x0  }
0x1f: {  	s9 =	smul.u32 $0xF7A, s1;
	s8 =	simm.s32 @!p0 $0x1BF5;
	p2 =	por !p2, p0  }
0x20: {  	[sflag:s8] =	ssyncset.s32 @!p0 $0xFFFFF086;
	s6 =	sadd.s32 @!p0 s3, s7;
	s7 =	simm.s32 @!p0 $0x108  }
0x21: {  	s3 =	sadd.s32 s3, s9;
	s6 =	sadd.s32 @!p0 $0x88, s6;
	s7 =	simm.s32 @p2 $0x1082  }
0x22: {  	[simem:s7], [sflag:s8] =	dma.local @!p0 [hbm:s6], $0xF7A  }
0x23: {  	s9 =	sor.u32 $0xD0000000, s2;
	s6 =	simm.s32 $0x108;
	_ =	swait.ge @!p0 [sflag:s8], $0x0  }
0x24: {  	s3 =	sadd.s32 $0x88, s3;
	s6 =	simm.s32 @!p1 $0x1082;
	[sflag:s4] =	ssyncset.s32 $0xFFFFF086  }
0x25: {  	[simem:s6], [sflag:s4] =	dma.local [hbm:s3], $0xF7A  }
0x26: {  	[smem:$0x3F97] =	sst s1;
	(tag) =	ssettag s2;
	_ =	strace s9  }
0x27: {  	s1 =	sld [smem:$0x3FA7]  }
0x28: {  	s2 =	sld [smem:$0x3FA8]  }
0x29: {  	s4 =	sld [smem:$0x3FAA]  }
0x2a: {  	p0 =	seq.s32 s5, $0x0;
	s5 =	sld [smem:$0x3FAB]  }
0x2b: {  	s6 =	sld [smem:$0x3FAC]  }
0x2c: {  	s7 =	sld [smem:$0x3FAD]  }
0x2d: {  	s3 =	simm.s32 $0x108;
	s8 =	sld [smem:$0x3FAE]  }
0x2e: {  	s3 =	simm.s32 @!p0 $0x1082;
	s9 =	sld [smem:$0x3FAF]  }
0x2f: {  	lr =	sadd.s32 s0, s3;
	s0 =	sld [smem:$0x3FA6]  }
0x30: {  	s3 =	sld [smem:$0x3FA9]  }
0x31: {  	[smem:$0x3FB2] =	sst s10  }
0x32: {  	s10 =	sld [smem:$0x3FB0];
	_ =	sdelay $0x3  }
0x33: {  	p0 =	seq.s32 s10, $0x1;
	s10 =	sld [smem:$0x3FB2];
	_ =	sdelay $0x3  }
0x34: {  	[smem:$0x3FB2] =	sst s10  }
0x35: {  	s10 =	sld [smem:$0x3FB1];
	_ =	sdelay $0x3  }
0x36: {  	p1 =	seq.s32 s10, $0x1;
	s10 =	sld [smem:$0x3FB2];
	_ =	sdelay $0x3  }
0x37: {  	[smem:$0x3FB2] =	sst s10  }
0x38: {  	s10 =	sld [smem:$0x3FB3]  }
0x39: {  	_ = 	snop;
	(pc) =	sbr.ind lr, $3  }
0x3a: {  	_ = 	snop  }
0x3b: {  	_ = 	snop  }
0x3c: {  	p2 =	seq.s32 s10, $0x1;
	s10 =	sld [smem:$0x3FB2]  }
0x3d: {  	_ =	shalt  }
0x3e: {  	_ =	shalt  }
0x3f: {  	_ =	shalt  }
0x40: {  	_ =	shalt  }
0x41: {  	_ =	shalt  }
0x42: {  	_ =	shalt  }
0x43: {  	_ =	shalt  }
0x44: {  	_ =	shalt  }
0x45: {  	_ =	shalt  }
0x46: {  	_ =	shalt  }
0x47: {  	_ =	shalt  }
0x48: {  	_ =	shalt  }
0x49: {  	_ =	shalt  }
0x4a: {  	_ =	shalt  }
0x4b: {  	_ =	shalt  }
0x4c: {  	_ =	shalt  }
0x4d: {  	_ =	shalt  }
0x4e: {  	_ =	shalt  }
0x4f: {  	_ =	shalt  }
0x50: {  	_ =	shalt  }
0x51: {  	_ =	shalt  }
0x52: {  	_ =	shalt  }
0x53: {  	_ =	shalt  }
0x54: {  	_ =	shalt  }
0x55: {  	_ =	shalt  }
0x56: {  	_ =	shalt  }
0x57: {  	_ =	shalt  }
0x58: {  	_ =	shalt  }
0x59: {  	_ =	shalt  }
0x5a: {  	_ =	shalt  }
0x5b: {  	_ =	shalt  }
0x5c: {  	_ =	shalt  }
0x5d: {  	_ =	shalt  }
0x5e: {  	_ =	shalt  }
0x5f: {  	_ =	shalt  }
0x60: {  	_ =	shalt  }
0x61: {  	_ =	shalt  }
0x62: {  	_ =	shalt  }
0x63: {  	_ =	shalt  }
0x64: {  	_ =	shalt  }
0x65: {  	_ =	shalt  }
0x66: {  	_ =	shalt  }
0x67: {  	_ =	shalt  }
0x68: {  	_ =	shalt  }
0x69: {  	_ =	shalt  }
0x6a: {  	_ =	shalt  }
0x6b: {  	_ =	shalt  }
0x6c: {  	_ =	shalt  }
0x6d: {  	_ =	shalt  }
0x6e: {  	_ =	shalt  }
0x6f: {  	_ =	shalt  }
0x70: {  	_ =	shalt  }
0x71: {  	_ =	shalt  }
0x72: {  	_ =	shalt  }
0x73: {  	_ =	shalt  }
0x74: {  	_ =	shalt  }
0x75: {  	_ =	shalt  }
0x76: {  	_ =	shalt  }
0x77: {  	_ =	shalt  }
0x78: {  	_ =	shalt  }
0x79: {  	_ =	shalt  }
0x7a: {  	_ =	shalt  }
0x7b: {  	_ =	shalt  }
0x7c: {  	_ =	shalt  }
0x7d: {  	_ =	shalt  }
0x7e: {  	_ =	shalt  }
0x7f: {  	_ =	shalt  }
0x80: {  	_ =	shalt  }
0x81: {  	_ =	shalt  }
0x82: {  	_ =	shalt  }
0x83: {  	_ =	shalt  }
0x84: {  	_ =	shalt  }
0x85: {  	_ =	shalt  }
0x86: {  	_ =	shalt  }
0x87: {  	_ =	shalt  }
.Lfunc_end0:
.L_simem_size_0:
called_computation_lowered:
.L_overlay_start_0:
0x88: {  	s2 =	sld [smem:$0x3FD9]  }
0x89: {  	s3 =	sld [smem:$0x3FFE];
	_ =	sdelay $0x1  }
0x8a: {  	s1 =	srdreg.scid  }
0x8b: {  	s0 =	sand.u32 $0x1, s1  }
0x8c: {  	s17 =	sshll.u32 s0, $0xA;
	s2 =	sadd.s32 s3, s2  }
0x8d: {  	s2 =	sadd.s32 s2, s17  }
0x8e: {  	[smem:$0x3FBE] =	sst s2  }
0x8f: {  	_ = 	snop  }
0x90: {  	s2 =	sld [smem:$0x3FD0];
	(tm) =	ssettm $0x1  }
0x91: {  	s18 =	sld [smem:$0x3FFB];
	_ =	sdelay $0x3  }
0x92: {  	_ =	strace s18  }
0x93: {  	s3 =	sld [smem:$0x3FFC];
	_ =	sdelay $0x3  }
0x94: {  	_ =	strace s3  }
0x95: {  	s3 =	sld [smem:$0x3FFD];
	_ =	sdelay $0x3  }
0x96: {  	_ =	strace s3  }
0x97: {  	_ =	strace $0x8FFFFFFF  }
0x98: {  	s19 =	sld [smem:$0x3FDB];
	_ =	sdelay $0x1  }
0x99: {  	s4 =	simm.s32 $_scs_section_size  }
0x9a: {  	s5 =	simm.s32 $_size__tile_overlayer_lowered;
	s6 =	simm.s32 $_tile_overlayer_lowered  }
0x9b: {  	s22 =	simm.s32 $0x1BFF;
	s21 =	sshll.u32 s6, $0x1;
	s3 =	sadd.s32 s4, s19  }
0x9c: {  	s7 =	simm.s32 $0x0;
	s20 =	sshll.u32 s5, $0x1;
	s5 =	sadd.s32 s21, s3  }
0x9d: {  	[timem:s7], [sflag:s22] =	dma.local [hbm:s5], s20  }
0x9e: {  	_ =	swait.ge [sflag:s22], s20  }
0x9f: {  	s4 =	ssub.s32 $0x0, s20;
	[sflag:s22] =	ssyncset.done $0x0  }
0xa0: {  	[sflag:s22] =	ssyncadd.s32 s4;
	_ =	sdelay $0x1  }
0xa1: {  	s23 =	simm.s32 $0x1B8B  }
0xa2: {  	_ =	swait.ge [sflag:s23], $0x1  }
0xa3: {  	[sflag:s23] =	ssyncset.done $0x0  }
0xa4: {  	s25 =	simm.s32 $0x1B8E;
	s24 =	sld [smem:$0x3FFE];
	[sflag:s23] =	ssyncadd.s32 $0xFFFFFFFF  }
0xa5: {  	s26 =	simm.s32 $execute0_lowered;
	[smem:$0x3FD2] =	sst s25  }
0xa6: {  	s5 =	sshll.u32 s26, $0x1;
	_ =	strace $0x80000046;
	[dreg:$0x1] =	wrdreg $0xFFFFFFFF  }
0xa7: {  	s28 =	simm.s32 $_size_execute0_lowered;
	s3 =	sadd.s32 s3, s5;
	[dreg:$0x0] =	wrdreg $0x0  }
0xa8: {  	s5 =	sshll.u32 s28, $0x1;
	[dreg:$0x2] =	wrdreg s3  }
0xa9: {  	[dreg:$0x3] =	wrdreg s5  }
0xaa: {  	[dreg:$0x4] =	wrdreg $0xC0  }
0xab: {  	_ =	task [dreg:s7], $0x5FFFF  }
0xac: {  	[dreg:$0x1] =	wrdreg $0xFFFFFFFF  }
0xad: {  	[dreg:$0x0] =	wrdreg $0x60  }
0xae: {  	[dreg:$0x2] =	wrdreg s24  }
0xaf: {  	[dreg:$0x3] =	wrdreg s2  }
0xb0: {  	[dreg:$0x4] =	wrdreg $0x9  }
0xb1: {  	_ =	task.clear_ibuf [dreg:s7], $0x5FFFF;
	_ =	strace $0x90000046  }
0xb2: {  	s29 =	simm.s32 $0x9;
	_ =	strace $0x80000048  }
0xb3: {  	_ =	swait.ge [sflag:s29], $0x1  }
0xb4: {  	[sflag:s29] =	ssyncadd.s32 $0xFFFFFFFF  }
0xb5: {  	_ =	strace $0x90000048  }
0xb6: {  	_ =	sfence  }
0xb7: {  	s30 =	sld [smem:$0x0];
	_ =	sdelay $0x2  }
0xb8: {  	s31 =	sshll.u32 s1, $0xD;
	s1 =	sshrl.u32 s1, $0x2  }
0xb9: {  	s3 =	sand.u32 $0x4000, s31;
	s1 =	sadd.s32 s1, s30  }
0xba: {  	s0 =	sor.u32 s3, s0;
	s1 =	sshll.u32 s1, $0x11  }
0xbb: {  	s0 =	sor.u32 s1, s0  }
0xbc: {  	s0 =	sadd.s32 $0x8F2B, s0  }
0xbd: {  	[sflag:s0] =	ssyncadd.remote.s32 $0x1  }
0xbe: {  	_ =	sfence.sel $0xFFFF  }
0xbf: {  	[dreg:$0x0] =	wrdreg $0xFFFFFFFF;
	(pc) =	sbr.abs _section_cstart, $3  }
0xc0: {  	[dreg:$0x1] =	wrdreg $0xFFFFFFFF  }
0xc1: {  	_ =	task.clear_ibuf [dreg:s7], $0x2FFFF;
	_ =	strace $0x9FFFFFFF  }
0xc2: {  	(tm) =	ssettm $0x7FFFFFFF  }
0xc3: {  	_ =	shalt  }
tec
execute0_lowered:
.L_overlay_start_1:
0x0: {  	(tag) =	ssettag $0x1  }
0x1: {  	v0 =	vimm.s32 $0xA380;
	vm0 =	vcmask $0x300  }
0x2: {  	vm14 =	vcmask $0x704;
	v0 =	vsel vm0, $0x0, v0  }
0x3: {  	vm15 =	vcmask $0xB08;
	v0 =	vsel vm14, $0x80, v0  }
0x4: {  	vm4 =	vcmask $0xF0C;
	v0 =	vsel vm15, $0x100, v0  }
0x5: {  	vm5 =	vcmask $0x1310;
	v0 =	vsel vm4, $0x180, v0  }
0x6: {  	vm6 =	vcmask $0x1714;
	v0 =	vsel vm5, $0x200, v0  }
0x7: {  	vm7 =	vcmask $0x1B18;
	v0 =	vsel vm6, $0x280, v0  }
0x8: {  	s4 =	rddreg [dreg:$0x0];
	s1 =	srdreg.scid;
	vm8 =	vcmask $0x1F1C;
	v0 =	vsel vm7, $0x300, v0  }
0x9: {  	s0 =	stileid.u32;
	s6 =	rddreg [dreg:$0x1];
	vm9 =	vcmask $0x2320;
	s2 =	simm.s32 $0x0;
	v0 =	vsel vm8, $0x380, v0  }
0xa: {  	vm10 =	vcmask $0x2724;
	s10 =	simm.s32 $0x14800;
	s5 =	sand.u32 $0x1, s1;
	s3 =	sshll.u32 s0, $0x1;
	v0 =	vsel vm9, $0xA000, v0  }
0xb: {  	vm11 =	vcmask $0x2B28;
	s11 =	simm.s32 $0x0;
	s1 =	rddreg [dreg:$0x2];
	s3 =	sor.u32 s5, s3;
	v0 =	vsel vm10, $0xA080, v0  }
0xc: {  	vm12 =	vcmask $0x2F2C;
	[smem:$0x7FF] =	sst s2;
	s5 =	ssub.s32 $0x2, s5;
	s3 =	smul.u32 $0x2710, s3;
	v0 =	vsel vm11, $0xA100, v0  }
0xd: {  	vm13 =	vcmask $0x3330;
	s4 =	sadd.s32 $0xD200, s4;
	_ =	strace $0x80000047;
	s7 =	sshrl.u32 s5, $0x1;
	v0 =	vsel vm12, $0xA180, v0  }
0xe: {  	vm14 =	vcmask $0x3734;
	s7 =	ssub.s32 s5, s7;
	s8 =	sshrl.u32 s3, $0x3;
	s9 =	sadd.s32 $0x1388, s3;
	v0 =	vsel vm13, $0xA200, v0  }
0xf: {  	vm15 =	vcmask $0x3B38;
	s7 =	smax.u32 s7, $0x1;
	s5 =	sadd.s32 s6, s8;
	s31 =	sshrl.u32 s9, $0x3;
	v1 =	vsel vm14, $0xA280, v0  }
0x10: {  	s8 =	simm.s32 $0x14000;
	s9 =	simm.s32 $0x1;
	s6 =	sadd.s32 s6, s31;
	v0 =	vimm.s32 $0x0;
	v1 =	vsel vm15, $0xA300, v1  }
.LBB2_1:
0x11: {  	s12 =	simm.s32 $0x0  }
0x12: {  	s13 =	sand.u32 $0xFFF8, s12  }
0x13: {  	s13 =	sshrl.u32 s13, $0x3  }
0x14: {  	s13 =	smul.u32 $0xD21, s13  }
0x15: {  	s14 =	sor.u32 $0x7, s12;
	s15 =	sor.u32 $0x4, s12  }
0x16: {  	s16 =	sor.u32 $0x5, s12;
	s17 =	sor.u32 $0x6, s12;
	s18 =	sshrl.u32 s13, $0x11  }
0x17: {  	s20 =	sor.u32 $0x3, s12;
	s21 =	sshrl.u32 s13, $0x14;
	s18 =	smul.u32 $0x138, s18  }
0x18: {  	s22 =	sor.u32 $0x2, s12;
	s19 =	sshrl.u32 s13, $0xA;
	s28 =	smul.u32 $0x28000, s21  }
0x19: {  	s29 =	sor.u32 $0x1, s12;
	s13 =	sand.u32 $0x380, s19;
	s23 =	ssub.s32 $0x0, s18  }
0x1a: {  	s21 =	ssub.s32 s29, s18;
	s17 =	ssub.s32 s17, s18;
	s19 =	sshrl.u32 s28, $0x2  }
0x1b: {  	s20 =	ssub.s32 s20, s18;
	s22 =	ssub.s32 s22, s18;
	s15 =	ssub.s32 s15, s18  }
0x1c: {  	s16 =	ssub.s32 s16, s18;
	s14 =	ssub.s32 s14, s18;
	s23 =	sand.u32 $0xFFFF, s23  }
0x1d: {  	s21 =	sshll.u32 s21, $0x7;
	s17 =	sshll.u32 s17, $0x7;
	s20 =	sshll.u32 s20, $0x7  }
0x1e: {  	s22 =	sshll.u32 s22, $0x7;
	s15 =	sshll.u32 s15, $0x7;
	s16 =	sshll.u32 s16, $0x7  }
0x1f: {  	s14 =	sshll.u32 s14, $0x7;
	s23 =	sshll.u32 s23, $0x7;
	s21 =	sand.u32 $0xFC00, s21  }
0x20: {  	s20 =	sand.u32 $0xFC00, s20;
	s22 =	sand.u32 $0xFC00, s22;
	s23 =	sadd.s32 s23, s19  }
0x21: {  	s15 =	sand.u32 $0xFC00, s15;
	s21 =	sadd.s32 s21, s19;
	s23 =	sadd.s32 s13, s23  }
0x22: {  	s16 =	sand.u32 $0xFC00, s16;
	s22 =	sadd.s32 s22, s19;
	s21 =	sor.u32 s13, s21;
	[tilespmem:s23+$0x0] =	vst v0  }
0x23: {  	s17 =	sand.u32 $0xFC00, s17;
	s20 =	sadd.s32 s20, s19;
	s30 =	sor.u32 s13, s22;
	[tilespmem:s21+$0x10] =	vst v0  }
0x24: {  	s31 =	sand.u32 $0xFC00, s14;
	s15 =	sadd.s32 s15, s19;
	s20 =	sor.u32 s13, s20;
	[tilespmem:s30+$0x20] =	vst v0  }
0x25: {  	s16 =	sadd.s32 s16, s19;
	s17 =	sadd.s32 s17, s19;
	s15 =	sor.u32 s13, s15;
	[tilespmem:s20+$0x30] =	vst v0  }
0x26: {  	s14 =	sor.u32 s13, s16;
	s16 =	sadd.s32 s31, s19;
	[tilespmem:s15+$0x40] =	vst v0;
	s15 =	sor.u32 s13, s17  }
.LBB2_2:
0x27: {  	s12 =	sadd.s32 $0x8, s12  }
0x28: {  	[tilespmem:s14+$0x50] =	vst v0;
	s14 =	sand.u32 $0xFFF8, s12  }
0x29: {  	s13 =	sor.u32 s13, s16;
	p0 =	slt.u32 s12, $0x1378;
	[tilespmem:s15+$0x60] =	vst v0;
	s14 =	sshrl.u32 s14, $0x3  }
0x2a: {  	[tilespmem:s13+$0x70] =	vst v0;
	s13 =	smul.u32 $0xD21, s14  }
0x2b: {  	s15 =	sor.u32 $0x4, s12;
	s16 =	sor.u32 $0x5, s12;
	s14 =	sor.u32 $0x7, s12  }
0x2c: {  	s17 =	sor.u32 $0x6, s12;
	s20 =	sor.u32 $0x3, s12;
	s18 =	sshrl.u32 s13, $0x11  }
0x2d: {  	s19 =	sshrl.u32 s13, $0xA;
	s21 =	sshrl.u32 s13, $0x14;
	s18 =	smul.u32 $0x138, s18  }
0x2e: {  	s22 =	sor.u32 $0x2, s12;
	s13 =	sand.u32 $0x380, s19;
	s19 =	smul.u32 $0x28000, s21  }
0x2f: {  	s21 =	sor.u32 $0x1, s12;
	s23 =	ssub.s32 s12, s18  }
0x30: {  	s21 =	ssub.s32 s21, s18;
	s17 =	ssub.s32 s17, s18;
	s19 =	sshrl.u32 s19, $0x2  }
0x31: {  	s23 =	sand.u32 $0xFFFF, s23;
	s21 =	sshll.u32 s21, $0x7;
	s17 =	sshll.u32 s17, $0x7  }
0x32: {  	s20 =	ssub.s32 s20, s18;
	s22 =	ssub.s32 s22, s18;
	s23 =	sshll.u32 s23, $0x7  }
0x33: {  	s15 =	ssub.s32 s15, s18;
	s21 =	sand.u32 $0xFC00, s21;
	s23 =	sadd.s32 s23, s19  }
0x34: {  	s22 =	sshll.u32 s22, $0x7;
	s20 =	sshll.u32 s20, $0x7;
	s23 =	sadd.s32 s13, s23  }
0x35: {  	s16 =	ssub.s32 s16, s18;
	s22 =	sand.u32 $0xFC00, s22;
	s20 =	sand.u32 $0xFC00, s20  }
0x36: {  	s15 =	sshll.u32 s15, $0x7;
	s21 =	sadd.s32 s21, s19;
	s20 =	sadd.s32 s20, s19;
	[tilespmem:s23+$0x0] =	vst v0  }
0x37: {  	s16 =	sshll.u32 s16, $0x7;
	s15 =	sand.u32 $0xFC00, s15;
	s20 =	sor.u32 s13, s20  }
0x38: {  	s16 =	sand.u32 $0xFC00, s16;
	s22 =	sadd.s32 s22, s19;
	s15 =	sadd.s32 s15, s19  }
.Ltmp0:
0x39: {  	s21 =	sor.u32 s13, s21;
	s15 =	sor.u32 s13, s15;
	(pc) =	sbr.rel @p0 .LBB2_2-.Ltmp0, $4  }
0x3a: {  	s18 =	ssub.s32 s14, s18;
	s16 =	sadd.s32 s16, s19;
	[tilespmem:s21+$0x10] =	vst v0;
	s21 =	sor.u32 s13, s22  }
0x3b: {  	s14 =	sor.u32 s13, s16;
	s16 =	sand.u32 $0xFC00, s17;
	s17 =	sshll.u32 s18, $0x7;
	[tilespmem:s21+$0x20] =	vst v0  }
0x3c: {  	s16 =	sadd.s32 s16, s19;
	s17 =	sand.u32 $0xFC00, s17;
	[tilespmem:s20+$0x30] =	vst v0  }
0x3d: {  	[tilespmem:s15+$0x40] =	vst v0;
	s15 =	sor.u32 s13, s16;
	s16 =	sadd.s32 s17, s19  }
0x3e: {  	[tilespmem:s14+$0x50] =	vst v0  }
0x3f: {  	s13 =	sor.u32 s13, s16;
	[tilespmem:s15+$0x60] =	vst v0  }
0x40: {  	s12 =	simm.s32 $0x0;
	[tilespmem:s13+$0x70] =	vst v0;
	s13 =	simm.s32 $0x0  }
.LBB2_4:
0x41: {  	s14 =	smul.u32 $0x7D0, s13;
	_ =	sdelay $0x1  }
0x42: {  	s14 =	sadd.s32 s3, s14  }
0x43: {  	s14 =	sshrl.u32 s14, $0x3  }
0x44: {  	s14 =	sadd.s32 s4, s14  }
0x45: {  	[tilespmem:s8], [sflag:$0x1] =	stream.linear.gather [hbm4b:s14+s12], $0x7D0, $0x38;
	[tilespmem:$0x15C00] =	vst v63  }
0x46: {  	_ =	swait.ge [sflag:s9], $0x7D0  }
0x47: {  	[sflag:s9] =	ssyncset.done $0x0  }
0x48: {  	s15 =	simm.s32 $0x0;
	s14 =	simm.s32 $0x40;
	[sflag:s9] =	ssyncadd.s32 $0xFFFFF830  }
.LBB2_5:
0x49: {  	p0 =	sne.s32 s14, $0x1F00;
	v2 =	vld [tilespmem:s15+$0x14000];
	_ =	sdelay $0x4  }
0x4a: {  	vm0 =	vgt.s32 v2, $0x0  }
0x4b: {  	v3 =	vnsel vm0, $0x0, v2  }
0x4c: {  	v3 =	vmin.u32 v3, $0x1387  }
0x4d: {  	v4 =	vshll.u32 v3, $0x3  }
0x4e: {  	v3 =	vand.u32 $0x7F, v3;
	v4 =	vand.u32 $0xFC00, v4  }
0x4f: {  	vm0 =	vlt.u32 v2, $0x1388;
	v2 =	vor.u32 v3, v4  }
0x50: {  	v2 =	vadd.s32 v1, v2;
	_ =	sdelay $0x4  }
0x51: {  	v3 =	vld.idx.msk [tilespmem:v2+s2+$0x0], vm0;
	_ =	sdelay $0x2  }
.Ltmp1:
0x52: {  	(pc) =	sbr.rel @p0 .LBB2_5-.Ltmp1, $3  }
0x53: {  	_ =	sdelay $0x1  }
0x54: {  	v3 =	vadd.s32 $0x1, v3  }
0x55: {  	s15 =	sshra.s32 s14, $0x2;
	s14 =	sadd.s32 $0x40, s14;
	[tilespmem:v2+s2+$0x0] =	vst.idx.msk vm0, v3  }
0x56: {  	v2 =	vld [tilespmem:s15+$0x14000];
	_ =	sdelay $0x4  }
0x57: {  	vm0 =	vgt.s32 v2, $0x0  }
0x58: {  	v3 =	vnsel vm0, $0x0, v2  }
0x59: {  	v3 =	vmin.u32 v3, $0x1387  }
0x5a: {  	v4 =	vshll.u32 v3, $0x3  }
0x5b: {  	v3 =	vand.u32 $0x7F, v3;
	v4 =	vand.u32 $0xFC00, v4  }
0x5c: {  	vm15 =	vlt.u32 v2, $0x1388;
	v2 =	vor.u32 v3, v4  }
0x5d: {  	v2 =	vadd.s32 v1, v2;
	_ =	sdelay $0x4  }
0x5e: {  	s13 =	sadd.s32 $0x1, s13;
	v3 =	vld.idx.msk [tilespmem:v2+s2+$0x0], vm15  }
0x5f: {  	p0 =	sne.s32 s13, $0x5  }
.Ltmp2:
0x60: {  	_ = 	snop;
	(pc) =	sbr.rel @p0 .LBB2_4-.Ltmp2, $3  }
0x61: {  	_ =	sdelay $0x1  }
0x62: {  	v3 =	vadd.s32 $0x1, v3  }
0x63: {  	[tilespmem:v2+s2+$0x0] =	vst.idx.msk vm15, v3  }
0x64: {  	s12 =	simm.s32 $0x0  }
0x65: {  	s13 =	sand.u32 $0x70, s12;
	s12 =	sand.u32 $0xFC00, s12  }
0x66: {  	s12 =	sor.u32 s13, s12  }
0x67: {  	v2 =	vld [tilespmem:s12+$0x80]  }
0x68: {  	v3 =	vld [tilespmem:s12+$0x0]  }
0x69: {  	v4 =	vld [tilespmem:s12+$0x100]  }
0x6a: {  	v5 =	vld [tilespmem:s12+$0x180]  }
0x6b: {  	v6 =	vld [tilespmem:s12+$0x200]  }
0x6c: {  	v7 =	vld [tilespmem:s12+$0x280]  }
0x6d: {  	v2 =	vadd.s32 v3, v2;
	v3 =	vld [tilespmem:s12+$0x300]  }
0x6e: {  	v56 =	vld [tilespmem:s12+$0x380];
	v2 =	vadd.s32 v4, v2  }
0x6f: {  	v57 =	vld [tilespmem:s12+$0xA000];
	v2 =	vadd.s32 v5, v2  }
0x70: {  	v58 =	vld [tilespmem:s12+$0xA080];
	v2 =	vadd.s32 v6, v2  }
0x71: {  	v59 =	vld [tilespmem:s12+$0xA100];
	v2 =	vadd.s32 v7, v2  }
0x72: {  	v2 =	vadd.s32 v3, v2;
	v3 =	vld [tilespmem:s12+$0xA180]  }
0x73: {  	v60 =	vld [tilespmem:s12+$0xA200];
	v2 =	vadd.s32 v56, v2  }
0x74: {  	v61 =	vld [tilespmem:s12+$0xA280];
	v2 =	vadd.s32 v57, v2  }
0x75: {  	v62 =	vld [tilespmem:s12+$0xA300];
	v2 =	vadd.s32 v58, v2  }
0x76: {  	v63 =	vld [tilespmem:s12+$0xA380];
	v2 =	vadd.s32 v59, v2  }
0x77: {  	v2 =	vadd.s32 v3, v2  }
0x78: {  	v2 =	vadd.s32 v60, v2  }
0x79: {  	v2 =	vadd.s32 v61, v2  }
0x7a: {  	s31 =	simm.s32 $0x10;
	s14 =	simm.s32 $0x80;
	v2 =	vadd.s32 v62, v2  }
0x7b: {  	s15 =	sand.u32 $0xFC00, s14;
	s13 =	sand.u32 $0x70, s31;
	s12 =	simm.s32 $0x14800;
	v2 =	vadd.s32 v63, v2  }
0x7c: {  	s13 =	sor.u32 s13, s15;
	s15 =	simm.s32 $0x20;
	[tilespmem:s12+$0x0] =	vst v2  }
.LBB2_8:
0x7d: {  	p0 =	sne.s32 s15, $0x1370;
	v2 =	vld [tilespmem:s13+$0x80]  }
0x7e: {  	v3 =	vld [tilespmem:s13+$0x0]  }
0x7f: {  	v4 =	vld [tilespmem:s13+$0x100]  }
0x80: {  	v5 =	vld [tilespmem:s13+$0x180]  }
0x81: {  	v6 =	vld [tilespmem:s13+$0x200]  }
0x82: {  	v7 =	vld [tilespmem:s13+$0x280]  }
0x83: {  	v2 =	vadd.s32 v3, v2;
	v3 =	vld [tilespmem:s13+$0x300]  }
0x84: {  	v2 =	vadd.s32 v4, v2;
	v4 =	vld [tilespmem:s13+$0x380]  }
0x85: {  	v2 =	vadd.s32 v5, v2;
	v5 =	vld [tilespmem:s13+$0xA000]  }
0x86: {  	v2 =	vadd.s32 v6, v2;
	v6 =	vld [tilespmem:s13+$0xA080]  }
0x87: {  	v2 =	vadd.s32 v7, v2;
	v7 =	vld [tilespmem:s13+$0xA100]  }
0x88: {  	v2 =	vadd.s32 v3, v2;
	v3 =	vld [tilespmem:s13+$0xA180]  }
0x89: {  	v2 =	vadd.s32 v4, v2;
	v4 =	vld [tilespmem:s13+$0xA200]  }
0x8a: {  	v2 =	vadd.s32 v5, v2;
	v5 =	vld [tilespmem:s13+$0xA280]  }
0x8b: {  	v2 =	vadd.s32 v6, v2;
	v6 =	vld [tilespmem:s13+$0xA300]  }
0x8c: {  	v2 =	vadd.s32 v7, v2;
	v7 =	vld [tilespmem:s13+$0xA380]  }
0x8d: {  	v2 =	vadd.s32 v3, v2  }
.Ltmp3:
0x8e: {  	v2 =	vadd.s32 v4, v2;
	(pc) =	sbr.rel @p0 .LBB2_8-.Ltmp3, $4  }
0x8f: {  	v2 =	vadd.s32 v5, v2  }
0x90: {  	s14 =	sadd.s32 $0x80, s14;
	v2 =	vadd.s32 v6, v2  }
0x91: {  	s12 =	sadd.s32 $0x10, s12;
	s16 =	sand.u32 $0xFC00, s14;
	s13 =	sand.u32 $0x70, s15;
	v2 =	vadd.s32 v7, v2  }
0x92: {  	s15 =	sadd.s32 $0x10, s15;
	s13 =	sor.u32 s13, s16;
	[tilespmem:s12+$0x0] =	vst v2  }
0x93: {  	v2 =	vld [tilespmem:s13+$0x80]  }
0x94: {  	v3 =	vld [tilespmem:s13+$0x0]  }
0x95: {  	v4 =	vld [tilespmem:s13+$0x100]  }
0x96: {  	v5 =	vld [tilespmem:s13+$0x180]  }
0x97: {  	v6 =	vld [tilespmem:s13+$0x200]  }
0x98: {  	v7 =	vld [tilespmem:s13+$0x280]  }
0x99: {  	v2 =	vadd.s32 v3, v2;
	v3 =	vld [tilespmem:s13+$0x300]  }
0x9a: {  	v56 =	vld [tilespmem:s13+$0x380];
	v2 =	vadd.s32 v4, v2  }
0x9b: {  	v57 =	vld [tilespmem:s13+$0xA000];
	v2 =	vadd.s32 v5, v2  }
0x9c: {  	v58 =	vld [tilespmem:s13+$0xA080];
	v2 =	vadd.s32 v6, v2  }
0x9d: {  	v59 =	vld [tilespmem:s13+$0xA100];
	v2 =	vadd.s32 v7, v2  }
0x9e: {  	v2 =	vadd.s32 v3, v2;
	v3 =	vld [tilespmem:s13+$0xA180]  }
0x9f: {  	v60 =	vld [tilespmem:s13+$0xA200];
	v2 =	vadd.s32 v56, v2  }
0xa0: {  	v61 =	vld [tilespmem:s13+$0xA280];
	v2 =	vadd.s32 v57, v2  }
0xa1: {  	v62 =	vld [tilespmem:s13+$0xA300];
	v2 =	vadd.s32 v58, v2  }
0xa2: {  	v63 =	vld [tilespmem:s13+$0xA380];
	v2 =	vadd.s32 v59, v2  }
0xa3: {  	v2 =	vadd.s32 v3, v2  }
0xa4: {  	v2 =	vadd.s32 v60, v2  }
0xa5: {  	v2 =	vadd.s32 v61, v2  }
0xa6: {  	v2 =	vadd.s32 v62, v2  }
0xa7: {  	s12 =	sadd.s32 $0x10, s12;
	v2 =	vadd.s32 v63, v2  }
0xa8: {  	[tilespmem:s12+$0x0] =	vst v2;
	s12 =	simm.s32 $0x0  }
0xa9: {  	[hbm4b:s5+s2] =	stream.linear.scatter [tilespmem:s10], [sflag:$0x1], $0x1388, $0x38;
	[tilespmem:$0x15C00] =	vst v63  }
0xaa: {  	s26 =	sand.u32 $0xFFF8, s12  }
0xab: {  	s13 =	sshrl.u32 s26, $0x3  }
0xac: {  	s14 =	sor.u32 $0x7, s12;
	s15 =	sor.u32 $0x4, s12;
	s13 =	smul.u32 $0xD21, s13  }
0xad: {  	s16 =	sor.u32 $0x5, s12;
	s17 =	sor.u32 $0x6, s12;
	s20 =	sor.u32 $0x3, s12  }
0xae: {  	s22 =	sor.u32 $0x2, s12;
	s29 =	sor.u32 $0x1, s12;
	s18 =	sshrl.u32 s13, $0x11  }
0xaf: {  	_ =	swait.ge [sflag:s9], $0x1388;
	s21 =	sshrl.u32 s13, $0x14;
	s18 =	smul.u32 $0x138, s18  }
0xb0: {  	[sflag:s9] =	ssyncset.done $0x0;
	s19 =	sshrl.u32 s13, $0xA;
	s28 =	smul.u32 $0x28000, s21  }
0xb1: {  	[sflag:s9] =	ssyncadd.s32 $0xFFFFEC78;
	s13 =	sand.u32 $0x380, s19;
	s23 =	ssub.s32 $0x0, s18  }
0xb2: {  	s21 =	ssub.s32 s29, s18;
	s17 =	ssub.s32 s17, s18;
	s19 =	sshrl.u32 s28, $0x2  }
0xb3: {  	s20 =	ssub.s32 s20, s18;
	s22 =	ssub.s32 s22, s18;
	s15 =	ssub.s32 s15, s18  }
0xb4: {  	s16 =	ssub.s32 s16, s18;
	s14 =	ssub.s32 s14, s18;
	s23 =	sand.u32 $0xFFFF, s23  }
0xb5: {  	s21 =	sshll.u32 s21, $0x7;
	s17 =	sshll.u32 s17, $0x7;
	s20 =	sshll.u32 s20, $0x7  }
0xb6: {  	s22 =	sshll.u32 s22, $0x7;
	s15 =	sshll.u32 s15, $0x7;
	s16 =	sshll.u32 s16, $0x7  }
0xb7: {  	s14 =	sshll.u32 s14, $0x7;
	s23 =	sshll.u32 s23, $0x7;
	s21 =	sand.u32 $0xFC00, s21  }
0xb8: {  	s20 =	sand.u32 $0xFC00, s20;
	s22 =	sand.u32 $0xFC00, s22;
	s23 =	sadd.s32 s23, s19  }
0xb9: {  	s15 =	sand.u32 $0xFC00, s15;
	s21 =	sadd.s32 s21, s19;
	s23 =	sadd.s32 s13, s23  }
0xba: {  	s16 =	sand.u32 $0xFC00, s16;
	s22 =	sadd.s32 s22, s19;
	s21 =	sor.u32 s13, s21;
	[tilespmem:s23+$0x0] =	vst v0  }
0xbb: {  	s17 =	sand.u32 $0xFC00, s17;
	s20 =	sadd.s32 s20, s19;
	s30 =	sor.u32 s13, s22;
	[tilespmem:s21+$0x10] =	vst v0  }
0xbc: {  	s31 =	sand.u32 $0xFC00, s14;
	s15 =	sadd.s32 s15, s19;
	s20 =	sor.u32 s13, s20;
	[tilespmem:s30+$0x20] =	vst v0  }
0xbd: {  	s16 =	sadd.s32 s16, s19;
	s17 =	sadd.s32 s17, s19;
	s15 =	sor.u32 s13, s15;
	[tilespmem:s20+$0x30] =	vst v0  }
0xbe: {  	s14 =	sor.u32 s13, s16;
	s16 =	sadd.s32 s31, s19;
	[tilespmem:s15+$0x40] =	vst v0;
	s15 =	sor.u32 s13, s17  }
.LBB2_10:
0xbf: {  	s12 =	sadd.s32 $0x8, s12  }
0xc0: {  	[tilespmem:s14+$0x50] =	vst v0;
	s14 =	sand.u32 $0xFFF8, s12  }
0xc1: {  	s13 =	sor.u32 s13, s16;
	p0 =	slt.u32 s12, $0x1378;
	[tilespmem:s15+$0x60] =	vst v0;
	s14 =	sshrl.u32 s14, $0x3  }
0xc2: {  	[tilespmem:s13+$0x70] =	vst v0;
	s13 =	smul.u32 $0xD21, s14  }
0xc3: {  	s15 =	sor.u32 $0x4, s12;
	s16 =	sor.u32 $0x5, s12;
	s14 =	sor.u32 $0x7, s12  }
0xc4: {  	s17 =	sor.u32 $0x6, s12;
	s20 =	sor.u32 $0x3, s12;
	s18 =	sshrl.u32 s13, $0x11  }
0xc5: {  	s19 =	sshrl.u32 s13, $0xA;
	s21 =	sshrl.u32 s13, $0x14;
	s18 =	smul.u32 $0x138, s18  }
0xc6: {  	s22 =	sor.u32 $0x2, s12;
	s13 =	sand.u32 $0x380, s19;
	s19 =	smul.u32 $0x28000, s21  }
0xc7: {  	s21 =	sor.u32 $0x1, s12;
	s23 =	ssub.s32 s12, s18  }
0xc8: {  	s21 =	ssub.s32 s21, s18;
	s17 =	ssub.s32 s17, s18;
	s19 =	sshrl.u32 s19, $0x2  }
0xc9: {  	s23 =	sand.u32 $0xFFFF, s23;
	s21 =	sshll.u32 s21, $0x7;
	s17 =	sshll.u32 s17, $0x7  }
0xca: {  	s20 =	ssub.s32 s20, s18;
	s22 =	ssub.s32 s22, s18;
	s23 =	sshll.u32 s23, $0x7  }
0xcb: {  	s15 =	ssub.s32 s15, s18;
	s21 =	sand.u32 $0xFC00, s21;
	s23 =	sadd.s32 s23, s19  }
0xcc: {  	s22 =	sshll.u32 s22, $0x7;
	s20 =	sshll.u32 s20, $0x7;
	s23 =	sadd.s32 s13, s23  }
0xcd: {  	s16 =	ssub.s32 s16, s18;
	s22 =	sand.u32 $0xFC00, s22;
	s20 =	sand.u32 $0xFC00, s20  }
0xce: {  	s15 =	sshll.u32 s15, $0x7;
	s21 =	sadd.s32 s21, s19;
	s20 =	sadd.s32 s20, s19;
	[tilespmem:s23+$0x0] =	vst v0  }
0xcf: {  	s16 =	sshll.u32 s16, $0x7;
	s15 =	sand.u32 $0xFC00, s15;
	s20 =	sor.u32 s13, s20  }
0xd0: {  	s16 =	sand.u32 $0xFC00, s16;
	s22 =	sadd.s32 s22, s19;
	s15 =	sadd.s32 s15, s19  }
.Ltmp4:
0xd1: {  	s21 =	sor.u32 s13, s21;
	s15 =	sor.u32 s13, s15;
	(pc) =	sbr.rel @p0 .LBB2_10-.Ltmp4, $4  }
0xd2: {  	s18 =	ssub.s32 s14, s18;
	s16 =	sadd.s32 s16, s19;
	[tilespmem:s21+$0x10] =	vst v0;
	s21 =	sor.u32 s13, s22  }
0xd3: {  	s14 =	sor.u32 s13, s16;
	s16 =	sand.u32 $0xFC00, s17;
	s17 =	sshll.u32 s18, $0x7;
	[tilespmem:s21+$0x20] =	vst v0  }
0xd4: {  	s16 =	sadd.s32 s16, s19;
	s17 =	sand.u32 $0xFC00, s17;
	[tilespmem:s20+$0x30] =	vst v0  }
0xd5: {  	[tilespmem:s15+$0x40] =	vst v0;
	s15 =	sor.u32 s13, s16;
	s16 =	sadd.s32 s17, s19  }
0xd6: {  	[tilespmem:s14+$0x50] =	vst v0  }
0xd7: {  	s13 =	sor.u32 s13, s16;
	[tilespmem:s15+$0x60] =	vst v0  }
0xd8: {  	s12 =	simm.s32 $0x0;
	[tilespmem:s13+$0x70] =	vst v0;
	s13 =	simm.s32 $0x0  }
.LBB2_12:
0xd9: {  	s14 =	smul.u32 $0x7D0, s13;
	_ =	sdelay $0x1  }
0xda: {  	s14 =	sadd.s32 s3, s14  }
0xdb: {  	s14 =	sshrl.u32 s14, $0x3  }
0xdc: {  	s14 =	sadd.s32 s4, s14  }
0xdd: {  	[tilespmem:s8], [sflag:$0x1] =	stream.linear.gather [hbm4b:s14+s12], $0x7D0, $0x38;
	[tilespmem:$0x15C00] =	vst v63  }
0xde: {  	_ =	swait.ge [sflag:s9], $0x7D0  }
0xdf: {  	[sflag:s9] =	ssyncset.done $0x0  }
0xe0: {  	s15 =	simm.s32 $0x0;
	s14 =	simm.s32 $0x40;
	[sflag:s9] =	ssyncadd.s32 $0xFFFFF830  }
.LBB2_13:
0xe1: {  	p0 =	sne.s32 s14, $0x1F00;
	v2 =	vld [tilespmem:s15+$0x14000];
	_ =	sdelay $0x4  }
0xe2: {  	v2 =	vadd.s32 $0xFFFFEC78, v2  }
0xe3: {  	vm0 =	vgt.s32 v2, $0x0  }
0xe4: {  	v3 =	vnsel vm0, $0x0, v2  }
0xe5: {  	v3 =	vmin.u32 v3, $0x1387  }
0xe6: {  	v4 =	vshll.u32 v3, $0x3  }
0xe7: {  	v3 =	vand.u32 $0x7F, v3;
	v4 =	vand.u32 $0xFC00, v4  }
0xe8: {  	vm0 =	vlt.u32 v2, $0x1388;
	v2 =	vor.u32 v3, v4  }
0xe9: {  	v2 =	vadd.s32 v1, v2;
	_ =	sdelay $0x4  }
0xea: {  	v3 =	vld.idx.msk [tilespmem:v2+s2+$0x0], vm0;
	_ =	sdelay $0x2  }
.Ltmp5:
0xeb: {  	(pc) =	sbr.rel @p0 .LBB2_13-.Ltmp5, $3  }
0xec: {  	_ =	sdelay $0x1  }
0xed: {  	v3 =	vadd.s32 $0x1, v3  }
0xee: {  	s15 =	sshra.s32 s14, $0x2;
	s14 =	sadd.s32 $0x40, s14;
	[tilespmem:v2+s2+$0x0] =	vst.idx.msk vm0, v3  }
0xef: {  	v2 =	vld [tilespmem:s15+$0x14000];
	_ =	sdelay $0x4  }
0xf0: {  	v2 =	vadd.s32 $0xFFFFEC78, v2  }
0xf1: {  	vm0 =	vgt.s32 v2, $0x0  }
0xf2: {  	v3 =	vnsel vm0, $0x0, v2  }
0xf3: {  	v3 =	vmin.u32 v3, $0x1387  }
0xf4: {  	v4 =	vshll.u32 v3, $0x3  }
0xf5: {  	v3 =	vand.u32 $0x7F, v3;
	v4 =	vand.u32 $0xFC00, v4  }
0xf6: {  	vm15 =	vlt.u32 v2, $0x1388;
	v2 =	vor.u32 v3, v4  }
0xf7: {  	v2 =	vadd.s32 v1, v2;
	_ =	sdelay $0x4  }
0xf8: {  	s13 =	sadd.s32 $0x1, s13;
	v3 =	vld.idx.msk [tilespmem:v2+s2+$0x0], vm15  }
0xf9: {  	p0 =	sne.s32 s13, $0x5  }
.Ltmp6:
0xfa: {  	_ = 	snop;
	(pc) =	sbr.rel @p0 .LBB2_12-.Ltmp6, $3  }
0xfb: {  	_ =	sdelay $0x1  }
0xfc: {  	v3 =	vadd.s32 $0x1, v3  }
0xfd: {  	[tilespmem:v2+s2+$0x0] =	vst.idx.msk vm15, v3  }
0xfe: {  	s12 =	simm.s32 $0x0  }
0xff: {  	s13 =	sand.u32 $0x70, s12;
	s12 =	sand.u32 $0xFC00, s12  }
0x100: {  	s12 =	sor.u32 s13, s12  }
0x101: {  	v2 =	vld [tilespmem:s12+$0x80]  }
0x102: {  	v3 =	vld [tilespmem:s12+$0x0]  }
0x103: {  	v4 =	vld [tilespmem:s12+$0x100]  }
0x104: {  	v5 =	vld [tilespmem:s12+$0x180]  }
0x105: {  	v6 =	vld [tilespmem:s12+$0x200]  }
0x106: {  	v7 =	vld [tilespmem:s12+$0x280]  }
0x107: {  	v2 =	vadd.s32 v3, v2;
	v3 =	vld [tilespmem:s12+$0x300]  }
0x108: {  	v56 =	vld [tilespmem:s12+$0x380];
	v2 =	vadd.s32 v4, v2  }
0x109: {  	v57 =	vld [tilespmem:s12+$0xA000];
	v2 =	vadd.s32 v5, v2  }
0x10a: {  	v58 =	vld [tilespmem:s12+$0xA080];
	v2 =	vadd.s32 v6, v2  }
0x10b: {  	v59 =	vld [tilespmem:s12+$0xA100];
	v2 =	vadd.s32 v7, v2  }
0x10c: {  	v2 =	vadd.s32 v3, v2;
	v3 =	vld [tilespmem:s12+$0xA180]  }
0x10d: {  	v60 =	vld [tilespmem:s12+$0xA200];
	v2 =	vadd.s32 v56, v2  }
0x10e: {  	v61 =	vld [tilespmem:s12+$0xA280];
	v2 =	vadd.s32 v57, v2  }
0x10f: {  	v62 =	vld [tilespmem:s12+$0xA300];
	v2 =	vadd.s32 v58, v2  }
0x110: {  	v63 =	vld [tilespmem:s12+$0xA380];
	v2 =	vadd.s32 v59, v2  }
0x111: {  	v2 =	vadd.s32 v3, v2  }
0x112: {  	v2 =	vadd.s32 v60, v2  }
0x113: {  	v2 =	vadd.s32 v61, v2  }
0x114: {  	s31 =	simm.s32 $0x10;
	s14 =	simm.s32 $0x80;
	v2 =	vadd.s32 v62, v2  }
0x115: {  	s15 =	sand.u32 $0xFC00, s14;
	s13 =	sand.u32 $0x70, s31;
	s12 =	simm.s32 $0x14800;
	v2 =	vadd.s32 v63, v2  }
0x116: {  	s13 =	sor.u32 s13, s15;
	s15 =	simm.s32 $0x20;
	[tilespmem:s12+$0x0] =	vst v2  }
.LBB2_16:
0x117: {  	p0 =	sne.s32 s15, $0x1370;
	v2 =	vld [tilespmem:s13+$0x80]  }
0x118: {  	v3 =	vld [tilespmem:s13+$0x0]  }
0x119: {  	v4 =	vld [tilespmem:s13+$0x100]  }
0x11a: {  	v5 =	vld [tilespmem:s13+$0x180]  }
0x11b: {  	v6 =	vld [tilespmem:s13+$0x200]  }
0x11c: {  	v7 =	vld [tilespmem:s13+$0x280]  }
0x11d: {  	v2 =	vadd.s32 v3, v2;
	v3 =	vld [tilespmem:s13+$0x300]  }
0x11e: {  	v2 =	vadd.s32 v4, v2;
	v4 =	vld [tilespmem:s13+$0x380]  }
0x11f: {  	v2 =	vadd.s32 v5, v2;
	v5 =	vld [tilespmem:s13+$0xA000]  }
0x120: {  	v2 =	vadd.s32 v6, v2;
	v6 =	vld [tilespmem:s13+$0xA080]  }
0x121: {  	v2 =	vadd.s32 v7, v2;
	v7 =	vld [tilespmem:s13+$0xA100]  }
0x122: {  	v2 =	vadd.s32 v3, v2;
	v3 =	vld [tilespmem:s13+$0xA180]  }
0x123: {  	v2 =	vadd.s32 v4, v2;
	v4 =	vld [tilespmem:s13+$0xA200]  }
0x124: {  	v2 =	vadd.s32 v5, v2;
	v5 =	vld [tilespmem:s13+$0xA280]  }
0x125: {  	v2 =	vadd.s32 v6, v2;
	v6 =	vld [tilespmem:s13+$0xA300]  }
0x126: {  	v2 =	vadd.s32 v7, v2;
	v7 =	vld [tilespmem:s13+$0xA380]  }
0x127: {  	v2 =	vadd.s32 v3, v2  }
.Ltmp7:
0x128: {  	v2 =	vadd.s32 v4, v2;
	(pc) =	sbr.rel @p0 .LBB2_16-.Ltmp7, $4  }
0x129: {  	v2 =	vadd.s32 v5, v2  }
0x12a: {  	s14 =	sadd.s32 $0x80, s14;
	v2 =	vadd.s32 v6, v2  }
0x12b: {  	s12 =	sadd.s32 $0x10, s12;
	s16 =	sand.u32 $0xFC00, s14;
	s13 =	sand.u32 $0x70, s15;
	v2 =	vadd.s32 v7, v2  }
0x12c: {  	s15 =	sadd.s32 $0x10, s15;
	s13 =	sor.u32 s13, s16;
	[tilespmem:s12+$0x0] =	vst v2  }
0x12d: {  	v2 =	vld [tilespmem:s13+$0x80]  }
0x12e: {  	v3 =	vld [tilespmem:s13+$0x0]  }
0x12f: {  	v4 =	vld [tilespmem:s13+$0x100]  }
0x130: {  	v5 =	vld [tilespmem:s13+$0x180]  }
0x131: {  	v6 =	vld [tilespmem:s13+$0x200]  }
0x132: {  	v7 =	vld [tilespmem:s13+$0x280]  }
0x133: {  	v2 =	vadd.s32 v3, v2;
	v3 =	vld [tilespmem:s13+$0x300]  }
0x134: {  	v56 =	vld [tilespmem:s13+$0x380];
	v2 =	vadd.s32 v4, v2  }
0x135: {  	v57 =	vld [tilespmem:s13+$0xA000];
	v2 =	vadd.s32 v5, v2  }
0x136: {  	v58 =	vld [tilespmem:s13+$0xA080];
	v2 =	vadd.s32 v6, v2  }
0x137: {  	v59 =	vld [tilespmem:s13+$0xA100];
	v2 =	vadd.s32 v7, v2  }
0x138: {  	v2 =	vadd.s32 v3, v2;
	v3 =	vld [tilespmem:s13+$0xA180]  }
0x139: {  	v60 =	vld [tilespmem:s13+$0xA200];
	v2 =	vadd.s32 v56, v2  }
0x13a: {  	v61 =	vld [tilespmem:s13+$0xA280];
	v2 =	vadd.s32 v57, v2  }
0x13b: {  	v62 =	vld [tilespmem:s13+$0xA300];
	v2 =	vadd.s32 v58, v2  }
0x13c: {  	v63 =	vld [tilespmem:s13+$0xA380];
	v2 =	vadd.s32 v59, v2  }
0x13d: {  	v2 =	vadd.s32 v3, v2  }
0x13e: {  	v2 =	vadd.s32 v60, v2  }
0x13f: {  	v2 =	vadd.s32 v61, v2  }
0x140: {  	s11 =	sadd.s32 $0x1, s11;
	v2 =	vadd.s32 v62, v2  }
0x141: {  	s12 =	sadd.s32 $0x10, s12;
	p0 =	sne.s32 s11, s7;
	v2 =	vadd.s32 v63, v2  }
.Ltmp8:
0x142: {  	[tilespmem:s12+$0x0] =	vst v2;
	(pc) =	sbr.rel @p0 .LBB2_1-.Ltmp8, $4  }
0x143: {  	[hbm4b:s6+s2] =	stream.linear.scatter [tilespmem:s10], [sflag:$0x1], $0x1388, $0x38;
	[tilespmem:$0x15C00] =	vst v63  }
0x144: {  	_ =	swait.ge [sflag:s9], $0x1388  }
0x145: {  	[sflag:s9] =	ssyncset.done $0x0  }
0x146: {  	[sflag:s9] =	ssyncadd.s32 $0xFFFFEC78  }
0x147: {  	_ =	sfence.sel $0x180000  }
0x148: {  	[bflag:$0x0] =	sbarrier.arrive $0xFFFF  }
0x149: {  	p0 =	sne.s32 s0, $0x0;
	_ =	strace $0x90000047  }
0x14a: {  	s0 =	sadd.s32 @!p0 $0x100000, s1;
	[bflag:$0x2] =	sbarrier.arrive $0xFFFF  }
0x14b: {  	[sflag:s0] =	ssyncadd.tile.s32 @!p0 $0x1;
	_ =	shalt  }
.Lfunc_end2:
_tile_overlayer_lowered:
.L_overlay_start_2:
0x14c: {  	(tag) =	ssettag $0x2  }
0x14d: {  	s0 =	rddreg [dreg:$0x0];
	s2 =	stileid.u32  }
0x14e: {  	s1 =	rddreg [dreg:$0x1];
	p0 =	sne.s32 s2, $0x0  }
0x14f: {  	s3 =	rddreg [dreg:$0x2];
	[bflag:$0x3] =	sbarrier.arrive $0xFFFF;
	s2 =	simm.s32 @!p0 $0x1C01  }
0x150: {  	[timem:s3], [sflag:s2] =	dma.local @!p0 [hbm:s0], s1  }
0x151: {  	s0 =	simm.s32 @!p0 $0x1  }
0x152: {  	_ =	swait.ge @!p0 [sflag:s0], s1  }
0x153: {  	s1 =	ssub.s32 @!p0 $0x0, s1;
	[sflag:s0] =	ssyncset.done @!p0 $0x0  }
0x154: {  	[sflag:s0] =	ssyncadd.s32 @!p0 s1  }
0x155: {  	[bflag:$0x3] =	sbarrier.arrive $0xFFFF  }
0x156: {  	_ =	shalt  }

</sc_bundles>
